<compile_context>
chip_gen: v7x
topology: tpu7x:2x2x1
jax: 0.10.2.dev20260603
libtpu: 0.0.44.dev20260713+nightly
codegen_flags: <defaults>
</compile_context>

<pallas_src>
import functools

import jax
import jax.numpy as jnp
from jax import lax
from jax.experimental import pallas as pl
from jax.experimental.pallas import tpu as pltpu
from jax.experimental.pallas import tpu_sc as plsc

D = 128
TEMP_INV = 10.0
EPS = 1e-8
NC = 2
NS = 16
NW = NC * NS
L = 16
CHUNK = 128


def _fast_rsqrt(x):
    i = lax.bitcast_convert_type(x, jnp.int32)
    i = jnp.int32(0x5F3759DF) - lax.shift_right_arithmetic(i, 1)
    y = lax.bitcast_convert_type(i, jnp.float32)
    for _ in range(3):
        y = y * (1.5 - 0.5 * x * y * y)
    return y


def _make_sc_kernel(n_pairs, n_pos):
    assert n_pairs % (NW * CHUNK) == 0
    ppt = n_pairs // NW
    nch = ppt // CHUNK
    assert nch % 2 == 0
    mesh = plsc.VectorSubcoreMesh(core_axis_name="c", subcore_axis_name="s")

    @functools.partial(
        pl.kernel,
        mesh=mesh,
        compiler_params=pltpu.CompilerParams(
            needs_layout_passes=False, use_tc_tiling_on_sc=False),
        out_type=[
            jax.ShapeDtypeStruct((NW, L), jnp.float32),
            jax.ShapeDtypeStruct((NW, L), jnp.float32),
        ],
        scratch_types=[
            pltpu.VMEM((ppt,), jnp.int32),
            pltpu.VMEM((ppt,), jnp.int32),
            pltpu.VMEM((CHUNK, D), jnp.float32),
            pltpu.VMEM((CHUNK, D), jnp.float32),
            pltpu.VMEM((CHUNK, D), jnp.float32),
            pltpu.VMEM((CHUNK, D), jnp.float32),
            pltpu.VMEM((L,), jnp.float32),
            pltpu.VMEM((L,), jnp.float32),
            pltpu.SemaphoreType.DMA,
            pltpu.SemaphoreType.DMA,
            pltpu.SemaphoreType.DMA,
            pltpu.SemaphoreType.DMA,
        ],
    )
    def sc_kernel(z_hbm, ii_hbm, jj_hbm, oexp_hbm, opos_hbm,
                  ii_v, jj_v, ri0, ri1, rj0, rj1,
                  accexp, accpos, si0, si1, sj0, sj1):
        wid = lax.axis_index("s") * NC + lax.axis_index("c")
        base = wid * ppt
        pltpu.sync_copy(ii_hbm.at[pl.ds(base, ppt)], ii_v)
        pltpu.sync_copy(jj_hbm.at[pl.ds(base, ppt)], jj_v)
        accexp[...] = jnp.zeros((L,), jnp.float32)
        accpos[...] = jnp.zeros((L,), jnp.float32)
        lane = lax.broadcasted_iota(jnp.int32, (L,), 0)
        bufs = ((ri0, rj0, si0, sj0), (ri1, rj1, si1, sj1))

        def issue(ch, b):
            ri, rj, si, sj = bufs[b]
            off = ch * CHUNK
            pltpu.async_copy(z_hbm.at[ii_v.at[pl.ds(off, CHUNK)]], ri, si)
            pltpu.async_copy(z_hbm.at[jj_v.at[pl.ds(off, CHUNK)]], rj, sj)

        def wait(b):
            ri, rj, si, sj = bufs[b]
            pltpu.make_async_copy(z_hbm.at[ii_v.at[pl.ds(0, CHUNK)]],
                                  ri, si).wait()
            pltpu.make_async_copy(z_hbm.at[jj_v.at[pl.ds(0, CHUNK)]],
                                  rj, sj).wait()

        def compute(ch, b):
            ri, rj, _, _ = bufs[b]
            off = ch * CHUNK

            def group_body(g, _):
                ab_vec = jnp.zeros((L,), jnp.float32)
                aa_vec = jnp.zeros((L,), jnp.float32)
                bb_vec = jnp.zeros((L,), jnp.float32)
                for k in range(L):
                    p = g * L + k
                    ab0 = jnp.zeros((L,), jnp.float32)
                    aa0 = jnp.zeros((L,), jnp.float32)
                    bb0 = jnp.zeros((L,), jnp.float32)
                    ab1 = jnp.zeros((L,), jnp.float32)
                    aa1 = jnp.zeros((L,), jnp.float32)
                    bb1 = jnp.zeros((L,), jnp.float32)
                    for s in range(D // (2 * L)):
                        av0 = ri[p, pl.ds(2 * s * L, L)]
                        bv0 = rj[p, pl.ds(2 * s * L, L)]
                        av1 = ri[p, pl.ds((2 * s + 1) * L, L)]
                        bv1 = rj[p, pl.ds((2 * s + 1) * L, L)]
                        ab0 = ab0 + av0 * bv0
                        aa0 = aa0 + av0 * av0
                        bb0 = bb0 + bv0 * bv0
                        ab1 = ab1 + av1 * bv1
                        aa1 = aa1 + av1 * av1
                        bb1 = bb1 + bv1 * bv1
                    ab_vec = jnp.where(lane == k, jnp.sum(ab0 + ab1), ab_vec)
                    aa_vec = jnp.where(lane == k, jnp.sum(aa0 + aa1), aa_vec)
                    bb_vec = jnp.where(lane == k, jnp.sum(bb0 + bb1), bb_vec)
                na = aa_vec * _fast_rsqrt(aa_vec)
                nb = bb_vec * _fast_rsqrt(bb_vec)
                denom = jnp.maximum(na, EPS) * jnp.maximum(nb, EPS)
                logit = (ab_vec / denom) * TEMP_INV
                accexp[...] += jnp.exp(logit - 10.0)
                gidx = base + off + g * L + lane
                accpos[...] += jnp.where(gidx < n_pos, logit, 0.0)
                return 0

            lax.fori_loop(0, CHUNK // L, group_body, 0)

        issue(0, 0)

        def outer_body(kk, _):
            for b in (0, 1):
                ch = kk * 2 + b

                @pl.when(ch + 1 < nch)
                def _():
                    issue(ch + 1, 1 - b)

                wait(b)
                compute(ch, b)
            return 0

        lax.fori_loop(0, nch // 2, outer_body, 0)
        pltpu.sync_copy(accexp, oexp_hbm.at[wid])
        pltpu.sync_copy(accpos, opos_hbm.at[wid])

    return sc_kernel


def kernel(z_all, pos_pairs, neg_pairs):
    n_pos = pos_pairs.shape[0]
    pairs = jnp.concatenate([pos_pairs, neg_pairs], axis=0)
    ii = pairs[:, 0]
    jj = pairs[:, 1]
    sc = _make_sc_kernel(pairs.shape[0], n_pos)
    part_exp, part_pos = sc(z_all, ii, jj)
    lse = 10.0 + jnp.log(jnp.sum(part_exp))
    return lse - jnp.sum(part_pos) / n_pos

# --- scband reference (transcript-rebuilt; emitter-appended) ---
"""Pipeline reference for scband-bridged-stgnn-23957327577813 (READ-ONLY COPY).

The authoritative reference and input builder live on the scoring server;
editing this copy changes nothing except your own understanding.
"""

import jax, jax.numpy as jnp
import numpy as np

N_EMB = 100000
D = 128
P_POS = 65536
P_NEG = 131072
TEMPERATURE = 0.1


def setup_inputs(seed: int = 0) -> dict:
    key = jax.random.key(seed)
    k1, k2, k3 = jax.random.split(key, 3)
    z_all = jax.random.normal(k1, (N_EMB, D), dtype=jnp.float32)
    pos_pairs = jax.random.randint(k2, (P_POS, 2), 0, N_EMB, dtype=jnp.int32)
    neg_pairs = jax.random.randint(k3, (P_NEG, 2), 0, N_EMB, dtype=jnp.int32)
    return {"z_all": z_all, "pos_pairs": pos_pairs, "neg_pairs": neg_pairs}


def _cosine_sim(a, b, eps=1e-8):
    an = a / jnp.maximum(jnp.linalg.norm(a, axis=-1, keepdims=True), eps)
    bn = b / jnp.maximum(jnp.linalg.norm(b, axis=-1, keepdims=True), eps)
    return jnp.sum(an * bn, axis=-1)


def reference(z_all, pos_pairs, neg_pairs):
    # Vectorized, faithful version of compute_nce_correct:
    # gather both endpoints of each sampled (anchor, candidate) pair,
    # compute temperature-scaled cosine similarities, concatenate
    # positive and negative similarities into one logit vector, then
    # InfoNCE-style cross entropy where the positive entries are the
    # correct classes (averaged over all positives).
    zi_pos = jnp.take(z_all, pos_pairs[:, 0], axis=0)
    zj_pos = jnp.take(z_all, pos_pairs[:, 1], axis=0)
    zi_neg = jnp.take(z_all, neg_pairs[:, 0], axis=0)
    zj_neg = jnp.take(z_all, neg_pairs[:, 1], axis=0)
    pos_sims = _cosine_sim(zi_pos, zj_pos) / TEMPERATURE
    neg_sims = _cosine_sim(zi_neg, zj_neg) / TEMPERATURE
    logits = jnp.concatenate([pos_sims, neg_sims], axis=0)
    logp = jax.nn.log_softmax(logits)
    loss = -jnp.mean(logp[: pos_sims.shape[0]])
    return loss


if False:  # reference __main__ guard neutralized (emitter)
    inp = setup_inputs()
    out = reference(**inp)
    print(out)

if __name__ == "__main__":
    import jax
    _d = setup_inputs()
    print(jax.jit(kernel)(*tuple(_d.values())))

</pallas_src>

<mosaic_0001>
#map = affine_map<(d0, d1) -> (0, 0)>
#map1 = affine_map<(d0, d1) -> (0)>
module attributes {stable_mosaic.version = 14 : i64} {
  func.func @sc_kernel(%arg0: i32, %arg1: i32, %arg2: memref<100000x128xf32, #tpu.memory_space<hbm>>, %arg3: memref<196608xi32, #tpu.memory_space<hbm>>, %arg4: memref<196608xi32, #tpu.memory_space<hbm>>, %arg5: memref<32x16xf32, #tpu.memory_space<hbm>>, %arg6: memref<32x16xf32, #tpu.memory_space<hbm>>, %arg7: memref<6144xi32, #tpu.memory_space<vmem>>, %arg8: memref<6144xi32, #tpu.memory_space<vmem>>, %arg9: memref<128x128xf32, #tpu.memory_space<vmem>>, %arg10: memref<128x128xf32, #tpu.memory_space<vmem>>, %arg11: memref<128x128xf32, #tpu.memory_space<vmem>>, %arg12: memref<128x128xf32, #tpu.memory_space<vmem>>, %arg13: memref<16xf32, #tpu.memory_space<vmem>>, %arg14: memref<16xf32, #tpu.memory_space<vmem>>, %arg15: memref<!tpu.dma_semaphore, #tpu.memory_space<semaphore_mem>>, %arg16: memref<!tpu.dma_semaphore, #tpu.memory_space<semaphore_mem>>, %arg17: memref<!tpu.dma_semaphore, #tpu.memory_space<semaphore_mem>>, %arg18: memref<!tpu.dma_semaphore, #tpu.memory_space<semaphore_mem>>) attributes {dimension_semantics = [#tpu.dimension_semantics<core_parallel>, #tpu.dimension_semantics<subcore_parallel>], iteration_bounds = array<i64: 2, 16>, scalar_prefetch = 0 : i64, scratch_operands = 12 : i64, tpu.core_type = #tpu.core_type<sc_vector_subcore>, window_params = [{transform_indices = #map}, {transform_indices = #map1}, {transform_indices = #map1}, {transform_indices = #map}, {transform_indices = #map}]} {
    %mul3A = arith.constant 2 : i32
    %mul3A_0 = arith.muli %arg1, %mul3A : i32
    %add3A = arith.addi %mul3A_0, %arg0 : i32
    %mul3A_1 = arith.constant 6144 : i32
    %mul3A_2 = arith.muli %add3A, %mul3A_1 : i32
    "tpu.region"() ({
      %run_scoped3A = tpu.sem_alloc : memref<!tpu.dma_semaphore, #tpu.memory_space<semaphore_mem>>
      %dma_start3A_24 = tpu.memref_slice %arg3[%mul3A_2] : memref<196608xi32, #tpu.memory_space<hbm>> -> memref<6144xi32, #tpu.memory_space<hbm>>
      %dma_start3A_25 = tpu.memref_slice %arg3[%mul3A_2] : memref<196608xi32, #tpu.memory_space<hbm>> -> memref<6144xi32, #tpu.memory_space<hbm>>
      tpu.enqueue_dma source(%dma_start3A_25 : memref<6144xi32, #tpu.memory_space<hbm>>) target(%arg7 : memref<6144xi32, #tpu.memory_space<vmem>>) target_semaphore(%run_scoped3A : memref<!tpu.dma_semaphore, #tpu.memory_space<semaphore_mem>>)
      %dma_wait3A = tpu.memref_slice %arg3[%mul3A_2] : memref<196608xi32, #tpu.memory_space<hbm>> -> memref<6144xi32, #tpu.memory_space<hbm>>
      %dma_wait3A_26 = tpu.memref_slice %arg3[%mul3A_2] : memref<196608xi32, #tpu.memory_space<hbm>> -> memref<6144xi32, #tpu.memory_space<hbm>>
      tpu.wait_dma2 semaphore(%run_scoped3A : memref<!tpu.dma_semaphore, #tpu.memory_space<semaphore_mem>>) src(%dma_wait3A_26 : memref<6144xi32, #tpu.memory_space<hbm>>) dst(%arg7 : memref<6144xi32, #tpu.memory_space<vmem>>)
      tpu.yield
    }) : () -> ()
    "tpu.region"() ({
      %run_scoped3A = tpu.sem_alloc : memref<!tpu.dma_semaphore, #tpu.memory_space<semaphore_mem>>
      %dma_start3A_24 = tpu.memref_slice %arg4[%mul3A_2] : memref<196608xi32, #tpu.memory_space<hbm>> -> memref<6144xi32, #tpu.memory_space<hbm>>
      %dma_start3A_25 = tpu.memref_slice %arg4[%mul3A_2] : memref<196608xi32, #tpu.memory_space<hbm>> -> memref<6144xi32, #tpu.memory_space<hbm>>
      tpu.enqueue_dma source(%dma_start3A_25 : memref<6144xi32, #tpu.memory_space<hbm>>) target(%arg8 : memref<6144xi32, #tpu.memory_space<vmem>>) target_semaphore(%run_scoped3A : memref<!tpu.dma_semaphore, #tpu.memory_space<semaphore_mem>>)
      %dma_wait3A = tpu.memref_slice %arg4[%mul3A_2] : memref<196608xi32, #tpu.memory_space<hbm>> -> memref<6144xi32, #tpu.memory_space<hbm>>
      %dma_wait3A_26 = tpu.memref_slice %arg4[%mul3A_2] : memref<196608xi32, #tpu.memory_space<hbm>> -> memref<6144xi32, #tpu.memory_space<hbm>>
      tpu.wait_dma2 semaphore(%run_scoped3A : memref<!tpu.dma_semaphore, #tpu.memory_space<semaphore_mem>>) src(%dma_wait3A_26 : memref<6144xi32, #tpu.memory_space<hbm>>) dst(%arg8 : memref<6144xi32, #tpu.memory_space<vmem>>)
      tpu.yield
    }) : () -> ()
    %broadcast_in_dim3A = arith.constant 0.000000e+00 : f32
    %broadcast_in_dim3A_3 = vector.broadcast %broadcast_in_dim3A : f32 to vector<16xf32>
    %swap3A = arith.constant 0 : index
    %swap3A_4 = tpu.vector_load %arg13[%swap3A] {strides = array<i32>} : memref<16xf32, #tpu.memory_space<vmem>>, vector<16xf32>,
    tpu.vector_store %arg13[%swap3A], %broadcast_in_dim3A_3 {strides = array<i32>} : memref<16xf32, #tpu.memory_space<vmem>>, vector<16xf32>,
    %broadcast_in_dim3A_5 = arith.constant 0.000000e+00 : f32
    %broadcast_in_dim3A_6 = vector.broadcast %broadcast_in_dim3A_5 : f32 to vector<16xf32>
    %swap3A_7 = arith.constant 0 : index
    %swap3A_8 = tpu.vector_load %arg14[%swap3A_7] {strides = array<i32>} : memref<16xf32, #tpu.memory_space<vmem>>, vector<16xf32>,
    tpu.vector_store %arg14[%swap3A_7], %broadcast_in_dim3A_6 {strides = array<i32>} : memref<16xf32, #tpu.memory_space<vmem>>, vector<16xf32>,
    %iota3A = tpu.iota {dimensions = array<i32: 0>} : vector<16xi32>
    %dma_start3A = arith.constant 0 : i32
    %dma_start3A_9 = tpu.memref_slice %arg7[%dma_start3A] : memref<6144xi32, #tpu.memory_space<vmem>> -> memref<128xi32, #tpu.memory_space<vmem>>
    %dma_start3A_10 = arith.constant 0 : i32
    %dma_start3A_11 = arith.constant 0 : i32
    %dma_start3A_12 = tpu.memref_slice %arg2[%dma_start3A_10, %dma_start3A_11] : memref<100000x128xf32, #tpu.memory_space<hbm>> -> memref<100000x128xf32, #tpu.memory_space<hbm>>
    tpu.enqueue_indirect_dma source(%dma_start3A_12 : memref<100000x128xf32, #tpu.memory_space<hbm>>) target(%arg9 : memref<128x128xf32, #tpu.memory_space<vmem>>) offsets(%dma_start3A_9 : memref<128xi32, #tpu.memory_space<vmem>>) semaphore(%arg15 : memref<!tpu.dma_semaphore, #tpu.memory_space<semaphore_mem>>)
    %dma_start3A_13 = arith.constant 0 : i32
    %dma_start3A_14 = tpu.memref_slice %arg8[%dma_start3A_13] : memref<6144xi32, #tpu.memory_space<vmem>> -> memref<128xi32, #tpu.memory_space<vmem>>
    %dma_start3A_15 = arith.constant 0 : i32
    %dma_start3A_16 = arith.constant 0 : i32
    %dma_start3A_17 = tpu.memref_slice %arg2[%dma_start3A_15, %dma_start3A_16] : memref<100000x128xf32, #tpu.memory_space<hbm>> -> memref<100000x128xf32, #tpu.memory_space<hbm>>
    tpu.enqueue_indirect_dma source(%dma_start3A_17 : memref<100000x128xf32, #tpu.memory_space<hbm>>) target(%arg11 : memref<128x128xf32, #tpu.memory_space<vmem>>) offsets(%dma_start3A_14 : memref<128xi32, #tpu.memory_space<vmem>>) semaphore(%arg17 : memref<!tpu.dma_semaphore, #tpu.memory_space<semaphore_mem>>)
    %scan3A = arith.constant 0 : i32
    %scan3A_18 = arith.constant 0 : i32
    %scan3A_19 = arith.constant 24 : i32
    %scan3A_20 = arith.addi %scan3A_18, %scan3A_19 : i32
    %scan3A_21 = arith.constant 1 : i32
    %scan3A_22 = scf.for %scan3A_24 = %scan3A_18 to %scan3A_20 step %scan3A_21 iter_args(%scan3A_25 = %scan3A) -> (i32)  : i32 {
      %mul3A_26 = arith.constant 2 : i32
      %mul3A_27 = arith.muli %scan3A_24, %mul3A_26 : i32
      %add3A_28 = arith.constant 0 : i32
      %add3A_29 = arith.addi %mul3A_27, %add3A_28 : i32
      %add3A_30 = arith.constant 1 : i32
      %add3A_31 = arith.addi %add3A_29, %add3A_30 : i32
      %lt3A = arith.constant 48 : i32
      %lt3A_32 = arith.cmpi slt, %add3A_31, %lt3A : i32
      %convert_element_type3A = arith.extui %lt3A_32 : i1 to i32
      %cond3A = arith.constant 0 : i32
      %cond3A_33 = arith.cmpi ne, %convert_element_type3A, %cond3A : i32
      scf.if %cond3A_33 {
        %add3A_83 = arith.constant 1 : i32
        %add3A_84 = arith.addi %add3A_29, %add3A_83 : i32
        %mul3A_85 = arith.constant 128 : i32
        %mul3A_86 = arith.muli %add3A_84, %mul3A_85 : i32
        %dma_start3A_87 = tpu.memref_slice %arg7[%mul3A_86] : memref<6144xi32, #tpu.memory_space<vmem>> -> memref<128xi32, #tpu.memory_space<vmem>>
        %dma_start3A_88 = arith.constant 0 : i32
        %dma_start3A_89 = arith.constant 0 : i32
        %dma_start3A_90 = tpu.memref_slice %arg2[%dma_start3A_88, %dma_start3A_89] : memref<100000x128xf32, #tpu.memory_space<hbm>> -> memref<100000x128xf32, #tpu.memory_space<hbm>>
        tpu.enqueue_indirect_dma source(%dma_start3A_90 : memref<100000x128xf32, #tpu.memory_space<hbm>>) target(%arg10 : memref<128x128xf32, #tpu.memory_space<vmem>>) offsets(%dma_start3A_87 : memref<128xi32, #tpu.memory_space<vmem>>) semaphore(%arg16 : memref<!tpu.dma_semaphore, #tpu.memory_space<semaphore_mem>>)
        %dma_start3A_91 = tpu.memref_slice %arg8[%mul3A_86] : memref<6144xi32, #tpu.memory_space<vmem>> -> memref<128xi32, #tpu.memory_space<vmem>>
        %dma_start3A_92 = arith.constant 0 : i32
        %dma_start3A_93 = arith.constant 0 : i32
        %dma_start3A_94 = tpu.memref_slice %arg2[%dma_start3A_92, %dma_start3A_93] : memref<100000x128xf32, #tpu.memory_space<hbm>> -> memref<100000x128xf32, #tpu.memory_space<hbm>>
        tpu.enqueue_indirect_dma source(%dma_start3A_94 : memref<100000x128xf32, #tpu.memory_space<hbm>>) target(%arg12 : memref<128x128xf32, #tpu.memory_space<vmem>>) offsets(%dma_start3A_91 : memref<128xi32, #tpu.memory_space<vmem>>) semaphore(%arg18 : memref<!tpu.dma_semaphore, #tpu.memory_space<semaphore_mem>>)
      } else {
      }
      %dma_wait3A = arith.constant 0 : i32
      %dma_wait3A_34 = tpu.memref_slice %arg7[%dma_wait3A] : memref<6144xi32, #tpu.memory_space<vmem>> -> memref<128xi32, #tpu.memory_space<vmem>>
      %dma_wait3A_35 = arith.constant 0 : i32
      %dma_wait3A_36 = arith.constant 0 : i32
      %dma_wait3A_37 = tpu.memref_slice %arg2[%dma_wait3A_35, %dma_wait3A_36] : memref<100000x128xf32, #tpu.memory_space<hbm>> -> memref<100000x128xf32, #tpu.memory_space<hbm>>
      tpu.wait_indirect_dma semaphore(%arg15 : memref<!tpu.dma_semaphore, #tpu.memory_space<semaphore_mem>>) src(%dma_wait3A_37 : memref<100000x128xf32, #tpu.memory_space<hbm>>) dst(%arg9 : memref<128x128xf32, #tpu.memory_space<vmem>>)
      %dma_wait3A_38 = arith.constant 0 : i32
      %dma_wait3A_39 = tpu.memref_slice %arg8[%dma_wait3A_38] : memref<6144xi32, #tpu.memory_space<vmem>> -> memref<128xi32, #tpu.memory_space<vmem>>
      %dma_wait3A_40 = arith.constant 0 : i32
      %dma_wait3A_41 = arith.constant 0 : i32
      %dma_wait3A_42 = tpu.memref_slice %arg2[%dma_wait3A_40, %dma_wait3A_41] : memref<100000x128xf32, #tpu.memory_space<hbm>> -> memref<100000x128xf32, #tpu.memory_space<hbm>>
      tpu.wait_indirect_dma semaphore(%arg17 : memref<!tpu.dma_semaphore, #tpu.memory_space<semaphore_mem>>) src(%dma_wait3A_42 : memref<100000x128xf32, #tpu.memory_space<hbm>>) dst(%arg11 : memref<128x128xf32, #tpu.memory_space<vmem>>)
      %mul3A_43 = arith.constant 128 : i32
      %mul3A_44 = arith.muli %add3A_29, %mul3A_43 : i32
      %scan3A_45 = arith.constant 0 : i32
      %scan3A_46 = arith.constant 0 : i32
      %scan3A_47 = arith.constant 8 : i32
      %scan3A_48 = arith.addi %scan3A_46, %scan3A_47 : i32
      %scan3A_49 = arith.constant 1 : i32
      %scan3A_50 = scf.for %scan3A_83 = %scan3A_46 to %scan3A_48 step %scan3A_49 iter_args(%scan3A_84 = %scan3A_45) -> (i32)  : i32 {
        %broadcast_in_dim3A_85 = arith.constant 0.000000e+00 : f32
        %broadcast_in_dim3A_86 = vector.broadcast %broadcast_in_dim3A_85 : f32 to vector<16xf32>
        %broadcast_in_dim3A_87 = arith.constant 0.000000e+00 : f32
        %broadcast_in_dim3A_88 = vector.broadcast %broadcast_in_dim3A_87 : f32 to vector<16xf32>
        %broadcast_in_dim3A_89 = arith.constant 0.000000e+00 : f32
        %broadcast_in_dim3A_90 = vector.broadcast %broadcast_in_dim3A_89 : f32 to vector<16xf32>
        %mul3A_91 = arith.constant 16 : i32
        %mul3A_92 = arith.muli %scan3A_83, %mul3A_91 : i32
        %add3A_93 = arith.constant 0 : i32
        %add3A_94 = arith.addi %mul3A_92, %add3A_93 : i32
        %broadcast_in_dim3A_95 = arith.constant 0.000000e+00 : f32
        %broadcast_in_dim3A_96 = vector.broadcast %broadcast_in_dim3A_95 : f32 to vector<16xf32>
        %broadcast_in_dim3A_97 = arith.constant 0.000000e+00 : f32
        %broadcast_in_dim3A_98 = vector.broadcast %broadcast_in_dim3A_97 : f32 to vector<16xf32>
        %broadcast_in_dim3A_99 = arith.constant 0.000000e+00 : f32
        %broadcast_in_dim3A_100 = vector.broadcast %broadcast_in_dim3A_99 : f32 to vector<16xf32>
        %broadcast_in_dim3A_101 = arith.constant 0.000000e+00 : f32
        %broadcast_in_dim3A_102 = vector.broadcast %broadcast_in_dim3A_101 : f32 to vector<16xf32>
        %broadcast_in_dim3A_103 = arith.constant 0.000000e+00 : f32
        %broadcast_in_dim3A_104 = vector.broadcast %broadcast_in_dim3A_103 : f32 to vector<16xf32>
        %broadcast_in_dim3A_105 = arith.constant 0.000000e+00 : f32
        %broadcast_in_dim3A_106 = vector.broadcast %broadcast_in_dim3A_105 : f32 to vector<16xf32>
        %get3A = arith.index_cast %add3A_94 : i32 to index
        %get3A_107 = arith.constant 0 : index
        %get3A_108 = tpu.vector_load %arg9[%get3A, %get3A_107] {strides = array<i32>} : memref<128x128xf32, #tpu.memory_space<vmem>>, vector<16xf32>,
        %get3A_109 = arith.index_cast %add3A_94 : i32 to index
        %get3A_110 = arith.constant 0 : index
        %get3A_111 = tpu.vector_load %arg11[%get3A_109, %get3A_110] {strides = array<i32>} : memref<128x128xf32, #tpu.memory_space<vmem>>, vector<16xf32>,
        %get3A_112 = arith.index_cast %add3A_94 : i32 to index
        %get3A_113 = arith.constant 16 : index
        %get3A_114 = tpu.vector_load %arg9[%get3A_112, %get3A_113] {strides = array<i32>} : memref<128x128xf32, #tpu.memory_space<vmem>>, vector<16xf32>,
        %get3A_115 = arith.index_cast %add3A_94 : i32 to index
        %get3A_116 = arith.constant 16 : index
        %get3A_117 = tpu.vector_load %arg11[%get3A_115, %get3A_116] {strides = array<i32>} : memref<128x128xf32, #tpu.memory_space<vmem>>, vector<16xf32>,
        %mul3A_118 = arith.mulf %get3A_108, %get3A_111 : vector<16xf32>
        %add3A_119 = arith.addf %broadcast_in_dim3A_96, %mul3A_118 : vector<16xf32>
        %mul3A_120 = arith.mulf %get3A_108, %get3A_108 : vector<16xf32>
        %add3A_121 = arith.addf %broadcast_in_dim3A_98, %mul3A_120 : vector<16xf32>
        %mul3A_122 = arith.mulf %get3A_111, %get3A_111 : vector<16xf32>
        %add3A_123 = arith.addf %broadcast_in_dim3A_100, %mul3A_122 : vector<16xf32>
        %mul3A_124 = arith.mulf %get3A_114, %get3A_117 : vector<16xf32>
        %add3A_125 = arith.addf %broadcast_in_dim3A_102, %mul3A_124 : vector<16xf32>
        %mul3A_126 = arith.mulf %get3A_114, %get3A_114 : vector<16xf32>
        %add3A_127 = arith.addf %broadcast_in_dim3A_104, %mul3A_126 : vector<16xf32>
        %mul3A_128 = arith.mulf %get3A_117, %get3A_117 : vector<16xf32>
        %add3A_129 = arith.addf %broadcast_in_dim3A_106, %mul3A_128 : vector<16xf32>
        %get3A_130 = arith.index_cast %add3A_94 : i32 to index
        %get3A_131 = arith.constant 32 : index
        %get3A_132 = tpu.vector_load %arg9[%get3A_130, %get3A_131] {strides = array<i32>} : memref<128x128xf32, #tpu.memory_space<vmem>>, vector<16xf32>,
        %get3A_133 = arith.index_cast %add3A_94 : i32 to index
        %get3A_134 = arith.constant 32 : index
        %get3A_135 = tpu.vector_load %arg11[%get3A_133, %get3A_134] {strides = array<i32>} : memref<128x128xf32, #tpu.memory_space<vmem>>, vector<16xf32>,
        %get3A_136 = arith.index_cast %add3A_94 : i32 to index
        %get3A_137 = arith.constant 48 : index
        %get3A_138 = tpu.vector_load %arg9[%get3A_136, %get3A_137] {strides = array<i32>} : memref<128x128xf32, #tpu.memory_space<vmem>>, vector<16xf32>,
        %get3A_139 = arith.index_cast %add3A_94 : i32 to index
        %get3A_140 = arith.constant 48 : index
        %get3A_141 = tpu.vector_load %arg11[%get3A_139, %get3A_140] {strides = array<i32>} : memref<128x128xf32, #tpu.memory_space<vmem>>, vector<16xf32>,
        %mul3A_142 = arith.mulf %get3A_132, %get3A_135 : vector<16xf32>
        %add3A_143 = arith.addf %add3A_119, %mul3A_142 : vector<16xf32>
        %mul3A_144 = arith.mulf %get3A_132, %get3A_132 : vector<16xf32>
        %add3A_145 = arith.addf %add3A_121, %mul3A_144 : vector<16xf32>
        %mul3A_146 = arith.mulf %get3A_135, %get3A_135 : vector<16xf32>
        %add3A_147 = arith.addf %add3A_123, %mul3A_146 : vector<16xf32>
        %mul3A_148 = arith.mulf %get3A_138, %get3A_141 : vector<16xf32>
        %add3A_149 = arith.addf %add3A_125, %mul3A_148 : vector<16xf32>
        %mul3A_150 = arith.mulf %get3A_138, %get3A_138 : vector<16xf32>
        %add3A_151 = arith.addf %add3A_127, %mul3A_150 : vector<16xf32>
        %mul3A_152 = arith.mulf %get3A_141, %get3A_141 : vector<16xf32>
        %add3A_153 = arith.addf %add3A_129, %mul3A_152 : vector<16xf32>
        %get3A_154 = arith.index_cast %add3A_94 : i32 to index
        %get3A_155 = arith.constant 64 : index
        %get3A_156 = tpu.vector_load %arg9[%get3A_154, %get3A_155] {strides = array<i32>} : memref<128x128xf32, #tpu.memory_space<vmem>>, vector<16xf32>,
        %get3A_157 = arith.index_cast %add3A_94 : i32 to index
        %get3A_158 = arith.constant 64 : index
        %get3A_159 = tpu.vector_load %arg11[%get3A_157, %get3A_158] {strides = array<i32>} : memref<128x128xf32, #tpu.memory_space<vmem>>, vector<16xf32>,
        %get3A_160 = arith.index_cast %add3A_94 : i32 to index
        %get3A_161 = arith.constant 80 : index
        %get3A_162 = tpu.vector_load %arg9[%get3A_160, %get3A_161] {strides = array<i32>} : memref<128x128xf32, #tpu.memory_space<vmem>>, vector<16xf32>,
        %get3A_163 = arith.index_cast %add3A_94 : i32 to index
        %get3A_164 = arith.constant 80 : index
        %get3A_165 = tpu.vector_load %arg11[%get3A_163, %get3A_164] {strides = array<i32>} : memref<128x128xf32, #tpu.memory_space<vmem>>, vector<16xf32>,
        %mul3A_166 = arith.mulf %get3A_156, %get3A_159 : vector<16xf32>
        %add3A_167 = arith.addf %add3A_143, %mul3A_166 : vector<16xf32>
        %mul3A_168 = arith.mulf %get3A_156, %get3A_156 : vector<16xf32>
        %add3A_169 = arith.addf %add3A_145, %mul3A_168 : vector<16xf32>
        %mul3A_170 = arith.mulf %get3A_159, %get3A_159 : vector<16xf32>
        %add3A_171 = arith.addf %add3A_147, %mul3A_170 : vector<16xf32>
        %mul3A_172 = arith.mulf %get3A_162, %get3A_165 : vector<16xf32>
        %add3A_173 = arith.addf %add3A_149, %mul3A_172 : vector<16xf32>
        %mul3A_174 = arith.mulf %get3A_162, %get3A_162 : vector<16xf32>
        %add3A_175 = arith.addf %add3A_151, %mul3A_174 : vector<16xf32>
        %mul3A_176 = arith.mulf %get3A_165, %get3A_165 : vector<16xf32>
        %add3A_177 = arith.addf %add3A_153, %mul3A_176 : vector<16xf32>
        %get3A_178 = arith.index_cast %add3A_94 : i32 to index
        %get3A_179 = arith.constant 96 : index
        %get3A_180 = tpu.vector_load %arg9[%get3A_178, %get3A_179] {strides = array<i32>} : memref<128x128xf32, #tpu.memory_space<vmem>>, vector<16xf32>,
        %get3A_181 = arith.index_cast %add3A_94 : i32 to index
        %get3A_182 = arith.constant 96 : index
        %get3A_183 = tpu.vector_load %arg11[%get3A_181, %get3A_182] {strides = array<i32>} : memref<128x128xf32, #tpu.memory_space<vmem>>, vector<16xf32>,
        %get3A_184 = arith.index_cast %add3A_94 : i32 to index
        %get3A_185 = arith.constant 112 : index
        %get3A_186 = tpu.vector_load %arg9[%get3A_184, %get3A_185] {strides = array<i32>} : memref<128x128xf32, #tpu.memory_space<vmem>>, vector<16xf32>,
        %get3A_187 = arith.index_cast %add3A_94 : i32 to index
        %get3A_188 = arith.constant 112 : index
        %get3A_189 = tpu.vector_load %arg11[%get3A_187, %get3A_188] {strides = array<i32>} : memref<128x128xf32, #tpu.memory_space<vmem>>, vector<16xf32>,
        %mul3A_190 = arith.mulf %get3A_180, %get3A_183 : vector<16xf32>
        %add3A_191 = arith.addf %add3A_167, %mul3A_190 : vector<16xf32>
        %mul3A_192 = arith.mulf %get3A_180, %get3A_180 : vector<16xf32>
        %add3A_193 = arith.addf %add3A_169, %mul3A_192 : vector<16xf32>
        %mul3A_194 = arith.mulf %get3A_183, %get3A_183 : vector<16xf32>
        %add3A_195 = arith.addf %add3A_171, %mul3A_194 : vector<16xf32>
        %mul3A_196 = arith.mulf %get3A_186, %get3A_189 : vector<16xf32>
        %add3A_197 = arith.addf %add3A_173, %mul3A_196 : vector<16xf32>
        %mul3A_198 = arith.mulf %get3A_186, %get3A_186 : vector<16xf32>
        %add3A_199 = arith.addf %add3A_175, %mul3A_198 : vector<16xf32>
        %mul3A_200 = arith.mulf %get3A_189, %get3A_189 : vector<16xf32>
        %add3A_201 = arith.addf %add3A_177, %mul3A_200 : vector<16xf32>
        %eq3A = arith.constant 0 : i32
        %eq3A_202 = vector.broadcast %eq3A : i32 to vector<16xi32>
        %eq3A_203 = arith.cmpi eq, %iota3A, %eq3A_202 : vector<16xi32>
        %add3A_204 = arith.addf %add3A_191, %add3A_197 : vector<16xf32>
        %reduce_sum3A = arith.constant true
        %reduce_sum3A_205 = vector.broadcast %reduce_sum3A : i1 to vector<16xi1>
        %reduce_sum3A_206 = tpu.scan <sum>, %add3A_204 masked %reduce_sum3A_205 : vector<16xf32>, vector<16xi1> -> vector<16xf32>
        %reduce_sum3A_207 = vector.extract %reduce_sum3A_206[15] : f32 from vector<16xf32>
        %broadcast_in_dim3A_208 = vector.broadcast %reduce_sum3A_207 : f32 to vector<16xf32>
        %select_n3A = arith.select %eq3A_203, %broadcast_in_dim3A_208, %broadcast_in_dim3A_86 : vector<16xi1>, vector<16xf32>
        %eq3A_209 = arith.constant 0 : i32
        %eq3A_210 = vector.broadcast %eq3A_209 : i32 to vector<16xi32>
        %eq3A_211 = arith.cmpi eq, %iota3A, %eq3A_210 : vector<16xi32>
        %add3A_212 = arith.addf %add3A_193, %add3A_199 : vector<16xf32>
        %reduce_sum3A_213 = arith.constant true
        %reduce_sum3A_214 = vector.broadcast %reduce_sum3A_213 : i1 to vector<16xi1>
        %reduce_sum3A_215 = tpu.scan <sum>, %add3A_212 masked %reduce_sum3A_214 : vector<16xf32>, vector<16xi1> -> vector<16xf32>
        %reduce_sum3A_216 = vector.extract %reduce_sum3A_215[15] : f32 from vector<16xf32>
        %broadcast_in_dim3A_217 = vector.broadcast %reduce_sum3A_216 : f32 to vector<16xf32>
        %select_n3A_218 = arith.select %eq3A_211, %broadcast_in_dim3A_217, %broadcast_in_dim3A_88 : vector<16xi1>, vector<16xf32>
        %eq3A_219 = arith.constant 0 : i32
        %eq3A_220 = vector.broadcast %eq3A_219 : i32 to vector<16xi32>
        %eq3A_221 = arith.cmpi eq, %iota3A, %eq3A_220 : vector<16xi32>
        %add3A_222 = arith.addf %add3A_195, %add3A_201 : vector<16xf32>
        %reduce_sum3A_223 = arith.constant true
        %reduce_sum3A_224 = vector.broadcast %reduce_sum3A_223 : i1 to vector<16xi1>
        %reduce_sum3A_225 = tpu.scan <sum>, %add3A_222 masked %reduce_sum3A_224 : vector<16xf32>, vector<16xi1> -> vector<16xf32>
        %reduce_sum3A_226 = vector.extract %reduce_sum3A_225[15] : f32 from vector<16xf32>
        %broadcast_in_dim3A_227 = vector.broadcast %reduce_sum3A_226 : f32 to vector<16xf32>
        %select_n3A_228 = arith.select %eq3A_221, %broadcast_in_dim3A_227, %broadcast_in_dim3A_90 : vector<16xi1>, vector<16xf32>
        %mul3A_229 = arith.constant 16 : i32
        %mul3A_230 = arith.muli %scan3A_83, %mul3A_229 : i32
        %add3A_231 = arith.constant 1 : i32
        %add3A_232 = arith.addi %mul3A_230, %add3A_231 : i32
        %broadcast_in_dim3A_233 = arith.constant 0.000000e+00 : f32
        %broadcast_in_dim3A_234 = vector.broadcast %broadcast_in_dim3A_233 : f32 to vector<16xf32>
        %broadcast_in_dim3A_235 = arith.constant 0.000000e+00 : f32
        %broadcast_in_dim3A_236 = vector.broadcast %broadcast_in_dim3A_235 : f32 to vector<16xf32>
        %broadcast_in_dim3A_237 = arith.constant 0.000000e+00 : f32
        %broadcast_in_dim3A_238 = vector.broadcast %broadcast_in_dim3A_237 : f32 to vector<16xf32>
        %broadcast_in_dim3A_239 = arith.constant 0.000000e+00 : f32
        %broadcast_in_dim3A_240 = vector.broadcast %broadcast_in_dim3A_239 : f32 to vector<16xf32>
        %broadcast_in_dim3A_241 = arith.constant 0.000000e+00 : f32
        %broadcast_in_dim3A_242 = vector.broadcast %broadcast_in_dim3A_241 : f32 to vector<16xf32>
        %broadcast_in_dim3A_243 = arith.constant 0.000000e+00 : f32
        %broadcast_in_dim3A_244 = vector.broadcast %broadcast_in_dim3A_243 : f32 to vector<16xf32>
        %get3A_245 = arith.index_cast %add3A_232 : i32 to index
        %get3A_246 = arith.constant 0 : index
        %get3A_247 = tpu.vector_load %arg9[%get3A_245, %get3A_246] {strides = array<i32>} : memref<128x128xf32, #tpu.memory_space<vmem>>, vector<16xf32>,
        %get3A_248 = arith.index_cast %add3A_232 : i32 to index
        %get3A_249 = arith.constant 0 : index
        %get3A_250 = tpu.vector_load %arg11[%get3A_248, %get3A_249] {strides = array<i32>} : memref<128x128xf32, #tpu.memory_space<vmem>>, vector<16xf32>,
        %get3A_251 = arith.index_cast %add3A_232 : i32 to index
        %get3A_252 = arith.constant 16 : index
        %get3A_253 = tpu.vector_load %arg9[%get3A_251, %get3A_252] {strides = array<i32>} : memref<128x128xf32, #tpu.memory_space<vmem>>, vector<16xf32>,
        %get3A_254 = arith.index_cast %add3A_232 : i32 to index
        %get3A_255 = arith.constant 16 : index
        %get3A_256 = tpu.vector_load %arg11[%get3A_254, %get3A_255] {strides = array<i32>} : memref<128x128xf32, #tpu.memory_space<vmem>>, vector<16xf32>,
        %mul3A_257 = arith.mulf %get3A_247, %get3A_250 : vector<16xf32>
        %add3A_258 = arith.addf %broadcast_in_dim3A_234, %mul3A_257 : vector<16xf32>
        %mul3A_259 = arith.mulf %get3A_247, %get3A_247 : vector<16xf32>
        %add3A_260 = arith.addf %broadcast_in_dim3A_236, %mul3A_259 : vector<16xf32>
        %mul3A_261 = arith.mulf %get3A_250, %get3A_250 : vector<16xf32>
        %add3A_262 = arith.addf %broadcast_in_dim3A_238, %mul3A_261 : vector<16xf32>
        %mul3A_263 = arith.mulf %get3A_253, %get3A_256 : vector<16xf32>
        %add3A_264 = arith.addf %broadcast_in_dim3A_240, %mul3A_263 : vector<16xf32>
        %mul3A_265 = arith.mulf %get3A_253, %get3A_253 : vector<16xf32>
        %add3A_266 = arith.addf %broadcast_in_dim3A_242, %mul3A_265 : vector<16xf32>
        %mul3A_267 = arith.mulf %get3A_256, %get3A_256 : vector<16xf32>
        %add3A_268 = arith.addf %broadcast_in_dim3A_244, %mul3A_267 : vector<16xf32>
        %get3A_269 = arith.index_cast %add3A_232 : i32 to index
        %get3A_270 = arith.constant 32 : index
        %get3A_271 = tpu.vector_load %arg9[%get3A_269, %get3A_270] {strides = array<i32>} : memref<128x128xf32, #tpu.memory_space<vmem>>, vector<16xf32>,
        %get3A_272 = arith.index_cast %add3A_232 : i32 to index
        %get3A_273 = arith.constant 32 : index
        %get3A_274 = tpu.vector_load %arg11[%get3A_272, %get3A_273] {strides = array<i32>} : memref<128x128xf32, #tpu.memory_space<vmem>>, vector<16xf32>,
        %get3A_275 = arith.index_cast %add3A_232 : i32 to index
        %get3A_276 = arith.constant 48 : index
        %get3A_277 = tpu.vector_load %arg9[%get3A_275, %get3A_276] {strides = array<i32>} : memref<128x128xf32, #tpu.memory_space<vmem>>, vector<16xf32>,
        %get3A_278 = arith.index_cast %add3A_232 : i32 to index
        %get3A_279 = arith.constant 48 : index
        %get3A_280 = tpu.vector_load %arg11[%get3A_278, %get3A_279] {strides = array<i32>} : memref<128x128xf32, #tpu.memory_space<vmem>>, vector<16xf32>,
        %mul3A_281 = arith.mulf %get3A_271, %get3A_274 : vector<16xf32>
        %add3A_282 = arith.addf %add3A_258, %mul3A_281 : vector<16xf32>
        %mul3A_283 = arith.mulf %get3A_271, %get3A_271 : vector<16xf32>
        %add3A_284 = arith.addf %add3A_260, %mul3A_283 : vector<16xf32>
        %mul3A_285 = arith.mulf %get3A_274, %get3A_274 : vector<16xf32>
        %add3A_286 = arith.addf %add3A_262, %mul3A_285 : vector<16xf32>
        %mul3A_287 = arith.mulf %get3A_277, %get3A_280 : vector<16xf32>
        %add3A_288 = arith.addf %add3A_264, %mul3A_287 : vector<16xf32>
        %mul3A_289 = arith.mulf %get3A_277, %get3A_277 : vector<16xf32>
        %add3A_290 = arith.addf %add3A_266, %mul3A_289 : vector<16xf32>
        %mul3A_291 = arith.mulf %get3A_280, %get3A_280 : vector<16xf32>
        %add3A_292 = arith.addf %add3A_268, %mul3A_291 : vector<16xf32>
        %get3A_293 = arith.index_cast %add3A_232 : i32 to index
        %get3A_294 = arith.constant 64 : index
        %get3A_295 = tpu.vector_load %arg9[%get3A_293, %get3A_294] {strides = array<i32>} : memref<128x128xf32, #tpu.memory_space<vmem>>, vector<16xf32>,
        %get3A_296 = arith.index_cast %add3A_232 : i32 to index
        %get3A_297 = arith.constant 64 : index
        %get3A_298 = tpu.vector_load %arg11[%get3A_296, %get3A_297] {strides = array<i32>} : memref<128x128xf32, #tpu.memory_space<vmem>>, vector<16xf32>,
        %get3A_299 = arith.index_cast %add3A_232 : i32 to index
        %get3A_300 = arith.constant 80 : index
        %get3A_301 = tpu.vector_load %arg9[%get3A_299, %get3A_300] {strides = array<i32>} : memref<128x128xf32, #tpu.memory_space<vmem>>, vector<16xf32>,
        %get3A_302 = arith.index_cast %add3A_232 : i32 to index
        %get3A_303 = arith.constant 80 : index
        %get3A_304 = tpu.vector_load %arg11[%get3A_302, %get3A_303] {strides = array<i32>} : memref<128x128xf32, #tpu.memory_space<vmem>>, vector<16xf32>,
        %mul3A_305 = arith.mulf %get3A_295, %get3A_298 : vector<16xf32>
        %add3A_306 = arith.addf %add3A_282, %mul3A_305 : vector<16xf32>
        %mul3A_307 = arith.mulf %get3A_295, %get3A_295 : vector<16xf32>
        %add3A_308 = arith.addf %add3A_284, %mul3A_307 : vector<16xf32>
        %mul3A_309 = arith.mulf %get3A_298, %get3A_298 : vector<16xf32>
        %add3A_310 = arith.addf %add3A_286, %mul3A_309 : vector<16xf32>
        %mul3A_311 = arith.mulf %get3A_301, %get3A_304 : vector<16xf32>
        %add3A_312 = arith.addf %add3A_288, %mul3A_311 : vector<16xf32>
        %mul3A_313 = arith.mulf %get3A_301, %get3A_301 : vector<16xf32>
        %add3A_314 = arith.addf %add3A_290, %mul3A_313 : vector<16xf32>
        %mul3A_315 = arith.mulf %get3A_304, %get3A_304 : vector<16xf32>
        %add3A_316 = arith.addf %add3A_292, %mul3A_315 : vector<16xf32>
        %get3A_317 = arith.index_cast %add3A_232 : i32 to index
        %get3A_318 = arith.constant 96 : index
        %get3A_319 = tpu.vector_load %arg9[%get3A_317, %get3A_318] {strides = array<i32>} : memref<128x128xf32, #tpu.memory_space<vmem>>, vector<16xf32>,
        %get3A_320 = arith.index_cast %add3A_232 : i32 to index
        %get3A_321 = arith.constant 96 : index
        %get3A_322 = tpu.vector_load %arg11[%get3A_320, %get3A_321] {strides = array<i32>} : memref<128x128xf32, #tpu.memory_space<vmem>>, vector<16xf32>,
        %get3A_323 = arith.index_cast %add3A_232 : i32 to index
        %get3A_324 = arith.constant 112 : index
        %get3A_325 = tpu.vector_load %arg9[%get3A_323, %get3A_324] {strides = array<i32>} : memref<128x128xf32, #tpu.memory_space<vmem>>, vector<16xf32>,
        %get3A_326 = arith.index_cast %add3A_232 : i32 to index
        %get3A_327 = arith.constant 112 : index
        %get3A_328 = tpu.vector_load %arg11[%get3A_326, %get3A_327] {strides = array<i32>} : memref<128x128xf32, #tpu.memory_space<vmem>>, vector<16xf32>,
        %mul3A_329 = arith.mulf %get3A_319, %get3A_322 : vector<16xf32>
        %add3A_330 = arith.addf %add3A_306, %mul3A_329 : vector<16xf32>
        %mul3A_331 = arith.mulf %get3A_319, %get3A_319 : vector<16xf32>
        %add3A_332 = arith.addf %add3A_308, %mul3A_331 : vector<16xf32>
        %mul3A_333 = arith.mulf %get3A_322, %get3A_322 : vector<16xf32>
        %add3A_334 = arith.addf %add3A_310, %mul3A_333 : vector<16xf32>
        %mul3A_335 = arith.mulf %get3A_325, %get3A_328 : vector<16xf32>
        %add3A_336 = arith.addf %add3A_312, %mul3A_335 : vector<16xf32>
        %mul3A_337 = arith.mulf %get3A_325, %get3A_325 : vector<16xf32>
        %add3A_338 = arith.addf %add3A_314, %mul3A_337 : vector<16xf32>
        %mul3A_339 = arith.mulf %get3A_328, %get3A_328 : vector<16xf32>
        %add3A_340 = arith.addf %add3A_316, %mul3A_339 : vector<16xf32>
        %eq3A_341 = arith.constant 1 : i32
        %eq3A_342 = vector.broadcast %eq3A_341 : i32 to vector<16xi32>
        %eq3A_343 = arith.cmpi eq, %iota3A, %eq3A_342 : vector<16xi32>
        %add3A_344 = arith.addf %add3A_330, %add3A_336 : vector<16xf32>
        %reduce_sum3A_345 = arith.constant true
        %reduce_sum3A_346 = vector.broadcast %reduce_sum3A_345 : i1 to vector<16xi1>
        %reduce_sum3A_347 = tpu.scan <sum>, %add3A_344 masked %reduce_sum3A_346 : vector<16xf32>, vector<16xi1> -> vector<16xf32>
        %reduce_sum3A_348 = vector.extract %reduce_sum3A_347[15] : f32 from vector<16xf32>
        %broadcast_in_dim3A_349 = vector.broadcast %reduce_sum3A_348 : f32 to vector<16xf32>
        %select_n3A_350 = arith.select %eq3A_343, %broadcast_in_dim3A_349, %select_n3A : vector<16xi1>, vector<16xf32>
        %eq3A_351 = arith.constant 1 : i32
        %eq3A_352 = vector.broadcast %eq3A_351 : i32 to vector<16xi32>
        %eq3A_353 = arith.cmpi eq, %iota3A, %eq3A_352 : vector<16xi32>
        %add3A_354 = arith.addf %add3A_332, %add3A_338 : vector<16xf32>
        %reduce_sum3A_355 = arith.constant true
        %reduce_sum3A_356 = vector.broadcast %reduce_sum3A_355 : i1 to vector<16xi1>
        %reduce_sum3A_357 = tpu.scan <sum>, %add3A_354 masked %reduce_sum3A_356 : vector<16xf32>, vector<16xi1> -> vector<16xf32>
        %reduce_sum3A_358 = vector.extract %reduce_sum3A_357[15] : f32 from vector<16xf32>
        %broadcast_in_dim3A_359 = vector.broadcast %reduce_sum3A_358 : f32 to vector<16xf32>
        %select_n3A_360 = arith.select %eq3A_353, %broadcast_in_dim3A_359, %select_n3A_218 : vector<16xi1>, vector<16xf32>
        %eq3A_361 = arith.constant 1 : i32
        %eq3A_362 = vector.broadcast %eq3A_361 : i32 to vector<16xi32>
        %eq3A_363 = arith.cmpi eq, %iota3A, %eq3A_362 : vector<16xi32>
        %add3A_364 = arith.addf %add3A_334, %add3A_340 : vector<16xf32>
        %reduce_sum3A_365 = arith.constant true
        %reduce_sum3A_366 = vector.broadcast %reduce_sum3A_365 : i1 to vector<16xi1>
        %reduce_sum3A_367 = tpu.scan <sum>, %add3A_364 masked %reduce_sum3A_366 : vector<16xf32>, vector<16xi1> -> vector<16xf32>
        %reduce_sum3A_368 = vector.extract %reduce_sum3A_367[15] : f32 from vector<16xf32>
        %broadcast_in_dim3A_369 = vector.broadcast %reduce_sum3A_368 : f32 to vector<16xf32>
        %select_n3A_370 = arith.select %eq3A_363, %broadcast_in_dim3A_369, %select_n3A_228 : vector<16xi1>, vector<16xf32>
        %mul3A_371 = arith.constant 16 : i32
        %mul3A_372 = arith.muli %scan3A_83, %mul3A_371 : i32
        %add3A_373 = arith.constant 2 : i32
        %add3A_374 = arith.addi %mul3A_372, %add3A_373 : i32
        %broadcast_in_dim3A_375 = arith.constant 0.000000e+00 : f32
        %broadcast_in_dim3A_376 = vector.broadcast %broadcast_in_dim3A_375 : f32 to vector<16xf32>
        %broadcast_in_dim3A_377 = arith.constant 0.000000e+00 : f32
        %broadcast_in_dim3A_378 = vector.broadcast %broadcast_in_dim3A_377 : f32 to vector<16xf32>
        %broadcast_in_dim3A_379 = arith.constant 0.000000e+00 : f32
        %broadcast_in_dim3A_380 = vector.broadcast %broadcast_in_dim3A_379 : f32 to vector<16xf32>
        %broadcast_in_dim3A_381 = arith.constant 0.000000e+00 : f32
        %broadcast_in_dim3A_382 = vector.broadcast %broadcast_in_dim3A_381 : f32 to vector<16xf32>
        %broadcast_in_dim3A_383 = arith.constant 0.000000e+00 : f32
        %broadcast_in_dim3A_384 = vector.broadcast %broadcast_in_dim3A_383 : f32 to vector<16xf32>
        %broadcast_in_dim3A_385 = arith.constant 0.000000e+00 : f32
        %broadcast_in_dim3A_386 = vector.broadcast %broadcast_in_dim3A_385 : f32 to vector<16xf32>
        %get3A_387 = arith.index_cast %add3A_374 : i32 to index
        %get3A_388 = arith.constant 0 : index
        %get3A_389 = tpu.vector_load %arg9[%get3A_387, %get3A_388] {strides = array<i32>} : memref<128x128xf32, #tpu.memory_space<vmem>>, vector<16xf32>,
        %get3A_390 = arith.index_cast %add3A_374 : i32 to index
        %get3A_391 = arith.constant 0 : index
        %get3A_392 = tpu.vector_load %arg11[%get3A_390, %get3A_391] {strides = array<i32>} : memref<128x128xf32, #tpu.memory_space<vmem>>, vector<16xf32>,
        %get3A_393 = arith.index_cast %add3A_374 : i32 to index
        %get3A_394 = arith.constant 16 : index
        %get3A_395 = tpu.vector_load %arg9[%get3A_393, %get3A_394] {strides = array<i32>} : memref<128x128xf32, #tpu.memory_space<vmem>>, vector<16xf32>,
        %get3A_396 = arith.index_cast %add3A_374 : i32 to index
        %get3A_397 = arith.constant 16 : index
        %get3A_398 = tpu.vector_load %arg11[%get3A_396, %get3A_397] {strides = array<i32>} : memref<128x128xf32, #tpu.memory_space<vmem>>, vector<16xf32>,
        %mul3A_399 = arith.mulf %get3A_389, %get3A_392 : vector<16xf32>
        %add3A_400 = arith.addf %broadcast_in_dim3A_376, %mul3A_399 : vector<16xf32>
        %mul3A_401 = arith.mulf %get3A_389, %get3A_389 : vector<16xf32>
        %add3A_402 = arith.addf %broadcast_in_dim3A_378, %mul3A_401 : vector<16xf32>
        %mul3A_403 = arith.mulf %get3A_392, %get3A_392 : vector<16xf32>
        %add3A_404 = arith.addf %broadcast_in_dim3A_380, %mul3A_403 : vector<16xf32>
        %mul3A_405 = arith.mulf %get3A_395, %get3A_398 : vector<16xf32>
        %add3A_406 = arith.addf %broadcast_in_dim3A_382, %mul3A_405 : vector<16xf32>
        %mul3A_407 = arith.mulf %get3A_395, %get3A_395 : vector<16xf32>
        %add3A_408 = arith.addf %broadcast_in_dim3A_384, %mul3A_407 : vector<16xf32>
        %mul3A_409 = arith.mulf %get3A_398, %get3A_398 : vector<16xf32>
        %add3A_410 = arith.addf %broadcast_in_dim3A_386, %mul3A_409 : vector<16xf32>
        %get3A_411 = arith.index_cast %add3A_374 : i32 to index
        %get3A_412 = arith.constant 32 : index
        %get3A_413 = tpu.vector_load %arg9[%get3A_411, %get3A_412] {strides = array<i32>} : memref<128x128xf32, #tpu.memory_space<vmem>>, vector<16xf32>,
        %get3A_414 = arith.index_cast %add3A_374 : i32 to index
        %get3A_415 = arith.constant 32 : index
        %get3A_416 = tpu.vector_load %arg11[%get3A_414, %get3A_415] {strides = array<i32>} : memref<128x128xf32, #tpu.memory_space<vmem>>, vector<16xf32>,
        %get3A_417 = arith.index_cast %add3A_374 : i32 to index
        %get3A_418 = arith.constant 48 : index
        %get3A_419 = tpu.vector_load %arg9[%get3A_417, %get3A_418] {strides = array<i32>} : memref<128x128xf32, #tpu.memory_space<vmem>>, vector<16xf32>,
        %get3A_420 = arith.index_cast %add3A_374 : i32 to index
        %get3A_421 = arith.constant 48 : index
        %get3A_422 = tpu.vector_load %arg11[%get3A_420, %get3A_421] {strides = array<i32>} : memref<128x128xf32, #tpu.memory_space<vmem>>, vector<16xf32>,
        %mul3A_423 = arith.mulf %get3A_413, %get3A_416 : vector<16xf32>
        %add3A_424 = arith.addf %add3A_400, %mul3A_423 : vector<16xf32>
        %mul3A_425 = arith.mulf %get3A_413, %get3A_413 : vector<16xf32>
        %add3A_426 = arith.addf %add3A_402, %mul3A_425 : vector<16xf32>
        %mul3A_427 = arith.mulf %get3A_416, %get3A_416 : vector<16xf32>
        %add3A_428 = arith.addf %add3A_404, %mul3A_427 : vector<16xf32>
        %mul3A_429 = arith.mulf %get3A_419, %get3A_422 : vector<16xf32>
        %add3A_430 = arith.addf %add3A_406, %mul3A_429 : vector<16xf32>
        %mul3A_431 = arith.mulf %get3A_419, %get3A_419 : vector<16xf32>
        %add3A_432 = arith.addf %add3A_408, %mul3A_431 : vector<16xf32>
        %mul3A_433 = arith.mulf %get3A_422, %get3A_422 : vector<16xf32>
        %add3A_434 = arith.addf %add3A_410, %mul3A_433 : vector<16xf32>
        %get3A_435 = arith.index_cast %add3A_374 : i32 to index
        %get3A_436 = arith.constant 64 : index
        %get3A_437 = tpu.vector_load %arg9[%get3A_435, %get3A_436] {strides = array<i32>} : memref<128x128xf32, #tpu.memory_space<vmem>>, vector<16xf32>,
        %get3A_438 = arith.index_cast %add3A_374 : i32 to index
        %get3A_439 = arith.constant 64 : index
        %get3A_440 = tpu.vector_load %arg11[%get3A_438, %get3A_439] {strides = array<i32>} : memref<128x128xf32, #tpu.memory_space<vmem>>, vector<16xf32>,
        %get3A_441 = arith.index_cast %add3A_374 : i32 to index
        %get3A_442 = arith.constant 80 : index
        %get3A_443 = tpu.vector_load %arg9[%get3A_441, %get3A_442] {strides = array<i32>} : memref<128x128xf32, #tpu.memory_space<vmem>>, vector<16xf32>,
        %get3A_444 = arith.index_cast %add3A_374 : i32 to index
        %get3A_445 = arith.constant 80 : index
        %get3A_446 = tpu.vector_load %arg11[%get3A_444, %get3A_445] {strides = array<i32>} : memref<128x128xf32, #tpu.memory_space<vmem>>, vector<16xf32>,
        %mul3A_447 = arith.mulf %get3A_437, %get3A_440 : vector<16xf32>
        %add3A_448 = arith.addf %add3A_424, %mul3A_447 : vector<16xf32>
        %mul3A_449 = arith.mulf %get3A_437, %get3A_437 : vector<16xf32>
        %add3A_450 = arith.addf %add3A_426, %mul3A_449 : vector<16xf32>
        %mul3A_451 = arith.mulf %get3A_440, %get3A_440 : vector<16xf32>
        %add3A_452 = arith.addf %add3A_428, %mul3A_451 : vector<16xf32>
        %mul3A_453 = arith.mulf %get3A_443, %get3A_446 : vector<16xf32>
        %add3A_454 = arith.addf %add3A_430, %mul3A_453 : vector<16xf32>
        %mul3A_455 = arith.mulf %get3A_443, %get3A_443 : vector<16xf32>
        %add3A_456 = arith.addf %add3A_432, %mul3A_455 : vector<16xf32>
        %mul3A_457 = arith.mulf %get3A_446, %get3A_446 : vector<16xf32>
        %add3A_458 = arith.addf %add3A_434, %mul3A_457 : vector<16xf32>
        %get3A_459 = arith.index_cast %add3A_374 : i32 to index
        %get3A_460 = arith.constant 96 : index
        %get3A_461 = tpu.vector_load %arg9[%get3A_459, %get3A_460] {strides = array<i32>} : memref<128x128xf32, #tpu.memory_space<vmem>>, vector<16xf32>,
        %get3A_462 = arith.index_cast %add3A_374 : i32 to index
        %get3A_463 = arith.constant 96 : index
        %get3A_464 = tpu.vector_load %arg11[%get3A_462, %get3A_463] {strides = array<i32>} : memref<128x128xf32, #tpu.memory_space<vmem>>, vector<16xf32>,
        %get3A_465 = arith.index_cast %add3A_374 : i32 to index
        %get3A_466 = arith.constant 112 : index
        %get3A_467 = tpu.vector_load %arg9[%get3A_465, %get3A_466] {strides = array<i32>} : memref<128x128xf32, #tpu.memory_space<vmem>>, vector<16xf32>,
        %get3A_468 = arith.index_cast %add3A_374 : i32 to index
        %get3A_469 = arith.constant 112 : index
        %get3A_470 = tpu.vector_load %arg11[%get3A_468, %get3A_469] {strides = array<i32>} : memref<128x128xf32, #tpu.memory_space<vmem>>, vector<16xf32>,
        %mul3A_471 = arith.mulf %get3A_461, %get3A_464 : vector<16xf32>
        %add3A_472 = arith.addf %add3A_448, %mul3A_471 : vector<16xf32>
        %mul3A_473 = arith.mulf %get3A_461, %get3A_461 : vector<16xf32>
        %add3A_474 = arith.addf %add3A_450, %mul3A_473 : vector<16xf32>
        %mul3A_475 = arith.mulf %get3A_464, %get3A_464 : vector<16xf32>
        %add3A_476 = arith.addf %add3A_452, %mul3A_475 : vector<16xf32>
        %mul3A_477 = arith.mulf %get3A_467, %get3A_470 : vector<16xf32>
        %add3A_478 = arith.addf %add3A_454, %mul3A_477 : vector<16xf32>
        %mul3A_479 = arith.mulf %get3A_467, %get3A_467 : vector<16xf32>
        %add3A_480 = arith.addf %add3A_456, %mul3A_479 : vector<16xf32>
        %mul3A_481 = arith.mulf %get3A_470, %get3A_470 : vector<16xf32>
        %add3A_482 = arith.addf %add3A_458, %mul3A_481 : vector<16xf32>
        %eq3A_483 = arith.constant 2 : i32
        %eq3A_484 = vector.broadcast %eq3A_483 : i32 to vector<16xi32>
        %eq3A_485 = arith.cmpi eq, %iota3A, %eq3A_484 : vector<16xi32>
        %add3A_486 = arith.addf %add3A_472, %add3A_478 : vector<16xf32>
        %reduce_sum3A_487 = arith.constant true
        %reduce_sum3A_488 = vector.broadcast %reduce_sum3A_487 : i1 to vector<16xi1>
        %reduce_sum3A_489 = tpu.scan <sum>, %add3A_486 masked %reduce_sum3A_488 : vector<16xf32>, vector<16xi1> -> vector<16xf32>
        %reduce_sum3A_490 = vector.extract %reduce_sum3A_489[15] : f32 from vector<16xf32>
        %broadcast_in_dim3A_491 = vector.broadcast %reduce_sum3A_490 : f32 to vector<16xf32>
        %select_n3A_492 = arith.select %eq3A_485, %broadcast_in_dim3A_491, %select_n3A_350 : vector<16xi1>, vector<16xf32>
        %eq3A_493 = arith.constant 2 : i32
        %eq3A_494 = vector.broadcast %eq3A_493 : i32 to vector<16xi32>
        %eq3A_495 = arith.cmpi eq, %iota3A, %eq3A_494 : vector<16xi32>
        %add3A_496 = arith.addf %add3A_474, %add3A_480 : vector<16xf32>
        %reduce_sum3A_497 = arith.constant true
        %reduce_sum3A_498 = vector.broadcast %reduce_sum3A_497 : i1 to vector<16xi1>
        %reduce_sum3A_499 = tpu.scan <sum>, %add3A_496 masked %reduce_sum3A_498 : vector<16xf32>, vector<16xi1> -> vector<16xf32>
        %reduce_sum3A_500 = vector.extract %reduce_sum3A_499[15] : f32 from vector<16xf32>
        %broadcast_in_dim3A_501 = vector.broadcast %reduce_sum3A_500 : f32 to vector<16xf32>
        %select_n3A_502 = arith.select %eq3A_495, %broadcast_in_dim3A_501, %select_n3A_360 : vector<16xi1>, vector<16xf32>
        %eq3A_503 = arith.constant 2 : i32
        %eq3A_504 = vector.broadcast %eq3A_503 : i32 to vector<16xi32>
        %eq3A_505 = arith.cmpi eq, %iota3A, %eq3A_504 : vector<16xi32>
        %add3A_506 = arith.addf %add3A_476, %add3A_482 : vector<16xf32>
        %reduce_sum3A_507 = arith.constant true
        %reduce_sum3A_508 = vector.broadcast %reduce_sum3A_507 : i1 to vector<16xi1>
        %reduce_sum3A_509 = tpu.scan <sum>, %add3A_506 masked %reduce_sum3A_508 : vector<16xf32>, vector<16xi1> -> vector<16xf32>
        %reduce_sum3A_510 = vector.extract %reduce_sum3A_509[15] : f32 from vector<16xf32>
        %broadcast_in_dim3A_511 = vector.broadcast %reduce_sum3A_510 : f32 to vector<16xf32>
        %select_n3A_512 = arith.select %eq3A_505, %broadcast_in_dim3A_511, %select_n3A_370 : vector<16xi1>, vector<16xf32>
        %mul3A_513 = arith.constant 16 : i32
        %mul3A_514 = arith.muli %scan3A_83, %mul3A_513 : i32
        %add3A_515 = arith.constant 3 : i32
        %add3A_516 = arith.addi %mul3A_514, %add3A_515 : i32
        %broadcast_in_dim3A_517 = arith.constant 0.000000e+00 : f32
        %broadcast_in_dim3A_518 = vector.broadcast %broadcast_in_dim3A_517 : f32 to vector<16xf32>
        %broadcast_in_dim3A_519 = arith.constant 0.000000e+00 : f32
        %broadcast_in_dim3A_520 = vector.broadcast %broadcast_in_dim3A_519 : f32 to vector<16xf32>
        %broadcast_in_dim3A_521 = arith.constant 0.000000e+00 : f32
        %broadcast_in_dim3A_522 = vector.broadcast %broadcast_in_dim3A_521 : f32 to vector<16xf32>
        %broadcast_in_dim3A_523 = arith.constant 0.000000e+00 : f32
        %broadcast_in_dim3A_524 = vector.broadcast %broadcast_in_dim3A_523 : f32 to vector<16xf32>
        %broadcast_in_dim3A_525 = arith.constant 0.000000e+00 : f32
        %broadcast_in_dim3A_526 = vector.broadcast %broadcast_in_dim3A_525 : f32 to vector<16xf32>
        %broadcast_in_dim3A_527 = arith.constant 0.000000e+00 : f32
        %broadcast_in_dim3A_528 = vector.broadcast %broadcast_in_dim3A_527 : f32 to vector<16xf32>
        %get3A_529 = arith.index_cast %add3A_516 : i32 to index
        %get3A_530 = arith.constant 0 : index
        %get3A_531 = tpu.vector_load %arg9[%get3A_529, %get3A_530] {strides = array<i32>} : memref<128x128xf32, #tpu.memory_space<vmem>>, vector<16xf32>,
        %get3A_532 = arith.index_cast %add3A_516 : i32 to index
        %get3A_533 = arith.constant 0 : index
        %get3A_534 = tpu.vector_load %arg11[%get3A_532, %get3A_533] {strides = array<i32>} : memref<128x128xf32, #tpu.memory_space<vmem>>, vector<16xf32>,
        %get3A_535 = arith.index_cast %add3A_516 : i32 to index
        %get3A_536 = arith.constant 16 : index
        %get3A_537 = tpu.vector_load %arg9[%get3A_535, %get3A_536] {strides = array<i32>} : memref<128x128xf32, #tpu.memory_space<vmem>>, vector<16xf32>,
        %get3A_538 = arith.index_cast %add3A_516 : i32 to index
        %get3A_539 = arith.constant 16 : index
        %get3A_540 = tpu.vector_load %arg11[%get3A_538, %get3A_539] {strides = array<i32>} : memref<128x128xf32, #tpu.memory_space<vmem>>, vector<16xf32>,
        %mul3A_541 = arith.mulf %get3A_531, %get3A_534 : vector<16xf32>
        %add3A_542 = arith.addf %broadcast_in_dim3A_518, %mul3A_541 : vector<16xf32>
        %mul3A_543 = arith.mulf %get3A_531, %get3A_531 : vector<16xf32>
        %add3A_544 = arith.addf %broadcast_in_dim3A_520, %mul3A_543 : vector<16xf32>
        %mul3A_545 = arith.mulf %get3A_534, %get3A_534 : vector<16xf32>
        %add3A_546 = arith.addf %broadcast_in_dim3A_522, %mul3A_545 : vector<16xf32>
        %mul3A_547 = arith.mulf %get3A_537, %get3A_540 : vector<16xf32>
        %add3A_548 = arith.addf %broadcast_in_dim3A_524, %mul3A_547 : vector<16xf32>
        %mul3A_549 = arith.mulf %get3A_537, %get3A_537 : vector<16xf32>
        %add3A_550 = arith.addf %broadcast_in_dim3A_526, %mul3A_549 : vector<16xf32>
        %mul3A_551 = arith.mulf %get3A_540, %get3A_540 : vector<16xf32>
        %add3A_552 = arith.addf %broadcast_in_dim3A_528, %mul3A_551 : vector<16xf32>
        %get3A_553 = arith.index_cast %add3A_516 : i32 to index
        %get3A_554 = arith.constant 32 : index
        %get3A_555 = tpu.vector_load %arg9[%get3A_553, %get3A_554] {strides = array<i32>} : memref<128x128xf32, #tpu.memory_space<vmem>>, vector<16xf32>,
        %get3A_556 = arith.index_cast %add3A_516 : i32 to index
        %get3A_557 = arith.constant 32 : index
        %get3A_558 = tpu.vector_load %arg11[%get3A_556, %get3A_557] {strides = array<i32>} : memref<128x128xf32, #tpu.memory_space<vmem>>, vector<16xf32>,
        %get3A_559 = arith.index_cast %add3A_516 : i32 to index
        %get3A_560 = arith.constant 48 : index
        %get3A_561 = tpu.vector_load %arg9[%get3A_559, %get3A_560] {strides = array<i32>} : memref<128x128xf32, #tpu.memory_space<vmem>>, vector<16xf32>,
        %get3A_562 = arith.index_cast %add3A_516 : i32 to index
        %get3A_563 = arith.constant 48 : index
        %get3A_564 = tpu.vector_load %arg11[%get3A_562, %get3A_563] {strides = array<i32>} : memref<128x128xf32, #tpu.memory_space<vmem>>, vector<16xf32>,
        %mul3A_565 = arith.mulf %get3A_555, %get3A_558 : vector<16xf32>
        %add3A_566 = arith.addf %add3A_542, %mul3A_565 : vector<16xf32>
        %mul3A_567 = arith.mulf %get3A_555, %get3A_555 : vector<16xf32>
        %add3A_568 = arith.addf %add3A_544, %mul3A_567 : vector<16xf32>
        %mul3A_569 = arith.mulf %get3A_558, %get3A_558 : vector<16xf32>
        %add3A_570 = arith.addf %add3A_546, %mul3A_569 : vector<16xf32>
        %mul3A_571 = arith.mulf %get3A_561, %get3A_564 : vector<16xf32>
        %add3A_572 = arith.addf %add3A_548, %mul3A_571 : vector<16xf32>
        %mul3A_573 = arith.mulf %get3A_561, %get3A_561 : vector<16xf32>
        %add3A_574 = arith.addf %add3A_550, %mul3A_573 : vector<16xf32>
        %mul3A_575 = arith.mulf %get3A_564, %get3A_564 : vector<16xf32>
        %add3A_576 = arith.addf %add3A_552, %mul3A_575 : vector<16xf32>
        %get3A_577 = arith.index_cast %add3A_516 : i32 to index
        %get3A_578 = arith.constant 64 : index
        %get3A_579 = tpu.vector_load %arg9[%get3A_577, %get3A_578] {strides = array<i32>} : memref<128x128xf32, #tpu.memory_space<vmem>>, vector<16xf32>,
        %get3A_580 = arith.index_cast %add3A_516 : i32 to index
        %get3A_581 = arith.constant 64 : index
        %get3A_582 = tpu.vector_load %arg11[%get3A_580, %get3A_581] {strides = array<i32>} : memref<128x128xf32, #tpu.memory_space<vmem>>, vector<16xf32>,
        %get3A_583 = arith.index_cast %add3A_516 : i32 to index
        %get3A_584 = arith.constant 80 : index
        %get3A_585 = tpu.vector_load %arg9[%get3A_583, %get3A_584] {strides = array<i32>} : memref<128x128xf32, #tpu.memory_space<vmem>>, vector<16xf32>,
        %get3A_586 = arith.index_cast %add3A_516 : i32 to index
        %get3A_587 = arith.constant 80 : index
        %get3A_588 = tpu.vector_load %arg11[%get3A_586, %get3A_587] {strides = array<i32>} : memref<128x128xf32, #tpu.memory_space<vmem>>, vector<16xf32>,
        %mul3A_589 = arith.mulf %get3A_579, %get3A_582 : vector<16xf32>
        %add3A_590 = arith.addf %add3A_566, %mul3A_589 : vector<16xf32>
        %mul3A_591 = arith.mulf %get3A_579, %get3A_579 : vector<16xf32>
        %add3A_592 = arith.addf %add3A_568, %mul3A_591 : vector<16xf32>
        %mul3A_593 = arith.mulf %get3A_582, %get3A_582 : vector<16xf32>
        %add3A_594 = arith.addf %add3A_570, %mul3A_593 : vector<16xf32>
        %mul3A_595 = arith.mulf %get3A_585, %get3A_588 : vector<16xf32>
        %add3A_596 = arith.addf %add3A_572, %mul3A_595 : vector<16xf32>
        %mul3A_597 = arith.mulf %get3A_585, %get3A_585 : vector<16xf32>
        %add3A_598 = arith.addf %add3A_574, %mul3A_597 : vector<16xf32>
        %mul3A_599 = arith.mulf %get3A_588, %get3A_588 : vector<16xf32>
        %add3A_600 = arith.addf %add3A_576, %mul3A_599 : vector<16xf32>
        %get3A_601 = arith.index_cast %add3A_516 : i32 to index
        %get3A_602 = arith.constant 96 : index
        %get3A_603 = tpu.vector_load %arg9[%get3A_601, %get3A_602] {strides = array<i32>} : memref<128x128xf32, #tpu.memory_space<vmem>>, vector<16xf32>,
        %get3A_604 = arith.index_cast %add3A_516 : i32 to index
        %get3A_605 = arith.constant 96 : index
        %get3A_606 = tpu.vector_load %arg11[%get3A_604, %get3A_605] {strides = array<i32>} : memref<128x128xf32, #tpu.memory_space<vmem>>, vector<16xf32>,
        %get3A_607 = arith.index_cast %add3A_516 : i32 to index
        %get3A_608 = arith.constant 112 : index
        %get3A_609 = tpu.vector_load %arg9[%get3A_607, %get3A_608] {strides = array<i32>} : memref<128x128xf32, #tpu.memory_space<vmem>>, vector<16xf32>,
        %get3A_610 = arith.index_cast %add3A_516 : i32 to index
        %get3A_611 = arith.constant 112 : index
        %get3A_612 = tpu.vector_load %arg11[%get3A_610, %get3A_611] {strides = array<i32>} : memref<128x128xf32, #tpu.memory_space<vmem>>, vector<16xf32>,
        %mul3A_613 = arith.mulf %get3A_603, %get3A_606 : vector<16xf32>
        %add3A_614 = arith.addf %add3A_590, %mul3A_613 : vector<16xf32>
        %mul3A_615 = arith.mulf %get3A_603, %get3A_603 : vector<16xf32>
        %add3A_616 = arith.addf %add3A_592, %mul3A_615 : vector<16xf32>
        %mul3A_617 = arith.mulf %get3A_606, %get3A_606 : vector<16xf32>
        %add3A_618 = arith.addf %add3A_594, %mul3A_617 : vector<16xf32>
        %mul3A_619 = arith.mulf %get3A_609, %get3A_612 : vector<16xf32>
        %add3A_620 = arith.addf %add3A_596, %mul3A_619 : vector<16xf32>
        %mul3A_621 = arith.mulf %get3A_609, %get3A_609 : vector<16xf32>
        %add3A_622 = arith.addf %add3A_598, %mul3A_621 : vector<16xf32>
        %mul3A_623 = arith.mulf %get3A_612, %get3A_612 : vector<16xf32>
        %add3A_624 = arith.addf %add3A_600, %mul3A_623 : vector<16xf32>
        %eq3A_625 = arith.constant 3 : i32
        %eq3A_626 = vector.broadcast %eq3A_625 : i32 to vector<16xi32>
        %eq3A_627 = arith.cmpi eq, %iota3A, %eq3A_626 : vector<16xi32>
        %add3A_628 = arith.addf %add3A_614, %add3A_620 : vector<16xf32>
        %reduce_sum3A_629 = arith.constant true
        %reduce_sum3A_630 = vector.broadcast %reduce_sum3A_629 : i1 to vector<16xi1>
        %reduce_sum3A_631 = tpu.scan <sum>, %add3A_628 masked %reduce_sum3A_630 : vector<16xf32>, vector<16xi1> -> vector<16xf32>
        %reduce_sum3A_632 = vector.extract %reduce_sum3A_631[15] : f32 from vector<16xf32>
        %broadcast_in_dim3A_633 = vector.broadcast %reduce_sum3A_632 : f32 to vector<16xf32>
        %select_n3A_634 = arith.select %eq3A_627, %broadcast_in_dim3A_633, %select_n3A_492 : vector<16xi1>, vector<16xf32>
        %eq3A_635 = arith.constant 3 : i32
        %eq3A_636 = vector.broadcast %eq3A_635 : i32 to vector<16xi32>
        %eq3A_637 = arith.cmpi eq, %iota3A, %eq3A_636 : vector<16xi32>
        %add3A_638 = arith.addf %add3A_616, %add3A_622 : vector<16xf32>
        %reduce_sum3A_639 = arith.constant true
        %reduce_sum3A_640 = vector.broadcast %reduce_sum3A_639 : i1 to vector<16xi1>
        %reduce_sum3A_641 = tpu.scan <sum>, %add3A_638 masked %reduce_sum3A_640 : vector<16xf32>, vector<16xi1> -> vector<16xf32>
        %reduce_sum3A_642 = vector.extract %reduce_sum3A_641[15] : f32 from vector<16xf32>
        %broadcast_in_dim3A_643 = vector.broadcast %reduce_sum3A_642 : f32 to vector<16xf32>
        %select_n3A_644 = arith.select %eq3A_637, %broadcast_in_dim3A_643, %select_n3A_502 : vector<16xi1>, vector<16xf32>
        %eq3A_645 = arith.constant 3 : i32
        %eq3A_646 = vector.broadcast %eq3A_645 : i32 to vector<16xi32>
        %eq3A_647 = arith.cmpi eq, %iota3A, %eq3A_646 : vector<16xi32>
        %add3A_648 = arith.addf %add3A_618, %add3A_624 : vector<16xf32>
        %reduce_sum3A_649 = arith.constant true
        %reduce_sum3A_650 = vector.broadcast %reduce_sum3A_649 : i1 to vector<16xi1>
        %reduce_sum3A_651 = tpu.scan <sum>, %add3A_648 masked %reduce_sum3A_650 : vector<16xf32>, vector<16xi1> -> vector<16xf32>
        %reduce_sum3A_652 = vector.extract %reduce_sum3A_651[15] : f32 from vector<16xf32>
        %broadcast_in_dim3A_653 = vector.broadcast %reduce_sum3A_652 : f32 to vector<16xf32>
        %select_n3A_654 = arith.select %eq3A_647, %broadcast_in_dim3A_653, %select_n3A_512 : vector<16xi1>, vector<16xf32>
        %mul3A_655 = arith.constant 16 : i32
        %mul3A_656 = arith.muli %scan3A_83, %mul3A_655 : i32
        %add3A_657 = arith.constant 4 : i32
        %add3A_658 = arith.addi %mul3A_656, %add3A_657 : i32
        %broadcast_in_dim3A_659 = arith.constant 0.000000e+00 : f32
        %broadcast_in_dim3A_660 = vector.broadcast %broadcast_in_dim3A_659 : f32 to vector<16xf32>
        %broadcast_in_dim3A_661 = arith.constant 0.000000e+00 : f32
        %broadcast_in_dim3A_662 = vector.broadcast %broadcast_in_dim3A_661 : f32 to vector<16xf32>
        %broadcast_in_dim3A_663 = arith.constant 0.000000e+00 : f32
        %broadcast_in_dim3A_664 = vector.broadcast %broadcast_in_dim3A_663 : f32 to vector<16xf32>
        %broadcast_in_dim3A_665 = arith.constant 0.000000e+00 : f32
        %broadcast_in_dim3A_666 = vector.broadcast %broadcast_in_dim3A_665 : f32 to vector<16xf32>
        %broadcast_in_dim3A_667 = arith.constant 0.000000e+00 : f32
        %broadcast_in_dim3A_668 = vector.broadcast %broadcast_in_dim3A_667 : f32 to vector<16xf32>
        %broadcast_in_dim3A_669 = arith.constant 0.000000e+00 : f32
        %broadcast_in_dim3A_670 = vector.broadcast %broadcast_in_dim3A_669 : f32 to vector<16xf32>
        %get3A_671 = arith.index_cast %add3A_658 : i32 to index
        %get3A_672 = arith.constant 0 : index
        %get3A_673 = tpu.vector_load %arg9[%get3A_671, %get3A_672] {strides = array<i32>} : memref<128x128xf32, #tpu.memory_space<vmem>>, vector<16xf32>,
        %get3A_674 = arith.index_cast %add3A_658 : i32 to index
        %get3A_675 = arith.constant 0 : index
        %get3A_676 = tpu.vector_load %arg11[%get3A_674, %get3A_675] {strides = array<i32>} : memref<128x128xf32, #tpu.memory_space<vmem>>, vector<16xf32>,
        %get3A_677 = arith.index_cast %add3A_658 : i32 to index
        %get3A_678 = arith.constant 16 : index
        %get3A_679 = tpu.vector_load %arg9[%get3A_677, %get3A_678] {strides = array<i32>} : memref<128x128xf32, #tpu.memory_space<vmem>>, vector<16xf32>,
        %get3A_680 = arith.index_cast %add3A_658 : i32 to index
        %get3A_681 = arith.constant 16 : index
        %get3A_682 = tpu.vector_load %arg11[%get3A_680, %get3A_681] {strides = array<i32>} : memref<128x128xf32, #tpu.memory_space<vmem>>, vector<16xf32>,
        %mul3A_683 = arith.mulf %get3A_673, %get3A_676 : vector<16xf32>
        %add3A_684 = arith.addf %broadcast_in_dim3A_660, %mul3A_683 : vector<16xf32>
        %mul3A_685 = arith.mulf %get3A_673, %get3A_673 : vector<16xf32>
        %add3A_686 = arith.addf %broadcast_in_dim3A_662, %mul3A_685 : vector<16xf32>
        %mul3A_687 = arith.mulf %get3A_676, %get3A_676 : vector<16xf32>
        %add3A_688 = arith.addf %broadcast_in_dim3A_664, %mul3A_687 : vector<16xf32>
        %mul3A_689 = arith.mulf %get3A_679, %get3A_682 : vector<16xf32>
        %add3A_690 = arith.addf %broadcast_in_dim3A_666, %mul3A_689 : vector<16xf32>
        %mul3A_691 = arith.mulf %get3A_679, %get3A_679 : vector<16xf32>
        %add3A_692 = arith.addf %broadcast_in_dim3A_668, %mul3A_691 : vector<16xf32>
        %mul3A_693 = arith.mulf %get3A_682, %get3A_682 : vector<16xf32>
        %add3A_694 = arith.addf %broadcast_in_dim3A_670, %mul3A_693 : vector<16xf32>
        %get3A_695 = arith.index_cast %add3A_658 : i32 to index
        %get3A_696 = arith.constant 32 : index
        %get3A_697 = tpu.vector_load %arg9[%get3A_695, %get3A_696] {strides = array<i32>} : memref<128x128xf32, #tpu.memory_space<vmem>>, vector<16xf32>,
        %get3A_698 = arith.index_cast %add3A_658 : i32 to index
        %get3A_699 = arith.constant 32 : index
        %get3A_700 = tpu.vector_load %arg11[%get3A_698, %get3A_699] {strides = array<i32>} : memref<128x128xf32, #tpu.memory_space<vmem>>, vector<16xf32>,
        %get3A_701 = arith.index_cast %add3A_658 : i32 to index
        %get3A_702 = arith.constant 48 : index
        %get3A_703 = tpu.vector_load %arg9[%get3A_701, %get3A_702] {strides = array<i32>} : memref<128x128xf32, #tpu.memory_space<vmem>>, vector<16xf32>,
        %get3A_704 = arith.index_cast %add3A_658 : i32 to index
        %get3A_705 = arith.constant 48 : index
        %get3A_706 = tpu.vector_load %arg11[%get3A_704, %get3A_705] {strides = array<i32>} : memref<128x128xf32, #tpu.memory_space<vmem>>, vector<16xf32>,
        %mul3A_707 = arith.mulf %get3A_697, %get3A_700 : vector<16xf32>
        %add3A_708 = arith.addf %add3A_684, %mul3A_707 : vector<16xf32>
        %mul3A_709 = arith.mulf %get3A_697, %get3A_697 : vector<16xf32>
        %add3A_710 = arith.addf %add3A_686, %mul3A_709 : vector<16xf32>
        %mul3A_711 = arith.mulf %get3A_700, %get3A_700 : vector<16xf32>
        %add3A_712 = arith.addf %add3A_688, %mul3A_711 : vector<16xf32>
        %mul3A_713 = arith.mulf %get3A_703, %get3A_706 : vector<16xf32>
        %add3A_714 = arith.addf %add3A_690, %mul3A_713 : vector<16xf32>
        %mul3A_715 = arith.mulf %get3A_703, %get3A_703 : vector<16xf32>
        %add3A_716 = arith.addf %add3A_692, %mul3A_715 : vector<16xf32>
        %mul3A_717 = arith.mulf %get3A_706, %get3A_706 : vector<16xf32>
        %add3A_718 = arith.addf %add3A_694, %mul3A_717 : vector<16xf32>
        %get3A_719 = arith.index_cast %add3A_658 : i32 to index
        %get3A_720 = arith.constant 64 : index
        %get3A_721 = tpu.vector_load %arg9[%get3A_719, %get3A_720] {strides = array<i32>} : memref<128x128xf32, #tpu.memory_space<vmem>>, vector<16xf32>,
        %get3A_722 = arith.index_cast %add3A_658 : i32 to index
        %get3A_723 = arith.constant 64 : index
        %get3A_724 = tpu.vector_load %arg11[%get3A_722, %get3A_723] {strides = array<i32>} : memref<128x128xf32, #tpu.memory_space<vmem>>, vector<16xf32>,
        %get3A_725 = arith.index_cast %add3A_658 : i32 to index
        %get3A_726 = arith.constant 80 : index
        %get3A_727 = tpu.vector_load %arg9[%get3A_725, %get3A_726] {strides = array<i32>} : memref<128x128xf32, #tpu.memory_space<vmem>>, vector<16xf32>,
        %get3A_728 = arith.index_cast %add3A_658 : i32 to index
        %get3A_729 = arith.constant 80 : index
        %get3A_730 = tpu.vector_load %arg11[%get3A_728, %get3A_729] {strides = array<i32>} : memref<128x128xf32, #tpu.memory_space<vmem>>, vector<16xf32>,
        %mul3A_731 = arith.mulf %get3A_721, %get3A_724 : vector<16xf32>
        %add3A_732 = arith.addf %add3A_708, %mul3A_731 : vector<16xf32>
        %mul3A_733 = arith.mulf %get3A_721, %get3A_721 : vector<16xf32>
        %add3A_734 = arith.addf %add3A_710, %mul3A_733 : vector<16xf32>
        %mul3A_735 = arith.mulf %get3A_724, %get3A_724 : vector<16xf32>
        %add3A_736 = arith.addf %add3A_712, %mul3A_735 : vector<16xf32>
        %mul3A_737 = arith.mulf %get3A_727, %get3A_730 : vector<16xf32>
        %add3A_738 = arith.addf %add3A_714, %mul3A_737 : vector<16xf32>
        %mul3A_739 = arith.mulf %get3A_727, %get3A_727 : vector<16xf32>
        %add3A_740 = arith.addf %add3A_716, %mul3A_739 : vector<16xf32>
        %mul3A_741 = arith.mulf %get3A_730, %get3A_730 : vector<16xf32>
        %add3A_742 = arith.addf %add3A_718, %mul3A_741 : vector<16xf32>
        %get3A_743 = arith.index_cast %add3A_658 : i32 to index
        %get3A_744 = arith.constant 96 : index
        %get3A_745 = tpu.vector_load %arg9[%get3A_743, %get3A_744] {strides = array<i32>} : memref<128x128xf32, #tpu.memory_space<vmem>>, vector<16xf32>,
        %get3A_746 = arith.index_cast %add3A_658 : i32 to index
        %get3A_747 = arith.constant 96 : index
        %get3A_748 = tpu.vector_load %arg11[%get3A_746, %get3A_747] {strides = array<i32>} : memref<128x128xf32, #tpu.memory_space<vmem>>, vector<16xf32>,
        %get3A_749 = arith.index_cast %add3A_658 : i32 to index
        %get3A_750 = arith.constant 112 : index
        %get3A_751 = tpu.vector_load %arg9[%get3A_749, %get3A_750] {strides = array<i32>} : memref<128x128xf32, #tpu.memory_space<vmem>>, vector<16xf32>,
        %get3A_752 = arith.index_cast %add3A_658 : i32 to index
        %get3A_753 = arith.constant 112 : index
        %get3A_754 = tpu.vector_load %arg11[%get3A_752, %get3A_753] {strides = array<i32>} : memref<128x128xf32, #tpu.memory_space<vmem>>, vector<16xf32>,
        %mul3A_755 = arith.mulf %get3A_745, %get3A_748 : vector<16xf32>
        %add3A_756 = arith.addf %add3A_732, %mul3A_755 : vector<16xf32>
        %mul3A_757 = arith.mulf %get3A_745, %get3A_745 : vector<16xf32>
        %add3A_758 = arith.addf %add3A_734, %mul3A_757 : vector<16xf32>
        %mul3A_759 = arith.mulf %get3A_748, %get3A_748 : vector<16xf32>
        %add3A_760 = arith.addf %add3A_736, %mul3A_759 : vector<16xf32>
        %mul3A_761 = arith.mulf %get3A_751, %get3A_754 : vector<16xf32>
        %add3A_762 = arith.addf %add3A_738, %mul3A_761 : vector<16xf32>
        %mul3A_763 = arith.mulf %get3A_751, %get3A_751 : vector<16xf32>
        %add3A_764 = arith.addf %add3A_740, %mul3A_763 : vector<16xf32>
        %mul3A_765 = arith.mulf %get3A_754, %get3A_754 : vector<16xf32>
        %add3A_766 = arith.addf %add3A_742, %mul3A_765 : vector<16xf32>
        %eq3A_767 = arith.constant 4 : i32
        %eq3A_768 = vector.broadcast %eq3A_767 : i32 to vector<16xi32>
        %eq3A_769 = arith.cmpi eq, %iota3A, %eq3A_768 : vector<16xi32>
        %add3A_770 = arith.addf %add3A_756, %add3A_762 : vector<16xf32>
        %reduce_sum3A_771 = arith.constant true
        %reduce_sum3A_772 = vector.broadcast %reduce_sum3A_771 : i1 to vector<16xi1>
        %reduce_sum3A_773 = tpu.scan <sum>, %add3A_770 masked %reduce_sum3A_772 : vector<16xf32>, vector<16xi1> -> vector<16xf32>
        %reduce_sum3A_774 = vector.extract %reduce_sum3A_773[15] : f32 from vector<16xf32>
        %broadcast_in_dim3A_775 = vector.broadcast %reduce_sum3A_774 : f32 to vector<16xf32>
        %select_n3A_776 = arith.select %eq3A_769, %broadcast_in_dim3A_775, %select_n3A_634 : vector<16xi1>, vector<16xf32>
        %eq3A_777 = arith.constant 4 : i32
        %eq3A_778 = vector.broadcast %eq3A_777 : i32 to vector<16xi32>
        %eq3A_779 = arith.cmpi eq, %iota3A, %eq3A_778 : vector<16xi32>
        %add3A_780 = arith.addf %add3A_758, %add3A_764 : vector<16xf32>
        %reduce_sum3A_781 = arith.constant true
        %reduce_sum3A_782 = vector.broadcast %reduce_sum3A_781 : i1 to vector<16xi1>
        %reduce_sum3A_783 = tpu.scan <sum>, %add3A_780 masked %reduce_sum3A_782 : vector<16xf32>, vector<16xi1> -> vector<16xf32>
        %reduce_sum3A_784 = vector.extract %reduce_sum3A_783[15] : f32 from vector<16xf32>
        %broadcast_in_dim3A_785 = vector.broadcast %reduce_sum3A_784 : f32 to vector<16xf32>
        %select_n3A_786 = arith.select %eq3A_779, %broadcast_in_dim3A_785, %select_n3A_644 : vector<16xi1>, vector<16xf32>
        %eq3A_787 = arith.constant 4 : i32
        %eq3A_788 = vector.broadcast %eq3A_787 : i32 to vector<16xi32>
        %eq3A_789 = arith.cmpi eq, %iota3A, %eq3A_788 : vector<16xi32>
        %add3A_790 = arith.addf %add3A_760, %add3A_766 : vector<16xf32>
        %reduce_sum3A_791 = arith.constant true
        %reduce_sum3A_792 = vector.broadcast %reduce_sum3A_791 : i1 to vector<16xi1>
        %reduce_sum3A_793 = tpu.scan <sum>, %add3A_790 masked %reduce_sum3A_792 : vector<16xf32>, vector<16xi1> -> vector<16xf32>
        %reduce_sum3A_794 = vector.extract %reduce_sum3A_793[15] : f32 from vector<16xf32>
        %broadcast_in_dim3A_795 = vector.broadcast %reduce_sum3A_794 : f32 to vector<16xf32>
        %select_n3A_796 = arith.select %eq3A_789, %broadcast_in_dim3A_795, %select_n3A_654 : vector<16xi1>, vector<16xf32>
        %mul3A_797 = arith.constant 16 : i32
        %mul3A_798 = arith.muli %scan3A_83, %mul3A_797 : i32
        %add3A_799 = arith.constant 5 : i32
        %add3A_800 = arith.addi %mul3A_798, %add3A_799 : i32
        %broadcast_in_dim3A_801 = arith.constant 0.000000e+00 : f32
        %broadcast_in_dim3A_802 = vector.broadcast %broadcast_in_dim3A_801 : f32 to vector<16xf32>
        %broadcast_in_dim3A_803 = arith.constant 0.000000e+00 : f32
        %broadcast_in_dim3A_804 = vector.broadcast %broadcast_in_dim3A_803 : f32 to vector<16xf32>
        %broadcast_in_dim3A_805 = arith.constant 0.000000e+00 : f32
        %broadcast_in_dim3A_806 = vector.broadcast %broadcast_in_dim3A_805 : f32 to vector<16xf32>
        %broadcast_in_dim3A_807 = arith.constant 0.000000e+00 : f32
        %broadcast_in_dim3A_808 = vector.broadcast %broadcast_in_dim3A_807 : f32 to vector<16xf32>
        %broadcast_in_dim3A_809 = arith.constant 0.000000e+00 : f32
        %broadcast_in_dim3A_810 = vector.broadcast %broadcast_in_dim3A_809 : f32 to vector<16xf32>
        %broadcast_in_dim3A_811 = arith.constant 0.000000e+00 : f32
        %broadcast_in_dim3A_812 = vector.broadcast %broadcast_in_dim3A_811 : f32 to vector<16xf32>
        %get3A_813 = arith.index_cast %add3A_800 : i32 to index
        %get3A_814 = arith.constant 0 : index
        %get3A_815 = tpu.vector_load %arg9[%get3A_813, %get3A_814] {strides = array<i32>} : memref<128x128xf32, #tpu.memory_space<vmem>>, vector<16xf32>,
        %get3A_816 = arith.index_cast %add3A_800 : i32 to index
        %get3A_817 = arith.constant 0 : index
        %get3A_818 = tpu.vector_load %arg11[%get3A_816, %get3A_817] {strides = array<i32>} : memref<128x128xf32, #tpu.memory_space<vmem>>, vector<16xf32>,
        %get3A_819 = arith.index_cast %add3A_800 : i32 to index
        %get3A_820 = arith.constant 16 : index
        %get3A_821 = tpu.vector_load %arg9[%get3A_819, %get3A_820] {strides = array<i32>} : memref<128x128xf32, #tpu.memory_space<vmem>>, vector<16xf32>,
        %get3A_822 = arith.index_cast %add3A_800 : i32 to index
        %get3A_823 = arith.constant 16 : index
        %get3A_824 = tpu.vector_load %arg11[%get3A_822, %get3A_823] {strides = array<i32>} : memref<128x128xf32, #tpu.memory_space<vmem>>, vector<16xf32>,
        %mul3A_825 = arith.mulf %get3A_815, %get3A_818 : vector<16xf32>
        %add3A_826 = arith.addf %broadcast_in_dim3A_802, %mul3A_825 : vector<16xf32>
        %mul3A_827 = arith.mulf %get3A_815, %get3A_815 : vector<16xf32>
        %add3A_828 = arith.addf %broadcast_in_dim3A_804, %mul3A_827 : vector<16xf32>
        %mul3A_829 = arith.mulf %get3A_818, %get3A_818 : vector<16xf32>
        %add3A_830 = arith.addf %broadcast_in_dim3A_806, %mul3A_829 : vector<16xf32>
        %mul3A_831 = arith.mulf %get3A_821, %get3A_824 : vector<16xf32>
        %add3A_832 = arith.addf %broadcast_in_dim3A_808, %mul3A_831 : vector<16xf32>
        %mul3A_833 = arith.mulf %get3A_821, %get3A_821 : vector<16xf32>
        %add3A_834 = arith.addf %broadcast_in_dim3A_810, %mul3A_833 : vector<16xf32>
        %mul3A_835 = arith.mulf %get3A_824, %get3A_824 : vector<16xf32>
        %add3A_836 = arith.addf %broadcast_in_dim3A_812, %mul3A_835 : vector<16xf32>
        %get3A_837 = arith.index_cast %add3A_800 : i32 to index
        %get3A_838 = arith.constant 32 : index
        %get3A_839 = tpu.vector_load %arg9[%get3A_837, %get3A_838] {strides = array<i32>} : memref<128x128xf32, #tpu.memory_space<vmem>>, vector<16xf32>,
        %get3A_840 = arith.index_cast %add3A_800 : i32 to index
        %get3A_841 = arith.constant 32 : index
        %get3A_842 = tpu.vector_load %arg11[%get3A_840, %get3A_841] {strides = array<i32>} : memref<128x128xf32, #tpu.memory_space<vmem>>, vector<16xf32>,
        %get3A_843 = arith.index_cast %add3A_800 : i32 to index
        %get3A_844 = arith.constant 48 : index
        %get3A_845 = tpu.vector_load %arg9[%get3A_843, %get3A_844] {strides = array<i32>} : memref<128x128xf32, #tpu.memory_space<vmem>>, vector<16xf32>,
        %get3A_846 = arith.index_cast %add3A_800 : i32 to index
        %get3A_847 = arith.constant 48 : index
        %get3A_848 = tpu.vector_load %arg11[%get3A_846, %get3A_847] {strides = array<i32>} : memref<128x128xf32, #tpu.memory_space<vmem>>, vector<16xf32>,
        %mul3A_849 = arith.mulf %get3A_839, %get3A_842 : vector<16xf32>
        %add3A_850 = arith.addf %add3A_826, %mul3A_849 : vector<16xf32>
        %mul3A_851 = arith.mulf %get3A_839, %get3A_839 : vector<16xf32>
        %add3A_852 = arith.addf %add3A_828, %mul3A_851 : vector<16xf32>
        %mul3A_853 = arith.mulf %get3A_842, %get3A_842 : vector<16xf32>
        %add3A_854 = arith.addf %add3A_830, %mul3A_853 : vector<16xf32>
        %mul3A_855 = arith.mulf %get3A_845, %get3A_848 : vector<16xf32>
        %add3A_856 = arith.addf %add3A_832, %mul3A_855 : vector<16xf32>
        %mul3A_857 = arith.mulf %get3A_845, %get3A_845 : vector<16xf32>
        %add3A_858 = arith.addf %add3A_834, %mul3A_857 : vector<16xf32>
        %mul3A_859 = arith.mulf %get3A_848, %get3A_848 : vector<16xf32>
        %add3A_860 = arith.addf %add3A_836, %mul3A_859 : vector<16xf32>
        %get3A_861 = arith.index_cast %add3A_800 : i32 to index
        %get3A_862 = arith.constant 64 : index
        %get3A_863 = tpu.vector_load %arg9[%get3A_861, %get3A_862] {strides = array<i32>} : memref<128x128xf32, #tpu.memory_space<vmem>>, vector<16xf32>,
        %get3A_864 = arith.index_cast %add3A_800 : i32 to index
        %get3A_865 = arith.constant 64 : index
        %get3A_866 = tpu.vector_load %arg11[%get3A_864, %get3A_865] {strides = array<i32>} : memref<128x128xf32, #tpu.memory_space<vmem>>, vector<16xf32>,
        %get3A_867 = arith.index_cast %add3A_800 : i32 to index
        %get3A_868 = arith.constant 80 : index
        %get3A_869 = tpu.vector_load %arg9[%get3A_867, %get3A_868] {strides = array<i32>} : memref<128x128xf32, #tpu.memory_space<vmem>>, vector<16xf32>,
        %get3A_870 = arith.index_cast %add3A_800 : i32 to index
        %get3A_871 = arith.constant 80 : index
        %get3A_872 = tpu.vector_load %arg11[%get3A_870, %get3A_871] {strides = array<i32>} : memref<128x128xf32, #tpu.memory_space<vmem>>, vector<16xf32>,
        %mul3A_873 = arith.mulf %get3A_863, %get3A_866 : vector<16xf32>
        %add3A_874 = arith.addf %add3A_850, %mul3A_873 : vector<16xf32>
        %mul3A_875 = arith.mulf %get3A_863, %get3A_863 : vector<16xf32>
        %add3A_876 = arith.addf %add3A_852, %mul3A_875 : vector<16xf32>
        %mul3A_877 = arith.mulf %get3A_866, %get3A_866 : vector<16xf32>
        %add3A_878 = arith.addf %add3A_854, %mul3A_877 : vector<16xf32>
        %mul3A_879 = arith.mulf %get3A_869, %get3A_872 : vector<16xf32>
        %add3A_880 = arith.addf %add3A_856, %mul3A_879 : vector<16xf32>
        %mul3A_881 = arith.mulf %get3A_869, %get3A_869 : vector<16xf32>
        %add3A_882 = arith.addf %add3A_858, %mul3A_881 : vector<16xf32>
        %mul3A_883 = arith.mulf %get3A_872, %get3A_872 : vector<16xf32>
        %add3A_884 = arith.addf %add3A_860, %mul3A_883 : vector<16xf32>
        %get3A_885 = arith.index_cast %add3A_800 : i32 to index
        %get3A_886 = arith.constant 96 : index
        %get3A_887 = tpu.vector_load %arg9[%get3A_885, %get3A_886] {strides = array<i32>} : memref<128x128xf32, #tpu.memory_space<vmem>>, vector<16xf32>,
        %get3A_888 = arith.index_cast %add3A_800 : i32 to index
        %get3A_889 = arith.constant 96 : index
        %get3A_890 = tpu.vector_load %arg11[%get3A_888, %get3A_889] {strides = array<i32>} : memref<128x128xf32, #tpu.memory_space<vmem>>, vector<16xf32>,
        %get3A_891 = arith.index_cast %add3A_800 : i32 to index
        %get3A_892 = arith.constant 112 : index
        %get3A_893 = tpu.vector_load %arg9[%get3A_891, %get3A_892] {strides = array<i32>} : memref<128x128xf32, #tpu.memory_space<vmem>>, vector<16xf32>,
        %get3A_894 = arith.index_cast %add3A_800 : i32 to index
        %get3A_895 = arith.constant 112 : index
        %get3A_896 = tpu.vector_load %arg11[%get3A_894, %get3A_895] {strides = array<i32>} : memref<128x128xf32, #tpu.memory_space<vmem>>, vector<16xf32>,
        %mul3A_897 = arith.mulf %get3A_887, %get3A_890 : vector<16xf32>
        %add3A_898 = arith.addf %add3A_874, %mul3A_897 : vector<16xf32>
        %mul3A_899 = arith.mulf %get3A_887, %get3A_887 : vector<16xf32>
        %add3A_900 = arith.addf %add3A_876, %mul3A_899 : vector<16xf32>
        %mul3A_901 = arith.mulf %get3A_890, %get3A_890 : vector<16xf32>
        %add3A_902 = arith.addf %add3A_878, %mul3A_901 : vector<16xf32>
        %mul3A_903 = arith.mulf %get3A_893, %get3A_896 : vector<16xf32>
        %add3A_904 = arith.addf %add3A_880, %mul3A_903 : vector<16xf32>
        %mul3A_905 = arith.mulf %get3A_893, %get3A_893 : vector<16xf32>
        %add3A_906 = arith.addf %add3A_882, %mul3A_905 : vector<16xf32>
        %mul3A_907 = arith.mulf %get3A_896, %get3A_896 : vector<16xf32>
        %add3A_908 = arith.addf %add3A_884, %mul3A_907 : vector<16xf32>
        %eq3A_909 = arith.constant 5 : i32
        %eq3A_910 = vector.broadcast %eq3A_909 : i32 to vector<16xi32>
        %eq3A_911 = arith.cmpi eq, %iota3A, %eq3A_910 : vector<16xi32>
        %add3A_912 = arith.addf %add3A_898, %add3A_904 : vector<16xf32>
        %reduce_sum3A_913 = arith.constant true
        %reduce_sum3A_914 = vector.broadcast %reduce_sum3A_913 : i1 to vector<16xi1>
        %reduce_sum3A_915 = tpu.scan <sum>, %add3A_912 masked %reduce_sum3A_914 : vector<16xf32>, vector<16xi1> -> vector<16xf32>
        %reduce_sum3A_916 = vector.extract %reduce_sum3A_915[15] : f32 from vector<16xf32>
        %broadcast_in_dim3A_917 = vector.broadcast %reduce_sum3A_916 : f32 to vector<16xf32>
        %select_n3A_918 = arith.select %eq3A_911, %broadcast_in_dim3A_917, %select_n3A_776 : vector<16xi1>, vector<16xf32>
        %eq3A_919 = arith.constant 5 : i32
        %eq3A_920 = vector.broadcast %eq3A_919 : i32 to vector<16xi32>
        %eq3A_921 = arith.cmpi eq, %iota3A, %eq3A_920 : vector<16xi32>
        %add3A_922 = arith.addf %add3A_900, %add3A_906 : vector<16xf32>
        %reduce_sum3A_923 = arith.constant true
        %reduce_sum3A_924 = vector.broadcast %reduce_sum3A_923 : i1 to vector<16xi1>
        %reduce_sum3A_925 = tpu.scan <sum>, %add3A_922 masked %reduce_sum3A_924 : vector<16xf32>, vector<16xi1> -> vector<16xf32>
        %reduce_sum3A_926 = vector.extract %reduce_sum3A_925[15] : f32 from vector<16xf32>
        %broadcast_in_dim3A_927 = vector.broadcast %reduce_sum3A_926 : f32 to vector<16xf32>
        %select_n3A_928 = arith.select %eq3A_921, %broadcast_in_dim3A_927, %select_n3A_786 : vector<16xi1>, vector<16xf32>
        %eq3A_929 = arith.constant 5 : i32
        %eq3A_930 = vector.broadcast %eq3A_929 : i32 to vector<16xi32>
        %eq3A_931 = arith.cmpi eq, %iota3A, %eq3A_930 : vector<16xi32>
        %add3A_932 = arith.addf %add3A_902, %add3A_908 : vector<16xf32>
        %reduce_sum3A_933 = arith.constant true
        %reduce_sum3A_934 = vector.broadcast %reduce_sum3A_933 : i1 to vector<16xi1>
        %reduce_sum3A_935 = tpu.scan <sum>, %add3A_932 masked %reduce_sum3A_934 : vector<16xf32>, vector<16xi1> -> vector<16xf32>
        %reduce_sum3A_936 = vector.extract %reduce_sum3A_935[15] : f32 from vector<16xf32>
        %broadcast_in_dim3A_937 = vector.broadcast %reduce_sum3A_936 : f32 to vector<16xf32>
        %select_n3A_938 = arith.select %eq3A_931, %broadcast_in_dim3A_937, %select_n3A_796 : vector<16xi1>, vector<16xf32>
        %mul3A_939 = arith.constant 16 : i32
        %mul3A_940 = arith.muli %scan3A_83, %mul3A_939 : i32
        %add3A_941 = arith.constant 6 : i32
        %add3A_942 = arith.addi %mul3A_940, %add3A_941 : i32
        %broadcast_in_dim3A_943 = arith.constant 0.000000e+00 : f32
        %broadcast_in_dim3A_944 = vector.broadcast %broadcast_in_dim3A_943 : f32 to vector<16xf32>
        %broadcast_in_dim3A_945 = arith.constant 0.000000e+00 : f32
        %broadcast_in_dim3A_946 = vector.broadcast %broadcast_in_dim3A_945 : f32 to vector<16xf32>
        %broadcast_in_dim3A_947 = arith.constant 0.000000e+00 : f32
        %broadcast_in_dim3A_948 = vector.broadcast %broadcast_in_dim3A_947 : f32 to vector<16xf32>
        %broadcast_in_dim3A_949 = arith.constant 0.000000e+00 : f32
        %broadcast_in_dim3A_950 = vector.broadcast %broadcast_in_dim3A_949 : f32 to vector<16xf32>
        %broadcast_in_dim3A_951 = arith.constant 0.000000e+00 : f32
        %broadcast_in_dim3A_952 = vector.broadcast %broadcast_in_dim3A_951 : f32 to vector<16xf32>
        %broadcast_in_dim3A_953 = arith.constant 0.000000e+00 : f32
        %broadcast_in_dim3A_954 = vector.broadcast %broadcast_in_dim3A_953 : f32 to vector<16xf32>
        %get3A_955 = arith.index_cast %add3A_942 : i32 to index
        %get3A_956 = arith.constant 0 : index
        %get3A_957 = tpu.vector_load %arg9[%get3A_955, %get3A_956] {strides = array<i32>} : memref<128x128xf32, #tpu.memory_space<vmem>>, vector<16xf32>,
        %get3A_958 = arith.index_cast %add3A_942 : i32 to index
        %get3A_959 = arith.constant 0 : index
        %get3A_960 = tpu.vector_load %arg11[%get3A_958, %get3A_959] {strides = array<i32>} : memref<128x128xf32, #tpu.memory_space<vmem>>, vector<16xf32>,
        %get3A_961 = arith.index_cast %add3A_942 : i32 to index
        %get3A_962 = arith.constant 16 : index
        %get3A_963 = tpu.vector_load %arg9[%get3A_961, %get3A_962] {strides = array<i32>} : memref<128x128xf32, #tpu.memory_space<vmem>>, vector<16xf32>,
        %get3A_964 = arith.index_cast %add3A_942 : i32 to index
        %get3A_965 = arith.constant 16 : index
        %get3A_966 = tpu.vector_load %arg11[%get3A_964, %get3A_965] {strides = array<i32>} : memref<128x128xf32, #tpu.memory_space<vmem>>, vector<16xf32>,
        %mul3A_967 = arith.mulf %get3A_957, %get3A_960 : vector<16xf32>
        %add3A_968 = arith.addf %broadcast_in_dim3A_944, %mul3A_967 : vector<16xf32>
        %mul3A_969 = arith.mulf %get3A_957, %get3A_957 : vector<16xf32>
        %add3A_970 = arith.addf %broadcast_in_dim3A_946, %mul3A_969 : vector<16xf32>
        %mul3A_971 = arith.mulf %get3A_960, %get3A_960 : vector<16xf32>
        %add3A_972 = arith.addf %broadcast_in_dim3A_948, %mul3A_971 : vector<16xf32>
        %mul3A_973 = arith.mulf %get3A_963, %get3A_966 : vector<16xf32>
        %add3A_974 = arith.addf %broadcast_in_dim3A_950, %mul3A_973 : vector<16xf32>
        %mul3A_975 = arith.mulf %get3A_963, %get3A_963 : vector<16xf32>
        %add3A_976 = arith.addf %broadcast_in_dim3A_952, %mul3A_975 : vector<16xf32>
        %mul3A_977 = arith.mulf %get3A_966, %get3A_966 : vector<16xf32>
        %add3A_978 = arith.addf %broadcast_in_dim3A_954, %mul3A_977 : vector<16xf32>
        %get3A_979 = arith.index_cast %add3A_942 : i32 to index
        %get3A_980 = arith.constant 32 : index
        %get3A_981 = tpu.vector_load %arg9[%get3A_979, %get3A_980] {strides = array<i32>} : memref<128x128xf32, #tpu.memory_space<vmem>>, vector<16xf32>,
        %get3A_982 = arith.index_cast %add3A_942 : i32 to index
        %get3A_983 = arith.constant 32 : index
        %get3A_984 = tpu.vector_load %arg11[%get3A_982, %get3A_983] {strides = array<i32>} : memref<128x128xf32, #tpu.memory_space<vmem>>, vector<16xf32>,
        %get3A_985 = arith.index_cast %add3A_942 : i32 to index
        %get3A_986 = arith.constant 48 : index
        %get3A_987 = tpu.vector_load %arg9[%get3A_985, %get3A_986] {strides = array<i32>} : memref<128x128xf32, #tpu.memory_space<vmem>>, vector<16xf32>,
        %get3A_988 = arith.index_cast %add3A_942 : i32 to index
        %get3A_989 = arith.constant 48 : index
        %get3A_990 = tpu.vector_load %arg11[%get3A_988, %get3A_989] {strides = array<i32>} : memref<128x128xf32, #tpu.memory_space<vmem>>, vector<16xf32>,
        %mul3A_991 = arith.mulf %get3A_981, %get3A_984 : vector<16xf32>
        %add3A_992 = arith.addf %add3A_968, %mul3A_991 : vector<16xf32>
        %mul3A_993 = arith.mulf %get3A_981, %get3A_981 : vector<16xf32>
        %add3A_994 = arith.addf %add3A_970, %mul3A_993 : vector<16xf32>
        %mul3A_995 = arith.mulf %get3A_984, %get3A_984 : vector<16xf32>
        %add3A_996 = arith.addf %add3A_972, %mul3A_995 : vector<16xf32>
        %mul3A_997 = arith.mulf %get3A_987, %get3A_990 : vector<16xf32>
        %add3A_998 = arith.addf %add3A_974, %mul3A_997 : vector<16xf32>
        %mul3A_999 = arith.mulf %get3A_987, %get3A_987 : vector<16xf32>
        %add3A_1000 = arith.addf %add3A_976, %mul3A_999 : vector<16xf32>
        %mul3A_1001 = arith.mulf %get3A_990, %get3A_990 : vector<16xf32>
        %add3A_1002 = arith.addf %add3A_978, %mul3A_1001 : vector<16xf32>
        %get3A_1003 = arith.index_cast %add3A_942 : i32 to index
        %get3A_1004 = arith.constant 64 : index
        %get3A_1005 = tpu.vector_load %arg9[%get3A_1003, %get3A_1004] {strides = array<i32>} : memref<128x128xf32, #tpu.memory_space<vmem>>, vector<16xf32>,
        %get3A_1006 = arith.index_cast %add3A_942 : i32 to index
        %get3A_1007 = arith.constant 64 : index
        %get3A_1008 = tpu.vector_load %arg11[%get3A_1006, %get3A_1007] {strides = array<i32>} : memref<128x128xf32, #tpu.memory_space<vmem>>, vector<16xf32>,
        %get3A_1009 = arith.index_cast %add3A_942 : i32 to index
        %get3A_1010 = arith.constant 80 : index
        %get3A_1011 = tpu.vector_load %arg9[%get3A_1009, %get3A_1010] {strides = array<i32>} : memref<128x128xf32, #tpu.memory_space<vmem>>, vector<16xf32>,
        %get3A_1012 = arith.index_cast %add3A_942 : i32 to index
        %get3A_1013 = arith.constant 80 : index
        %get3A_1014 = tpu.vector_load %arg11[%get3A_1012, %get3A_1013] {strides = array<i32>} : memref<128x128xf32, #tpu.memory_space<vmem>>, vector<16xf32>,
        %mul3A_1015 = arith.mulf %get3A_1005, %get3A_1008 : vector<16xf32>
        %add3A_1016 = arith.addf %add3A_992, %mul3A_1015 : vector<16xf32>
        %mul3A_1017 = arith.mulf %get3A_1005, %get3A_1005 : vector<16xf32>
        %add3A_1018 = arith.addf %add3A_994, %mul3A_1017 : vector<16xf32>
        %mul3A_1019 = arith.mulf %get3A_1008, %get3A_1008 : vector<16xf32>
        %add3A_1020 = arith.addf %add3A_996, %mul3A_1019 : vector<16xf32>
        %mul3A_1021 = arith.mulf %get3A_1011, %get3A_1014 : vector<16xf32>
        %add3A_1022 = arith.addf %add3A_998, %mul3A_1021 : vector<16xf32>
        %mul3A_1023 = arith.mulf %get3A_1011, %get3A_1011 : vector<16xf32>
        %add3A_1024 = arith.addf %add3A_1000, %mul3A_1023 : vector<16xf32>
        %mul3A_1025 = arith.mulf %get3A_1014, %get3A_1014 : vector<16xf32>
        %add3A_1026 = arith.addf %add3A_1002, %mul3A_1025 : vector<16xf32>
        %get3A_1027 = arith.index_cast %add3A_942 : i32 to index
        %get3A_1028 = arith.constant 96 : index
        %get3A_1029 = tpu.vector_load %arg9[%get3A_1027, %get3A_1028] {strides = array<i32>} : memref<128x128xf32, #tpu.memory_space<vmem>>, vector<16xf32>,
        %get3A_1030 = arith.index_cast %add3A_942 : i32 to index
        %get3A_1031 = arith.constant 96 : index
        %get3A_1032 = tpu.vector_load %arg11[%get3A_1030, %get3A_1031] {strides = array<i32>} : memref<128x128xf32, #tpu.memory_space<vmem>>, vector<16xf32>,
        %get3A_1033 = arith.index_cast %add3A_942 : i32 to index
        %get3A_1034 = arith.constant 112 : index
        %get3A_1035 = tpu.vector_load %arg9[%get3A_1033, %get3A_1034] {strides = array<i32>} : memref<128x128xf32, #tpu.memory_space<vmem>>, vector<16xf32>,
        %get3A_1036 = arith.index_cast %add3A_942 : i32 to index
        %get3A_1037 = arith.constant 112 : index
        %get3A_1038 = tpu.vector_load %arg11[%get3A_1036, %get3A_1037] {strides = array<i32>} : memref<128x128xf32, #tpu.memory_space<vmem>>, vector<16xf32>,
        %mul3A_1039 = arith.mulf %get3A_1029, %get3A_1032 : vector<16xf32>
        %add3A_1040 = arith.addf %add3A_1016, %mul3A_1039 : vector<16xf32>
        %mul3A_1041 = arith.mulf %get3A_1029, %get3A_1029 : vector<16xf32>
        %add3A_1042 = arith.addf %add3A_1018, %mul3A_1041 : vector<16xf32>
        %mul3A_1043 = arith.mulf %get3A_1032, %get3A_1032 : vector<16xf32>
        %add3A_1044 = arith.addf %add3A_1020, %mul3A_1043 : vector<16xf32>
        %mul3A_1045 = arith.mulf %get3A_1035, %get3A_1038 : vector<16xf32>
        %add3A_1046 = arith.addf %add3A_1022, %mul3A_1045 : vector<16xf32>
        %mul3A_1047 = arith.mulf %get3A_1035, %get3A_1035 : vector<16xf32>
        %add3A_1048 = arith.addf %add3A_1024, %mul3A_1047 : vector<16xf32>
        %mul3A_1049 = arith.mulf %get3A_1038, %get3A_1038 : vector<16xf32>
        %add3A_1050 = arith.addf %add3A_1026, %mul3A_1049 : vector<16xf32>
        %eq3A_1051 = arith.constant 6 : i32
        %eq3A_1052 = vector.broadcast %eq3A_1051 : i32 to vector<16xi32>
        %eq3A_1053 = arith.cmpi eq, %iota3A, %eq3A_1052 : vector<16xi32>
        %add3A_1054 = arith.addf %add3A_1040, %add3A_1046 : vector<16xf32>
        %reduce_sum3A_1055 = arith.constant true
        %reduce_sum3A_1056 = vector.broadcast %reduce_sum3A_1055 : i1 to vector<16xi1>
        %reduce_sum3A_1057 = tpu.scan <sum>, %add3A_1054 masked %reduce_sum3A_1056 : vector<16xf32>, vector<16xi1> -> vector<16xf32>
        %reduce_sum3A_1058 = vector.extract %reduce_sum3A_1057[15] : f32 from vector<16xf32>
        %broadcast_in_dim3A_1059 = vector.broadcast %reduce_sum3A_1058 : f32 to vector<16xf32>
        %select_n3A_1060 = arith.select %eq3A_1053, %broadcast_in_dim3A_1059, %select_n3A_918 : vector<16xi1>, vector<16xf32>
        %eq3A_1061 = arith.constant 6 : i32
        %eq3A_1062 = vector.broadcast %eq3A_1061 : i32 to vector<16xi32>
        %eq3A_1063 = arith.cmpi eq, %iota3A, %eq3A_1062 : vector<16xi32>
        %add3A_1064 = arith.addf %add3A_1042, %add3A_1048 : vector<16xf32>
        %reduce_sum3A_1065 = arith.constant true
        %reduce_sum3A_1066 = vector.broadcast %reduce_sum3A_1065 : i1 to vector<16xi1>
        %reduce_sum3A_1067 = tpu.scan <sum>, %add3A_1064 masked %reduce_sum3A_1066 : vector<16xf32>, vector<16xi1> -> vector<16xf32>
        %reduce_sum3A_1068 = vector.extract %reduce_sum3A_1067[15] : f32 from vector<16xf32>
        %broadcast_in_dim3A_1069 = vector.broadcast %reduce_sum3A_1068 : f32 to vector<16xf32>
        %select_n3A_1070 = arith.select %eq3A_1063, %broadcast_in_dim3A_1069, %select_n3A_928 : vector<16xi1>, vector<16xf32>
        %eq3A_1071 = arith.constant 6 : i32
        %eq3A_1072 = vector.broadcast %eq3A_1071 : i32 to vector<16xi32>
        %eq3A_1073 = arith.cmpi eq, %iota3A, %eq3A_1072 : vector<16xi32>
        %add3A_1074 = arith.addf %add3A_1044, %add3A_1050 : vector<16xf32>
        %reduce_sum3A_1075 = arith.constant true
        %reduce_sum3A_1076 = vector.broadcast %reduce_sum3A_1075 : i1 to vector<16xi1>
        %reduce_sum3A_1077 = tpu.scan <sum>, %add3A_1074 masked %reduce_sum3A_1076 : vector<16xf32>, vector<16xi1> -> vector<16xf32>
        %reduce_sum3A_1078 = vector.extract %reduce_sum3A_1077[15] : f32 from vector<16xf32>
        %broadcast_in_dim3A_1079 = vector.broadcast %reduce_sum3A_1078 : f32 to vector<16xf32>
        %select_n3A_1080 = arith.select %eq3A_1073, %broadcast_in_dim3A_1079, %select_n3A_938 : vector<16xi1>, vector<16xf32>
        %mul3A_1081 = arith.constant 16 : i32
        %mul3A_1082 = arith.muli %scan3A_83, %mul3A_1081 : i32
        %add3A_1083 = arith.constant 7 : i32
        %add3A_1084 = arith.addi %mul3A_1082, %add3A_1083 : i32
        %broadcast_in_dim3A_1085 = arith.constant 0.000000e+00 : f32
        %broadcast_in_dim3A_1086 = vector.broadcast %broadcast_in_dim3A_1085 : f32 to vector<16xf32>
        %broadcast_in_dim3A_1087 = arith.constant 0.000000e+00 : f32
        %broadcast_in_dim3A_1088 = vector.broadcast %broadcast_in_dim3A_1087 : f32 to vector<16xf32>
        %broadcast_in_dim3A_1089 = arith.constant 0.000000e+00 : f32
        %broadcast_in_dim3A_1090 = vector.broadcast %broadcast_in_dim3A_1089 : f32 to vector<16xf32>
        %broadcast_in_dim3A_1091 = arith.constant 0.000000e+00 : f32
        %broadcast_in_dim3A_1092 = vector.broadcast %broadcast_in_dim3A_1091 : f32 to vector<16xf32>
        %broadcast_in_dim3A_1093 = arith.constant 0.000000e+00 : f32
        %broadcast_in_dim3A_1094 = vector.broadcast %broadcast_in_dim3A_1093 : f32 to vector<16xf32>
        %broadcast_in_dim3A_1095 = arith.constant 0.000000e+00 : f32
        %broadcast_in_dim3A_1096 = vector.broadcast %broadcast_in_dim3A_1095 : f32 to vector<16xf32>
        %get3A_1097 = arith.index_cast %add3A_1084 : i32 to index
        %get3A_1098 = arith.constant 0 : index
        %get3A_1099 = tpu.vector_load %arg9[%get3A_1097, %get3A_1098] {strides = array<i32>} : memref<128x128xf32, #tpu.memory_space<vmem>>, vector<16xf32>,
        %get3A_1100 = arith.index_cast %add3A_1084 : i32 to index
        %get3A_1101 = arith.constant 0 : index
        %get3A_1102 = tpu.vector_load %arg11[%get3A_1100, %get3A_1101] {strides = array<i32>} : memref<128x128xf32, #tpu.memory_space<vmem>>, vector<16xf32>,
        %get3A_1103 = arith.index_cast %add3A_1084 : i32 to index
        %get3A_1104 = arith.constant 16 : index
        %get3A_1105 = tpu.vector_load %arg9[%get3A_1103, %get3A_1104] {strides = array<i32>} : memref<128x128xf32, #tpu.memory_space<vmem>>, vector<16xf32>,
        %get3A_1106 = arith.index_cast %add3A_1084 : i32 to index
        %get3A_1107 = arith.constant 16 : index
        %get3A_1108 = tpu.vector_load %arg11[%get3A_1106, %get3A_1107] {strides = array<i32>} : memref<128x128xf32, #tpu.memory_space<vmem>>, vector<16xf32>,
        %mul3A_1109 = arith.mulf %get3A_1099, %get3A_1102 : vector<16xf32>
        %add3A_1110 = arith.addf %broadcast_in_dim3A_1086, %mul3A_1109 : vector<16xf32>
        %mul3A_1111 = arith.mulf %get3A_1099, %get3A_1099 : vector<16xf32>
        %add3A_1112 = arith.addf %broadcast_in_dim3A_1088, %mul3A_1111 : vector<16xf32>
        %mul3A_1113 = arith.mulf %get3A_1102, %get3A_1102 : vector<16xf32>
        %add3A_1114 = arith.addf %broadcast_in_dim3A_1090, %mul3A_1113 : vector<16xf32>
        %mul3A_1115 = arith.mulf %get3A_1105, %get3A_1108 : vector<16xf32>
        %add3A_1116 = arith.addf %broadcast_in_dim3A_1092, %mul3A_1115 : vector<16xf32>
        %mul3A_1117 = arith.mulf %get3A_1105, %get3A_1105 : vector<16xf32>
        %add3A_1118 = arith.addf %broadcast_in_dim3A_1094, %mul3A_1117 : vector<16xf32>
        %mul3A_1119 = arith.mulf %get3A_1108, %get3A_1108 : vector<16xf32>
        %add3A_1120 = arith.addf %broadcast_in_dim3A_1096, %mul3A_1119 : vector<16xf32>
        %get3A_1121 = arith.index_cast %add3A_1084 : i32 to index
        %get3A_1122 = arith.constant 32 : index
        %get3A_1123 = tpu.vector_load %arg9[%get3A_1121, %get3A_1122] {strides = array<i32>} : memref<128x128xf32, #tpu.memory_space<vmem>>, vector<16xf32>,
        %get3A_1124 = arith.index_cast %add3A_1084 : i32 to index
        %get3A_1125 = arith.constant 32 : index
        %get3A_1126 = tpu.vector_load %arg11[%get3A_1124, %get3A_1125] {strides = array<i32>} : memref<128x128xf32, #tpu.memory_space<vmem>>, vector<16xf32>,
        %get3A_1127 = arith.index_cast %add3A_1084 : i32 to index
        %get3A_1128 = arith.constant 48 : index
        %get3A_1129 = tpu.vector_load %arg9[%get3A_1127, %get3A_1128] {strides = array<i32>} : memref<128x128xf32, #tpu.memory_space<vmem>>, vector<16xf32>,
        %get3A_1130 = arith.index_cast %add3A_1084 : i32 to index
        %get3A_1131 = arith.constant 48 : index
        %get3A_1132 = tpu.vector_load %arg11[%get3A_1130, %get3A_1131] {strides = array<i32>} : memref<128x128xf32, #tpu.memory_space<vmem>>, vector<16xf32>,
        %mul3A_1133 = arith.mulf %get3A_1123, %get3A_1126 : vector<16xf32>
        %add3A_1134 = arith.addf %add3A_1110, %mul3A_1133 : vector<16xf32>
        %mul3A_1135 = arith.mulf %get3A_1123, %get3A_1123 : vector<16xf32>
        %add3A_1136 = arith.addf %add3A_1112, %mul3A_1135 : vector<16xf32>
        %mul3A_1137 = arith.mulf %get3A_1126, %get3A_1126 : vector<16xf32>
        %add3A_1138 = arith.addf %add3A_1114, %mul3A_1137 : vector<16xf32>
        %mul3A_1139 = arith.mulf %get3A_1129, %get3A_1132 : vector<16xf32>
        %add3A_1140 = arith.addf %add3A_1116, %mul3A_1139 : vector<16xf32>
        %mul3A_1141 = arith.mulf %get3A_1129, %get3A_1129 : vector<16xf32>
        %add3A_1142 = arith.addf %add3A_1118, %mul3A_1141 : vector<16xf32>
        %mul3A_1143 = arith.mulf %get3A_1132, %get3A_1132 : vector<16xf32>
        %add3A_1144 = arith.addf %add3A_1120, %mul3A_1143 : vector<16xf32>
        %get3A_1145 = arith.index_cast %add3A_1084 : i32 to index
        %get3A_1146 = arith.constant 64 : index
        %get3A_1147 = tpu.vector_load %arg9[%get3A_1145, %get3A_1146] {strides = array<i32>} : memref<128x128xf32, #tpu.memory_space<vmem>>, vector<16xf32>,
        %get3A_1148 = arith.index_cast %add3A_1084 : i32 to index
        %get3A_1149 = arith.constant 64 : index
        %get3A_1150 = tpu.vector_load %arg11[%get3A_1148, %get3A_1149] {strides = array<i32>} : memref<128x128xf32, #tpu.memory_space<vmem>>, vector<16xf32>,
        %get3A_1151 = arith.index_cast %add3A_1084 : i32 to index
        %get3A_1152 = arith.constant 80 : index
        %get3A_1153 = tpu.vector_load %arg9[%get3A_1151, %get3A_1152] {strides = array<i32>} : memref<128x128xf32, #tpu.memory_space<vmem>>, vector<16xf32>,
        %get3A_1154 = arith.index_cast %add3A_1084 : i32 to index
        %get3A_1155 = arith.constant 80 : index
        %get3A_1156 = tpu.vector_load %arg11[%get3A_1154, %get3A_1155] {strides = array<i32>} : memref<128x128xf32, #tpu.memory_space<vmem>>, vector<16xf32>,
        %mul3A_1157 = arith.mulf %get3A_1147, %get3A_1150 : vector<16xf32>
        %add3A_1158 = arith.addf %add3A_1134, %mul3A_1157 : vector<16xf32>
        %mul3A_1159 = arith.mulf %get3A_1147, %get3A_1147 : vector<16xf32>
        %add3A_1160 = arith.addf %add3A_1136, %mul3A_1159 : vector<16xf32>
        %mul3A_1161 = arith.mulf %get3A_1150, %get3A_1150 : vector<16xf32>
        %add3A_1162 = arith.addf %add3A_1138, %mul3A_1161 : vector<16xf32>
        %mul3A_1163 = arith.mulf %get3A_1153, %get3A_1156 : vector<16xf32>
        %add3A_1164 = arith.addf %add3A_1140, %mul3A_1163 : vector<16xf32>
        %mul3A_1165 = arith.mulf %get3A_1153, %get3A_1153 : vector<16xf32>
        %add3A_1166 = arith.addf %add3A_1142, %mul3A_1165 : vector<16xf32>
        %mul3A_1167 = arith.mulf %get3A_1156, %get3A_1156 : vector<16xf32>
        %add3A_1168 = arith.addf %add3A_1144, %mul3A_1167 : vector<16xf32>
        %get3A_1169 = arith.index_cast %add3A_1084 : i32 to index
        %get3A_1170 = arith.constant 96 : index
        %get3A_1171 = tpu.vector_load %arg9[%get3A_1169, %get3A_1170] {strides = array<i32>} : memref<128x128xf32, #tpu.memory_space<vmem>>, vector<16xf32>,
        %get3A_1172 = arith.index_cast %add3A_1084 : i32 to index
        %get3A_1173 = arith.constant 96 : index
        %get3A_1174 = tpu.vector_load %arg11[%get3A_1172, %get3A_1173] {strides = array<i32>} : memref<128x128xf32, #tpu.memory_space<vmem>>, vector<16xf32>,
        %get3A_1175 = arith.index_cast %add3A_1084 : i32 to index
        %get3A_1176 = arith.constant 112 : index
        %get3A_1177 = tpu.vector_load %arg9[%get3A_1175, %get3A_1176] {strides = array<i32>} : memref<128x128xf32, #tpu.memory_space<vmem>>, vector<16xf32>,
        %get3A_1178 = arith.index_cast %add3A_1084 : i32 to index
        %get3A_1179 = arith.constant 112 : index
        %get3A_1180 = tpu.vector_load %arg11[%get3A_1178, %get3A_1179] {strides = array<i32>} : memref<128x128xf32, #tpu.memory_space<vmem>>, vector<16xf32>,
        %mul3A_1181 = arith.mulf %get3A_1171, %get3A_1174 : vector<16xf32>
        %add3A_1182 = arith.addf %add3A_1158, %mul3A_1181 : vector<16xf32>
        %mul3A_1183 = arith.mulf %get3A_1171, %get3A_1171 : vector<16xf32>
        %add3A_1184 = arith.addf %add3A_1160, %mul3A_1183 : vector<16xf32>
        %mul3A_1185 = arith.mulf %get3A_1174, %get3A_1174 : vector<16xf32>
        %add3A_1186 = arith.addf %add3A_1162, %mul3A_1185 : vector<16xf32>
        %mul3A_1187 = arith.mulf %get3A_1177, %get3A_1180 : vector<16xf32>
        %add3A_1188 = arith.addf %add3A_1164, %mul3A_1187 : vector<16xf32>
        %mul3A_1189 = arith.mulf %get3A_1177, %get3A_1177 : vector<16xf32>
        %add3A_1190 = arith.addf %add3A_1166, %mul3A_1189 : vector<16xf32>
        %mul3A_1191 = arith.mulf %get3A_1180, %get3A_1180 : vector<16xf32>
        %add3A_1192 = arith.addf %add3A_1168, %mul3A_1191 : vector<16xf32>
        %eq3A_1193 = arith.constant 7 : i32
        %eq3A_1194 = vector.broadcast %eq3A_1193 : i32 to vector<16xi32>
        %eq3A_1195 = arith.cmpi eq, %iota3A, %eq3A_1194 : vector<16xi32>
        %add3A_1196 = arith.addf %add3A_1182, %add3A_1188 : vector<16xf32>
        %reduce_sum3A_1197 = arith.constant true
        %reduce_sum3A_1198 = vector.broadcast %reduce_sum3A_1197 : i1 to vector<16xi1>
        %reduce_sum3A_1199 = tpu.scan <sum>, %add3A_1196 masked %reduce_sum3A_1198 : vector<16xf32>, vector<16xi1> -> vector<16xf32>
        %reduce_sum3A_1200 = vector.extract %reduce_sum3A_1199[15] : f32 from vector<16xf32>
        %broadcast_in_dim3A_1201 = vector.broadcast %reduce_sum3A_1200 : f32 to vector<16xf32>
        %select_n3A_1202 = arith.select %eq3A_1195, %broadcast_in_dim3A_1201, %select_n3A_1060 : vector<16xi1>, vector<16xf32>
        %eq3A_1203 = arith.constant 7 : i32
        %eq3A_1204 = vector.broadcast %eq3A_1203 : i32 to vector<16xi32>
        %eq3A_1205 = arith.cmpi eq, %iota3A, %eq3A_1204 : vector<16xi32>
        %add3A_1206 = arith.addf %add3A_1184, %add3A_1190 : vector<16xf32>
        %reduce_sum3A_1207 = arith.constant true
        %reduce_sum3A_1208 = vector.broadcast %reduce_sum3A_1207 : i1 to vector<16xi1>
        %reduce_sum3A_1209 = tpu.scan <sum>, %add3A_1206 masked %reduce_sum3A_1208 : vector<16xf32>, vector<16xi1> -> vector<16xf32>
        %reduce_sum3A_1210 = vector.extract %reduce_sum3A_1209[15] : f32 from vector<16xf32>
        %broadcast_in_dim3A_1211 = vector.broadcast %reduce_sum3A_1210 : f32 to vector<16xf32>
        %select_n3A_1212 = arith.select %eq3A_1205, %broadcast_in_dim3A_1211, %select_n3A_1070 : vector<16xi1>, vector<16xf32>
        %eq3A_1213 = arith.constant 7 : i32
        %eq3A_1214 = vector.broadcast %eq3A_1213 : i32 to vector<16xi32>
        %eq3A_1215 = arith.cmpi eq, %iota3A, %eq3A_1214 : vector<16xi32>
        %add3A_1216 = arith.addf %add3A_1186, %add3A_1192 : vector<16xf32>
        %reduce_sum3A_1217 = arith.constant true
        %reduce_sum3A_1218 = vector.broadcast %reduce_sum3A_1217 : i1 to vector<16xi1>
        %reduce_sum3A_1219 = tpu.scan <sum>, %add3A_1216 masked %reduce_sum3A_1218 : vector<16xf32>, vector<16xi1> -> vector<16xf32>
        %reduce_sum3A_1220 = vector.extract %reduce_sum3A_1219[15] : f32 from vector<16xf32>
        %broadcast_in_dim3A_1221 = vector.broadcast %reduce_sum3A_1220 : f32 to vector<16xf32>
        %select_n3A_1222 = arith.select %eq3A_1215, %broadcast_in_dim3A_1221, %select_n3A_1080 : vector<16xi1>, vector<16xf32>
        %mul3A_1223 = arith.constant 16 : i32
        %mul3A_1224 = arith.muli %scan3A_83, %mul3A_1223 : i32
        %add3A_1225 = arith.constant 8 : i32
        %add3A_1226 = arith.addi %mul3A_1224, %add3A_1225 : i32
        %broadcast_in_dim3A_1227 = arith.constant 0.000000e+00 : f32
        %broadcast_in_dim3A_1228 = vector.broadcast %broadcast_in_dim3A_1227 : f32 to vector<16xf32>
        %broadcast_in_dim3A_1229 = arith.constant 0.000000e+00 : f32
        %broadcast_in_dim3A_1230 = vector.broadcast %broadcast_in_dim3A_1229 : f32 to vector<16xf32>
        %broadcast_in_dim3A_1231 = arith.constant 0.000000e+00 : f32
        %broadcast_in_dim3A_1232 = vector.broadcast %broadcast_in_dim3A_1231 : f32 to vector<16xf32>
        %broadcast_in_dim3A_1233 = arith.constant 0.000000e+00 : f32
        %broadcast_in_dim3A_1234 = vector.broadcast %broadcast_in_dim3A_1233 : f32 to vector<16xf32>
        %broadcast_in_dim3A_1235 = arith.constant 0.000000e+00 : f32
        %broadcast_in_dim3A_1236 = vector.broadcast %broadcast_in_dim3A_1235 : f32 to vector<16xf32>
        %broadcast_in_dim3A_1237 = arith.constant 0.000000e+00 : f32
        %broadcast_in_dim3A_1238 = vector.broadcast %broadcast_in_dim3A_1237 : f32 to vector<16xf32>
        %get3A_1239 = arith.index_cast %add3A_1226 : i32 to index
        %get3A_1240 = arith.constant 0 : index
        %get3A_1241 = tpu.vector_load %arg9[%get3A_1239, %get3A_1240] {strides = array<i32>} : memref<128x128xf32, #tpu.memory_space<vmem>>, vector<16xf32>,
        %get3A_1242 = arith.index_cast %add3A_1226 : i32 to index
        %get3A_1243 = arith.constant 0 : index
        %get3A_1244 = tpu.vector_load %arg11[%get3A_1242, %get3A_1243] {strides = array<i32>} : memref<128x128xf32, #tpu.memory_space<vmem>>, vector<16xf32>,
        %get3A_1245 = arith.index_cast %add3A_1226 : i32 to index
        %get3A_1246 = arith.constant 16 : index
        %get3A_1247 = tpu.vector_load %arg9[%get3A_1245, %get3A_1246] {strides = array<i32>} : memref<128x128xf32, #tpu.memory_space<vmem>>, vector<16xf32>,
        %get3A_1248 = arith.index_cast %add3A_1226 : i32 to index
        %get3A_1249 = arith.constant 16 : index
        %get3A_1250 = tpu.vector_load %arg11[%get3A_1248, %get3A_1249] {strides = array<i32>} : memref<128x128xf32, #tpu.memory_space<vmem>>, vector<16xf32>,
        %mul3A_1251 = arith.mulf %get3A_1241, %get3A_1244 : vector<16xf32>
        %add3A_1252 = arith.addf %broadcast_in_dim3A_1228, %mul3A_1251 : vector<16xf32>
        %mul3A_1253 = arith.mulf %get3A_1241, %get3A_1241 : vector<16xf32>
        %add3A_1254 = arith.addf %broadcast_in_dim3A_1230, %mul3A_1253 : vector<16xf32>
        %mul3A_1255 = arith.mulf %get3A_1244, %get3A_1244 : vector<16xf32>
        %add3A_1256 = arith.addf %broadcast_in_dim3A_1232, %mul3A_1255 : vector<16xf32>
        %mul3A_1257 = arith.mulf %get3A_1247, %get3A_1250 : vector<16xf32>
        %add3A_1258 = arith.addf %broadcast_in_dim3A_1234, %mul3A_1257 : vector<16xf32>
        %mul3A_1259 = arith.mulf %get3A_1247, %get3A_1247 : vector<16xf32>
        %add3A_1260 = arith.addf %broadcast_in_dim3A_1236, %mul3A_1259 : vector<16xf32>
        %mul3A_1261 = arith.mulf %get3A_1250, %get3A_1250 : vector<16xf32>
        %add3A_1262 = arith.addf %broadcast_in_dim3A_1238, %mul3A_1261 : vector<16xf32>
        %get3A_1263 = arith.index_cast %add3A_1226 : i32 to index
        %get3A_1264 = arith.constant 32 : index
        %get3A_1265 = tpu.vector_load %arg9[%get3A_1263, %get3A_1264] {strides = array<i32>} : memref<128x128xf32, #tpu.memory_space<vmem>>, vector<16xf32>,
        %get3A_1266 = arith.index_cast %add3A_1226 : i32 to index
        %get3A_1267 = arith.constant 32 : index
        %get3A_1268 = tpu.vector_load %arg11[%get3A_1266, %get3A_1267] {strides = array<i32>} : memref<128x128xf32, #tpu.memory_space<vmem>>, vector<16xf32>,
        %get3A_1269 = arith.index_cast %add3A_1226 : i32 to index
        %get3A_1270 = arith.constant 48 : index
        %get3A_1271 = tpu.vector_load %arg9[%get3A_1269, %get3A_1270] {strides = array<i32>} : memref<128x128xf32, #tpu.memory_space<vmem>>, vector<16xf32>,
        %get3A_1272 = arith.index_cast %add3A_1226 : i32 to index
        %get3A_1273 = arith.constant 48 : index
        %get3A_1274 = tpu.vector_load %arg11[%get3A_1272, %get3A_1273] {strides = array<i32>} : memref<128x128xf32, #tpu.memory_space<vmem>>, vector<16xf32>,
        %mul3A_1275 = arith.mulf %get3A_1265, %get3A_1268 : vector<16xf32>
        %add3A_1276 = arith.addf %add3A_1252, %mul3A_1275 : vector<16xf32>
        %mul3A_1277 = arith.mulf %get3A_1265, %get3A_1265 : vector<16xf32>
        %add3A_1278 = arith.addf %add3A_1254, %mul3A_1277 : vector<16xf32>
        %mul3A_1279 = arith.mulf %get3A_1268, %get3A_1268 : vector<16xf32>
        %add3A_1280 = arith.addf %add3A_1256, %mul3A_1279 : vector<16xf32>
        %mul3A_1281 = arith.mulf %get3A_1271, %get3A_1274 : vector<16xf32>
        %add3A_1282 = arith.addf %add3A_1258, %mul3A_1281 : vector<16xf32>
        %mul3A_1283 = arith.mulf %get3A_1271, %get3A_1271 : vector<16xf32>
        %add3A_1284 = arith.addf %add3A_1260, %mul3A_1283 : vector<16xf32>
        %mul3A_1285 = arith.mulf %get3A_1274, %get3A_1274 : vector<16xf32>
        %add3A_1286 = arith.addf %add3A_1262, %mul3A_1285 : vector<16xf32>
        %get3A_1287 = arith.index_cast %add3A_1226 : i32 to index
        %get3A_1288 = arith.constant 64 : index
        %get3A_1289 = tpu.vector_load %arg9[%get3A_1287, %get3A_1288] {strides = array<i32>} : memref<128x128xf32, #tpu.memory_space<vmem>>, vector<16xf32>,
        %get3A_1290 = arith.index_cast %add3A_1226 : i32 to index
        %get3A_1291 = arith.constant 64 : index
        %get3A_1292 = tpu.vector_load %arg11[%get3A_1290, %get3A_1291] {strides = array<i32>} : memref<128x128xf32, #tpu.memory_space<vmem>>, vector<16xf32>,
        %get3A_1293 = arith.index_cast %add3A_1226 : i32 to index
        %get3A_1294 = arith.constant 80 : index
        %get3A_1295 = tpu.vector_load %arg9[%get3A_1293, %get3A_1294] {strides = array<i32>} : memref<128x128xf32, #tpu.memory_space<vmem>>, vector<16xf32>,
        %get3A_1296 = arith.index_cast %add3A_1226 : i32 to index
        %get3A_1297 = arith.constant 80 : index
        %get3A_1298 = tpu.vector_load %arg11[%get3A_1296, %get3A_1297] {strides = array<i32>} : memref<128x128xf32, #tpu.memory_space<vmem>>, vector<16xf32>,
        %mul3A_1299 = arith.mulf %get3A_1289, %get3A_1292 : vector<16xf32>
        %add3A_1300 = arith.addf %add3A_1276, %mul3A_1299 : vector<16xf32>
        %mul3A_1301 = arith.mulf %get3A_1289, %get3A_1289 : vector<16xf32>
        %add3A_1302 = arith.addf %add3A_1278, %mul3A_1301 : vector<16xf32>
        %mul3A_1303 = arith.mulf %get3A_1292, %get3A_1292 : vector<16xf32>
        %add3A_1304 = arith.addf %add3A_1280, %mul3A_1303 : vector<16xf32>
        %mul3A_1305 = arith.mulf %get3A_1295, %get3A_1298 : vector<16xf32>
        %add3A_1306 = arith.addf %add3A_1282, %mul3A_1305 : vector<16xf32>
        %mul3A_1307 = arith.mulf %get3A_1295, %get3A_1295 : vector<16xf32>
        %add3A_1308 = arith.addf %add3A_1284, %mul3A_1307 : vector<16xf32>
        %mul3A_1309 = arith.mulf %get3A_1298, %get3A_1298 : vector<16xf32>
        %add3A_1310 = arith.addf %add3A_1286, %mul3A_1309 : vector<16xf32>
        %get3A_1311 = arith.index_cast %add3A_1226 : i32 to index
        %get3A_1312 = arith.constant 96 : index
        %get3A_1313 = tpu.vector_load %arg9[%get3A_1311, %get3A_1312] {strides = array<i32>} : memref<128x128xf32, #tpu.memory_space<vmem>>, vector<16xf32>,
        %get3A_1314 = arith.index_cast %add3A_1226 : i32 to index
        %get3A_1315 = arith.constant 96 : index
        %get3A_1316 = tpu.vector_load %arg11[%get3A_1314, %get3A_1315] {strides = array<i32>} : memref<128x128xf32, #tpu.memory_space<vmem>>, vector<16xf32>,
        %get3A_1317 = arith.index_cast %add3A_1226 : i32 to index
        %get3A_1318 = arith.constant 112 : index
        %get3A_1319 = tpu.vector_load %arg9[%get3A_1317, %get3A_1318] {strides = array<i32>} : memref<128x128xf32, #tpu.memory_space<vmem>>, vector<16xf32>,
        %get3A_1320 = arith.index_cast %add3A_1226 : i32 to index
        %get3A_1321 = arith.constant 112 : index
        %get3A_1322 = tpu.vector_load %arg11[%get3A_1320, %get3A_1321] {strides = array<i32>} : memref<128x128xf32, #tpu.memory_space<vmem>>, vector<16xf32>,
        %mul3A_1323 = arith.mulf %get3A_1313, %get3A_1316 : vector<16xf32>
        %add3A_1324 = arith.addf %add3A_1300, %mul3A_1323 : vector<16xf32>
        %mul3A_1325 = arith.mulf %get3A_1313, %get3A_1313 : vector<16xf32>
        %add3A_1326 = arith.addf %add3A_1302, %mul3A_1325 : vector<16xf32>
        %mul3A_1327 = arith.mulf %get3A_1316, %get3A_1316 : vector<16xf32>
        %add3A_1328 = arith.addf %add3A_1304, %mul3A_1327 : vector<16xf32>
        %mul3A_1329 = arith.mulf %get3A_1319, %get3A_1322 : vector<16xf32>
        %add3A_1330 = arith.addf %add3A_1306, %mul3A_1329 : vector<16xf32>
        %mul3A_1331 = arith.mulf %get3A_1319, %get3A_1319 : vector<16xf32>
        %add3A_1332 = arith.addf %add3A_1308, %mul3A_1331 : vector<16xf32>
        %mul3A_1333 = arith.mulf %get3A_1322, %get3A_1322 : vector<16xf32>
        %add3A_1334 = arith.addf %add3A_1310, %mul3A_1333 : vector<16xf32>
        %eq3A_1335 = arith.constant 8 : i32
        %eq3A_1336 = vector.broadcast %eq3A_1335 : i32 to vector<16xi32>
        %eq3A_1337 = arith.cmpi eq, %iota3A, %eq3A_1336 : vector<16xi32>
        %add3A_1338 = arith.addf %add3A_1324, %add3A_1330 : vector<16xf32>
        %reduce_sum3A_1339 = arith.constant true
        %reduce_sum3A_1340 = vector.broadcast %reduce_sum3A_1339 : i1 to vector<16xi1>
        %reduce_sum3A_1341 = tpu.scan <sum>, %add3A_1338 masked %reduce_sum3A_1340 : vector<16xf32>, vector<16xi1> -> vector<16xf32>
        %reduce_sum3A_1342 = vector.extract %reduce_sum3A_1341[15] : f32 from vector<16xf32>
        %broadcast_in_dim3A_1343 = vector.broadcast %reduce_sum3A_1342 : f32 to vector<16xf32>
        %select_n3A_1344 = arith.select %eq3A_1337, %broadcast_in_dim3A_1343, %select_n3A_1202 : vector<16xi1>, vector<16xf32>
        %eq3A_1345 = arith.constant 8 : i32
        %eq3A_1346 = vector.broadcast %eq3A_1345 : i32 to vector<16xi32>
        %eq3A_1347 = arith.cmpi eq, %iota3A, %eq3A_1346 : vector<16xi32>
        %add3A_1348 = arith.addf %add3A_1326, %add3A_1332 : vector<16xf32>
        %reduce_sum3A_1349 = arith.constant true
        %reduce_sum3A_1350 = vector.broadcast %reduce_sum3A_1349 : i1 to vector<16xi1>
        %reduce_sum3A_1351 = tpu.scan <sum>, %add3A_1348 masked %reduce_sum3A_1350 : vector<16xf32>, vector<16xi1> -> vector<16xf32>
        %reduce_sum3A_1352 = vector.extract %reduce_sum3A_1351[15] : f32 from vector<16xf32>
        %broadcast_in_dim3A_1353 = vector.broadcast %reduce_sum3A_1352 : f32 to vector<16xf32>
        %select_n3A_1354 = arith.select %eq3A_1347, %broadcast_in_dim3A_1353, %select_n3A_1212 : vector<16xi1>, vector<16xf32>
        %eq3A_1355 = arith.constant 8 : i32
        %eq3A_1356 = vector.broadcast %eq3A_1355 : i32 to vector<16xi32>
        %eq3A_1357 = arith.cmpi eq, %iota3A, %eq3A_1356 : vector<16xi32>
        %add3A_1358 = arith.addf %add3A_1328, %add3A_1334 : vector<16xf32>
        %reduce_sum3A_1359 = arith.constant true
        %reduce_sum3A_1360 = vector.broadcast %reduce_sum3A_1359 : i1 to vector<16xi1>
        %reduce_sum3A_1361 = tpu.scan <sum>, %add3A_1358 masked %reduce_sum3A_1360 : vector<16xf32>, vector<16xi1> -> vector<16xf32>
        %reduce_sum3A_1362 = vector.extract %reduce_sum3A_1361[15] : f32 from vector<16xf32>
        %broadcast_in_dim3A_1363 = vector.broadcast %reduce_sum3A_1362 : f32 to vector<16xf32>
        %select_n3A_1364 = arith.select %eq3A_1357, %broadcast_in_dim3A_1363, %select_n3A_1222 : vector<16xi1>, vector<16xf32>
        %mul3A_1365 = arith.constant 16 : i32
        %mul3A_1366 = arith.muli %scan3A_83, %mul3A_1365 : i32
        %add3A_1367 = arith.constant 9 : i32
        %add3A_1368 = arith.addi %mul3A_1366, %add3A_1367 : i32
        %broadcast_in_dim3A_1369 = arith.constant 0.000000e+00 : f32
        %broadcast_in_dim3A_1370 = vector.broadcast %broadcast_in_dim3A_1369 : f32 to vector<16xf32>
        %broadcast_in_dim3A_1371 = arith.constant 0.000000e+00 : f32
        %broadcast_in_dim3A_1372 = vector.broadcast %broadcast_in_dim3A_1371 : f32 to vector<16xf32>
        %broadcast_in_dim3A_1373 = arith.constant 0.000000e+00 : f32
        %broadcast_in_dim3A_1374 = vector.broadcast %broadcast_in_dim3A_1373 : f32 to vector<16xf32>
        %broadcast_in_dim3A_1375 = arith.constant 0.000000e+00 : f32
        %broadcast_in_dim3A_1376 = vector.broadcast %broadcast_in_dim3A_1375 : f32 to vector<16xf32>
        %broadcast_in_dim3A_1377 = arith.constant 0.000000e+00 : f32
        %broadcast_in_dim3A_1378 = vector.broadcast %broadcast_in_dim3A_1377 : f32 to vector<16xf32>
        %broadcast_in_dim3A_1379 = arith.constant 0.000000e+00 : f32
        %broadcast_in_dim3A_1380 = vector.broadcast %broadcast_in_dim3A_1379 : f32 to vector<16xf32>
        %get3A_1381 = arith.index_cast %add3A_1368 : i32 to index
        %get3A_1382 = arith.constant 0 : index
        %get3A_1383 = tpu.vector_load %arg9[%get3A_1381, %get3A_1382] {strides = array<i32>} : memref<128x128xf32, #tpu.memory_space<vmem>>, vector<16xf32>,
        %get3A_1384 = arith.index_cast %add3A_1368 : i32 to index
        %get3A_1385 = arith.constant 0 : index
        %get3A_1386 = tpu.vector_load %arg11[%get3A_1384, %get3A_1385] {strides = array<i32>} : memref<128x128xf32, #tpu.memory_space<vmem>>, vector<16xf32>,
        %get3A_1387 = arith.index_cast %add3A_1368 : i32 to index
        %get3A_1388 = arith.constant 16 : index
        %get3A_1389 = tpu.vector_load %arg9[%get3A_1387, %get3A_1388] {strides = array<i32>} : memref<128x128xf32, #tpu.memory_space<vmem>>, vector<16xf32>,
        %get3A_1390 = arith.index_cast %add3A_1368 : i32 to index
        %get3A_1391 = arith.constant 16 : index
        %get3A_1392 = tpu.vector_load %arg11[%get3A_1390, %get3A_1391] {strides = array<i32>} : memref<128x128xf32, #tpu.memory_space<vmem>>, vector<16xf32>,
        %mul3A_1393 = arith.mulf %get3A_1383, %get3A_1386 : vector<16xf32>
        %add3A_1394 = arith.addf %broadcast_in_dim3A_1370, %mul3A_1393 : vector<16xf32>
        %mul3A_1395 = arith.mulf %get3A_1383, %get3A_1383 : vector<16xf32>
        %add3A_1396 = arith.addf %broadcast_in_dim3A_1372, %mul3A_1395 : vector<16xf32>
        %mul3A_1397 = arith.mulf %get3A_1386, %get3A_1386 : vector<16xf32>
        %add3A_1398 = arith.addf %broadcast_in_dim3A_1374, %mul3A_1397 : vector<16xf32>
        %mul3A_1399 = arith.mulf %get3A_1389, %get3A_1392 : vector<16xf32>
        %add3A_1400 = arith.addf %broadcast_in_dim3A_1376, %mul3A_1399 : vector<16xf32>
        %mul3A_1401 = arith.mulf %get3A_1389, %get3A_1389 : vector<16xf32>
        %add3A_1402 = arith.addf %broadcast_in_dim3A_1378, %mul3A_1401 : vector<16xf32>
        %mul3A_1403 = arith.mulf %get3A_1392, %get3A_1392 : vector<16xf32>
        %add3A_1404 = arith.addf %broadcast_in_dim3A_1380, %mul3A_1403 : vector<16xf32>
        %get3A_1405 = arith.index_cast %add3A_1368 : i32 to index
        %get3A_1406 = arith.constant 32 : index
        %get3A_1407 = tpu.vector_load %arg9[%get3A_1405, %get3A_1406] {strides = array<i32>} : memref<128x128xf32, #tpu.memory_space<vmem>>, vector<16xf32>,
        %get3A_1408 = arith.index_cast %add3A_1368 : i32 to index
        %get3A_1409 = arith.constant 32 : index
        %get3A_1410 = tpu.vector_load %arg11[%get3A_1408, %get3A_1409] {strides = array<i32>} : memref<128x128xf32, #tpu.memory_space<vmem>>, vector<16xf32>,
        %get3A_1411 = arith.index_cast %add3A_1368 : i32 to index
        %get3A_1412 = arith.constant 48 : index
        %get3A_1413 = tpu.vector_load %arg9[%get3A_1411, %get3A_1412] {strides = array<i32>} : memref<128x128xf32, #tpu.memory_space<vmem>>, vector<16xf32>,
        %get3A_1414 = arith.index_cast %add3A_1368 : i32 to index
        %get3A_1415 = arith.constant 48 : index
        %get3A_1416 = tpu.vector_load %arg11[%get3A_1414, %get3A_1415] {strides = array<i32>} : memref<128x128xf32, #tpu.memory_space<vmem>>, vector<16xf32>,
        %mul3A_1417 = arith.mulf %get3A_1407, %get3A_1410 : vector<16xf32>
        %add3A_1418 = arith.addf %add3A_1394, %mul3A_1417 : vector<16xf32>
        %mul3A_1419 = arith.mulf %get3A_1407, %get3A_1407 : vector<16xf32>
        %add3A_1420 = arith.addf %add3A_1396, %mul3A_1419 : vector<16xf32>
        %mul3A_1421 = arith.mulf %get3A_1410, %get3A_1410 : vector<16xf32>
        %add3A_1422 = arith.addf %add3A_1398, %mul3A_1421 : vector<16xf32>
        %mul3A_1423 = arith.mulf %get3A_1413, %get3A_1416 : vector<16xf32>
        %add3A_1424 = arith.addf %add3A_1400, %mul3A_1423 : vector<16xf32>
        %mul3A_1425 = arith.mulf %get3A_1413, %get3A_1413 : vector<16xf32>
        %add3A_1426 = arith.addf %add3A_1402, %mul3A_1425 : vector<16xf32>
        %mul3A_1427 = arith.mulf %get3A_1416, %get3A_1416 : vector<16xf32>
        %add3A_1428 = arith.addf %add3A_1404, %mul3A_1427 : vector<16xf32>
        %get3A_1429 = arith.index_cast %add3A_1368 : i32 to index
        %get3A_1430 = arith.constant 64 : index
        %get3A_1431 = tpu.vector_load %arg9[%get3A_1429, %get3A_1430] {strides = array<i32>} : memref<128x128xf32, #tpu.memory_space<vmem>>, vector<16xf32>,
        %get3A_1432 = arith.index_cast %add3A_1368 : i32 to index
        %get3A_1433 = arith.constant 64 : index
        %get3A_1434 = tpu.vector_load %arg11[%get3A_1432, %get3A_1433] {strides = array<i32>} : memref<128x128xf32, #tpu.memory_space<vmem>>, vector<16xf32>,
        %get3A_1435 = arith.index_cast %add3A_1368 : i32 to index
        %get3A_1436 = arith.constant 80 : index
        %get3A_1437 = tpu.vector_load %arg9[%get3A_1435, %get3A_1436] {strides = array<i32>} : memref<128x128xf32, #tpu.memory_space<vmem>>, vector<16xf32>,
        %get3A_1438 = arith.index_cast %add3A_1368 : i32 to index
        %get3A_1439 = arith.constant 80 : index
        %get3A_1440 = tpu.vector_load %arg11[%get3A_1438, %get3A_1439] {strides = array<i32>} : memref<128x128xf32, #tpu.memory_space<vmem>>, vector<16xf32>,
        %mul3A_1441 = arith.mulf %get3A_1431, %get3A_1434 : vector<16xf32>
        %add3A_1442 = arith.addf %add3A_1418, %mul3A_1441 : vector<16xf32>
        %mul3A_1443 = arith.mulf %get3A_1431, %get3A_1431 : vector<16xf32>
        %add3A_1444 = arith.addf %add3A_1420, %mul3A_1443 : vector<16xf32>
        %mul3A_1445 = arith.mulf %get3A_1434, %get3A_1434 : vector<16xf32>
        %add3A_1446 = arith.addf %add3A_1422, %mul3A_1445 : vector<16xf32>
        %mul3A_1447 = arith.mulf %get3A_1437, %get3A_1440 : vector<16xf32>
        %add3A_1448 = arith.addf %add3A_1424, %mul3A_1447 : vector<16xf32>
        %mul3A_1449 = arith.mulf %get3A_1437, %get3A_1437 : vector<16xf32>
        %add3A_1450 = arith.addf %add3A_1426, %mul3A_1449 : vector<16xf32>
        %mul3A_1451 = arith.mulf %get3A_1440, %get3A_1440 : vector<16xf32>
        %add3A_1452 = arith.addf %add3A_1428, %mul3A_1451 : vector<16xf32>
        %get3A_1453 = arith.index_cast %add3A_1368 : i32 to index
        %get3A_1454 = arith.constant 96 : index
        %get3A_1455 = tpu.vector_load %arg9[%get3A_1453, %get3A_1454] {strides = array<i32>} : memref<128x128xf32, #tpu.memory_space<vmem>>, vector<16xf32>,
        %get3A_1456 = arith.index_cast %add3A_1368 : i32 to index
        %get3A_1457 = arith.constant 96 : index
        %get3A_1458 = tpu.vector_load %arg11[%get3A_1456, %get3A_1457] {strides = array<i32>} : memref<128x128xf32, #tpu.memory_space<vmem>>, vector<16xf32>,
        %get3A_1459 = arith.index_cast %add3A_1368 : i32 to index
        %get3A_1460 = arith.constant 112 : index
        %get3A_1461 = tpu.vector_load %arg9[%get3A_1459, %get3A_1460] {strides = array<i32>} : memref<128x128xf32, #tpu.memory_space<vmem>>, vector<16xf32>,
        %get3A_1462 = arith.index_cast %add3A_1368 : i32 to index
        %get3A_1463 = arith.constant 112 : index
        %get3A_1464 = tpu.vector_load %arg11[%get3A_1462, %get3A_1463] {strides = array<i32>} : memref<128x128xf32, #tpu.memory_space<vmem>>, vector<16xf32>,
        %mul3A_1465 = arith.mulf %get3A_1455, %get3A_1458 : vector<16xf32>
        %add3A_1466 = arith.addf %add3A_1442, %mul3A_1465 : vector<16xf32>
        %mul3A_1467 = arith.mulf %get3A_1455, %get3A_1455 : vector<16xf32>
        %add3A_1468 = arith.addf %add3A_1444, %mul3A_1467 : vector<16xf32>
        %mul3A_1469 = arith.mulf %get3A_1458, %get3A_1458 : vector<16xf32>
        %add3A_1470 = arith.addf %add3A_1446, %mul3A_1469 : vector<16xf32>
        %mul3A_1471 = arith.mulf %get3A_1461, %get3A_1464 : vector<16xf32>
        %add3A_1472 = arith.addf %add3A_1448, %mul3A_1471 : vector<16xf32>
        %mul3A_1473 = arith.mulf %get3A_1461, %get3A_1461 : vector<16xf32>
        %add3A_1474 = arith.addf %add3A_1450, %mul3A_1473 : vector<16xf32>
        %mul3A_1475 = arith.mulf %get3A_1464, %get3A_1464 : vector<16xf32>
        %add3A_1476 = arith.addf %add3A_1452, %mul3A_1475 : vector<16xf32>
        %eq3A_1477 = arith.constant 9 : i32
        %eq3A_1478 = vector.broadcast %eq3A_1477 : i32 to vector<16xi32>
        %eq3A_1479 = arith.cmpi eq, %iota3A, %eq3A_1478 : vector<16xi32>
        %add3A_1480 = arith.addf %add3A_1466, %add3A_1472 : vector<16xf32>
        %reduce_sum3A_1481 = arith.constant true
        %reduce_sum3A_1482 = vector.broadcast %reduce_sum3A_1481 : i1 to vector<16xi1>
        %reduce_sum3A_1483 = tpu.scan <sum>, %add3A_1480 masked %reduce_sum3A_1482 : vector<16xf32>, vector<16xi1> -> vector<16xf32>
        %reduce_sum3A_1484 = vector.extract %reduce_sum3A_1483[15] : f32 from vector<16xf32>
        %broadcast_in_dim3A_1485 = vector.broadcast %reduce_sum3A_1484 : f32 to vector<16xf32>
        %select_n3A_1486 = arith.select %eq3A_1479, %broadcast_in_dim3A_1485, %select_n3A_1344 : vector<16xi1>, vector<16xf32>
        %eq3A_1487 = arith.constant 9 : i32
        %eq3A_1488 = vector.broadcast %eq3A_1487 : i32 to vector<16xi32>
        %eq3A_1489 = arith.cmpi eq, %iota3A, %eq3A_1488 : vector<16xi32>
        %add3A_1490 = arith.addf %add3A_1468, %add3A_1474 : vector<16xf32>
        %reduce_sum3A_1491 = arith.constant true
        %reduce_sum3A_1492 = vector.broadcast %reduce_sum3A_1491 : i1 to vector<16xi1>
        %reduce_sum3A_1493 = tpu.scan <sum>, %add3A_1490 masked %reduce_sum3A_1492 : vector<16xf32>, vector<16xi1> -> vector<16xf32>
        %reduce_sum3A_1494 = vector.extract %reduce_sum3A_1493[15] : f32 from vector<16xf32>
        %broadcast_in_dim3A_1495 = vector.broadcast %reduce_sum3A_1494 : f32 to vector<16xf32>
        %select_n3A_1496 = arith.select %eq3A_1489, %broadcast_in_dim3A_1495, %select_n3A_1354 : vector<16xi1>, vector<16xf32>
        %eq3A_1497 = arith.constant 9 : i32
        %eq3A_1498 = vector.broadcast %eq3A_1497 : i32 to vector<16xi32>
        %eq3A_1499 = arith.cmpi eq, %iota3A, %eq3A_1498 : vector<16xi32>
        %add3A_1500 = arith.addf %add3A_1470, %add3A_1476 : vector<16xf32>
        %reduce_sum3A_1501 = arith.constant true
        %reduce_sum3A_1502 = vector.broadcast %reduce_sum3A_1501 : i1 to vector<16xi1>
        %reduce_sum3A_1503 = tpu.scan <sum>, %add3A_1500 masked %reduce_sum3A_1502 : vector<16xf32>, vector<16xi1> -> vector<16xf32>
        %reduce_sum3A_1504 = vector.extract %reduce_sum3A_1503[15] : f32 from vector<16xf32>
        %broadcast_in_dim3A_1505 = vector.broadcast %reduce_sum3A_1504 : f32 to vector<16xf32>
        %select_n3A_1506 = arith.select %eq3A_1499, %broadcast_in_dim3A_1505, %select_n3A_1364 : vector<16xi1>, vector<16xf32>
        %mul3A_1507 = arith.constant 16 : i32
        %mul3A_1508 = arith.muli %scan3A_83, %mul3A_1507 : i32
        %add3A_1509 = arith.constant 10 : i32
        %add3A_1510 = arith.addi %mul3A_1508, %add3A_1509 : i32
        %broadcast_in_dim3A_1511 = arith.constant 0.000000e+00 : f32
        %broadcast_in_dim3A_1512 = vector.broadcast %broadcast_in_dim3A_1511 : f32 to vector<16xf32>
        %broadcast_in_dim3A_1513 = arith.constant 0.000000e+00 : f32
        %broadcast_in_dim3A_1514 = vector.broadcast %broadcast_in_dim3A_1513 : f32 to vector<16xf32>
        %broadcast_in_dim3A_1515 = arith.constant 0.000000e+00 : f32
        %broadcast_in_dim3A_1516 = vector.broadcast %broadcast_in_dim3A_1515 : f32 to vector<16xf32>
        %broadcast_in_dim3A_1517 = arith.constant 0.000000e+00 : f32
        %broadcast_in_dim3A_1518 = vector.broadcast %broadcast_in_dim3A_1517 : f32 to vector<16xf32>
        %broadcast_in_dim3A_1519 = arith.constant 0.000000e+00 : f32
        %broadcast_in_dim3A_1520 = vector.broadcast %broadcast_in_dim3A_1519 : f32 to vector<16xf32>
        %broadcast_in_dim3A_1521 = arith.constant 0.000000e+00 : f32
        %broadcast_in_dim3A_1522 = vector.broadcast %broadcast_in_dim3A_1521 : f32 to vector<16xf32>
        %get3A_1523 = arith.index_cast %add3A_1510 : i32 to index
        %get3A_1524 = arith.constant 0 : index
        %get3A_1525 = tpu.vector_load %arg9[%get3A_1523, %get3A_1524] {strides = array<i32>} : memref<128x128xf32, #tpu.memory_space<vmem>>, vector<16xf32>,
        %get3A_1526 = arith.index_cast %add3A_1510 : i32 to index
        %get3A_1527 = arith.constant 0 : index
        %get3A_1528 = tpu.vector_load %arg11[%get3A_1526, %get3A_1527] {strides = array<i32>} : memref<128x128xf32, #tpu.memory_space<vmem>>, vector<16xf32>,
        %get3A_1529 = arith.index_cast %add3A_1510 : i32 to index
        %get3A_1530 = arith.constant 16 : index
        %get3A_1531 = tpu.vector_load %arg9[%get3A_1529, %get3A_1530] {strides = array<i32>} : memref<128x128xf32, #tpu.memory_space<vmem>>, vector<16xf32>,
        %get3A_1532 = arith.index_cast %add3A_1510 : i32 to index
        %get3A_1533 = arith.constant 16 : index
        %get3A_1534 = tpu.vector_load %arg11[%get3A_1532, %get3A_1533] {strides = array<i32>} : memref<128x128xf32, #tpu.memory_space<vmem>>, vector<16xf32>,
        %mul3A_1535 = arith.mulf %get3A_1525, %get3A_1528 : vector<16xf32>
        %add3A_1536 = arith.addf %broadcast_in_dim3A_1512, %mul3A_1535 : vector<16xf32>
        %mul3A_1537 = arith.mulf %get3A_1525, %get3A_1525 : vector<16xf32>
        %add3A_1538 = arith.addf %broadcast_in_dim3A_1514, %mul3A_1537 : vector<16xf32>
        %mul3A_1539 = arith.mulf %get3A_1528, %get3A_1528 : vector<16xf32>
        %add3A_1540 = arith.addf %broadcast_in_dim3A_1516, %mul3A_1539 : vector<16xf32>
        %mul3A_1541 = arith.mulf %get3A_1531, %get3A_1534 : vector<16xf32>
        %add3A_1542 = arith.addf %broadcast_in_dim3A_1518, %mul3A_1541 : vector<16xf32>
        %mul3A_1543 = arith.mulf %get3A_1531, %get3A_1531 : vector<16xf32>
        %add3A_1544 = arith.addf %broadcast_in_dim3A_1520, %mul3A_1543 : vector<16xf32>
        %mul3A_1545 = arith.mulf %get3A_1534, %get3A_1534 : vector<16xf32>
        %add3A_1546 = arith.addf %broadcast_in_dim3A_1522, %mul3A_1545 : vector<16xf32>
        %get3A_1547 = arith.index_cast %add3A_1510 : i32 to index
        %get3A_1548 = arith.constant 32 : index
        %get3A_1549 = tpu.vector_load %arg9[%get3A_1547, %get3A_1548] {strides = array<i32>} : memref<128x128xf32, #tpu.memory_space<vmem>>, vector<16xf32>,
        %get3A_1550 = arith.index_cast %add3A_1510 : i32 to index
        %get3A_1551 = arith.constant 32 : index
        %get3A_1552 = tpu.vector_load %arg11[%get3A_1550, %get3A_1551] {strides = array<i32>} : memref<128x128xf32, #tpu.memory_space<vmem>>, vector<16xf32>,
        %get3A_1553 = arith.index_cast %add3A_1510 : i32 to index
        %get3A_1554 = arith.constant 48 : index
        %get3A_1555 = tpu.vector_load %arg9[%get3A_1553, %get3A_1554] {strides = array<i32>} : memref<128x128xf32, #tpu.memory_space<vmem>>, vector<16xf32>,
        %get3A_1556 = arith.index_cast %add3A_1510 : i32 to index
        %get3A_1557 = arith.constant 48 : index
        %get3A_1558 = tpu.vector_load %arg11[%get3A_1556, %get3A_1557] {strides = array<i32>} : memref<128x128xf32, #tpu.memory_space<vmem>>, vector<16xf32>,
        %mul3A_1559 = arith.mulf %get3A_1549, %get3A_1552 : vector<16xf32>
        %add3A_1560 = arith.addf %add3A_1536, %mul3A_1559 : vector<16xf32>
        %mul3A_1561 = arith.mulf %get3A_1549, %get3A_1549 : vector<16xf32>
        %add3A_1562 = arith.addf %add3A_1538, %mul3A_1561 : vector<16xf32>
        %mul3A_1563 = arith.mulf %get3A_1552, %get3A_1552 : vector<16xf32>
        %add3A_1564 = arith.addf %add3A_1540, %mul3A_1563 : vector<16xf32>
        %mul3A_1565 = arith.mulf %get3A_1555, %get3A_1558 : vector<16xf32>
        %add3A_1566 = arith.addf %add3A_1542, %mul3A_1565 : vector<16xf32>
        %mul3A_1567 = arith.mulf %get3A_1555, %get3A_1555 : vector<16xf32>
        %add3A_1568 = arith.addf %add3A_1544, %mul3A_1567 : vector<16xf32>
        %mul3A_1569 = arith.mulf %get3A_1558, %get3A_1558 : vector<16xf32>
        %add3A_1570 = arith.addf %add3A_1546, %mul3A_1569 : vector<16xf32>
        %get3A_1571 = arith.index_cast %add3A_1510 : i32 to index
        %get3A_1572 = arith.constant 64 : index
        %get3A_1573 = tpu.vector_load %arg9[%get3A_1571, %get3A_1572] {strides = array<i32>} : memref<128x128xf32, #tpu.memory_space<vmem>>, vector<16xf32>,
        %get3A_1574 = arith.index_cast %add3A_1510 : i32 to index
        %get3A_1575 = arith.constant 64 : index
        %get3A_1576 = tpu.vector_load %arg11[%get3A_1574, %get3A_1575] {strides = array<i32>} : memref<128x128xf32, #tpu.memory_space<vmem>>, vector<16xf32>,
        %get3A_1577 = arith.index_cast %add3A_1510 : i32 to index
        %get3A_1578 = arith.constant 80 : index
        %get3A_1579 = tpu.vector_load %arg9[%get3A_1577, %get3A_1578] {strides = array<i32>} : memref<128x128xf32, #tpu.memory_space<vmem>>, vector<16xf32>,
        %get3A_1580 = arith.index_cast %add3A_1510 : i32 to index
        %get3A_1581 = arith.constant 80 : index
        %get3A_1582 = tpu.vector_load %arg11[%get3A_1580, %get3A_1581] {strides = array<i32>} : memref<128x128xf32, #tpu.memory_space<vmem>>, vector<16xf32>,
        %mul3A_1583 = arith.mulf %get3A_1573, %get3A_1576 : vector<16xf32>
        %add3A_1584 = arith.addf %add3A_1560, %mul3A_1583 : vector<16xf32>
        %mul3A_1585 = arith.mulf %get3A_1573, %get3A_1573 : vector<16xf32>
        %add3A_1586 = arith.addf %add3A_1562, %mul3A_1585 : vector<16xf32>
        %mul3A_1587 = arith.mulf %get3A_1576, %get3A_1576 : vector<16xf32>
        %add3A_1588 = arith.addf %add3A_1564, %mul3A_1587 : vector<16xf32>
        %mul3A_1589 = arith.mulf %get3A_1579, %get3A_1582 : vector<16xf32>
        %add3A_1590 = arith.addf %add3A_1566, %mul3A_1589 : vector<16xf32>
        %mul3A_1591 = arith.mulf %get3A_1579, %get3A_1579 : vector<16xf32>
        %add3A_1592 = arith.addf %add3A_1568, %mul3A_1591 : vector<16xf32>
        %mul3A_1593 = arith.mulf %get3A_1582, %get3A_1582 : vector<16xf32>
        %add3A_1594 = arith.addf %add3A_1570, %mul3A_1593 : vector<16xf32>
        %get3A_1595 = arith.index_cast %add3A_1510 : i32 to index
        %get3A_1596 = arith.constant 96 : index
        %get3A_1597 = tpu.vector_load %arg9[%get3A_1595, %get3A_1596] {strides = array<i32>} : memref<128x128xf32, #tpu.memory_space<vmem>>, vector<16xf32>,
        %get3A_1598 = arith.index_cast %add3A_1510 : i32 to index
        %get3A_1599 = arith.constant 96 : index
        %get3A_1600 = tpu.vector_load %arg11[%get3A_1598, %get3A_1599] {strides = array<i32>} : memref<128x128xf32, #tpu.memory_space<vmem>>, vector<16xf32>,
        %get3A_1601 = arith.index_cast %add3A_1510 : i32 to index
        %get3A_1602 = arith.constant 112 : index
        %get3A_1603 = tpu.vector_load %arg9[%get3A_1601, %get3A_1602] {strides = array<i32>} : memref<128x128xf32, #tpu.memory_space<vmem>>, vector<16xf32>,
        %get3A_1604 = arith.index_cast %add3A_1510 : i32 to index
        %get3A_1605 = arith.constant 112 : index
        %get3A_1606 = tpu.vector_load %arg11[%get3A_1604, %get3A_1605] {strides = array<i32>} : memref<128x128xf32, #tpu.memory_space<vmem>>, vector<16xf32>,
        %mul3A_1607 = arith.mulf %get3A_1597, %get3A_1600 : vector<16xf32>
        %add3A_1608 = arith.addf %add3A_1584, %mul3A_1607 : vector<16xf32>
        %mul3A_1609 = arith.mulf %get3A_1597, %get3A_1597 : vector<16xf32>
        %add3A_1610 = arith.addf %add3A_1586, %mul3A_1609 : vector<16xf32>
        %mul3A_1611 = arith.mulf %get3A_1600, %get3A_1600 : vector<16xf32>
        %add3A_1612 = arith.addf %add3A_1588, %mul3A_1611 : vector<16xf32>
        %mul3A_1613 = arith.mulf %get3A_1603, %get3A_1606 : vector<16xf32>
        %add3A_1614 = arith.addf %add3A_1590, %mul3A_1613 : vector<16xf32>
        %mul3A_1615 = arith.mulf %get3A_1603, %get3A_1603 : vector<16xf32>
        %add3A_1616 = arith.addf %add3A_1592, %mul3A_1615 : vector<16xf32>
        %mul3A_1617 = arith.mulf %get3A_1606, %get3A_1606 : vector<16xf32>
        %add3A_1618 = arith.addf %add3A_1594, %mul3A_1617 : vector<16xf32>
        %eq3A_1619 = arith.constant 10 : i32
        %eq3A_1620 = vector.broadcast %eq3A_1619 : i32 to vector<16xi32>
        %eq3A_1621 = arith.cmpi eq, %iota3A, %eq3A_1620 : vector<16xi32>
        %add3A_1622 = arith.addf %add3A_1608, %add3A_1614 : vector<16xf32>
        %reduce_sum3A_1623 = arith.constant true
        %reduce_sum3A_1624 = vector.broadcast %reduce_sum3A_1623 : i1 to vector<16xi1>
        %reduce_sum3A_1625 = tpu.scan <sum>, %add3A_1622 masked %reduce_sum3A_1624 : vector<16xf32>, vector<16xi1> -> vector<16xf32>
        %reduce_sum3A_1626 = vector.extract %reduce_sum3A_1625[15] : f32 from vector<16xf32>
        %broadcast_in_dim3A_1627 = vector.broadcast %reduce_sum3A_1626 : f32 to vector<16xf32>
        %select_n3A_1628 = arith.select %eq3A_1621, %broadcast_in_dim3A_1627, %select_n3A_1486 : vector<16xi1>, vector<16xf32>
        %eq3A_1629 = arith.constant 10 : i32
        %eq3A_1630 = vector.broadcast %eq3A_1629 : i32 to vector<16xi32>
        %eq3A_1631 = arith.cmpi eq, %iota3A, %eq3A_1630 : vector<16xi32>
        %add3A_1632 = arith.addf %add3A_1610, %add3A_1616 : vector<16xf32>
        %reduce_sum3A_1633 = arith.constant true
        %reduce_sum3A_1634 = vector.broadcast %reduce_sum3A_1633 : i1 to vector<16xi1>
        %reduce_sum3A_1635 = tpu.scan <sum>, %add3A_1632 masked %reduce_sum3A_1634 : vector<16xf32>, vector<16xi1> -> vector<16xf32>
        %reduce_sum3A_1636 = vector.extract %reduce_sum3A_1635[15] : f32 from vector<16xf32>
        %broadcast_in_dim3A_1637 = vector.broadcast %reduce_sum3A_1636 : f32 to vector<16xf32>
        %select_n3A_1638 = arith.select %eq3A_1631, %broadcast_in_dim3A_1637, %select_n3A_1496 : vector<16xi1>, vector<16xf32>
        %eq3A_1639 = arith.constant 10 : i32
        %eq3A_1640 = vector.broadcast %eq3A_1639 : i32 to vector<16xi32>
        %eq3A_1641 = arith.cmpi eq, %iota3A, %eq3A_1640 : vector<16xi32>
        %add3A_1642 = arith.addf %add3A_1612, %add3A_1618 : vector<16xf32>
        %reduce_sum3A_1643 = arith.constant true
        %reduce_sum3A_1644 = vector.broadcast %reduce_sum3A_1643 : i1 to vector<16xi1>
        %reduce_sum3A_1645 = tpu.scan <sum>, %add3A_1642 masked %reduce_sum3A_1644 : vector<16xf32>, vector<16xi1> -> vector<16xf32>
        %reduce_sum3A_1646 = vector.extract %reduce_sum3A_1645[15] : f32 from vector<16xf32>
        %broadcast_in_dim3A_1647 = vector.broadcast %reduce_sum3A_1646 : f32 to vector<16xf32>
        %select_n3A_1648 = arith.select %eq3A_1641, %broadcast_in_dim3A_1647, %select_n3A_1506 : vector<16xi1>, vector<16xf32>
        %mul3A_1649 = arith.constant 16 : i32
        %mul3A_1650 = arith.muli %scan3A_83, %mul3A_1649 : i32
        %add3A_1651 = arith.constant 11 : i32
        %add3A_1652 = arith.addi %mul3A_1650, %add3A_1651 : i32
        %broadcast_in_dim3A_1653 = arith.constant 0.000000e+00 : f32
        %broadcast_in_dim3A_1654 = vector.broadcast %broadcast_in_dim3A_1653 : f32 to vector<16xf32>
        %broadcast_in_dim3A_1655 = arith.constant 0.000000e+00 : f32
        %broadcast_in_dim3A_1656 = vector.broadcast %broadcast_in_dim3A_1655 : f32 to vector<16xf32>
        %broadcast_in_dim3A_1657 = arith.constant 0.000000e+00 : f32
        %broadcast_in_dim3A_1658 = vector.broadcast %broadcast_in_dim3A_1657 : f32 to vector<16xf32>
        %broadcast_in_dim3A_1659 = arith.constant 0.000000e+00 : f32
        %broadcast_in_dim3A_1660 = vector.broadcast %broadcast_in_dim3A_1659 : f32 to vector<16xf32>
        %broadcast_in_dim3A_1661 = arith.constant 0.000000e+00 : f32
        %broadcast_in_dim3A_1662 = vector.broadcast %broadcast_in_dim3A_1661 : f32 to vector<16xf32>
        %broadcast_in_dim3A_1663 = arith.constant 0.000000e+00 : f32
        %broadcast_in_dim3A_1664 = vector.broadcast %broadcast_in_dim3A_1663 : f32 to vector<16xf32>
        %get3A_1665 = arith.index_cast %add3A_1652 : i32 to index
        %get3A_1666 = arith.constant 0 : index
        %get3A_1667 = tpu.vector_load %arg9[%get3A_1665, %get3A_1666] {strides = array<i32>} : memref<128x128xf32, #tpu.memory_space<vmem>>, vector<16xf32>,
        %get3A_1668 = arith.index_cast %add3A_1652 : i32 to index
        %get3A_1669 = arith.constant 0 : index
        %get3A_1670 = tpu.vector_load %arg11[%get3A_1668, %get3A_1669] {strides = array<i32>} : memref<128x128xf32, #tpu.memory_space<vmem>>, vector<16xf32>,
        %get3A_1671 = arith.index_cast %add3A_1652 : i32 to index
        %get3A_1672 = arith.constant 16 : index
        %get3A_1673 = tpu.vector_load %arg9[%get3A_1671, %get3A_1672] {strides = array<i32>} : memref<128x128xf32, #tpu.memory_space<vmem>>, vector<16xf32>,
        %get3A_1674 = arith.index_cast %add3A_1652 : i32 to index
        %get3A_1675 = arith.constant 16 : index
        %get3A_1676 = tpu.vector_load %arg11[%get3A_1674, %get3A_1675] {strides = array<i32>} : memref<128x128xf32, #tpu.memory_space<vmem>>, vector<16xf32>,
        %mul3A_1677 = arith.mulf %get3A_1667, %get3A_1670 : vector<16xf32>
        %add3A_1678 = arith.addf %broadcast_in_dim3A_1654, %mul3A_1677 : vector<16xf32>
        %mul3A_1679 = arith.mulf %get3A_1667, %get3A_1667 : vector<16xf32>
        %add3A_1680 = arith.addf %broadcast_in_dim3A_1656, %mul3A_1679 : vector<16xf32>
        %mul3A_1681 = arith.mulf %get3A_1670, %get3A_1670 : vector<16xf32>
        %add3A_1682 = arith.addf %broadcast_in_dim3A_1658, %mul3A_1681 : vector<16xf32>
        %mul3A_1683 = arith.mulf %get3A_1673, %get3A_1676 : vector<16xf32>
        %add3A_1684 = arith.addf %broadcast_in_dim3A_1660, %mul3A_1683 : vector<16xf32>
        %mul3A_1685 = arith.mulf %get3A_1673, %get3A_1673 : vector<16xf32>
        %add3A_1686 = arith.addf %broadcast_in_dim3A_1662, %mul3A_1685 : vector<16xf32>
        %mul3A_1687 = arith.mulf %get3A_1676, %get3A_1676 : vector<16xf32>
        %add3A_1688 = arith.addf %broadcast_in_dim3A_1664, %mul3A_1687 : vector<16xf32>
        %get3A_1689 = arith.index_cast %add3A_1652 : i32 to index
        %get3A_1690 = arith.constant 32 : index
        %get3A_1691 = tpu.vector_load %arg9[%get3A_1689, %get3A_1690] {strides = array<i32>} : memref<128x128xf32, #tpu.memory_space<vmem>>, vector<16xf32>,
        %get3A_1692 = arith.index_cast %add3A_1652 : i32 to index
        %get3A_1693 = arith.constant 32 : index
        %get3A_1694 = tpu.vector_load %arg11[%get3A_1692, %get3A_1693] {strides = array<i32>} : memref<128x128xf32, #tpu.memory_space<vmem>>, vector<16xf32>,
        %get3A_1695 = arith.index_cast %add3A_1652 : i32 to index
        %get3A_1696 = arith.constant 48 : index
        %get3A_1697 = tpu.vector_load %arg9[%get3A_1695, %get3A_1696] {strides = array<i32>} : memref<128x128xf32, #tpu.memory_space<vmem>>, vector<16xf32>,
        %get3A_1698 = arith.index_cast %add3A_1652 : i32 to index
        %get3A_1699 = arith.constant 48 : index
        %get3A_1700 = tpu.vector_load %arg11[%get3A_1698, %get3A_1699] {strides = array<i32>} : memref<128x128xf32, #tpu.memory_space<vmem>>, vector<16xf32>,
        %mul3A_1701 = arith.mulf %get3A_1691, %get3A_1694 : vector<16xf32>
        %add3A_1702 = arith.addf %add3A_1678, %mul3A_1701 : vector<16xf32>
        %mul3A_1703 = arith.mulf %get3A_1691, %get3A_1691 : vector<16xf32>
        %add3A_1704 = arith.addf %add3A_1680, %mul3A_1703 : vector<16xf32>
        %mul3A_1705 = arith.mulf %get3A_1694, %get3A_1694 : vector<16xf32>
        %add3A_1706 = arith.addf %add3A_1682, %mul3A_1705 : vector<16xf32>
        %mul3A_1707 = arith.mulf %get3A_1697, %get3A_1700 : vector<16xf32>
        %add3A_1708 = arith.addf %add3A_1684, %mul3A_1707 : vector<16xf32>
        %mul3A_1709 = arith.mulf %get3A_1697, %get3A_1697 : vector<16xf32>
        %add3A_1710 = arith.addf %add3A_1686, %mul3A_1709 : vector<16xf32>
        %mul3A_1711 = arith.mulf %get3A_1700, %get3A_1700 : vector<16xf32>
        %add3A_1712 = arith.addf %add3A_1688, %mul3A_1711 : vector<16xf32>
        %get3A_1713 = arith.index_cast %add3A_1652 : i32 to index
        %get3A_1714 = arith.constant 64 : index
        %get3A_1715 = tpu.vector_load %arg9[%get3A_1713, %get3A_1714] {strides = array<i32>} : memref<128x128xf32, #tpu.memory_space<vmem>>, vector<16xf32>,
        %get3A_1716 = arith.index_cast %add3A_1652 : i32 to index
        %get3A_1717 = arith.constant 64 : index
        %get3A_1718 = tpu.vector_load %arg11[%get3A_1716, %get3A_1717] {strides = array<i32>} : memref<128x128xf32, #tpu.memory_space<vmem>>, vector<16xf32>,
        %get3A_1719 = arith.index_cast %add3A_1652 : i32 to index
        %get3A_1720 = arith.constant 80 : index
        %get3A_1721 = tpu.vector_load %arg9[%get3A_1719, %get3A_1720] {strides = array<i32>} : memref<128x128xf32, #tpu.memory_space<vmem>>, vector<16xf32>,
        %get3A_1722 = arith.index_cast %add3A_1652 : i32 to index
        %get3A_1723 = arith.constant 80 : index
        %get3A_1724 = tpu.vector_load %arg11[%get3A_1722, %get3A_1723] {strides = array<i32>} : memref<128x128xf32, #tpu.memory_space<vmem>>, vector<16xf32>,
        %mul3A_1725 = arith.mulf %get3A_1715, %get3A_1718 : vector<16xf32>
        %add3A_1726 = arith.addf %add3A_1702, %mul3A_1725 : vector<16xf32>
        %mul3A_1727 = arith.mulf %get3A_1715, %get3A_1715 : vector<16xf32>
        %add3A_1728 = arith.addf %add3A_1704, %mul3A_1727 : vector<16xf32>
        %mul3A_1729 = arith.mulf %get3A_1718, %get3A_1718 : vector<16xf32>
        %add3A_1730 = arith.addf %add3A_1706, %mul3A_1729 : vector<16xf32>
        %mul3A_1731 = arith.mulf %get3A_1721, %get3A_1724 : vector<16xf32>
        %add3A_1732 = arith.addf %add3A_1708, %mul3A_1731 : vector<16xf32>
        %mul3A_1733 = arith.mulf %get3A_1721, %get3A_1721 : vector<16xf32>
        %add3A_1734 = arith.addf %add3A_1710, %mul3A_1733 : vector<16xf32>
        %mul3A_1735 = arith.mulf %get3A_1724, %get3A_1724 : vector<16xf32>
        %add3A_1736 = arith.addf %add3A_1712, %mul3A_1735 : vector<16xf32>
        %get3A_1737 = arith.index_cast %add3A_1652 : i32 to index
        %get3A_1738 = arith.constant 96 : index
        %get3A_1739 = tpu.vector_load %arg9[%get3A_1737, %get3A_1738] {strides = array<i32>} : memref<128x128xf32, #tpu.memory_space<vmem>>, vector<16xf32>,
        %get3A_1740 = arith.index_cast %add3A_1652 : i32 to index
        %get3A_1741 = arith.constant 96 : index
        %get3A_1742 = tpu.vector_load %arg11[%get3A_1740, %get3A_1741] {strides = array<i32>} : memref<128x128xf32, #tpu.memory_space<vmem>>, vector<16xf32>,
        %get3A_1743 = arith.index_cast %add3A_1652 : i32 to index
        %get3A_1744 = arith.constant 112 : index
        %get3A_1745 = tpu.vector_load %arg9[%get3A_1743, %get3A_1744] {strides = array<i32>} : memref<128x128xf32, #tpu.memory_space<vmem>>, vector<16xf32>,
        %get3A_1746 = arith.index_cast %add3A_1652 : i32 to index
        %get3A_1747 = arith.constant 112 : index
        %get3A_1748 = tpu.vector_load %arg11[%get3A_1746, %get3A_1747] {strides = array<i32>} : memref<128x128xf32, #tpu.memory_space<vmem>>, vector<16xf32>,
        %mul3A_1749 = arith.mulf %get3A_1739, %get3A_1742 : vector<16xf32>
        %add3A_1750 = arith.addf %add3A_1726, %mul3A_1749 : vector<16xf32>
        %mul3A_1751 = arith.mulf %get3A_1739, %get3A_1739 : vector<16xf32>
        %add3A_1752 = arith.addf %add3A_1728, %mul3A_1751 : vector<16xf32>
        %mul3A_1753 = arith.mulf %get3A_1742, %get3A_1742 : vector<16xf32>
        %add3A_1754 = arith.addf %add3A_1730, %mul3A_1753 : vector<16xf32>
        %mul3A_1755 = arith.mulf %get3A_1745, %get3A_1748 : vector<16xf32>
        %add3A_1756 = arith.addf %add3A_1732, %mul3A_1755 : vector<16xf32>
        %mul3A_1757 = arith.mulf %get3A_1745, %get3A_1745 : vector<16xf32>
        %add3A_1758 = arith.addf %add3A_1734, %mul3A_1757 : vector<16xf32>
        %mul3A_1759 = arith.mulf %get3A_1748, %get3A_1748 : vector<16xf32>
        %add3A_1760 = arith.addf %add3A_1736, %mul3A_1759 : vector<16xf32>
        %eq3A_1761 = arith.constant 11 : i32
        %eq3A_1762 = vector.broadcast %eq3A_1761 : i32 to vector<16xi32>
        %eq3A_1763 = arith.cmpi eq, %iota3A, %eq3A_1762 : vector<16xi32>
        %add3A_1764 = arith.addf %add3A_1750, %add3A_1756 : vector<16xf32>
        %reduce_sum3A_1765 = arith.constant true
        %reduce_sum3A_1766 = vector.broadcast %reduce_sum3A_1765 : i1 to vector<16xi1>
        %reduce_sum3A_1767 = tpu.scan <sum>, %add3A_1764 masked %reduce_sum3A_1766 : vector<16xf32>, vector<16xi1> -> vector<16xf32>
        %reduce_sum3A_1768 = vector.extract %reduce_sum3A_1767[15] : f32 from vector<16xf32>
        %broadcast_in_dim3A_1769 = vector.broadcast %reduce_sum3A_1768 : f32 to vector<16xf32>
        %select_n3A_1770 = arith.select %eq3A_1763, %broadcast_in_dim3A_1769, %select_n3A_1628 : vector<16xi1>, vector<16xf32>
        %eq3A_1771 = arith.constant 11 : i32
        %eq3A_1772 = vector.broadcast %eq3A_1771 : i32 to vector<16xi32>
        %eq3A_1773 = arith.cmpi eq, %iota3A, %eq3A_1772 : vector<16xi32>
        %add3A_1774 = arith.addf %add3A_1752, %add3A_1758 : vector<16xf32>
        %reduce_sum3A_1775 = arith.constant true
        %reduce_sum3A_1776 = vector.broadcast %reduce_sum3A_1775 : i1 to vector<16xi1>
        %reduce_sum3A_1777 = tpu.scan <sum>, %add3A_1774 masked %reduce_sum3A_1776 : vector<16xf32>, vector<16xi1> -> vector<16xf32>
        %reduce_sum3A_1778 = vector.extract %reduce_sum3A_1777[15] : f32 from vector<16xf32>
        %broadcast_in_dim3A_1779 = vector.broadcast %reduce_sum3A_1778 : f32 to vector<16xf32>
        %select_n3A_1780 = arith.select %eq3A_1773, %broadcast_in_dim3A_1779, %select_n3A_1638 : vector<16xi1>, vector<16xf32>
        %eq3A_1781 = arith.constant 11 : i32
        %eq3A_1782 = vector.broadcast %eq3A_1781 : i32 to vector<16xi32>
        %eq3A_1783 = arith.cmpi eq, %iota3A, %eq3A_1782 : vector<16xi32>
        %add3A_1784 = arith.addf %add3A_1754, %add3A_1760 : vector<16xf32>
        %reduce_sum3A_1785 = arith.constant true
        %reduce_sum3A_1786 = vector.broadcast %reduce_sum3A_1785 : i1 to vector<16xi1>
        %reduce_sum3A_1787 = tpu.scan <sum>, %add3A_1784 masked %reduce_sum3A_1786 : vector<16xf32>, vector<16xi1> -> vector<16xf32>
        %reduce_sum3A_1788 = vector.extract %reduce_sum3A_1787[15] : f32 from vector<16xf32>
        %broadcast_in_dim3A_1789 = vector.broadcast %reduce_sum3A_1788 : f32 to vector<16xf32>
        %select_n3A_1790 = arith.select %eq3A_1783, %broadcast_in_dim3A_1789, %select_n3A_1648 : vector<16xi1>, vector<16xf32>
        %mul3A_1791 = arith.constant 16 : i32
        %mul3A_1792 = arith.muli %scan3A_83, %mul3A_1791 : i32
        %add3A_1793 = arith.constant 12 : i32
        %add3A_1794 = arith.addi %mul3A_1792, %add3A_1793 : i32
        %broadcast_in_dim3A_1795 = arith.constant 0.000000e+00 : f32
        %broadcast_in_dim3A_1796 = vector.broadcast %broadcast_in_dim3A_1795 : f32 to vector<16xf32>
        %broadcast_in_dim3A_1797 = arith.constant 0.000000e+00 : f32
        %broadcast_in_dim3A_1798 = vector.broadcast %broadcast_in_dim3A_1797 : f32 to vector<16xf32>
        %broadcast_in_dim3A_1799 = arith.constant 0.000000e+00 : f32
        %broadcast_in_dim3A_1800 = vector.broadcast %broadcast_in_dim3A_1799 : f32 to vector<16xf32>
        %broadcast_in_dim3A_1801 = arith.constant 0.000000e+00 : f32
        %broadcast_in_dim3A_1802 = vector.broadcast %broadcast_in_dim3A_1801 : f32 to vector<16xf32>
        %broadcast_in_dim3A_1803 = arith.constant 0.000000e+00 : f32
        %broadcast_in_dim3A_1804 = vector.broadcast %broadcast_in_dim3A_1803 : f32 to vector<16xf32>
        %broadcast_in_dim3A_1805 = arith.constant 0.000000e+00 : f32
        %broadcast_in_dim3A_1806 = vector.broadcast %broadcast_in_dim3A_1805 : f32 to vector<16xf32>
        %get3A_1807 = arith.index_cast %add3A_1794 : i32 to index
        %get3A_1808 = arith.constant 0 : index
        %get3A_1809 = tpu.vector_load %arg9[%get3A_1807, %get3A_1808] {strides = array<i32>} : memref<128x128xf32, #tpu.memory_space<vmem>>, vector<16xf32>,
        %get3A_1810 = arith.index_cast %add3A_1794 : i32 to index
        %get3A_1811 = arith.constant 0 : index
        %get3A_1812 = tpu.vector_load %arg11[%get3A_1810, %get3A_1811] {strides = array<i32>} : memref<128x128xf32, #tpu.memory_space<vmem>>, vector<16xf32>,
        %get3A_1813 = arith.index_cast %add3A_1794 : i32 to index
        %get3A_1814 = arith.constant 16 : index
        %get3A_1815 = tpu.vector_load %arg9[%get3A_1813, %get3A_1814] {strides = array<i32>} : memref<128x128xf32, #tpu.memory_space<vmem>>, vector<16xf32>,
        %get3A_1816 = arith.index_cast %add3A_1794 : i32 to index
        %get3A_1817 = arith.constant 16 : index
        %get3A_1818 = tpu.vector_load %arg11[%get3A_1816, %get3A_1817] {strides = array<i32>} : memref<128x128xf32, #tpu.memory_space<vmem>>, vector<16xf32>,
        %mul3A_1819 = arith.mulf %get3A_1809, %get3A_1812 : vector<16xf32>
        %add3A_1820 = arith.addf %broadcast_in_dim3A_1796, %mul3A_1819 : vector<16xf32>
        %mul3A_1821 = arith.mulf %get3A_1809, %get3A_1809 : vector<16xf32>
        %add3A_1822 = arith.addf %broadcast_in_dim3A_1798, %mul3A_1821 : vector<16xf32>
        %mul3A_1823 = arith.mulf %get3A_1812, %get3A_1812 : vector<16xf32>
        %add3A_1824 = arith.addf %broadcast_in_dim3A_1800, %mul3A_1823 : vector<16xf32>
        %mul3A_1825 = arith.mulf %get3A_1815, %get3A_1818 : vector<16xf32>
        %add3A_1826 = arith.addf %broadcast_in_dim3A_1802, %mul3A_1825 : vector<16xf32>
        %mul3A_1827 = arith.mulf %get3A_1815, %get3A_1815 : vector<16xf32>
        %add3A_1828 = arith.addf %broadcast_in_dim3A_1804, %mul3A_1827 : vector<16xf32>
        %mul3A_1829 = arith.mulf %get3A_1818, %get3A_1818 : vector<16xf32>
        %add3A_1830 = arith.addf %broadcast_in_dim3A_1806, %mul3A_1829 : vector<16xf32>
        %get3A_1831 = arith.index_cast %add3A_1794 : i32 to index
        %get3A_1832 = arith.constant 32 : index
        %get3A_1833 = tpu.vector_load %arg9[%get3A_1831, %get3A_1832] {strides = array<i32>} : memref<128x128xf32, #tpu.memory_space<vmem>>, vector<16xf32>,
        %get3A_1834 = arith.index_cast %add3A_1794 : i32 to index
        %get3A_1835 = arith.constant 32 : index
        %get3A_1836 = tpu.vector_load %arg11[%get3A_1834, %get3A_1835] {strides = array<i32>} : memref<128x128xf32, #tpu.memory_space<vmem>>, vector<16xf32>,
        %get3A_1837 = arith.index_cast %add3A_1794 : i32 to index
        %get3A_1838 = arith.constant 48 : index
        %get3A_1839 = tpu.vector_load %arg9[%get3A_1837, %get3A_1838] {strides = array<i32>} : memref<128x128xf32, #tpu.memory_space<vmem>>, vector<16xf32>,
        %get3A_1840 = arith.index_cast %add3A_1794 : i32 to index
        %get3A_1841 = arith.constant 48 : index
        %get3A_1842 = tpu.vector_load %arg11[%get3A_1840, %get3A_1841] {strides = array<i32>} : memref<128x128xf32, #tpu.memory_space<vmem>>, vector<16xf32>,
        %mul3A_1843 = arith.mulf %get3A_1833, %get3A_1836 : vector<16xf32>
        %add3A_1844 = arith.addf %add3A_1820, %mul3A_1843 : vector<16xf32>
        %mul3A_1845 = arith.mulf %get3A_1833, %get3A_1833 : vector<16xf32>
        %add3A_1846 = arith.addf %add3A_1822, %mul3A_1845 : vector<16xf32>
        %mul3A_1847 = arith.mulf %get3A_1836, %get3A_1836 : vector<16xf32>
        %add3A_1848 = arith.addf %add3A_1824, %mul3A_1847 : vector<16xf32>
        %mul3A_1849 = arith.mulf %get3A_1839, %get3A_1842 : vector<16xf32>
        %add3A_1850 = arith.addf %add3A_1826, %mul3A_1849 : vector<16xf32>
        %mul3A_1851 = arith.mulf %get3A_1839, %get3A_1839 : vector<16xf32>
        %add3A_1852 = arith.addf %add3A_1828, %mul3A_1851 : vector<16xf32>
        %mul3A_1853 = arith.mulf %get3A_1842, %get3A_1842 : vector<16xf32>
        %add3A_1854 = arith.addf %add3A_1830, %mul3A_1853 : vector<16xf32>
        %get3A_1855 = arith.index_cast %add3A_1794 : i32 to index
        %get3A_1856 = arith.constant 64 : index
        %get3A_1857 = tpu.vector_load %arg9[%get3A_1855, %get3A_1856] {strides = array<i32>} : memref<128x128xf32, #tpu.memory_space<vmem>>, vector<16xf32>,
        %get3A_1858 = arith.index_cast %add3A_1794 : i32 to index
        %get3A_1859 = arith.constant 64 : index
        %get3A_1860 = tpu.vector_load %arg11[%get3A_1858, %get3A_1859] {strides = array<i32>} : memref<128x128xf32, #tpu.memory_space<vmem>>, vector<16xf32>,
        %get3A_1861 = arith.index_cast %add3A_1794 : i32 to index
        %get3A_1862 = arith.constant 80 : index
        %get3A_1863 = tpu.vector_load %arg9[%get3A_1861, %get3A_1862] {strides = array<i32>} : memref<128x128xf32, #tpu.memory_space<vmem>>, vector<16xf32>,
        %get3A_1864 = arith.index_cast %add3A_1794 : i32 to index
        %get3A_1865 = arith.constant 80 : index
        %get3A_1866 = tpu.vector_load %arg11[%get3A_1864, %get3A_1865] {strides = array<i32>} : memref<128x128xf32, #tpu.memory_space<vmem>>, vector<16xf32>,
        %mul3A_1867 = arith.mulf %get3A_1857, %get3A_1860 : vector<16xf32>
        %add3A_1868 = arith.addf %add3A_1844, %mul3A_1867 : vector<16xf32>
        %mul3A_1869 = arith.mulf %get3A_1857, %get3A_1857 : vector<16xf32>
        %add3A_1870 = arith.addf %add3A_1846, %mul3A_1869 : vector<16xf32>
        %mul3A_1871 = arith.mulf %get3A_1860, %get3A_1860 : vector<16xf32>
        %add3A_1872 = arith.addf %add3A_1848, %mul3A_1871 : vector<16xf32>
        %mul3A_1873 = arith.mulf %get3A_1863, %get3A_1866 : vector<16xf32>
        %add3A_1874 = arith.addf %add3A_1850, %mul3A_1873 : vector<16xf32>
        %mul3A_1875 = arith.mulf %get3A_1863, %get3A_1863 : vector<16xf32>
        %add3A_1876 = arith.addf %add3A_1852, %mul3A_1875 : vector<16xf32>
        %mul3A_1877 = arith.mulf %get3A_1866, %get3A_1866 : vector<16xf32>
        %add3A_1878 = arith.addf %add3A_1854, %mul3A_1877 : vector<16xf32>
        %get3A_1879 = arith.index_cast %add3A_1794 : i32 to index
        %get3A_1880 = arith.constant 96 : index
        %get3A_1881 = tpu.vector_load %arg9[%get3A_1879, %get3A_1880] {strides = array<i32>} : memref<128x128xf32, #tpu.memory_space<vmem>>, vector<16xf32>,
        %get3A_1882 = arith.index_cast %add3A_1794 : i32 to index
        %get3A_1883 = arith.constant 96 : index
        %get3A_1884 = tpu.vector_load %arg11[%get3A_1882, %get3A_1883] {strides = array<i32>} : memref<128x128xf32, #tpu.memory_space<vmem>>, vector<16xf32>,
        %get3A_1885 = arith.index_cast %add3A_1794 : i32 to index
        %get3A_1886 = arith.constant 112 : index
        %get3A_1887 = tpu.vector_load %arg9[%get3A_1885, %get3A_1886] {strides = array<i32>} : memref<128x128xf32, #tpu.memory_space<vmem>>, vector<16xf32>,
        %get3A_1888 = arith.index_cast %add3A_1794 : i32 to index
        %get3A_1889 = arith.constant 112 : index
        %get3A_1890 = tpu.vector_load %arg11[%get3A_1888, %get3A_1889] {strides = array<i32>} : memref<128x128xf32, #tpu.memory_space<vmem>>, vector<16xf32>,
        %mul3A_1891 = arith.mulf %get3A_1881, %get3A_1884 : vector<16xf32>
        %add3A_1892 = arith.addf %add3A_1868, %mul3A_1891 : vector<16xf32>
        %mul3A_1893 = arith.mulf %get3A_1881, %get3A_1881 : vector<16xf32>
        %add3A_1894 = arith.addf %add3A_1870, %mul3A_1893 : vector<16xf32>
        %mul3A_1895 = arith.mulf %get3A_1884, %get3A_1884 : vector<16xf32>
        %add3A_1896 = arith.addf %add3A_1872, %mul3A_1895 : vector<16xf32>
        %mul3A_1897 = arith.mulf %get3A_1887, %get3A_1890 : vector<16xf32>
        %add3A_1898 = arith.addf %add3A_1874, %mul3A_1897 : vector<16xf32>
        %mul3A_1899 = arith.mulf %get3A_1887, %get3A_1887 : vector<16xf32>
        %add3A_1900 = arith.addf %add3A_1876, %mul3A_1899 : vector<16xf32>
        %mul3A_1901 = arith.mulf %get3A_1890, %get3A_1890 : vector<16xf32>
        %add3A_1902 = arith.addf %add3A_1878, %mul3A_1901 : vector<16xf32>
        %eq3A_1903 = arith.constant 12 : i32
        %eq3A_1904 = vector.broadcast %eq3A_1903 : i32 to vector<16xi32>
        %eq3A_1905 = arith.cmpi eq, %iota3A, %eq3A_1904 : vector<16xi32>
        %add3A_1906 = arith.addf %add3A_1892, %add3A_1898 : vector<16xf32>
        %reduce_sum3A_1907 = arith.constant true
        %reduce_sum3A_1908 = vector.broadcast %reduce_sum3A_1907 : i1 to vector<16xi1>
        %reduce_sum3A_1909 = tpu.scan <sum>, %add3A_1906 masked %reduce_sum3A_1908 : vector<16xf32>, vector<16xi1> -> vector<16xf32>
        %reduce_sum3A_1910 = vector.extract %reduce_sum3A_1909[15] : f32 from vector<16xf32>
        %broadcast_in_dim3A_1911 = vector.broadcast %reduce_sum3A_1910 : f32 to vector<16xf32>
        %select_n3A_1912 = arith.select %eq3A_1905, %broadcast_in_dim3A_1911, %select_n3A_1770 : vector<16xi1>, vector<16xf32>
        %eq3A_1913 = arith.constant 12 : i32
        %eq3A_1914 = vector.broadcast %eq3A_1913 : i32 to vector<16xi32>
        %eq3A_1915 = arith.cmpi eq, %iota3A, %eq3A_1914 : vector<16xi32>
        %add3A_1916 = arith.addf %add3A_1894, %add3A_1900 : vector<16xf32>
        %reduce_sum3A_1917 = arith.constant true
        %reduce_sum3A_1918 = vector.broadcast %reduce_sum3A_1917 : i1 to vector<16xi1>
        %reduce_sum3A_1919 = tpu.scan <sum>, %add3A_1916 masked %reduce_sum3A_1918 : vector<16xf32>, vector<16xi1> -> vector<16xf32>
        %reduce_sum3A_1920 = vector.extract %reduce_sum3A_1919[15] : f32 from vector<16xf32>
        %broadcast_in_dim3A_1921 = vector.broadcast %reduce_sum3A_1920 : f32 to vector<16xf32>
        %select_n3A_1922 = arith.select %eq3A_1915, %broadcast_in_dim3A_1921, %select_n3A_1780 : vector<16xi1>, vector<16xf32>
        %eq3A_1923 = arith.constant 12 : i32
        %eq3A_1924 = vector.broadcast %eq3A_1923 : i32 to vector<16xi32>
        %eq3A_1925 = arith.cmpi eq, %iota3A, %eq3A_1924 : vector<16xi32>
        %add3A_1926 = arith.addf %add3A_1896, %add3A_1902 : vector<16xf32>
        %reduce_sum3A_1927 = arith.constant true
        %reduce_sum3A_1928 = vector.broadcast %reduce_sum3A_1927 : i1 to vector<16xi1>
        %reduce_sum3A_1929 = tpu.scan <sum>, %add3A_1926 masked %reduce_sum3A_1928 : vector<16xf32>, vector<16xi1> -> vector<16xf32>
        %reduce_sum3A_1930 = vector.extract %reduce_sum3A_1929[15] : f32 from vector<16xf32>
        %broadcast_in_dim3A_1931 = vector.broadcast %reduce_sum3A_1930 : f32 to vector<16xf32>
        %select_n3A_1932 = arith.select %eq3A_1925, %broadcast_in_dim3A_1931, %select_n3A_1790 : vector<16xi1>, vector<16xf32>
        %mul3A_1933 = arith.constant 16 : i32
        %mul3A_1934 = arith.muli %scan3A_83, %mul3A_1933 : i32
        %add3A_1935 = arith.constant 13 : i32
        %add3A_1936 = arith.addi %mul3A_1934, %add3A_1935 : i32
        %broadcast_in_dim3A_1937 = arith.constant 0.000000e+00 : f32
        %broadcast_in_dim3A_1938 = vector.broadcast %broadcast_in_dim3A_1937 : f32 to vector<16xf32>
        %broadcast_in_dim3A_1939 = arith.constant 0.000000e+00 : f32
        %broadcast_in_dim3A_1940 = vector.broadcast %broadcast_in_dim3A_1939 : f32 to vector<16xf32>
        %broadcast_in_dim3A_1941 = arith.constant 0.000000e+00 : f32
        %broadcast_in_dim3A_1942 = vector.broadcast %broadcast_in_dim3A_1941 : f32 to vector<16xf32>
        %broadcast_in_dim3A_1943 = arith.constant 0.000000e+00 : f32
        %broadcast_in_dim3A_1944 = vector.broadcast %broadcast_in_dim3A_1943 : f32 to vector<16xf32>
        %broadcast_in_dim3A_1945 = arith.constant 0.000000e+00 : f32
        %broadcast_in_dim3A_1946 = vector.broadcast %broadcast_in_dim3A_1945 : f32 to vector<16xf32>
        %broadcast_in_dim3A_1947 = arith.constant 0.000000e+00 : f32
        %broadcast_in_dim3A_1948 = vector.broadcast %broadcast_in_dim3A_1947 : f32 to vector<16xf32>
        %get3A_1949 = arith.index_cast %add3A_1936 : i32 to index
        %get3A_1950 = arith.constant 0 : index
        %get3A_1951 = tpu.vector_load %arg9[%get3A_1949, %get3A_1950] {strides = array<i32>} : memref<128x128xf32, #tpu.memory_space<vmem>>, vector<16xf32>,
        %get3A_1952 = arith.index_cast %add3A_1936 : i32 to index
        %get3A_1953 = arith.constant 0 : index
        %get3A_1954 = tpu.vector_load %arg11[%get3A_1952, %get3A_1953] {strides = array<i32>} : memref<128x128xf32, #tpu.memory_space<vmem>>, vector<16xf32>,
        %get3A_1955 = arith.index_cast %add3A_1936 : i32 to index
        %get3A_1956 = arith.constant 16 : index
        %get3A_1957 = tpu.vector_load %arg9[%get3A_1955, %get3A_1956] {strides = array<i32>} : memref<128x128xf32, #tpu.memory_space<vmem>>, vector<16xf32>,
        %get3A_1958 = arith.index_cast %add3A_1936 : i32 to index
        %get3A_1959 = arith.constant 16 : index
        %get3A_1960 = tpu.vector_load %arg11[%get3A_1958, %get3A_1959] {strides = array<i32>} : memref<128x128xf32, #tpu.memory_space<vmem>>, vector<16xf32>,
        %mul3A_1961 = arith.mulf %get3A_1951, %get3A_1954 : vector<16xf32>
        %add3A_1962 = arith.addf %broadcast_in_dim3A_1938, %mul3A_1961 : vector<16xf32>
        %mul3A_1963 = arith.mulf %get3A_1951, %get3A_1951 : vector<16xf32>
        %add3A_1964 = arith.addf %broadcast_in_dim3A_1940, %mul3A_1963 : vector<16xf32>
        %mul3A_1965 = arith.mulf %get3A_1954, %get3A_1954 : vector<16xf32>
        %add3A_1966 = arith.addf %broadcast_in_dim3A_1942, %mul3A_1965 : vector<16xf32>
        %mul3A_1967 = arith.mulf %get3A_1957, %get3A_1960 : vector<16xf32>
        %add3A_1968 = arith.addf %broadcast_in_dim3A_1944, %mul3A_1967 : vector<16xf32>
        %mul3A_1969 = arith.mulf %get3A_1957, %get3A_1957 : vector<16xf32>
        %add3A_1970 = arith.addf %broadcast_in_dim3A_1946, %mul3A_1969 : vector<16xf32>
        %mul3A_1971 = arith.mulf %get3A_1960, %get3A_1960 : vector<16xf32>
        %add3A_1972 = arith.addf %broadcast_in_dim3A_1948, %mul3A_1971 : vector<16xf32>
        %get3A_1973 = arith.index_cast %add3A_1936 : i32 to index
        %get3A_1974 = arith.constant 32 : index
        %get3A_1975 = tpu.vector_load %arg9[%get3A_1973, %get3A_1974] {strides = array<i32>} : memref<128x128xf32, #tpu.memory_space<vmem>>, vector<16xf32>,
        %get3A_1976 = arith.index_cast %add3A_1936 : i32 to index
        %get3A_1977 = arith.constant 32 : index
        %get3A_1978 = tpu.vector_load %arg11[%get3A_1976, %get3A_1977] {strides = array<i32>} : memref<128x128xf32, #tpu.memory_space<vmem>>, vector<16xf32>,
        %get3A_1979 = arith.index_cast %add3A_1936 : i32 to index
        %get3A_1980 = arith.constant 48 : index
        %get3A_1981 = tpu.vector_load %arg9[%get3A_1979, %get3A_1980] {strides = array<i32>} : memref<128x128xf32, #tpu.memory_space<vmem>>, vector<16xf32>,
        %get3A_1982 = arith.index_cast %add3A_1936 : i32 to index
        %get3A_1983 = arith.constant 48 : index
        %get3A_1984 = tpu.vector_load %arg11[%get3A_1982, %get3A_1983] {strides = array<i32>} : memref<128x128xf32, #tpu.memory_space<vmem>>, vector<16xf32>,
        %mul3A_1985 = arith.mulf %get3A_1975, %get3A_1978 : vector<16xf32>
        %add3A_1986 = arith.addf %add3A_1962, %mul3A_1985 : vector<16xf32>
        %mul3A_1987 = arith.mulf %get3A_1975, %get3A_1975 : vector<16xf32>
        %add3A_1988 = arith.addf %add3A_1964, %mul3A_1987 : vector<16xf32>
        %mul3A_1989 = arith.mulf %get3A_1978, %get3A_1978 : vector<16xf32>
        %add3A_1990 = arith.addf %add3A_1966, %mul3A_1989 : vector<16xf32>
        %mul3A_1991 = arith.mulf %get3A_1981, %get3A_1984 : vector<16xf32>
        %add3A_1992 = arith.addf %add3A_1968, %mul3A_1991 : vector<16xf32>
        %mul3A_1993 = arith.mulf %get3A_1981, %get3A_1981 : vector<16xf32>
        %add3A_1994 = arith.addf %add3A_1970, %mul3A_1993 : vector<16xf32>
        %mul3A_1995 = arith.mulf %get3A_1984, %get3A_1984 : vector<16xf32>
        %add3A_1996 = arith.addf %add3A_1972, %mul3A_1995 : vector<16xf32>
        %get3A_1997 = arith.index_cast %add3A_1936 : i32 to index
        %get3A_1998 = arith.constant 64 : index
        %get3A_1999 = tpu.vector_load %arg9[%get3A_1997, %get3A_1998] {strides = array<i32>} : memref<128x128xf32, #tpu.memory_space<vmem>>, vector<16xf32>,
        %get3A_2000 = arith.index_cast %add3A_1936 : i32 to index
        %get3A_2001 = arith.constant 64 : index
        %get3A_2002 = tpu.vector_load %arg11[%get3A_2000, %get3A_2001] {strides = array<i32>} : memref<128x128xf32, #tpu.memory_space<vmem>>, vector<16xf32>,
        %get3A_2003 = arith.index_cast %add3A_1936 : i32 to index
        %get3A_2004 = arith.constant 80 : index
        %get3A_2005 = tpu.vector_load %arg9[%get3A_2003, %get3A_2004] {strides = array<i32>} : memref<128x128xf32, #tpu.memory_space<vmem>>, vector<16xf32>,
        %get3A_2006 = arith.index_cast %add3A_1936 : i32 to index
        %get3A_2007 = arith.constant 80 : index
        %get3A_2008 = tpu.vector_load %arg11[%get3A_2006, %get3A_2007] {strides = array<i32>} : memref<128x128xf32, #tpu.memory_space<vmem>>, vector<16xf32>,
        %mul3A_2009 = arith.mulf %get3A_1999, %get3A_2002 : vector<16xf32>
        %add3A_2010 = arith.addf %add3A_1986, %mul3A_2009 : vector<16xf32>
        %mul3A_2011 = arith.mulf %get3A_1999, %get3A_1999 : vector<16xf32>
        %add3A_2012 = arith.addf %add3A_1988, %mul3A_2011 : vector<16xf32>
        %mul3A_2013 = arith.mulf %get3A_2002, %get3A_2002 : vector<16xf32>
        %add3A_2014 = arith.addf %add3A_1990, %mul3A_2013 : vector<16xf32>
        %mul3A_2015 = arith.mulf %get3A_2005, %get3A_2008 : vector<16xf32>
        %add3A_2016 = arith.addf %add3A_1992, %mul3A_2015 : vector<16xf32>
        %mul3A_2017 = arith.mulf %get3A_2005, %get3A_2005 : vector<16xf32>
        %add3A_2018 = arith.addf %add3A_1994, %mul3A_2017 : vector<16xf32>
        %mul3A_2019 = arith.mulf %get3A_2008, %get3A_2008 : vector<16xf32>
        %add3A_2020 = arith.addf %add3A_1996, %mul3A_2019 : vector<16xf32>
        %get3A_2021 = arith.index_cast %add3A_1936 : i32 to index
        %get3A_2022 = arith.constant 96 : index
        %get3A_2023 = tpu.vector_load %arg9[%get3A_2021, %get3A_2022] {strides = array<i32>} : memref<128x128xf32, #tpu.memory_space<vmem>>, vector<16xf32>,
        %get3A_2024 = arith.index_cast %add3A_1936 : i32 to index
        %get3A_2025 = arith.constant 96 : index
        %get3A_2026 = tpu.vector_load %arg11[%get3A_2024, %get3A_2025] {strides = array<i32>} : memref<128x128xf32, #tpu.memory_space<vmem>>, vector<16xf32>,
        %get3A_2027 = arith.index_cast %add3A_1936 : i32 to index
        %get3A_2028 = arith.constant 112 : index
        %get3A_2029 = tpu.vector_load %arg9[%get3A_2027, %get3A_2028] {strides = array<i32>} : memref<128x128xf32, #tpu.memory_space<vmem>>, vector<16xf32>,
        %get3A_2030 = arith.index_cast %add3A_1936 : i32 to index
        %get3A_2031 = arith.constant 112 : index
        %get3A_2032 = tpu.vector_load %arg11[%get3A_2030, %get3A_2031] {strides = array<i32>} : memref<128x128xf32, #tpu.memory_space<vmem>>, vector<16xf32>,
        %mul3A_2033 = arith.mulf %get3A_2023, %get3A_2026 : vector<16xf32>
        %add3A_2034 = arith.addf %add3A_2010, %mul3A_2033 : vector<16xf32>
        %mul3A_2035 = arith.mulf %get3A_2023, %get3A_2023 : vector<16xf32>
        %add3A_2036 = arith.addf %add3A_2012, %mul3A_2035 : vector<16xf32>
        %mul3A_2037 = arith.mulf %get3A_2026, %get3A_2026 : vector<16xf32>
        %add3A_2038 = arith.addf %add3A_2014, %mul3A_2037 : vector<16xf32>
        %mul3A_2039 = arith.mulf %get3A_2029, %get3A_2032 : vector<16xf32>
        %add3A_2040 = arith.addf %add3A_2016, %mul3A_2039 : vector<16xf32>
        %mul3A_2041 = arith.mulf %get3A_2029, %get3A_2029 : vector<16xf32>
        %add3A_2042 = arith.addf %add3A_2018, %mul3A_2041 : vector<16xf32>
        %mul3A_2043 = arith.mulf %get3A_2032, %get3A_2032 : vector<16xf32>
        %add3A_2044 = arith.addf %add3A_2020, %mul3A_2043 : vector<16xf32>
        %eq3A_2045 = arith.constant 13 : i32
        %eq3A_2046 = vector.broadcast %eq3A_2045 : i32 to vector<16xi32>
        %eq3A_2047 = arith.cmpi eq, %iota3A, %eq3A_2046 : vector<16xi32>
        %add3A_2048 = arith.addf %add3A_2034, %add3A_2040 : vector<16xf32>
        %reduce_sum3A_2049 = arith.constant true
        %reduce_sum3A_2050 = vector.broadcast %reduce_sum3A_2049 : i1 to vector<16xi1>
        %reduce_sum3A_2051 = tpu.scan <sum>, %add3A_2048 masked %reduce_sum3A_2050 : vector<16xf32>, vector<16xi1> -> vector<16xf32>
        %reduce_sum3A_2052 = vector.extract %reduce_sum3A_2051[15] : f32 from vector<16xf32>
        %broadcast_in_dim3A_2053 = vector.broadcast %reduce_sum3A_2052 : f32 to vector<16xf32>
        %select_n3A_2054 = arith.select %eq3A_2047, %broadcast_in_dim3A_2053, %select_n3A_1912 : vector<16xi1>, vector<16xf32>
        %eq3A_2055 = arith.constant 13 : i32
        %eq3A_2056 = vector.broadcast %eq3A_2055 : i32 to vector<16xi32>
        %eq3A_2057 = arith.cmpi eq, %iota3A, %eq3A_2056 : vector<16xi32>
        %add3A_2058 = arith.addf %add3A_2036, %add3A_2042 : vector<16xf32>
        %reduce_sum3A_2059 = arith.constant true
        %reduce_sum3A_2060 = vector.broadcast %reduce_sum3A_2059 : i1 to vector<16xi1>
        %reduce_sum3A_2061 = tpu.scan <sum>, %add3A_2058 masked %reduce_sum3A_2060 : vector<16xf32>, vector<16xi1> -> vector<16xf32>
        %reduce_sum3A_2062 = vector.extract %reduce_sum3A_2061[15] : f32 from vector<16xf32>
        %broadcast_in_dim3A_2063 = vector.broadcast %reduce_sum3A_2062 : f32 to vector<16xf32>
        %select_n3A_2064 = arith.select %eq3A_2057, %broadcast_in_dim3A_2063, %select_n3A_1922 : vector<16xi1>, vector<16xf32>
        %eq3A_2065 = arith.constant 13 : i32
        %eq3A_2066 = vector.broadcast %eq3A_2065 : i32 to vector<16xi32>
        %eq3A_2067 = arith.cmpi eq, %iota3A, %eq3A_2066 : vector<16xi32>
        %add3A_2068 = arith.addf %add3A_2038, %add3A_2044 : vector<16xf32>
        %reduce_sum3A_2069 = arith.constant true
        %reduce_sum3A_2070 = vector.broadcast %reduce_sum3A_2069 : i1 to vector<16xi1>
        %reduce_sum3A_2071 = tpu.scan <sum>, %add3A_2068 masked %reduce_sum3A_2070 : vector<16xf32>, vector<16xi1> -> vector<16xf32>
        %reduce_sum3A_2072 = vector.extract %reduce_sum3A_2071[15] : f32 from vector<16xf32>
        %broadcast_in_dim3A_2073 = vector.broadcast %reduce_sum3A_2072 : f32 to vector<16xf32>
        %select_n3A_2074 = arith.select %eq3A_2067, %broadcast_in_dim3A_2073, %select_n3A_1932 : vector<16xi1>, vector<16xf32>
        %mul3A_2075 = arith.constant 16 : i32
        %mul3A_2076 = arith.muli %scan3A_83, %mul3A_2075 : i32
        %add3A_2077 = arith.constant 14 : i32
        %add3A_2078 = arith.addi %mul3A_2076, %add3A_2077 : i32
        %broadcast_in_dim3A_2079 = arith.constant 0.000000e+00 : f32
        %broadcast_in_dim3A_2080 = vector.broadcast %broadcast_in_dim3A_2079 : f32 to vector<16xf32>
        %broadcast_in_dim3A_2081 = arith.constant 0.000000e+00 : f32
        %broadcast_in_dim3A_2082 = vector.broadcast %broadcast_in_dim3A_2081 : f32 to vector<16xf32>
        %broadcast_in_dim3A_2083 = arith.constant 0.000000e+00 : f32
        %broadcast_in_dim3A_2084 = vector.broadcast %broadcast_in_dim3A_2083 : f32 to vector<16xf32>
        %broadcast_in_dim3A_2085 = arith.constant 0.000000e+00 : f32
        %broadcast_in_dim3A_2086 = vector.broadcast %broadcast_in_dim3A_2085 : f32 to vector<16xf32>
        %broadcast_in_dim3A_2087 = arith.constant 0.000000e+00 : f32
        %broadcast_in_dim3A_2088 = vector.broadcast %broadcast_in_dim3A_2087 : f32 to vector<16xf32>
        %broadcast_in_dim3A_2089 = arith.constant 0.000000e+00 : f32
        %broadcast_in_dim3A_2090 = vector.broadcast %broadcast_in_dim3A_2089 : f32 to vector<16xf32>
        %get3A_2091 = arith.index_cast %add3A_2078 : i32 to index
        %get3A_2092 = arith.constant 0 : index
        %get3A_2093 = tpu.vector_load %arg9[%get3A_2091, %get3A_2092] {strides = array<i32>} : memref<128x128xf32, #tpu.memory_space<vmem>>, vector<16xf32>,
        %get3A_2094 = arith.index_cast %add3A_2078 : i32 to index
        %get3A_2095 = arith.constant 0 : index
        %get3A_2096 = tpu.vector_load %arg11[%get3A_2094, %get3A_2095] {strides = array<i32>} : memref<128x128xf32, #tpu.memory_space<vmem>>, vector<16xf32>,
        %get3A_2097 = arith.index_cast %add3A_2078 : i32 to index
        %get3A_2098 = arith.constant 16 : index
        %get3A_2099 = tpu.vector_load %arg9[%get3A_2097, %get3A_2098] {strides = array<i32>} : memref<128x128xf32, #tpu.memory_space<vmem>>, vector<16xf32>,
        %get3A_2100 = arith.index_cast %add3A_2078 : i32 to index
        %get3A_2101 = arith.constant 16 : index
        %get3A_2102 = tpu.vector_load %arg11[%get3A_2100, %get3A_2101] {strides = array<i32>} : memref<128x128xf32, #tpu.memory_space<vmem>>, vector<16xf32>,
        %mul3A_2103 = arith.mulf %get3A_2093, %get3A_2096 : vector<16xf32>
        %add3A_2104 = arith.addf %broadcast_in_dim3A_2080, %mul3A_2103 : vector<16xf32>
        %mul3A_2105 = arith.mulf %get3A_2093, %get3A_2093 : vector<16xf32>
        %add3A_2106 = arith.addf %broadcast_in_dim3A_2082, %mul3A_2105 : vector<16xf32>
        %mul3A_2107 = arith.mulf %get3A_2096, %get3A_2096 : vector<16xf32>
        %add3A_2108 = arith.addf %broadcast_in_dim3A_2084, %mul3A_2107 : vector<16xf32>
        %mul3A_2109 = arith.mulf %get3A_2099, %get3A_2102 : vector<16xf32>
        %add3A_2110 = arith.addf %broadcast_in_dim3A_2086, %mul3A_2109 : vector<16xf32>
        %mul3A_2111 = arith.mulf %get3A_2099, %get3A_2099 : vector<16xf32>
        %add3A_2112 = arith.addf %broadcast_in_dim3A_2088, %mul3A_2111 : vector<16xf32>
        %mul3A_2113 = arith.mulf %get3A_2102, %get3A_2102 : vector<16xf32>
        %add3A_2114 = arith.addf %broadcast_in_dim3A_2090, %mul3A_2113 : vector<16xf32>
        %get3A_2115 = arith.index_cast %add3A_2078 : i32 to index
        %get3A_2116 = arith.constant 32 : index
        %get3A_2117 = tpu.vector_load %arg9[%get3A_2115, %get3A_2116] {strides = array<i32>} : memref<128x128xf32, #tpu.memory_space<vmem>>, vector<16xf32>,
        %get3A_2118 = arith.index_cast %add3A_2078 : i32 to index
        %get3A_2119 = arith.constant 32 : index
        %get3A_2120 = tpu.vector_load %arg11[%get3A_2118, %get3A_2119] {strides = array<i32>} : memref<128x128xf32, #tpu.memory_space<vmem>>, vector<16xf32>,
        %get3A_2121 = arith.index_cast %add3A_2078 : i32 to index
        %get3A_2122 = arith.constant 48 : index
        %get3A_2123 = tpu.vector_load %arg9[%get3A_2121, %get3A_2122] {strides = array<i32>} : memref<128x128xf32, #tpu.memory_space<vmem>>, vector<16xf32>,
        %get3A_2124 = arith.index_cast %add3A_2078 : i32 to index
        %get3A_2125 = arith.constant 48 : index
        %get3A_2126 = tpu.vector_load %arg11[%get3A_2124, %get3A_2125] {strides = array<i32>} : memref<128x128xf32, #tpu.memory_space<vmem>>, vector<16xf32>,
        %mul3A_2127 = arith.mulf %get3A_2117, %get3A_2120 : vector<16xf32>
        %add3A_2128 = arith.addf %add3A_2104, %mul3A_2127 : vector<16xf32>
        %mul3A_2129 = arith.mulf %get3A_2117, %get3A_2117 : vector<16xf32>
        %add3A_2130 = arith.addf %add3A_2106, %mul3A_2129 : vector<16xf32>
        %mul3A_2131 = arith.mulf %get3A_2120, %get3A_2120 : vector<16xf32>
        %add3A_2132 = arith.addf %add3A_2108, %mul3A_2131 : vector<16xf32>
        %mul3A_2133 = arith.mulf %get3A_2123, %get3A_2126 : vector<16xf32>
        %add3A_2134 = arith.addf %add3A_2110, %mul3A_2133 : vector<16xf32>
        %mul3A_2135 = arith.mulf %get3A_2123, %get3A_2123 : vector<16xf32>
        %add3A_2136 = arith.addf %add3A_2112, %mul3A_2135 : vector<16xf32>
        %mul3A_2137 = arith.mulf %get3A_2126, %get3A_2126 : vector<16xf32>
        %add3A_2138 = arith.addf %add3A_2114, %mul3A_2137 : vector<16xf32>
        %get3A_2139 = arith.index_cast %add3A_2078 : i32 to index
        %get3A_2140 = arith.constant 64 : index
        %get3A_2141 = tpu.vector_load %arg9[%get3A_2139, %get3A_2140] {strides = array<i32>} : memref<128x128xf32, #tpu.memory_space<vmem>>, vector<16xf32>,
        %get3A_2142 = arith.index_cast %add3A_2078 : i32 to index
        %get3A_2143 = arith.constant 64 : index
        %get3A_2144 = tpu.vector_load %arg11[%get3A_2142, %get3A_2143] {strides = array<i32>} : memref<128x128xf32, #tpu.memory_space<vmem>>, vector<16xf32>,
        %get3A_2145 = arith.index_cast %add3A_2078 : i32 to index
        %get3A_2146 = arith.constant 80 : index
        %get3A_2147 = tpu.vector_load %arg9[%get3A_2145, %get3A_2146] {strides = array<i32>} : memref<128x128xf32, #tpu.memory_space<vmem>>, vector<16xf32>,
        %get3A_2148 = arith.index_cast %add3A_2078 : i32 to index
        %get3A_2149 = arith.constant 80 : index
        %get3A_2150 = tpu.vector_load %arg11[%get3A_2148, %get3A_2149] {strides = array<i32>} : memref<128x128xf32, #tpu.memory_space<vmem>>, vector<16xf32>,
        %mul3A_2151 = arith.mulf %get3A_2141, %get3A_2144 : vector<16xf32>
        %add3A_2152 = arith.addf %add3A_2128, %mul3A_2151 : vector<16xf32>
        %mul3A_2153 = arith.mulf %get3A_2141, %get3A_2141 : vector<16xf32>
        %add3A_2154 = arith.addf %add3A_2130, %mul3A_2153 : vector<16xf32>
        %mul3A_2155 = arith.mulf %get3A_2144, %get3A_2144 : vector<16xf32>
        %add3A_2156 = arith.addf %add3A_2132, %mul3A_2155 : vector<16xf32>
        %mul3A_2157 = arith.mulf %get3A_2147, %get3A_2150 : vector<16xf32>
        %add3A_2158 = arith.addf %add3A_2134, %mul3A_2157 : vector<16xf32>
        %mul3A_2159 = arith.mulf %get3A_2147, %get3A_2147 : vector<16xf32>
        %add3A_2160 = arith.addf %add3A_2136, %mul3A_2159 : vector<16xf32>
        %mul3A_2161 = arith.mulf %get3A_2150, %get3A_2150 : vector<16xf32>
        %add3A_2162 = arith.addf %add3A_2138, %mul3A_2161 : vector<16xf32>
        %get3A_2163 = arith.index_cast %add3A_2078 : i32 to index
        %get3A_2164 = arith.constant 96 : index
        %get3A_2165 = tpu.vector_load %arg9[%get3A_2163, %get3A_2164] {strides = array<i32>} : memref<128x128xf32, #tpu.memory_space<vmem>>, vector<16xf32>,
        %get3A_2166 = arith.index_cast %add3A_2078 : i32 to index
        %get3A_2167 = arith.constant 96 : index
        %get3A_2168 = tpu.vector_load %arg11[%get3A_2166, %get3A_2167] {strides = array<i32>} : memref<128x128xf32, #tpu.memory_space<vmem>>, vector<16xf32>,
        %get3A_2169 = arith.index_cast %add3A_2078 : i32 to index
        %get3A_2170 = arith.constant 112 : index
        %get3A_2171 = tpu.vector_load %arg9[%get3A_2169, %get3A_2170] {strides = array<i32>} : memref<128x128xf32, #tpu.memory_space<vmem>>, vector<16xf32>,
        %get3A_2172 = arith.index_cast %add3A_2078 : i32 to index
        %get3A_2173 = arith.constant 112 : index
        %get3A_2174 = tpu.vector_load %arg11[%get3A_2172, %get3A_2173] {strides = array<i32>} : memref<128x128xf32, #tpu.memory_space<vmem>>, vector<16xf32>,
        %mul3A_2175 = arith.mulf %get3A_2165, %get3A_2168 : vector<16xf32>
        %add3A_2176 = arith.addf %add3A_2152, %mul3A_2175 : vector<16xf32>
        %mul3A_2177 = arith.mulf %get3A_2165, %get3A_2165 : vector<16xf32>
        %add3A_2178 = arith.addf %add3A_2154, %mul3A_2177 : vector<16xf32>
        %mul3A_2179 = arith.mulf %get3A_2168, %get3A_2168 : vector<16xf32>
        %add3A_2180 = arith.addf %add3A_2156, %mul3A_2179 : vector<16xf32>
        %mul3A_2181 = arith.mulf %get3A_2171, %get3A_2174 : vector<16xf32>
        %add3A_2182 = arith.addf %add3A_2158, %mul3A_2181 : vector<16xf32>
        %mul3A_2183 = arith.mulf %get3A_2171, %get3A_2171 : vector<16xf32>
        %add3A_2184 = arith.addf %add3A_2160, %mul3A_2183 : vector<16xf32>
        %mul3A_2185 = arith.mulf %get3A_2174, %get3A_2174 : vector<16xf32>
        %add3A_2186 = arith.addf %add3A_2162, %mul3A_2185 : vector<16xf32>
        %eq3A_2187 = arith.constant 14 : i32
        %eq3A_2188 = vector.broadcast %eq3A_2187 : i32 to vector<16xi32>
        %eq3A_2189 = arith.cmpi eq, %iota3A, %eq3A_2188 : vector<16xi32>
        %add3A_2190 = arith.addf %add3A_2176, %add3A_2182 : vector<16xf32>
        %reduce_sum3A_2191 = arith.constant true
        %reduce_sum3A_2192 = vector.broadcast %reduce_sum3A_2191 : i1 to vector<16xi1>
        %reduce_sum3A_2193 = tpu.scan <sum>, %add3A_2190 masked %reduce_sum3A_2192 : vector<16xf32>, vector<16xi1> -> vector<16xf32>
        %reduce_sum3A_2194 = vector.extract %reduce_sum3A_2193[15] : f32 from vector<16xf32>
        %broadcast_in_dim3A_2195 = vector.broadcast %reduce_sum3A_2194 : f32 to vector<16xf32>
        %select_n3A_2196 = arith.select %eq3A_2189, %broadcast_in_dim3A_2195, %select_n3A_2054 : vector<16xi1>, vector<16xf32>
        %eq3A_2197 = arith.constant 14 : i32
        %eq3A_2198 = vector.broadcast %eq3A_2197 : i32 to vector<16xi32>
        %eq3A_2199 = arith.cmpi eq, %iota3A, %eq3A_2198 : vector<16xi32>
        %add3A_2200 = arith.addf %add3A_2178, %add3A_2184 : vector<16xf32>
        %reduce_sum3A_2201 = arith.constant true
        %reduce_sum3A_2202 = vector.broadcast %reduce_sum3A_2201 : i1 to vector<16xi1>
        %reduce_sum3A_2203 = tpu.scan <sum>, %add3A_2200 masked %reduce_sum3A_2202 : vector<16xf32>, vector<16xi1> -> vector<16xf32>
        %reduce_sum3A_2204 = vector.extract %reduce_sum3A_2203[15] : f32 from vector<16xf32>
        %broadcast_in_dim3A_2205 = vector.broadcast %reduce_sum3A_2204 : f32 to vector<16xf32>
        %select_n3A_2206 = arith.select %eq3A_2199, %broadcast_in_dim3A_2205, %select_n3A_2064 : vector<16xi1>, vector<16xf32>
        %eq3A_2207 = arith.constant 14 : i32
        %eq3A_2208 = vector.broadcast %eq3A_2207 : i32 to vector<16xi32>
        %eq3A_2209 = arith.cmpi eq, %iota3A, %eq3A_2208 : vector<16xi32>
        %add3A_2210 = arith.addf %add3A_2180, %add3A_2186 : vector<16xf32>
        %reduce_sum3A_2211 = arith.constant true
        %reduce_sum3A_2212 = vector.broadcast %reduce_sum3A_2211 : i1 to vector<16xi1>
        %reduce_sum3A_2213 = tpu.scan <sum>, %add3A_2210 masked %reduce_sum3A_2212 : vector<16xf32>, vector<16xi1> -> vector<16xf32>
        %reduce_sum3A_2214 = vector.extract %reduce_sum3A_2213[15] : f32 from vector<16xf32>
        %broadcast_in_dim3A_2215 = vector.broadcast %reduce_sum3A_2214 : f32 to vector<16xf32>
        %select_n3A_2216 = arith.select %eq3A_2209, %broadcast_in_dim3A_2215, %select_n3A_2074 : vector<16xi1>, vector<16xf32>
        %mul3A_2217 = arith.constant 16 : i32
        %mul3A_2218 = arith.muli %scan3A_83, %mul3A_2217 : i32
        %add3A_2219 = arith.constant 15 : i32
        %add3A_2220 = arith.addi %mul3A_2218, %add3A_2219 : i32
        %broadcast_in_dim3A_2221 = arith.constant 0.000000e+00 : f32
        %broadcast_in_dim3A_2222 = vector.broadcast %broadcast_in_dim3A_2221 : f32 to vector<16xf32>
        %broadcast_in_dim3A_2223 = arith.constant 0.000000e+00 : f32
        %broadcast_in_dim3A_2224 = vector.broadcast %broadcast_in_dim3A_2223 : f32 to vector<16xf32>
        %broadcast_in_dim3A_2225 = arith.constant 0.000000e+00 : f32
        %broadcast_in_dim3A_2226 = vector.broadcast %broadcast_in_dim3A_2225 : f32 to vector<16xf32>
        %broadcast_in_dim3A_2227 = arith.constant 0.000000e+00 : f32
        %broadcast_in_dim3A_2228 = vector.broadcast %broadcast_in_dim3A_2227 : f32 to vector<16xf32>
        %broadcast_in_dim3A_2229 = arith.constant 0.000000e+00 : f32
        %broadcast_in_dim3A_2230 = vector.broadcast %broadcast_in_dim3A_2229 : f32 to vector<16xf32>
        %broadcast_in_dim3A_2231 = arith.constant 0.000000e+00 : f32
        %broadcast_in_dim3A_2232 = vector.broadcast %broadcast_in_dim3A_2231 : f32 to vector<16xf32>
        %get3A_2233 = arith.index_cast %add3A_2220 : i32 to index
        %get3A_2234 = arith.constant 0 : index
        %get3A_2235 = tpu.vector_load %arg9[%get3A_2233, %get3A_2234] {strides = array<i32>} : memref<128x128xf32, #tpu.memory_space<vmem>>, vector<16xf32>,
        %get3A_2236 = arith.index_cast %add3A_2220 : i32 to index
        %get3A_2237 = arith.constant 0 : index
        %get3A_2238 = tpu.vector_load %arg11[%get3A_2236, %get3A_2237] {strides = array<i32>} : memref<128x128xf32, #tpu.memory_space<vmem>>, vector<16xf32>,
        %get3A_2239 = arith.index_cast %add3A_2220 : i32 to index
        %get3A_2240 = arith.constant 16 : index
        %get3A_2241 = tpu.vector_load %arg9[%get3A_2239, %get3A_2240] {strides = array<i32>} : memref<128x128xf32, #tpu.memory_space<vmem>>, vector<16xf32>,
        %get3A_2242 = arith.index_cast %add3A_2220 : i32 to index
        %get3A_2243 = arith.constant 16 : index
        %get3A_2244 = tpu.vector_load %arg11[%get3A_2242, %get3A_2243] {strides = array<i32>} : memref<128x128xf32, #tpu.memory_space<vmem>>, vector<16xf32>,
        %mul3A_2245 = arith.mulf %get3A_2235, %get3A_2238 : vector<16xf32>
        %add3A_2246 = arith.addf %broadcast_in_dim3A_2222, %mul3A_2245 : vector<16xf32>
        %mul3A_2247 = arith.mulf %get3A_2235, %get3A_2235 : vector<16xf32>
        %add3A_2248 = arith.addf %broadcast_in_dim3A_2224, %mul3A_2247 : vector<16xf32>
        %mul3A_2249 = arith.mulf %get3A_2238, %get3A_2238 : vector<16xf32>
        %add3A_2250 = arith.addf %broadcast_in_dim3A_2226, %mul3A_2249 : vector<16xf32>
        %mul3A_2251 = arith.mulf %get3A_2241, %get3A_2244 : vector<16xf32>
        %add3A_2252 = arith.addf %broadcast_in_dim3A_2228, %mul3A_2251 : vector<16xf32>
        %mul3A_2253 = arith.mulf %get3A_2241, %get3A_2241 : vector<16xf32>
        %add3A_2254 = arith.addf %broadcast_in_dim3A_2230, %mul3A_2253 : vector<16xf32>
        %mul3A_2255 = arith.mulf %get3A_2244, %get3A_2244 : vector<16xf32>
        %add3A_2256 = arith.addf %broadcast_in_dim3A_2232, %mul3A_2255 : vector<16xf32>
        %get3A_2257 = arith.index_cast %add3A_2220 : i32 to index
        %get3A_2258 = arith.constant 32 : index
        %get3A_2259 = tpu.vector_load %arg9[%get3A_2257, %get3A_2258] {strides = array<i32>} : memref<128x128xf32, #tpu.memory_space<vmem>>, vector<16xf32>,
        %get3A_2260 = arith.index_cast %add3A_2220 : i32 to index
        %get3A_2261 = arith.constant 32 : index
        %get3A_2262 = tpu.vector_load %arg11[%get3A_2260, %get3A_2261] {strides = array<i32>} : memref<128x128xf32, #tpu.memory_space<vmem>>, vector<16xf32>,
        %get3A_2263 = arith.index_cast %add3A_2220 : i32 to index
        %get3A_2264 = arith.constant 48 : index
        %get3A_2265 = tpu.vector_load %arg9[%get3A_2263, %get3A_2264] {strides = array<i32>} : memref<128x128xf32, #tpu.memory_space<vmem>>, vector<16xf32>,
        %get3A_2266 = arith.index_cast %add3A_2220 : i32 to index
        %get3A_2267 = arith.constant 48 : index
        %get3A_2268 = tpu.vector_load %arg11[%get3A_2266, %get3A_2267] {strides = array<i32>} : memref<128x128xf32, #tpu.memory_space<vmem>>, vector<16xf32>,
        %mul3A_2269 = arith.mulf %get3A_2259, %get3A_2262 : vector<16xf32>
        %add3A_2270 = arith.addf %add3A_2246, %mul3A_2269 : vector<16xf32>
        %mul3A_2271 = arith.mulf %get3A_2259, %get3A_2259 : vector<16xf32>
        %add3A_2272 = arith.addf %add3A_2248, %mul3A_2271 : vector<16xf32>
        %mul3A_2273 = arith.mulf %get3A_2262, %get3A_2262 : vector<16xf32>
        %add3A_2274 = arith.addf %add3A_2250, %mul3A_2273 : vector<16xf32>
        %mul3A_2275 = arith.mulf %get3A_2265, %get3A_2268 : vector<16xf32>
        %add3A_2276 = arith.addf %add3A_2252, %mul3A_2275 : vector<16xf32>
        %mul3A_2277 = arith.mulf %get3A_2265, %get3A_2265 : vector<16xf32>
        %add3A_2278 = arith.addf %add3A_2254, %mul3A_2277 : vector<16xf32>
        %mul3A_2279 = arith.mulf %get3A_2268, %get3A_2268 : vector<16xf32>
        %add3A_2280 = arith.addf %add3A_2256, %mul3A_2279 : vector<16xf32>
        %get3A_2281 = arith.index_cast %add3A_2220 : i32 to index
        %get3A_2282 = arith.constant 64 : index
        %get3A_2283 = tpu.vector_load %arg9[%get3A_2281, %get3A_2282] {strides = array<i32>} : memref<128x128xf32, #tpu.memory_space<vmem>>, vector<16xf32>,
        %get3A_2284 = arith.index_cast %add3A_2220 : i32 to index
        %get3A_2285 = arith.constant 64 : index
        %get3A_2286 = tpu.vector_load %arg11[%get3A_2284, %get3A_2285] {strides = array<i32>} : memref<128x128xf32, #tpu.memory_space<vmem>>, vector<16xf32>,
        %get3A_2287 = arith.index_cast %add3A_2220 : i32 to index
        %get3A_2288 = arith.constant 80 : index
        %get3A_2289 = tpu.vector_load %arg9[%get3A_2287, %get3A_2288] {strides = array<i32>} : memref<128x128xf32, #tpu.memory_space<vmem>>, vector<16xf32>,
        %get3A_2290 = arith.index_cast %add3A_2220 : i32 to index
        %get3A_2291 = arith.constant 80 : index
        %get3A_2292 = tpu.vector_load %arg11[%get3A_2290, %get3A_2291] {strides = array<i32>} : memref<128x128xf32, #tpu.memory_space<vmem>>, vector<16xf32>,
        %mul3A_2293 = arith.mulf %get3A_2283, %get3A_2286 : vector<16xf32>
        %add3A_2294 = arith.addf %add3A_2270, %mul3A_2293 : vector<16xf32>
        %mul3A_2295 = arith.mulf %get3A_2283, %get3A_2283 : vector<16xf32>
        %add3A_2296 = arith.addf %add3A_2272, %mul3A_2295 : vector<16xf32>
        %mul3A_2297 = arith.mulf %get3A_2286, %get3A_2286 : vector<16xf32>
        %add3A_2298 = arith.addf %add3A_2274, %mul3A_2297 : vector<16xf32>
        %mul3A_2299 = arith.mulf %get3A_2289, %get3A_2292 : vector<16xf32>
        %add3A_2300 = arith.addf %add3A_2276, %mul3A_2299 : vector<16xf32>
        %mul3A_2301 = arith.mulf %get3A_2289, %get3A_2289 : vector<16xf32>
        %add3A_2302 = arith.addf %add3A_2278, %mul3A_2301 : vector<16xf32>
        %mul3A_2303 = arith.mulf %get3A_2292, %get3A_2292 : vector<16xf32>
        %add3A_2304 = arith.addf %add3A_2280, %mul3A_2303 : vector<16xf32>
        %get3A_2305 = arith.index_cast %add3A_2220 : i32 to index
        %get3A_2306 = arith.constant 96 : index
        %get3A_2307 = tpu.vector_load %arg9[%get3A_2305, %get3A_2306] {strides = array<i32>} : memref<128x128xf32, #tpu.memory_space<vmem>>, vector<16xf32>,
        %get3A_2308 = arith.index_cast %add3A_2220 : i32 to index
        %get3A_2309 = arith.constant 96 : index
        %get3A_2310 = tpu.vector_load %arg11[%get3A_2308, %get3A_2309] {strides = array<i32>} : memref<128x128xf32, #tpu.memory_space<vmem>>, vector<16xf32>,
        %get3A_2311 = arith.index_cast %add3A_2220 : i32 to index
        %get3A_2312 = arith.constant 112 : index
        %get3A_2313 = tpu.vector_load %arg9[%get3A_2311, %get3A_2312] {strides = array<i32>} : memref<128x128xf32, #tpu.memory_space<vmem>>, vector<16xf32>,
        %get3A_2314 = arith.index_cast %add3A_2220 : i32 to index
        %get3A_2315 = arith.constant 112 : index
        %get3A_2316 = tpu.vector_load %arg11[%get3A_2314, %get3A_2315] {strides = array<i32>} : memref<128x128xf32, #tpu.memory_space<vmem>>, vector<16xf32>,
        %mul3A_2317 = arith.mulf %get3A_2307, %get3A_2310 : vector<16xf32>
        %add3A_2318 = arith.addf %add3A_2294, %mul3A_2317 : vector<16xf32>
        %mul3A_2319 = arith.mulf %get3A_2307, %get3A_2307 : vector<16xf32>
        %add3A_2320 = arith.addf %add3A_2296, %mul3A_2319 : vector<16xf32>
        %mul3A_2321 = arith.mulf %get3A_2310, %get3A_2310 : vector<16xf32>
        %add3A_2322 = arith.addf %add3A_2298, %mul3A_2321 : vector<16xf32>
        %mul3A_2323 = arith.mulf %get3A_2313, %get3A_2316 : vector<16xf32>
        %add3A_2324 = arith.addf %add3A_2300, %mul3A_2323 : vector<16xf32>
        %mul3A_2325 = arith.mulf %get3A_2313, %get3A_2313 : vector<16xf32>
        %add3A_2326 = arith.addf %add3A_2302, %mul3A_2325 : vector<16xf32>
        %mul3A_2327 = arith.mulf %get3A_2316, %get3A_2316 : vector<16xf32>
        %add3A_2328 = arith.addf %add3A_2304, %mul3A_2327 : vector<16xf32>
        %eq3A_2329 = arith.constant 15 : i32
        %eq3A_2330 = vector.broadcast %eq3A_2329 : i32 to vector<16xi32>
        %eq3A_2331 = arith.cmpi eq, %iota3A, %eq3A_2330 : vector<16xi32>
        %add3A_2332 = arith.addf %add3A_2318, %add3A_2324 : vector<16xf32>
        %reduce_sum3A_2333 = arith.constant true
        %reduce_sum3A_2334 = vector.broadcast %reduce_sum3A_2333 : i1 to vector<16xi1>
        %reduce_sum3A_2335 = tpu.scan <sum>, %add3A_2332 masked %reduce_sum3A_2334 : vector<16xf32>, vector<16xi1> -> vector<16xf32>
        %reduce_sum3A_2336 = vector.extract %reduce_sum3A_2335[15] : f32 from vector<16xf32>
        %broadcast_in_dim3A_2337 = vector.broadcast %reduce_sum3A_2336 : f32 to vector<16xf32>
        %select_n3A_2338 = arith.select %eq3A_2331, %broadcast_in_dim3A_2337, %select_n3A_2196 : vector<16xi1>, vector<16xf32>
        %eq3A_2339 = arith.constant 15 : i32
        %eq3A_2340 = vector.broadcast %eq3A_2339 : i32 to vector<16xi32>
        %eq3A_2341 = arith.cmpi eq, %iota3A, %eq3A_2340 : vector<16xi32>
        %add3A_2342 = arith.addf %add3A_2320, %add3A_2326 : vector<16xf32>
        %reduce_sum3A_2343 = arith.constant true
        %reduce_sum3A_2344 = vector.broadcast %reduce_sum3A_2343 : i1 to vector<16xi1>
        %reduce_sum3A_2345 = tpu.scan <sum>, %add3A_2342 masked %reduce_sum3A_2344 : vector<16xf32>, vector<16xi1> -> vector<16xf32>
        %reduce_sum3A_2346 = vector.extract %reduce_sum3A_2345[15] : f32 from vector<16xf32>
        %broadcast_in_dim3A_2347 = vector.broadcast %reduce_sum3A_2346 : f32 to vector<16xf32>
        %select_n3A_2348 = arith.select %eq3A_2341, %broadcast_in_dim3A_2347, %select_n3A_2206 : vector<16xi1>, vector<16xf32>
        %eq3A_2349 = arith.constant 15 : i32
        %eq3A_2350 = vector.broadcast %eq3A_2349 : i32 to vector<16xi32>
        %eq3A_2351 = arith.cmpi eq, %iota3A, %eq3A_2350 : vector<16xi32>
        %add3A_2352 = arith.addf %add3A_2322, %add3A_2328 : vector<16xf32>
        %reduce_sum3A_2353 = arith.constant true
        %reduce_sum3A_2354 = vector.broadcast %reduce_sum3A_2353 : i1 to vector<16xi1>
        %reduce_sum3A_2355 = tpu.scan <sum>, %add3A_2352 masked %reduce_sum3A_2354 : vector<16xf32>, vector<16xi1> -> vector<16xf32>
        %reduce_sum3A_2356 = vector.extract %reduce_sum3A_2355[15] : f32 from vector<16xf32>
        %broadcast_in_dim3A_2357 = vector.broadcast %reduce_sum3A_2356 : f32 to vector<16xf32>
        %select_n3A_2358 = arith.select %eq3A_2351, %broadcast_in_dim3A_2357, %select_n3A_2216 : vector<16xi1>, vector<16xf32>
        %bitcast_convert_type3A = tpu.bitcast %select_n3A_2348 : vector<16xf32> -> vector<16xi32>
        %shift_right_arithmetic3A = arith.constant 1 : i32
        %shift_right_arithmetic3A_2359 = vector.broadcast %shift_right_arithmetic3A : i32 to vector<16xi32>
        %shift_right_arithmetic3A_2360 = arith.shrsi %bitcast_convert_type3A, %shift_right_arithmetic3A_2359 : vector<16xi32>
        %sub3A = arith.constant 1597463007 : i32
        %sub3A_2361 = vector.broadcast %sub3A : i32 to vector<16xi32>
        %sub3A_2362 = arith.subi %sub3A_2361, %shift_right_arithmetic3A_2360 : vector<16xi32>
        %bitcast_convert_type3A_2363 = tpu.bitcast %sub3A_2362 : vector<16xi32> -> vector<16xf32>
        %mul3A_2364 = arith.constant 5.000000e-01 : f32
        %mul3A_2365 = vector.broadcast %mul3A_2364 : f32 to vector<16xf32>
        %mul3A_2366 = arith.mulf %mul3A_2365, %select_n3A_2348 : vector<16xf32>
        %mul3A_2367 = arith.mulf %mul3A_2366, %bitcast_convert_type3A_2363 : vector<16xf32>
        %mul3A_2368 = arith.mulf %mul3A_2367, %bitcast_convert_type3A_2363 : vector<16xf32>
        %sub3A_2369 = arith.constant 1.500000e+00 : f32
        %sub3A_2370 = vector.broadcast %sub3A_2369 : f32 to vector<16xf32>
        %sub3A_2371 = arith.subf %sub3A_2370, %mul3A_2368 : vector<16xf32>
        %mul3A_2372 = arith.mulf %bitcast_convert_type3A_2363, %sub3A_2371 : vector<16xf32>
        %mul3A_2373 = arith.constant 5.000000e-01 : f32
        %mul3A_2374 = vector.broadcast %mul3A_2373 : f32 to vector<16xf32>
        %mul3A_2375 = arith.mulf %mul3A_2374, %select_n3A_2348 : vector<16xf32>
        %mul3A_2376 = arith.mulf %mul3A_2375, %mul3A_2372 : vector<16xf32>
        %mul3A_2377 = arith.mulf %mul3A_2376, %mul3A_2372 : vector<16xf32>
        %sub3A_2378 = arith.constant 1.500000e+00 : f32
        %sub3A_2379 = vector.broadcast %sub3A_2378 : f32 to vector<16xf32>
        %sub3A_2380 = arith.subf %sub3A_2379, %mul3A_2377 : vector<16xf32>
        %mul3A_2381 = arith.mulf %mul3A_2372, %sub3A_2380 : vector<16xf32>
        %mul3A_2382 = arith.constant 5.000000e-01 : f32
        %mul3A_2383 = vector.broadcast %mul3A_2382 : f32 to vector<16xf32>
        %mul3A_2384 = arith.mulf %mul3A_2383, %select_n3A_2348 : vector<16xf32>
        %mul3A_2385 = arith.mulf %mul3A_2384, %mul3A_2381 : vector<16xf32>
        %mul3A_2386 = arith.mulf %mul3A_2385, %mul3A_2381 : vector<16xf32>
        %sub3A_2387 = arith.constant 1.500000e+00 : f32
        %sub3A_2388 = vector.broadcast %sub3A_2387 : f32 to vector<16xf32>
        %sub3A_2389 = arith.subf %sub3A_2388, %mul3A_2386 : vector<16xf32>
        %mul3A_2390 = arith.mulf %mul3A_2381, %sub3A_2389 : vector<16xf32>
        %mul3A_2391 = arith.mulf %select_n3A_2348, %mul3A_2390 : vector<16xf32>
        %bitcast_convert_type3A_2392 = tpu.bitcast %select_n3A_2358 : vector<16xf32> -> vector<16xi32>
        %shift_right_arithmetic3A_2393 = arith.constant 1 : i32
        %shift_right_arithmetic3A_2394 = vector.broadcast %shift_right_arithmetic3A_2393 : i32 to vector<16xi32>
        %shift_right_arithmetic3A_2395 = arith.shrsi %bitcast_convert_type3A_2392, %shift_right_arithmetic3A_2394 : vector<16xi32>
        %sub3A_2396 = arith.constant 1597463007 : i32
        %sub3A_2397 = vector.broadcast %sub3A_2396 : i32 to vector<16xi32>
        %sub3A_2398 = arith.subi %sub3A_2397, %shift_right_arithmetic3A_2395 : vector<16xi32>
        %bitcast_convert_type3A_2399 = tpu.bitcast %sub3A_2398 : vector<16xi32> -> vector<16xf32>
        %mul3A_2400 = arith.constant 5.000000e-01 : f32
        %mul3A_2401 = vector.broadcast %mul3A_2400 : f32 to vector<16xf32>
        %mul3A_2402 = arith.mulf %mul3A_2401, %select_n3A_2358 : vector<16xf32>
        %mul3A_2403 = arith.mulf %mul3A_2402, %bitcast_convert_type3A_2399 : vector<16xf32>
        %mul3A_2404 = arith.mulf %mul3A_2403, %bitcast_convert_type3A_2399 : vector<16xf32>
        %sub3A_2405 = arith.constant 1.500000e+00 : f32
        %sub3A_2406 = vector.broadcast %sub3A_2405 : f32 to vector<16xf32>
        %sub3A_2407 = arith.subf %sub3A_2406, %mul3A_2404 : vector<16xf32>
        %mul3A_2408 = arith.mulf %bitcast_convert_type3A_2399, %sub3A_2407 : vector<16xf32>
        %mul3A_2409 = arith.constant 5.000000e-01 : f32
        %mul3A_2410 = vector.broadcast %mul3A_2409 : f32 to vector<16xf32>
        %mul3A_2411 = arith.mulf %mul3A_2410, %select_n3A_2358 : vector<16xf32>
        %mul3A_2412 = arith.mulf %mul3A_2411, %mul3A_2408 : vector<16xf32>
        %mul3A_2413 = arith.mulf %mul3A_2412, %mul3A_2408 : vector<16xf32>
        %sub3A_2414 = arith.constant 1.500000e+00 : f32
        %sub3A_2415 = vector.broadcast %sub3A_2414 : f32 to vector<16xf32>
        %sub3A_2416 = arith.subf %sub3A_2415, %mul3A_2413 : vector<16xf32>
        %mul3A_2417 = arith.mulf %mul3A_2408, %sub3A_2416 : vector<16xf32>
        %mul3A_2418 = arith.constant 5.000000e-01 : f32
        %mul3A_2419 = vector.broadcast %mul3A_2418 : f32 to vector<16xf32>
        %mul3A_2420 = arith.mulf %mul3A_2419, %select_n3A_2358 : vector<16xf32>
        %mul3A_2421 = arith.mulf %mul3A_2420, %mul3A_2417 : vector<16xf32>
        %mul3A_2422 = arith.mulf %mul3A_2421, %mul3A_2417 : vector<16xf32>
        %sub3A_2423 = arith.constant 1.500000e+00 : f32
        %sub3A_2424 = vector.broadcast %sub3A_2423 : f32 to vector<16xf32>
        %sub3A_2425 = arith.subf %sub3A_2424, %mul3A_2422 : vector<16xf32>
        %mul3A_2426 = arith.mulf %mul3A_2417, %sub3A_2425 : vector<16xf32>
        %mul3A_2427 = arith.mulf %select_n3A_2358, %mul3A_2426 : vector<16xf32>
        %max3A = arith.constant 9.99999993E-9 : f32
        %max3A_2428 = vector.broadcast %max3A : f32 to vector<16xf32>
        %max3A_2429 = arith.maximumf %mul3A_2391, %max3A_2428 : vector<16xf32>
        %max3A_2430 = arith.constant 9.99999993E-9 : f32
        %max3A_2431 = vector.broadcast %max3A_2430 : f32 to vector<16xf32>
        %max3A_2432 = arith.maximumf %mul3A_2427, %max3A_2431 : vector<16xf32>
        %mul3A_2433 = arith.mulf %max3A_2429, %max3A_2432 : vector<16xf32>
        %div3A = arith.divf %select_n3A_2338, %mul3A_2433 : vector<16xf32>
        %mul3A_2434 = arith.constant 1.000000e+01 : f32
        %mul3A_2435 = vector.broadcast %mul3A_2434 : f32 to vector<16xf32>
        %mul3A_2436 = arith.mulf %div3A, %mul3A_2435 : vector<16xf32>
        %get3A_2437 = arith.constant 0 : index
        %get3A_2438 = tpu.vector_load %arg13[%get3A_2437] {strides = array<i32>} : memref<16xf32, #tpu.memory_space<vmem>>, vector<16xf32>,
        %sub3A_2439 = arith.constant 1.000000e+01 : f32
        %sub3A_2440 = vector.broadcast %sub3A_2439 : f32 to vector<16xf32>
        %sub3A_2441 = arith.subf %mul3A_2436, %sub3A_2440 : vector<16xf32>
        %exp3A = math.exp %sub3A_2441 : vector<16xf32>
        %add3A_2442 = arith.addf %get3A_2438, %exp3A : vector<16xf32>
        %swap3A_2443 = arith.constant 0 : index
        %swap3A_2444 = tpu.vector_load %arg13[%swap3A_2443] {strides = array<i32>} : memref<16xf32, #tpu.memory_space<vmem>>, vector<16xf32>,
        tpu.vector_store %arg13[%swap3A_2443], %add3A_2442 {strides = array<i32>} : memref<16xf32, #tpu.memory_space<vmem>>, vector<16xf32>,
        %add3A_2445 = arith.addi %mul3A_2, %mul3A_44 : i32
        %mul3A_2446 = arith.constant 16 : i32
        %mul3A_2447 = arith.muli %scan3A_83, %mul3A_2446 : i32
        %add3A_2448 = arith.addi %add3A_2445, %mul3A_2447 : i32
        %add3A_2449 = vector.broadcast %add3A_2448 : i32 to vector<16xi32>
        %add3A_2450 = arith.addi %add3A_2449, %iota3A : vector<16xi32>
        %get3A_2451 = arith.constant 0 : index
        %get3A_2452 = tpu.vector_load %arg14[%get3A_2451] {strides = array<i32>} : memref<16xf32, #tpu.memory_space<vmem>>, vector<16xf32>,
        %lt3A_2453 = arith.constant 65536 : i32
        %lt3A_2454 = vector.broadcast %lt3A_2453 : i32 to vector<16xi32>
        %lt3A_2455 = arith.cmpi slt, %add3A_2450, %lt3A_2454 : vector<16xi32>
        %jit3A = arith.constant 0.000000e+00 : f32
        %broadcast_in_dim3A_2456 = vector.broadcast %jit3A : f32 to vector<16xf32>
        %select_n3A_2457 = arith.select %lt3A_2455, %mul3A_2436, %broadcast_in_dim3A_2456 : vector<16xi1>, vector<16xf32>
        %add3A_2458 = arith.addf %get3A_2452, %select_n3A_2457 : vector<16xf32>
        %swap3A_2459 = arith.constant 0 : index
        %swap3A_2460 = tpu.vector_load %arg14[%swap3A_2459] {strides = array<i32>} : memref<16xf32, #tpu.memory_space<vmem>>, vector<16xf32>,
        tpu.vector_store %arg14[%swap3A_2459], %add3A_2458 {strides = array<i32>} : memref<16xf32, #tpu.memory_space<vmem>>, vector<16xf32>,
        %scan3A_2461 = arith.constant 0 : i32
        scf.yield %scan3A_2461 : i32
      }
      %scan3A_51 = arith.constant 8 : i32
      %mul3A_52 = arith.constant 2 : i32
      %mul3A_53 = arith.muli %scan3A_24, %mul3A_52 : i32
      %add3A_54 = arith.constant 1 : i32
      %add3A_55 = arith.addi %mul3A_53, %add3A_54 : i32
      %add3A_56 = arith.constant 1 : i32
      %add3A_57 = arith.addi %add3A_55, %add3A_56 : i32
      %lt3A_58 = arith.constant 48 : i32
      %lt3A_59 = arith.cmpi slt, %add3A_57, %lt3A_58 : i32
      %convert_element_type3A_60 = arith.extui %lt3A_59 : i1 to i32
      %cond3A_61 = arith.constant 0 : i32
      %cond3A_62 = arith.cmpi ne, %convert_element_type3A_60, %cond3A_61 : i32
      scf.if %cond3A_62 {
        %add3A_83 = arith.constant 1 : i32
        %add3A_84 = arith.addi %add3A_55, %add3A_83 : i32
        %mul3A_85 = arith.constant 128 : i32
        %mul3A_86 = arith.muli %add3A_84, %mul3A_85 : i32
        %dma_start3A_87 = tpu.memref_slice %arg7[%mul3A_86] : memref<6144xi32, #tpu.memory_space<vmem>> -> memref<128xi32, #tpu.memory_space<vmem>>
        %dma_start3A_88 = arith.constant 0 : i32
        %dma_start3A_89 = arith.constant 0 : i32
        %dma_start3A_90 = tpu.memref_slice %arg2[%dma_start3A_88, %dma_start3A_89] : memref<100000x128xf32, #tpu.memory_space<hbm>> -> memref<100000x128xf32, #tpu.memory_space<hbm>>
        tpu.enqueue_indirect_dma source(%dma_start3A_90 : memref<100000x128xf32, #tpu.memory_space<hbm>>) target(%arg9 : memref<128x128xf32, #tpu.memory_space<vmem>>) offsets(%dma_start3A_87 : memref<128xi32, #tpu.memory_space<vmem>>) semaphore(%arg15 : memref<!tpu.dma_semaphore, #tpu.memory_space<semaphore_mem>>)
        %dma_start3A_91 = tpu.memref_slice %arg8[%mul3A_86] : memref<6144xi32, #tpu.memory_space<vmem>> -> memref<128xi32, #tpu.memory_space<vmem>>
        %dma_start3A_92 = arith.constant 0 : i32
        %dma_start3A_93 = arith.constant 0 : i32
        %dma_start3A_94 = tpu.memref_slice %arg2[%dma_start3A_92, %dma_start3A_93] : memref<100000x128xf32, #tpu.memory_space<hbm>> -> memref<100000x128xf32, #tpu.memory_space<hbm>>
        tpu.enqueue_indirect_dma source(%dma_start3A_94 : memref<100000x128xf32, #tpu.memory_space<hbm>>) target(%arg11 : memref<128x128xf32, #tpu.memory_space<vmem>>) offsets(%dma_start3A_91 : memref<128xi32, #tpu.memory_space<vmem>>) semaphore(%arg17 : memref<!tpu.dma_semaphore, #tpu.memory_space<semaphore_mem>>)
      } else {
      }
      %dma_wait3A_63 = arith.constant 0 : i32
      %dma_wait3A_64 = tpu.memref_slice %arg7[%dma_wait3A_63] : memref<6144xi32, #tpu.memory_space<vmem>> -> memref<128xi32, #tpu.memory_space<vmem>>
      %dma_wait3A_65 = arith.constant 0 : i32
      %dma_wait3A_66 = arith.constant 0 : i32
      %dma_wait3A_67 = tpu.memref_slice %arg2[%dma_wait3A_65, %dma_wait3A_66] : memref<100000x128xf32, #tpu.memory_space<hbm>> -> memref<100000x128xf32, #tpu.memory_space<hbm>>
      tpu.wait_indirect_dma semaphore(%arg16 : memref<!tpu.dma_semaphore, #tpu.memory_space<semaphore_mem>>) src(%dma_wait3A_67 : memref<100000x128xf32, #tpu.memory_space<hbm>>) dst(%arg10 : memref<128x128xf32, #tpu.memory_space<vmem>>)
      %dma_wait3A_68 = arith.constant 0 : i32
      %dma_wait3A_69 = tpu.memref_slice %arg8[%dma_wait3A_68] : memref<6144xi32, #tpu.memory_space<vmem>> -> memref<128xi32, #tpu.memory_space<vmem>>
      %dma_wait3A_70 = arith.constant 0 : i32
      %dma_wait3A_71 = arith.constant 0 : i32
      %dma_wait3A_72 = tpu.memref_slice %arg2[%dma_wait3A_70, %dma_wait3A_71] : memref<100000x128xf32, #tpu.memory_space<hbm>> -> memref<100000x128xf32, #tpu.memory_space<hbm>>
      tpu.wait_indirect_dma semaphore(%arg18 : memref<!tpu.dma_semaphore, #tpu.memory_space<semaphore_mem>>) src(%dma_wait3A_72 : memref<100000x128xf32, #tpu.memory_space<hbm>>) dst(%arg12 : memref<128x128xf32, #tpu.memory_space<vmem>>)
      %mul3A_73 = arith.constant 128 : i32
      %mul3A_74 = arith.muli %add3A_55, %mul3A_73 : i32
      %scan3A_75 = arith.constant 0 : i32
      %scan3A_76 = arith.constant 0 : i32
      %scan3A_77 = arith.constant 8 : i32
      %scan3A_78 = arith.addi %scan3A_76, %scan3A_77 : i32
      %scan3A_79 = arith.constant 1 : i32
      %scan3A_80 = scf.for %scan3A_83 = %scan3A_76 to %scan3A_78 step %scan3A_79 iter_args(%scan3A_84 = %scan3A_75) -> (i32)  : i32 {
        %broadcast_in_dim3A_85 = arith.constant 0.000000e+00 : f32
        %broadcast_in_dim3A_86 = vector.broadcast %broadcast_in_dim3A_85 : f32 to vector<16xf32>
        %broadcast_in_dim3A_87 = arith.constant 0.000000e+00 : f32
        %broadcast_in_dim3A_88 = vector.broadcast %broadcast_in_dim3A_87 : f32 to vector<16xf32>
        %broadcast_in_dim3A_89 = arith.constant 0.000000e+00 : f32
        %broadcast_in_dim3A_90 = vector.broadcast %broadcast_in_dim3A_89 : f32 to vector<16xf32>
        %mul3A_91 = arith.constant 16 : i32
        %mul3A_92 = arith.muli %scan3A_83, %mul3A_91 : i32
        %add3A_93 = arith.constant 0 : i32
        %add3A_94 = arith.addi %mul3A_92, %add3A_93 : i32
        %broadcast_in_dim3A_95 = arith.constant 0.000000e+00 : f32
        %broadcast_in_dim3A_96 = vector.broadcast %broadcast_in_dim3A_95 : f32 to vector<16xf32>
        %broadcast_in_dim3A_97 = arith.constant 0.000000e+00 : f32
        %broadcast_in_dim3A_98 = vector.broadcast %broadcast_in_dim3A_97 : f32 to vector<16xf32>
        %broadcast_in_dim3A_99 = arith.constant 0.000000e+00 : f32
        %broadcast_in_dim3A_100 = vector.broadcast %broadcast_in_dim3A_99 : f32 to vector<16xf32>
        %broadcast_in_dim3A_101 = arith.constant 0.000000e+00 : f32
        %broadcast_in_dim3A_102 = vector.broadcast %broadcast_in_dim3A_101 : f32 to vector<16xf32>
        %broadcast_in_dim3A_103 = arith.constant 0.000000e+00 : f32
        %broadcast_in_dim3A_104 = vector.broadcast %broadcast_in_dim3A_103 : f32 to vector<16xf32>
        %broadcast_in_dim3A_105 = arith.constant 0.000000e+00 : f32
        %broadcast_in_dim3A_106 = vector.broadcast %broadcast_in_dim3A_105 : f32 to vector<16xf32>
        %get3A = arith.index_cast %add3A_94 : i32 to index
        %get3A_107 = arith.constant 0 : index
        %get3A_108 = tpu.vector_load %arg10[%get3A, %get3A_107] {strides = array<i32>} : memref<128x128xf32, #tpu.memory_space<vmem>>, vector<16xf32>,
        %get3A_109 = arith.index_cast %add3A_94 : i32 to index
        %get3A_110 = arith.constant 0 : index
        %get3A_111 = tpu.vector_load %arg12[%get3A_109, %get3A_110] {strides = array<i32>} : memref<128x128xf32, #tpu.memory_space<vmem>>, vector<16xf32>,
        %get3A_112 = arith.index_cast %add3A_94 : i32 to index
        %get3A_113 = arith.constant 16 : index
        %get3A_114 = tpu.vector_load %arg10[%get3A_112, %get3A_113] {strides = array<i32>} : memref<128x128xf32, #tpu.memory_space<vmem>>, vector<16xf32>,
        %get3A_115 = arith.index_cast %add3A_94 : i32 to index
        %get3A_116 = arith.constant 16 : index
        %get3A_117 = tpu.vector_load %arg12[%get3A_115, %get3A_116] {strides = array<i32>} : memref<128x128xf32, #tpu.memory_space<vmem>>, vector<16xf32>,
        %mul3A_118 = arith.mulf %get3A_108, %get3A_111 : vector<16xf32>
        %add3A_119 = arith.addf %broadcast_in_dim3A_96, %mul3A_118 : vector<16xf32>
        %mul3A_120 = arith.mulf %get3A_108, %get3A_108 : vector<16xf32>
        %add3A_121 = arith.addf %broadcast_in_dim3A_98, %mul3A_120 : vector<16xf32>
        %mul3A_122 = arith.mulf %get3A_111, %get3A_111 : vector<16xf32>
        %add3A_123 = arith.addf %broadcast_in_dim3A_100, %mul3A_122 : vector<16xf32>
        %mul3A_124 = arith.mulf %get3A_114, %get3A_117 : vector<16xf32>
        %add3A_125 = arith.addf %broadcast_in_dim3A_102, %mul3A_124 : vector<16xf32>
        %mul3A_126 = arith.mulf %get3A_114, %get3A_114 : vector<16xf32>
        %add3A_127 = arith.addf %broadcast_in_dim3A_104, %mul3A_126 : vector<16xf32>
        %mul3A_128 = arith.mulf %get3A_117, %get3A_117 : vector<16xf32>
        %add3A_129 = arith.addf %broadcast_in_dim3A_106, %mul3A_128 : vector<16xf32>
        %get3A_130 = arith.index_cast %add3A_94 : i32 to index
        %get3A_131 = arith.constant 32 : index
        %get3A_132 = tpu.vector_load %arg10[%get3A_130, %get3A_131] {strides = array<i32>} : memref<128x128xf32, #tpu.memory_space<vmem>>, vector<16xf32>,
        %get3A_133 = arith.index_cast %add3A_94 : i32 to index
        %get3A_134 = arith.constant 32 : index
        %get3A_135 = tpu.vector_load %arg12[%get3A_133, %get3A_134] {strides = array<i32>} : memref<128x128xf32, #tpu.memory_space<vmem>>, vector<16xf32>,
        %get3A_136 = arith.index_cast %add3A_94 : i32 to index
        %get3A_137 = arith.constant 48 : index
        %get3A_138 = tpu.vector_load %arg10[%get3A_136, %get3A_137] {strides = array<i32>} : memref<128x128xf32, #tpu.memory_space<vmem>>, vector<16xf32>,
        %get3A_139 = arith.index_cast %add3A_94 : i32 to index
        %get3A_140 = arith.constant 48 : index
        %get3A_141 = tpu.vector_load %arg12[%get3A_139, %get3A_140] {strides = array<i32>} : memref<128x128xf32, #tpu.memory_space<vmem>>, vector<16xf32>,
        %mul3A_142 = arith.mulf %get3A_132, %get3A_135 : vector<16xf32>
        %add3A_143 = arith.addf %add3A_119, %mul3A_142 : vector<16xf32>
        %mul3A_144 = arith.mulf %get3A_132, %get3A_132 : vector<16xf32>
        %add3A_145 = arith.addf %add3A_121, %mul3A_144 : vector<16xf32>
        %mul3A_146 = arith.mulf %get3A_135, %get3A_135 : vector<16xf32>
        %add3A_147 = arith.addf %add3A_123, %mul3A_146 : vector<16xf32>
        %mul3A_148 = arith.mulf %get3A_138, %get3A_141 : vector<16xf32>
        %add3A_149 = arith.addf %add3A_125, %mul3A_148 : vector<16xf32>
        %mul3A_150 = arith.mulf %get3A_138, %get3A_138 : vector<16xf32>
        %add3A_151 = arith.addf %add3A_127, %mul3A_150 : vector<16xf32>
        %mul3A_152 = arith.mulf %get3A_141, %get3A_141 : vector<16xf32>
        %add3A_153 = arith.addf %add3A_129, %mul3A_152 : vector<16xf32>
        %get3A_154 = arith.index_cast %add3A_94 : i32 to index
        %get3A_155 = arith.constant 64 : index
        %get3A_156 = tpu.vector_load %arg10[%get3A_154, %get3A_155] {strides = array<i32>} : memref<128x128xf32, #tpu.memory_space<vmem>>, vector<16xf32>,
        %get3A_157 = arith.index_cast %add3A_94 : i32 to index
        %get3A_158 = arith.constant 64 : index
        %get3A_159 = tpu.vector_load %arg12[%get3A_157, %get3A_158] {strides = array<i32>} : memref<128x128xf32, #tpu.memory_space<vmem>>, vector<16xf32>,
        %get3A_160 = arith.index_cast %add3A_94 : i32 to index
        %get3A_161 = arith.constant 80 : index
        %get3A_162 = tpu.vector_load %arg10[%get3A_160, %get3A_161] {strides = array<i32>} : memref<128x128xf32, #tpu.memory_space<vmem>>, vector<16xf32>,
        %get3A_163 = arith.index_cast %add3A_94 : i32 to index
        %get3A_164 = arith.constant 80 : index
        %get3A_165 = tpu.vector_load %arg12[%get3A_163, %get3A_164] {strides = array<i32>} : memref<128x128xf32, #tpu.memory_space<vmem>>, vector<16xf32>,
        %mul3A_166 = arith.mulf %get3A_156, %get3A_159 : vector<16xf32>
        %add3A_167 = arith.addf %add3A_143, %mul3A_166 : vector<16xf32>
        %mul3A_168 = arith.mulf %get3A_156, %get3A_156 : vector<16xf32>
        %add3A_169 = arith.addf %add3A_145, %mul3A_168 : vector<16xf32>
        %mul3A_170 = arith.mulf %get3A_159, %get3A_159 : vector<16xf32>
        %add3A_171 = arith.addf %add3A_147, %mul3A_170 : vector<16xf32>
        %mul3A_172 = arith.mulf %get3A_162, %get3A_165 : vector<16xf32>
        %add3A_173 = arith.addf %add3A_149, %mul3A_172 : vector<16xf32>
        %mul3A_174 = arith.mulf %get3A_162, %get3A_162 : vector<16xf32>
        %add3A_175 = arith.addf %add3A_151, %mul3A_174 : vector<16xf32>
        %mul3A_176 = arith.mulf %get3A_165, %get3A_165 : vector<16xf32>
        %add3A_177 = arith.addf %add3A_153, %mul3A_176 : vector<16xf32>
        %get3A_178 = arith.index_cast %add3A_94 : i32 to index
        %get3A_179 = arith.constant 96 : index
        %get3A_180 = tpu.vector_load %arg10[%get3A_178, %get3A_179] {strides = array<i32>} : memref<128x128xf32, #tpu.memory_space<vmem>>, vector<16xf32>,
        %get3A_181 = arith.index_cast %add3A_94 : i32 to index
        %get3A_182 = arith.constant 96 : index
        %get3A_183 = tpu.vector_load %arg12[%get3A_181, %get3A_182] {strides = array<i32>} : memref<128x128xf32, #tpu.memory_space<vmem>>, vector<16xf32>,
        %get3A_184 = arith.index_cast %add3A_94 : i32 to index
        %get3A_185 = arith.constant 112 : index
        %get3A_186 = tpu.vector_load %arg10[%get3A_184, %get3A_185] {strides = array<i32>} : memref<128x128xf32, #tpu.memory_space<vmem>>, vector<16xf32>,
        %get3A_187 = arith.index_cast %add3A_94 : i32 to index
        %get3A_188 = arith.constant 112 : index
        %get3A_189 = tpu.vector_load %arg12[%get3A_187, %get3A_188] {strides = array<i32>} : memref<128x128xf32, #tpu.memory_space<vmem>>, vector<16xf32>,
        %mul3A_190 = arith.mulf %get3A_180, %get3A_183 : vector<16xf32>
        %add3A_191 = arith.addf %add3A_167, %mul3A_190 : vector<16xf32>
        %mul3A_192 = arith.mulf %get3A_180, %get3A_180 : vector<16xf32>
        %add3A_193 = arith.addf %add3A_169, %mul3A_192 : vector<16xf32>
        %mul3A_194 = arith.mulf %get3A_183, %get3A_183 : vector<16xf32>
        %add3A_195 = arith.addf %add3A_171, %mul3A_194 : vector<16xf32>
        %mul3A_196 = arith.mulf %get3A_186, %get3A_189 : vector<16xf32>
        %add3A_197 = arith.addf %add3A_173, %mul3A_196 : vector<16xf32>
        %mul3A_198 = arith.mulf %get3A_186, %get3A_186 : vector<16xf32>
        %add3A_199 = arith.addf %add3A_175, %mul3A_198 : vector<16xf32>
        %mul3A_200 = arith.mulf %get3A_189, %get3A_189 : vector<16xf32>
        %add3A_201 = arith.addf %add3A_177, %mul3A_200 : vector<16xf32>
        %eq3A = arith.constant 0 : i32
        %eq3A_202 = vector.broadcast %eq3A : i32 to vector<16xi32>
        %eq3A_203 = arith.cmpi eq, %iota3A, %eq3A_202 : vector<16xi32>
        %add3A_204 = arith.addf %add3A_191, %add3A_197 : vector<16xf32>
        %reduce_sum3A = arith.constant true
        %reduce_sum3A_205 = vector.broadcast %reduce_sum3A : i1 to vector<16xi1>
        %reduce_sum3A_206 = tpu.scan <sum>, %add3A_204 masked %reduce_sum3A_205 : vector<16xf32>, vector<16xi1> -> vector<16xf32>
        %reduce_sum3A_207 = vector.extract %reduce_sum3A_206[15] : f32 from vector<16xf32>
        %broadcast_in_dim3A_208 = vector.broadcast %reduce_sum3A_207 : f32 to vector<16xf32>
        %select_n3A = arith.select %eq3A_203, %broadcast_in_dim3A_208, %broadcast_in_dim3A_86 : vector<16xi1>, vector<16xf32>
        %eq3A_209 = arith.constant 0 : i32
        %eq3A_210 = vector.broadcast %eq3A_209 : i32 to vector<16xi32>
        %eq3A_211 = arith.cmpi eq, %iota3A, %eq3A_210 : vector<16xi32>
        %add3A_212 = arith.addf %add3A_193, %add3A_199 : vector<16xf32>
        %reduce_sum3A_213 = arith.constant true
        %reduce_sum3A_214 = vector.broadcast %reduce_sum3A_213 : i1 to vector<16xi1>
        %reduce_sum3A_215 = tpu.scan <sum>, %add3A_212 masked %reduce_sum3A_214 : vector<16xf32>, vector<16xi1> -> vector<16xf32>
        %reduce_sum3A_216 = vector.extract %reduce_sum3A_215[15] : f32 from vector<16xf32>
        %broadcast_in_dim3A_217 = vector.broadcast %reduce_sum3A_216 : f32 to vector<16xf32>
        %select_n3A_218 = arith.select %eq3A_211, %broadcast_in_dim3A_217, %broadcast_in_dim3A_88 : vector<16xi1>, vector<16xf32>
        %eq3A_219 = arith.constant 0 : i32
        %eq3A_220 = vector.broadcast %eq3A_219 : i32 to vector<16xi32>
        %eq3A_221 = arith.cmpi eq, %iota3A, %eq3A_220 : vector<16xi32>
        %add3A_222 = arith.addf %add3A_195, %add3A_201 : vector<16xf32>
        %reduce_sum3A_223 = arith.constant true
        %reduce_sum3A_224 = vector.broadcast %reduce_sum3A_223 : i1 to vector<16xi1>
        %reduce_sum3A_225 = tpu.scan <sum>, %add3A_222 masked %reduce_sum3A_224 : vector<16xf32>, vector<16xi1> -> vector<16xf32>
        %reduce_sum3A_226 = vector.extract %reduce_sum3A_225[15] : f32 from vector<16xf32>
        %broadcast_in_dim3A_227 = vector.broadcast %reduce_sum3A_226 : f32 to vector<16xf32>
        %select_n3A_228 = arith.select %eq3A_221, %broadcast_in_dim3A_227, %broadcast_in_dim3A_90 : vector<16xi1>, vector<16xf32>
        %mul3A_229 = arith.constant 16 : i32
        %mul3A_230 = arith.muli %scan3A_83, %mul3A_229 : i32
        %add3A_231 = arith.constant 1 : i32
        %add3A_232 = arith.addi %mul3A_230, %add3A_231 : i32
        %broadcast_in_dim3A_233 = arith.constant 0.000000e+00 : f32
        %broadcast_in_dim3A_234 = vector.broadcast %broadcast_in_dim3A_233 : f32 to vector<16xf32>
        %broadcast_in_dim3A_235 = arith.constant 0.000000e+00 : f32
        %broadcast_in_dim3A_236 = vector.broadcast %broadcast_in_dim3A_235 : f32 to vector<16xf32>
        %broadcast_in_dim3A_237 = arith.constant 0.000000e+00 : f32
        %broadcast_in_dim3A_238 = vector.broadcast %broadcast_in_dim3A_237 : f32 to vector<16xf32>
        %broadcast_in_dim3A_239 = arith.constant 0.000000e+00 : f32
        %broadcast_in_dim3A_240 = vector.broadcast %broadcast_in_dim3A_239 : f32 to vector<16xf32>
        %broadcast_in_dim3A_241 = arith.constant 0.000000e+00 : f32
        %broadcast_in_dim3A_242 = vector.broadcast %broadcast_in_dim3A_241 : f32 to vector<16xf32>
        %broadcast_in_dim3A_243 = arith.constant 0.000000e+00 : f32
        %broadcast_in_dim3A_244 = vector.broadcast %broadcast_in_dim3A_243 : f32 to vector<16xf32>
        %get3A_245 = arith.index_cast %add3A_232 : i32 to index
        %get3A_246 = arith.constant 0 : index
        %get3A_247 = tpu.vector_load %arg10[%get3A_245, %get3A_246] {strides = array<i32>} : memref<128x128xf32, #tpu.memory_space<vmem>>, vector<16xf32>,
        %get3A_248 = arith.index_cast %add3A_232 : i32 to index
        %get3A_249 = arith.constant 0 : index
        %get3A_250 = tpu.vector_load %arg12[%get3A_248, %get3A_249] {strides = array<i32>} : memref<128x128xf32, #tpu.memory_space<vmem>>, vector<16xf32>,
        %get3A_251 = arith.index_cast %add3A_232 : i32 to index
        %get3A_252 = arith.constant 16 : index
        %get3A_253 = tpu.vector_load %arg10[%get3A_251, %get3A_252] {strides = array<i32>} : memref<128x128xf32, #tpu.memory_space<vmem>>, vector<16xf32>,
        %get3A_254 = arith.index_cast %add3A_232 : i32 to index
        %get3A_255 = arith.constant 16 : index
        %get3A_256 = tpu.vector_load %arg12[%get3A_254, %get3A_255] {strides = array<i32>} : memref<128x128xf32, #tpu.memory_space<vmem>>, vector<16xf32>,
        %mul3A_257 = arith.mulf %get3A_247, %get3A_250 : vector<16xf32>
        %add3A_258 = arith.addf %broadcast_in_dim3A_234, %mul3A_257 : vector<16xf32>
        %mul3A_259 = arith.mulf %get3A_247, %get3A_247 : vector<16xf32>
        %add3A_260 = arith.addf %broadcast_in_dim3A_236, %mul3A_259 : vector<16xf32>
        %mul3A_261 = arith.mulf %get3A_250, %get3A_250 : vector<16xf32>
        %add3A_262 = arith.addf %broadcast_in_dim3A_238, %mul3A_261 : vector<16xf32>
        %mul3A_263 = arith.mulf %get3A_253, %get3A_256 : vector<16xf32>
        %add3A_264 = arith.addf %broadcast_in_dim3A_240, %mul3A_263 : vector<16xf32>
        %mul3A_265 = arith.mulf %get3A_253, %get3A_253 : vector<16xf32>
        %add3A_266 = arith.addf %broadcast_in_dim3A_242, %mul3A_265 : vector<16xf32>
        %mul3A_267 = arith.mulf %get3A_256, %get3A_256 : vector<16xf32>
        %add3A_268 = arith.addf %broadcast_in_dim3A_244, %mul3A_267 : vector<16xf32>
        %get3A_269 = arith.index_cast %add3A_232 : i32 to index
        %get3A_270 = arith.constant 32 : index
        %get3A_271 = tpu.vector_load %arg10[%get3A_269, %get3A_270] {strides = array<i32>} : memref<128x128xf32, #tpu.memory_space<vmem>>, vector<16xf32>,
        %get3A_272 = arith.index_cast %add3A_232 : i32 to index
        %get3A_273 = arith.constant 32 : index
        %get3A_274 = tpu.vector_load %arg12[%get3A_272, %get3A_273] {strides = array<i32>} : memref<128x128xf32, #tpu.memory_space<vmem>>, vector<16xf32>,
        %get3A_275 = arith.index_cast %add3A_232 : i32 to index
        %get3A_276 = arith.constant 48 : index
        %get3A_277 = tpu.vector_load %arg10[%get3A_275, %get3A_276] {strides = array<i32>} : memref<128x128xf32, #tpu.memory_space<vmem>>, vector<16xf32>,
        %get3A_278 = arith.index_cast %add3A_232 : i32 to index
        %get3A_279 = arith.constant 48 : index
        %get3A_280 = tpu.vector_load %arg12[%get3A_278, %get3A_279] {strides = array<i32>} : memref<128x128xf32, #tpu.memory_space<vmem>>, vector<16xf32>,
        %mul3A_281 = arith.mulf %get3A_271, %get3A_274 : vector<16xf32>
        %add3A_282 = arith.addf %add3A_258, %mul3A_281 : vector<16xf32>
        %mul3A_283 = arith.mulf %get3A_271, %get3A_271 : vector<16xf32>
        %add3A_284 = arith.addf %add3A_260, %mul3A_283 : vector<16xf32>
        %mul3A_285 = arith.mulf %get3A_274, %get3A_274 : vector<16xf32>
        %add3A_286 = arith.addf %add3A_262, %mul3A_285 : vector<16xf32>
        %mul3A_287 = arith.mulf %get3A_277, %get3A_280 : vector<16xf32>
        %add3A_288 = arith.addf %add3A_264, %mul3A_287 : vector<16xf32>
        %mul3A_289 = arith.mulf %get3A_277, %get3A_277 : vector<16xf32>
        %add3A_290 = arith.addf %add3A_266, %mul3A_289 : vector<16xf32>
        %mul3A_291 = arith.mulf %get3A_280, %get3A_280 : vector<16xf32>
        %add3A_292 = arith.addf %add3A_268, %mul3A_291 : vector<16xf32>
        %get3A_293 = arith.index_cast %add3A_232 : i32 to index
        %get3A_294 = arith.constant 64 : index
        %get3A_295 = tpu.vector_load %arg10[%get3A_293, %get3A_294] {strides = array<i32>} : memref<128x128xf32, #tpu.memory_space<vmem>>, vector<16xf32>,
        %get3A_296 = arith.index_cast %add3A_232 : i32 to index
        %get3A_297 = arith.constant 64 : index
        %get3A_298 = tpu.vector_load %arg12[%get3A_296, %get3A_297] {strides = array<i32>} : memref<128x128xf32, #tpu.memory_space<vmem>>, vector<16xf32>,
        %get3A_299 = arith.index_cast %add3A_232 : i32 to index
        %get3A_300 = arith.constant 80 : index
        %get3A_301 = tpu.vector_load %arg10[%get3A_299, %get3A_300] {strides = array<i32>} : memref<128x128xf32, #tpu.memory_space<vmem>>, vector<16xf32>,
        %get3A_302 = arith.index_cast %add3A_232 : i32 to index
        %get3A_303 = arith.constant 80 : index
        %get3A_304 = tpu.vector_load %arg12[%get3A_302, %get3A_303] {strides = array<i32>} : memref<128x128xf32, #tpu.memory_space<vmem>>, vector<16xf32>,
        %mul3A_305 = arith.mulf %get3A_295, %get3A_298 : vector<16xf32>
        %add3A_306 = arith.addf %add3A_282, %mul3A_305 : vector<16xf32>
        %mul3A_307 = arith.mulf %get3A_295, %get3A_295 : vector<16xf32>
        %add3A_308 = arith.addf %add3A_284, %mul3A_307 : vector<16xf32>
        %mul3A_309 = arith.mulf %get3A_298, %get3A_298 : vector<16xf32>
        %add3A_310 = arith.addf %add3A_286, %mul3A_309 : vector<16xf32>
        %mul3A_311 = arith.mulf %get3A_301, %get3A_304 : vector<16xf32>
        %add3A_312 = arith.addf %add3A_288, %mul3A_311 : vector<16xf32>
        %mul3A_313 = arith.mulf %get3A_301, %get3A_301 : vector<16xf32>
        %add3A_314 = arith.addf %add3A_290, %mul3A_313 : vector<16xf32>
        %mul3A_315 = arith.mulf %get3A_304, %get3A_304 : vector<16xf32>
        %add3A_316 = arith.addf %add3A_292, %mul3A_315 : vector<16xf32>
        %get3A_317 = arith.index_cast %add3A_232 : i32 to index
        %get3A_318 = arith.constant 96 : index
        %get3A_319 = tpu.vector_load %arg10[%get3A_317, %get3A_318] {strides = array<i32>} : memref<128x128xf32, #tpu.memory_space<vmem>>, vector<16xf32>,
        %get3A_320 = arith.index_cast %add3A_232 : i32 to index
        %get3A_321 = arith.constant 96 : index
        %get3A_322 = tpu.vector_load %arg12[%get3A_320, %get3A_321] {strides = array<i32>} : memref<128x128xf32, #tpu.memory_space<vmem>>, vector<16xf32>,
        %get3A_323 = arith.index_cast %add3A_232 : i32 to index
        %get3A_324 = arith.constant 112 : index
        %get3A_325 = tpu.vector_load %arg10[%get3A_323, %get3A_324] {strides = array<i32>} : memref<128x128xf32, #tpu.memory_space<vmem>>, vector<16xf32>,
        %get3A_326 = arith.index_cast %add3A_232 : i32 to index
        %get3A_327 = arith.constant 112 : index
        %get3A_328 = tpu.vector_load %arg12[%get3A_326, %get3A_327] {strides = array<i32>} : memref<128x128xf32, #tpu.memory_space<vmem>>, vector<16xf32>,
        %mul3A_329 = arith.mulf %get3A_319, %get3A_322 : vector<16xf32>
        %add3A_330 = arith.addf %add3A_306, %mul3A_329 : vector<16xf32>
        %mul3A_331 = arith.mulf %get3A_319, %get3A_319 : vector<16xf32>
        %add3A_332 = arith.addf %add3A_308, %mul3A_331 : vector<16xf32>
        %mul3A_333 = arith.mulf %get3A_322, %get3A_322 : vector<16xf32>
        %add3A_334 = arith.addf %add3A_310, %mul3A_333 : vector<16xf32>
        %mul3A_335 = arith.mulf %get3A_325, %get3A_328 : vector<16xf32>
        %add3A_336 = arith.addf %add3A_312, %mul3A_335 : vector<16xf32>
        %mul3A_337 = arith.mulf %get3A_325, %get3A_325 : vector<16xf32>
        %add3A_338 = arith.addf %add3A_314, %mul3A_337 : vector<16xf32>
        %mul3A_339 = arith.mulf %get3A_328, %get3A_328 : vector<16xf32>
        %add3A_340 = arith.addf %add3A_316, %mul3A_339 : vector<16xf32>
        %eq3A_341 = arith.constant 1 : i32
        %eq3A_342 = vector.broadcast %eq3A_341 : i32 to vector<16xi32>
        %eq3A_343 = arith.cmpi eq, %iota3A, %eq3A_342 : vector<16xi32>
        %add3A_344 = arith.addf %add3A_330, %add3A_336 : vector<16xf32>
        %reduce_sum3A_345 = arith.constant true
        %reduce_sum3A_346 = vector.broadcast %reduce_sum3A_345 : i1 to vector<16xi1>
        %reduce_sum3A_347 = tpu.scan <sum>, %add3A_344 masked %reduce_sum3A_346 : vector<16xf32>, vector<16xi1> -> vector<16xf32>
        %reduce_sum3A_348 = vector.extract %reduce_sum3A_347[15] : f32 from vector<16xf32>
        %broadcast_in_dim3A_349 = vector.broadcast %reduce_sum3A_348 : f32 to vector<16xf32>
        %select_n3A_350 = arith.select %eq3A_343, %broadcast_in_dim3A_349, %select_n3A : vector<16xi1>, vector<16xf32>
        %eq3A_351 = arith.constant 1 : i32
        %eq3A_352 = vector.broadcast %eq3A_351 : i32 to vector<16xi32>
        %eq3A_353 = arith.cmpi eq, %iota3A, %eq3A_352 : vector<16xi32>
        %add3A_354 = arith.addf %add3A_332, %add3A_338 : vector<16xf32>
        %reduce_sum3A_355 = arith.constant true
        %reduce_sum3A_356 = vector.broadcast %reduce_sum3A_355 : i1 to vector<16xi1>
        %reduce_sum3A_357 = tpu.scan <sum>, %add3A_354 masked %reduce_sum3A_356 : vector<16xf32>, vector<16xi1> -> vector<16xf32>
        %reduce_sum3A_358 = vector.extract %reduce_sum3A_357[15] : f32 from vector<16xf32>
        %broadcast_in_dim3A_359 = vector.broadcast %reduce_sum3A_358 : f32 to vector<16xf32>
        %select_n3A_360 = arith.select %eq3A_353, %broadcast_in_dim3A_359, %select_n3A_218 : vector<16xi1>, vector<16xf32>
        %eq3A_361 = arith.constant 1 : i32
        %eq3A_362 = vector.broadcast %eq3A_361 : i32 to vector<16xi32>
        %eq3A_363 = arith.cmpi eq, %iota3A, %eq3A_362 : vector<16xi32>
        %add3A_364 = arith.addf %add3A_334, %add3A_340 : vector<16xf32>
        %reduce_sum3A_365 = arith.constant true
        %reduce_sum3A_366 = vector.broadcast %reduce_sum3A_365 : i1 to vector<16xi1>
        %reduce_sum3A_367 = tpu.scan <sum>, %add3A_364 masked %reduce_sum3A_366 : vector<16xf32>, vector<16xi1> -> vector<16xf32>
        %reduce_sum3A_368 = vector.extract %reduce_sum3A_367[15] : f32 from vector<16xf32>
        %broadcast_in_dim3A_369 = vector.broadcast %reduce_sum3A_368 : f32 to vector<16xf32>
        %select_n3A_370 = arith.select %eq3A_363, %broadcast_in_dim3A_369, %select_n3A_228 : vector<16xi1>, vector<16xf32>
        %mul3A_371 = arith.constant 16 : i32
        %mul3A_372 = arith.muli %scan3A_83, %mul3A_371 : i32
        %add3A_373 = arith.constant 2 : i32
        %add3A_374 = arith.addi %mul3A_372, %add3A_373 : i32
        %broadcast_in_dim3A_375 = arith.constant 0.000000e+00 : f32
        %broadcast_in_dim3A_376 = vector.broadcast %broadcast_in_dim3A_375 : f32 to vector<16xf32>
        %broadcast_in_dim3A_377 = arith.constant 0.000000e+00 : f32
        %broadcast_in_dim3A_378 = vector.broadcast %broadcast_in_dim3A_377 : f32 to vector<16xf32>
        %broadcast_in_dim3A_379 = arith.constant 0.000000e+00 : f32
        %broadcast_in_dim3A_380 = vector.broadcast %broadcast_in_dim3A_379 : f32 to vector<16xf32>
        %broadcast_in_dim3A_381 = arith.constant 0.000000e+00 : f32
        %broadcast_in_dim3A_382 = vector.broadcast %broadcast_in_dim3A_381 : f32 to vector<16xf32>
        %broadcast_in_dim3A_383 = arith.constant 0.000000e+00 : f32
        %broadcast_in_dim3A_384 = vector.broadcast %broadcast_in_dim3A_383 : f32 to vector<16xf32>
        %broadcast_in_dim3A_385 = arith.constant 0.000000e+00 : f32
        %broadcast_in_dim3A_386 = vector.broadcast %broadcast_in_dim3A_385 : f32 to vector<16xf32>
        %get3A_387 = arith.index_cast %add3A_374 : i32 to index
        %get3A_388 = arith.constant 0 : index
        %get3A_389 = tpu.vector_load %arg10[%get3A_387, %get3A_388] {strides = array<i32>} : memref<128x128xf32, #tpu.memory_space<vmem>>, vector<16xf32>,
        %get3A_390 = arith.index_cast %add3A_374 : i32 to index
        %get3A_391 = arith.constant 0 : index
        %get3A_392 = tpu.vector_load %arg12[%get3A_390, %get3A_391] {strides = array<i32>} : memref<128x128xf32, #tpu.memory_space<vmem>>, vector<16xf32>,
        %get3A_393 = arith.index_cast %add3A_374 : i32 to index
        %get3A_394 = arith.constant 16 : index
        %get3A_395 = tpu.vector_load %arg10[%get3A_393, %get3A_394] {strides = array<i32>} : memref<128x128xf32, #tpu.memory_space<vmem>>, vector<16xf32>,
        %get3A_396 = arith.index_cast %add3A_374 : i32 to index
        %get3A_397 = arith.constant 16 : index
        %get3A_398 = tpu.vector_load %arg12[%get3A_396, %get3A_397] {strides = array<i32>} : memref<128x128xf32, #tpu.memory_space<vmem>>, vector<16xf32>,
        %mul3A_399 = arith.mulf %get3A_389, %get3A_392 : vector<16xf32>
        %add3A_400 = arith.addf %broadcast_in_dim3A_376, %mul3A_399 : vector<16xf32>
        %mul3A_401 = arith.mulf %get3A_389, %get3A_389 : vector<16xf32>
        %add3A_402 = arith.addf %broadcast_in_dim3A_378, %mul3A_401 : vector<16xf32>
        %mul3A_403 = arith.mulf %get3A_392, %get3A_392 : vector<16xf32>
        %add3A_404 = arith.addf %broadcast_in_dim3A_380, %mul3A_403 : vector<16xf32>
        %mul3A_405 = arith.mulf %get3A_395, %get3A_398 : vector<16xf32>
        %add3A_406 = arith.addf %broadcast_in_dim3A_382, %mul3A_405 : vector<16xf32>
        %mul3A_407 = arith.mulf %get3A_395, %get3A_395 : vector<16xf32>
        %add3A_408 = arith.addf %broadcast_in_dim3A_384, %mul3A_407 : vector<16xf32>
        %mul3A_409 = arith.mulf %get3A_398, %get3A_398 : vector<16xf32>
        %add3A_410 = arith.addf %broadcast_in_dim3A_386, %mul3A_409 : vector<16xf32>
        %get3A_411 = arith.index_cast %add3A_374 : i32 to index
        %get3A_412 = arith.constant 32 : index
        %get3A_413 = tpu.vector_load %arg10[%get3A_411, %get3A_412] {strides = array<i32>} : memref<128x128xf32, #tpu.memory_space<vmem>>, vector<16xf32>,
        %get3A_414 = arith.index_cast %add3A_374 : i32 to index
        %get3A_415 = arith.constant 32 : index
        %get3A_416 = tpu.vector_load %arg12[%get3A_414, %get3A_415] {strides = array<i32>} : memref<128x128xf32, #tpu.memory_space<vmem>>, vector<16xf32>,
        %get3A_417 = arith.index_cast %add3A_374 : i32 to index
        %get3A_418 = arith.constant 48 : index
        %get3A_419 = tpu.vector_load %arg10[%get3A_417, %get3A_418] {strides = array<i32>} : memref<128x128xf32, #tpu.memory_space<vmem>>, vector<16xf32>,
        %get3A_420 = arith.index_cast %add3A_374 : i32 to index
        %get3A_421 = arith.constant 48 : index
        %get3A_422 = tpu.vector_load %arg12[%get3A_420, %get3A_421] {strides = array<i32>} : memref<128x128xf32, #tpu.memory_space<vmem>>, vector<16xf32>,
        %mul3A_423 = arith.mulf %get3A_413, %get3A_416 : vector<16xf32>
        %add3A_424 = arith.addf %add3A_400, %mul3A_423 : vector<16xf32>
        %mul3A_425 = arith.mulf %get3A_413, %get3A_413 : vector<16xf32>
        %add3A_426 = arith.addf %add3A_402, %mul3A_425 : vector<16xf32>
        %mul3A_427 = arith.mulf %get3A_416, %get3A_416 : vector<16xf32>
        %add3A_428 = arith.addf %add3A_404, %mul3A_427 : vector<16xf32>
        %mul3A_429 = arith.mulf %get3A_419, %get3A_422 : vector<16xf32>
        %add3A_430 = arith.addf %add3A_406, %mul3A_429 : vector<16xf32>
        %mul3A_431 = arith.mulf %get3A_419, %get3A_419 : vector<16xf32>
        %add3A_432 = arith.addf %add3A_408, %mul3A_431 : vector<16xf32>
        %mul3A_433 = arith.mulf %get3A_422, %get3A_422 : vector<16xf32>
        %add3A_434 = arith.addf %add3A_410, %mul3A_433 : vector<16xf32>
        %get3A_435 = arith.index_cast %add3A_374 : i32 to index
        %get3A_436 = arith.constant 64 : index
        %get3A_437 = tpu.vector_load %arg10[%get3A_435, %get3A_436] {strides = array<i32>} : memref<128x128xf32, #tpu.memory_space<vmem>>, vector<16xf32>,
        %get3A_438 = arith.index_cast %add3A_374 : i32 to index
        %get3A_439 = arith.constant 64 : index
        %get3A_440 = tpu.vector_load %arg12[%get3A_438, %get3A_439] {strides = array<i32>} : memref<128x128xf32, #tpu.memory_space<vmem>>, vector<16xf32>,
        %get3A_441 = arith.index_cast %add3A_374 : i32 to index
        %get3A_442 = arith.constant 80 : index
        %get3A_443 = tpu.vector_load %arg10[%get3A_441, %get3A_442] {strides = array<i32>} : memref<128x128xf32, #tpu.memory_space<vmem>>, vector<16xf32>,
        %get3A_444 = arith.index_cast %add3A_374 : i32 to index
        %get3A_445 = arith.constant 80 : index
        %get3A_446 = tpu.vector_load %arg12[%get3A_444, %get3A_445] {strides = array<i32>} : memref<128x128xf32, #tpu.memory_space<vmem>>, vector<16xf32>,
        %mul3A_447 = arith.mulf %get3A_437, %get3A_440 : vector<16xf32>
        %add3A_448 = arith.addf %add3A_424, %mul3A_447 : vector<16xf32>
        %mul3A_449 = arith.mulf %get3A_437, %get3A_437 : vector<16xf32>
        %add3A_450 = arith.addf %add3A_426, %mul3A_449 : vector<16xf32>
        %mul3A_451 = arith.mulf %get3A_440, %get3A_440 : vector<16xf32>
        %add3A_452 = arith.addf %add3A_428, %mul3A_451 : vector<16xf32>
        %mul3A_453 = arith.mulf %get3A_443, %get3A_446 : vector<16xf32>
        %add3A_454 = arith.addf %add3A_430, %mul3A_453 : vector<16xf32>
        %mul3A_455 = arith.mulf %get3A_443, %get3A_443 : vector<16xf32>
        %add3A_456 = arith.addf %add3A_432, %mul3A_455 : vector<16xf32>
        %mul3A_457 = arith.mulf %get3A_446, %get3A_446 : vector<16xf32>
        %add3A_458 = arith.addf %add3A_434, %mul3A_457 : vector<16xf32>
        %get3A_459 = arith.index_cast %add3A_374 : i32 to index
        %get3A_460 = arith.constant 96 : index
        %get3A_461 = tpu.vector_load %arg10[%get3A_459, %get3A_460] {strides = array<i32>} : memref<128x128xf32, #tpu.memory_space<vmem>>, vector<16xf32>,
        %get3A_462 = arith.index_cast %add3A_374 : i32 to index
        %get3A_463 = arith.constant 96 : index
        %get3A_464 = tpu.vector_load %arg12[%get3A_462, %get3A_463] {strides = array<i32>} : memref<128x128xf32, #tpu.memory_space<vmem>>, vector<16xf32>,
        %get3A_465 = arith.index_cast %add3A_374 : i32 to index
        %get3A_466 = arith.constant 112 : index
        %get3A_467 = tpu.vector_load %arg10[%get3A_465, %get3A_466] {strides = array<i32>} : memref<128x128xf32, #tpu.memory_space<vmem>>, vector<16xf32>,
        %get3A_468 = arith.index_cast %add3A_374 : i32 to index
        %get3A_469 = arith.constant 112 : index
        %get3A_470 = tpu.vector_load %arg12[%get3A_468, %get3A_469] {strides = array<i32>} : memref<128x128xf32, #tpu.memory_space<vmem>>, vector<16xf32>,
        %mul3A_471 = arith.mulf %get3A_461, %get3A_464 : vector<16xf32>
        %add3A_472 = arith.addf %add3A_448, %mul3A_471 : vector<16xf32>
        %mul3A_473 = arith.mulf %get3A_461, %get3A_461 : vector<16xf32>
        %add3A_474 = arith.addf %add3A_450, %mul3A_473 : vector<16xf32>
        %mul3A_475 = arith.mulf %get3A_464, %get3A_464 : vector<16xf32>
        %add3A_476 = arith.addf %add3A_452, %mul3A_475 : vector<16xf32>
        %mul3A_477 = arith.mulf %get3A_467, %get3A_470 : vector<16xf32>
        %add3A_478 = arith.addf %add3A_454, %mul3A_477 : vector<16xf32>
        %mul3A_479 = arith.mulf %get3A_467, %get3A_467 : vector<16xf32>
        %add3A_480 = arith.addf %add3A_456, %mul3A_479 : vector<16xf32>
        %mul3A_481 = arith.mulf %get3A_470, %get3A_470 : vector<16xf32>
        %add3A_482 = arith.addf %add3A_458, %mul3A_481 : vector<16xf32>
        %eq3A_483 = arith.constant 2 : i32
        %eq3A_484 = vector.broadcast %eq3A_483 : i32 to vector<16xi32>
        %eq3A_485 = arith.cmpi eq, %iota3A, %eq3A_484 : vector<16xi32>
        %add3A_486 = arith.addf %add3A_472, %add3A_478 : vector<16xf32>
        %reduce_sum3A_487 = arith.constant true
        %reduce_sum3A_488 = vector.broadcast %reduce_sum3A_487 : i1 to vector<16xi1>
        %reduce_sum3A_489 = tpu.scan <sum>, %add3A_486 masked %reduce_sum3A_488 : vector<16xf32>, vector<16xi1> -> vector<16xf32>
        %reduce_sum3A_490 = vector.extract %reduce_sum3A_489[15] : f32 from vector<16xf32>
        %broadcast_in_dim3A_491 = vector.broadcast %reduce_sum3A_490 : f32 to vector<16xf32>
        %select_n3A_492 = arith.select %eq3A_485, %broadcast_in_dim3A_491, %select_n3A_350 : vector<16xi1>, vector<16xf32>
        %eq3A_493 = arith.constant 2 : i32
        %eq3A_494 = vector.broadcast %eq3A_493 : i32 to vector<16xi32>
        %eq3A_495 = arith.cmpi eq, %iota3A, %eq3A_494 : vector<16xi32>
        %add3A_496 = arith.addf %add3A_474, %add3A_480 : vector<16xf32>
        %reduce_sum3A_497 = arith.constant true
        %reduce_sum3A_498 = vector.broadcast %reduce_sum3A_497 : i1 to vector<16xi1>
        %reduce_sum3A_499 = tpu.scan <sum>, %add3A_496 masked %reduce_sum3A_498 : vector<16xf32>, vector<16xi1> -> vector<16xf32>
        %reduce_sum3A_500 = vector.extract %reduce_sum3A_499[15] : f32 from vector<16xf32>
        %broadcast_in_dim3A_501 = vector.broadcast %reduce_sum3A_500 : f32 to vector<16xf32>
        %select_n3A_502 = arith.select %eq3A_495, %broadcast_in_dim3A_501, %select_n3A_360 : vector<16xi1>, vector<16xf32>
        %eq3A_503 = arith.constant 2 : i32
        %eq3A_504 = vector.broadcast %eq3A_503 : i32 to vector<16xi32>
        %eq3A_505 = arith.cmpi eq, %iota3A, %eq3A_504 : vector<16xi32>
        %add3A_506 = arith.addf %add3A_476, %add3A_482 : vector<16xf32>
        %reduce_sum3A_507 = arith.constant true
        %reduce_sum3A_508 = vector.broadcast %reduce_sum3A_507 : i1 to vector<16xi1>
        %reduce_sum3A_509 = tpu.scan <sum>, %add3A_506 masked %reduce_sum3A_508 : vector<16xf32>, vector<16xi1> -> vector<16xf32>
        %reduce_sum3A_510 = vector.extract %reduce_sum3A_509[15] : f32 from vector<16xf32>
        %broadcast_in_dim3A_511 = vector.broadcast %reduce_sum3A_510 : f32 to vector<16xf32>
        %select_n3A_512 = arith.select %eq3A_505, %broadcast_in_dim3A_511, %select_n3A_370 : vector<16xi1>, vector<16xf32>
        %mul3A_513 = arith.constant 16 : i32
        %mul3A_514 = arith.muli %scan3A_83, %mul3A_513 : i32
        %add3A_515 = arith.constant 3 : i32
        %add3A_516 = arith.addi %mul3A_514, %add3A_515 : i32
        %broadcast_in_dim3A_517 = arith.constant 0.000000e+00 : f32
        %broadcast_in_dim3A_518 = vector.broadcast %broadcast_in_dim3A_517 : f32 to vector<16xf32>
        %broadcast_in_dim3A_519 = arith.constant 0.000000e+00 : f32
        %broadcast_in_dim3A_520 = vector.broadcast %broadcast_in_dim3A_519 : f32 to vector<16xf32>
        %broadcast_in_dim3A_521 = arith.constant 0.000000e+00 : f32
        %broadcast_in_dim3A_522 = vector.broadcast %broadcast_in_dim3A_521 : f32 to vector<16xf32>
        %broadcast_in_dim3A_523 = arith.constant 0.000000e+00 : f32
        %broadcast_in_dim3A_524 = vector.broadcast %broadcast_in_dim3A_523 : f32 to vector<16xf32>
        %broadcast_in_dim3A_525 = arith.constant 0.000000e+00 : f32
        %broadcast_in_dim3A_526 = vector.broadcast %broadcast_in_dim3A_525 : f32 to vector<16xf32>
        %broadcast_in_dim3A_527 = arith.constant 0.000000e+00 : f32
        %broadcast_in_dim3A_528 = vector.broadcast %broadcast_in_dim3A_527 : f32 to vector<16xf32>
        %get3A_529 = arith.index_cast %add3A_516 : i32 to index
        %get3A_530 = arith.constant 0 : index
        %get3A_531 = tpu.vector_load %arg10[%get3A_529, %get3A_530] {strides = array<i32>} : memref<128x128xf32, #tpu.memory_space<vmem>>, vector<16xf32>,
        %get3A_532 = arith.index_cast %add3A_516 : i32 to index
        %get3A_533 = arith.constant 0 : index
        %get3A_534 = tpu.vector_load %arg12[%get3A_532, %get3A_533] {strides = array<i32>} : memref<128x128xf32, #tpu.memory_space<vmem>>, vector<16xf32>,
        %get3A_535 = arith.index_cast %add3A_516 : i32 to index
        %get3A_536 = arith.constant 16 : index
        %get3A_537 = tpu.vector_load %arg10[%get3A_535, %get3A_536] {strides = array<i32>} : memref<128x128xf32, #tpu.memory_space<vmem>>, vector<16xf32>,
        %get3A_538 = arith.index_cast %add3A_516 : i32 to index
        %get3A_539 = arith.constant 16 : index
        %get3A_540 = tpu.vector_load %arg12[%get3A_538, %get3A_539] {strides = array<i32>} : memref<128x128xf32, #tpu.memory_space<vmem>>, vector<16xf32>,
        %mul3A_541 = arith.mulf %get3A_531, %get3A_534 : vector<16xf32>
        %add3A_542 = arith.addf %broadcast_in_dim3A_518, %mul3A_541 : vector<16xf32>
        %mul3A_543 = arith.mulf %get3A_531, %get3A_531 : vector<16xf32>
        %add3A_544 = arith.addf %broadcast_in_dim3A_520, %mul3A_543 : vector<16xf32>
        %mul3A_545 = arith.mulf %get3A_534, %get3A_534 : vector<16xf32>
        %add3A_546 = arith.addf %broadcast_in_dim3A_522, %mul3A_545 : vector<16xf32>
        %mul3A_547 = arith.mulf %get3A_537, %get3A_540 : vector<16xf32>
        %add3A_548 = arith.addf %broadcast_in_dim3A_524, %mul3A_547 : vector<16xf32>
        %mul3A_549 = arith.mulf %get3A_537, %get3A_537 : vector<16xf32>
        %add3A_550 = arith.addf %broadcast_in_dim3A_526, %mul3A_549 : vector<16xf32>
        %mul3A_551 = arith.mulf %get3A_540, %get3A_540 : vector<16xf32>
        %add3A_552 = arith.addf %broadcast_in_dim3A_528, %mul3A_551 : vector<16xf32>
        %get3A_553 = arith.index_cast %add3A_516 : i32 to index
        %get3A_554 = arith.constant 32 : index
        %get3A_555 = tpu.vector_load %arg10[%get3A_553, %get3A_554] {strides = array<i32>} : memref<128x128xf32, #tpu.memory_space<vmem>>, vector<16xf32>,
        %get3A_556 = arith.index_cast %add3A_516 : i32 to index
        %get3A_557 = arith.constant 32 : index
        %get3A_558 = tpu.vector_load %arg12[%get3A_556, %get3A_557] {strides = array<i32>} : memref<128x128xf32, #tpu.memory_space<vmem>>, vector<16xf32>,
        %get3A_559 = arith.index_cast %add3A_516 : i32 to index
        %get3A_560 = arith.constant 48 : index
        %get3A_561 = tpu.vector_load %arg10[%get3A_559, %get3A_560] {strides = array<i32>} : memref<128x128xf32, #tpu.memory_space<vmem>>, vector<16xf32>,
        %get3A_562 = arith.index_cast %add3A_516 : i32 to index
        %get3A_563 = arith.constant 48 : index
        %get3A_564 = tpu.vector_load %arg12[%get3A_562, %get3A_563] {strides = array<i32>} : memref<128x128xf32, #tpu.memory_space<vmem>>, vector<16xf32>,
        %mul3A_565 = arith.mulf %get3A_555, %get3A_558 : vector<16xf32>
        %add3A_566 = arith.addf %add3A_542, %mul3A_565 : vector<16xf32>
        %mul3A_567 = arith.mulf %get3A_555, %get3A_555 : vector<16xf32>
        %add3A_568 = arith.addf %add3A_544, %mul3A_567 : vector<16xf32>
        %mul3A_569 = arith.mulf %get3A_558, %get3A_558 : vector<16xf32>
        %add3A_570 = arith.addf %add3A_546, %mul3A_569 : vector<16xf32>
        %mul3A_571 = arith.mulf %get3A_561, %get3A_564 : vector<16xf32>
        %add3A_572 = arith.addf %add3A_548, %mul3A_571 : vector<16xf32>
        %mul3A_573 = arith.mulf %get3A_561, %get3A_561 : vector<16xf32>
        %add3A_574 = arith.addf %add3A_550, %mul3A_573 : vector<16xf32>
        %mul3A_575 = arith.mulf %get3A_564, %get3A_564 : vector<16xf32>
        %add3A_576 = arith.addf %add3A_552, %mul3A_575 : vector<16xf32>
        %get3A_577 = arith.index_cast %add3A_516 : i32 to index
        %get3A_578 = arith.constant 64 : index
        %get3A_579 = tpu.vector_load %arg10[%get3A_577, %get3A_578] {strides = array<i32>} : memref<128x128xf32, #tpu.memory_space<vmem>>, vector<16xf32>,
        %get3A_580 = arith.index_cast %add3A_516 : i32 to index
        %get3A_581 = arith.constant 64 : index
        %get3A_582 = tpu.vector_load %arg12[%get3A_580, %get3A_581] {strides = array<i32>} : memref<128x128xf32, #tpu.memory_space<vmem>>, vector<16xf32>,
        %get3A_583 = arith.index_cast %add3A_516 : i32 to index
        %get3A_584 = arith.constant 80 : index
        %get3A_585 = tpu.vector_load %arg10[%get3A_583, %get3A_584] {strides = array<i32>} : memref<128x128xf32, #tpu.memory_space<vmem>>, vector<16xf32>,
        %get3A_586 = arith.index_cast %add3A_516 : i32 to index
        %get3A_587 = arith.constant 80 : index
        %get3A_588 = tpu.vector_load %arg12[%get3A_586, %get3A_587] {strides = array<i32>} : memref<128x128xf32, #tpu.memory_space<vmem>>, vector<16xf32>,
        %mul3A_589 = arith.mulf %get3A_579, %get3A_582 : vector<16xf32>
        %add3A_590 = arith.addf %add3A_566, %mul3A_589 : vector<16xf32>
        %mul3A_591 = arith.mulf %get3A_579, %get3A_579 : vector<16xf32>
        %add3A_592 = arith.addf %add3A_568, %mul3A_591 : vector<16xf32>
        %mul3A_593 = arith.mulf %get3A_582, %get3A_582 : vector<16xf32>
        %add3A_594 = arith.addf %add3A_570, %mul3A_593 : vector<16xf32>
        %mul3A_595 = arith.mulf %get3A_585, %get3A_588 : vector<16xf32>
        %add3A_596 = arith.addf %add3A_572, %mul3A_595 : vector<16xf32>
        %mul3A_597 = arith.mulf %get3A_585, %get3A_585 : vector<16xf32>
        %add3A_598 = arith.addf %add3A_574, %mul3A_597 : vector<16xf32>
        %mul3A_599 = arith.mulf %get3A_588, %get3A_588 : vector<16xf32>
        %add3A_600 = arith.addf %add3A_576, %mul3A_599 : vector<16xf32>
        %get3A_601 = arith.index_cast %add3A_516 : i32 to index
        %get3A_602 = arith.constant 96 : index
        %get3A_603 = tpu.vector_load %arg10[%get3A_601, %get3A_602] {strides = array<i32>} : memref<128x128xf32, #tpu.memory_space<vmem>>, vector<16xf32>,
        %get3A_604 = arith.index_cast %add3A_516 : i32 to index
        %get3A_605 = arith.constant 96 : index
        %get3A_606 = tpu.vector_load %arg12[%get3A_604, %get3A_605] {strides = array<i32>} : memref<128x128xf32, #tpu.memory_space<vmem>>, vector<16xf32>,
        %get3A_607 = arith.index_cast %add3A_516 : i32 to index
        %get3A_608 = arith.constant 112 : index
        %get3A_609 = tpu.vector_load %arg10[%get3A_607, %get3A_608] {strides = array<i32>} : memref<128x128xf32, #tpu.memory_space<vmem>>, vector<16xf32>,
        %get3A_610 = arith.index_cast %add3A_516 : i32 to index
        %get3A_611 = arith.constant 112 : index
        %get3A_612 = tpu.vector_load %arg12[%get3A_610, %get3A_611] {strides = array<i32>} : memref<128x128xf32, #tpu.memory_space<vmem>>, vector<16xf32>,
        %mul3A_613 = arith.mulf %get3A_603, %get3A_606 : vector<16xf32>
        %add3A_614 = arith.addf %add3A_590, %mul3A_613 : vector<16xf32>
        %mul3A_615 = arith.mulf %get3A_603, %get3A_603 : vector<16xf32>
        %add3A_616 = arith.addf %add3A_592, %mul3A_615 : vector<16xf32>
        %mul3A_617 = arith.mulf %get3A_606, %get3A_606 : vector<16xf32>
        %add3A_618 = arith.addf %add3A_594, %mul3A_617 : vector<16xf32>
        %mul3A_619 = arith.mulf %get3A_609, %get3A_612 : vector<16xf32>
        %add3A_620 = arith.addf %add3A_596, %mul3A_619 : vector<16xf32>
        %mul3A_621 = arith.mulf %get3A_609, %get3A_609 : vector<16xf32>
        %add3A_622 = arith.addf %add3A_598, %mul3A_621 : vector<16xf32>
        %mul3A_623 = arith.mulf %get3A_612, %get3A_612 : vector<16xf32>
        %add3A_624 = arith.addf %add3A_600, %mul3A_623 : vector<16xf32>
        %eq3A_625 = arith.constant 3 : i32
        %eq3A_626 = vector.broadcast %eq3A_625 : i32 to vector<16xi32>
        %eq3A_627 = arith.cmpi eq, %iota3A, %eq3A_626 : vector<16xi32>
        %add3A_628 = arith.addf %add3A_614, %add3A_620 : vector<16xf32>
        %reduce_sum3A_629 = arith.constant true
        %reduce_sum3A_630 = vector.broadcast %reduce_sum3A_629 : i1 to vector<16xi1>
        %reduce_sum3A_631 = tpu.scan <sum>, %add3A_628 masked %reduce_sum3A_630 : vector<16xf32>, vector<16xi1> -> vector<16xf32>
        %reduce_sum3A_632 = vector.extract %reduce_sum3A_631[15] : f32 from vector<16xf32>
        %broadcast_in_dim3A_633 = vector.broadcast %reduce_sum3A_632 : f32 to vector<16xf32>
        %select_n3A_634 = arith.select %eq3A_627, %broadcast_in_dim3A_633, %select_n3A_492 : vector<16xi1>, vector<16xf32>
        %eq3A_635 = arith.constant 3 : i32
        %eq3A_636 = vector.broadcast %eq3A_635 : i32 to vector<16xi32>
        %eq3A_637 = arith.cmpi eq, %iota3A, %eq3A_636 : vector<16xi32>
        %add3A_638 = arith.addf %add3A_616, %add3A_622 : vector<16xf32>
        %reduce_sum3A_639 = arith.constant true
        %reduce_sum3A_640 = vector.broadcast %reduce_sum3A_639 : i1 to vector<16xi1>
        %reduce_sum3A_641 = tpu.scan <sum>, %add3A_638 masked %reduce_sum3A_640 : vector<16xf32>, vector<16xi1> -> vector<16xf32>
        %reduce_sum3A_642 = vector.extract %reduce_sum3A_641[15] : f32 from vector<16xf32>
        %broadcast_in_dim3A_643 = vector.broadcast %reduce_sum3A_642 : f32 to vector<16xf32>
        %select_n3A_644 = arith.select %eq3A_637, %broadcast_in_dim3A_643, %select_n3A_502 : vector<16xi1>, vector<16xf32>
        %eq3A_645 = arith.constant 3 : i32
        %eq3A_646 = vector.broadcast %eq3A_645 : i32 to vector<16xi32>
        %eq3A_647 = arith.cmpi eq, %iota3A, %eq3A_646 : vector<16xi32>
        %add3A_648 = arith.addf %add3A_618, %add3A_624 : vector<16xf32>
        %reduce_sum3A_649 = arith.constant true
        %reduce_sum3A_650 = vector.broadcast %reduce_sum3A_649 : i1 to vector<16xi1>
        %reduce_sum3A_651 = tpu.scan <sum>, %add3A_648 masked %reduce_sum3A_650 : vector<16xf32>, vector<16xi1> -> vector<16xf32>
        %reduce_sum3A_652 = vector.extract %reduce_sum3A_651[15] : f32 from vector<16xf32>
        %broadcast_in_dim3A_653 = vector.broadcast %reduce_sum3A_652 : f32 to vector<16xf32>
        %select_n3A_654 = arith.select %eq3A_647, %broadcast_in_dim3A_653, %select_n3A_512 : vector<16xi1>, vector<16xf32>
        %mul3A_655 = arith.constant 16 : i32
        %mul3A_656 = arith.muli %scan3A_83, %mul3A_655 : i32
        %add3A_657 = arith.constant 4 : i32
        %add3A_658 = arith.addi %mul3A_656, %add3A_657 : i32
        %broadcast_in_dim3A_659 = arith.constant 0.000000e+00 : f32
        %broadcast_in_dim3A_660 = vector.broadcast %broadcast_in_dim3A_659 : f32 to vector<16xf32>
        %broadcast_in_dim3A_661 = arith.constant 0.000000e+00 : f32
        %broadcast_in_dim3A_662 = vector.broadcast %broadcast_in_dim3A_661 : f32 to vector<16xf32>
        %broadcast_in_dim3A_663 = arith.constant 0.000000e+00 : f32
        %broadcast_in_dim3A_664 = vector.broadcast %broadcast_in_dim3A_663 : f32 to vector<16xf32>
        %broadcast_in_dim3A_665 = arith.constant 0.000000e+00 : f32
        %broadcast_in_dim3A_666 = vector.broadcast %broadcast_in_dim3A_665 : f32 to vector<16xf32>
        %broadcast_in_dim3A_667 = arith.constant 0.000000e+00 : f32
        %broadcast_in_dim3A_668 = vector.broadcast %broadcast_in_dim3A_667 : f32 to vector<16xf32>
        %broadcast_in_dim3A_669 = arith.constant 0.000000e+00 : f32
        %broadcast_in_dim3A_670 = vector.broadcast %broadcast_in_dim3A_669 : f32 to vector<16xf32>
        %get3A_671 = arith.index_cast %add3A_658 : i32 to index
        %get3A_672 = arith.constant 0 : index
        %get3A_673 = tpu.vector_load %arg10[%get3A_671, %get3A_672] {strides = array<i32>} : memref<128x128xf32, #tpu.memory_space<vmem>>, vector<16xf32>,
        %get3A_674 = arith.index_cast %add3A_658 : i32 to index
        %get3A_675 = arith.constant 0 : index
        %get3A_676 = tpu.vector_load %arg12[%get3A_674, %get3A_675] {strides = array<i32>} : memref<128x128xf32, #tpu.memory_space<vmem>>, vector<16xf32>,
        %get3A_677 = arith.index_cast %add3A_658 : i32 to index
        %get3A_678 = arith.constant 16 : index
        %get3A_679 = tpu.vector_load %arg10[%get3A_677, %get3A_678] {strides = array<i32>} : memref<128x128xf32, #tpu.memory_space<vmem>>, vector<16xf32>,
        %get3A_680 = arith.index_cast %add3A_658 : i32 to index
        %get3A_681 = arith.constant 16 : index
        %get3A_682 = tpu.vector_load %arg12[%get3A_680, %get3A_681] {strides = array<i32>} : memref<128x128xf32, #tpu.memory_space<vmem>>, vector<16xf32>,
        %mul3A_683 = arith.mulf %get3A_673, %get3A_676 : vector<16xf32>
        %add3A_684 = arith.addf %broadcast_in_dim3A_660, %mul3A_683 : vector<16xf32>
        %mul3A_685 = arith.mulf %get3A_673, %get3A_673 : vector<16xf32>
        %add3A_686 = arith.addf %broadcast_in_dim3A_662, %mul3A_685 : vector<16xf32>
        %mul3A_687 = arith.mulf %get3A_676, %get3A_676 : vector<16xf32>
        %add3A_688 = arith.addf %broadcast_in_dim3A_664, %mul3A_687 : vector<16xf32>
        %mul3A_689 = arith.mulf %get3A_679, %get3A_682 : vector<16xf32>
        %add3A_690 = arith.addf %broadcast_in_dim3A_666, %mul3A_689 : vector<16xf32>
        %mul3A_691 = arith.mulf %get3A_679, %get3A_679 : vector<16xf32>
        %add3A_692 = arith.addf %broadcast_in_dim3A_668, %mul3A_691 : vector<16xf32>
        %mul3A_693 = arith.mulf %get3A_682, %get3A_682 : vector<16xf32>
        %add3A_694 = arith.addf %broadcast_in_dim3A_670, %mul3A_693 : vector<16xf32>
        %get3A_695 = arith.index_cast %add3A_658 : i32 to index
        %get3A_696 = arith.constant 32 : index
        %get3A_697 = tpu.vector_load %arg10[%get3A_695, %get3A_696] {strides = array<i32>} : memref<128x128xf32, #tpu.memory_space<vmem>>, vector<16xf32>,
        %get3A_698 = arith.index_cast %add3A_658 : i32 to index
        %get3A_699 = arith.constant 32 : index
        %get3A_700 = tpu.vector_load %arg12[%get3A_698, %get3A_699] {strides = array<i32>} : memref<128x128xf32, #tpu.memory_space<vmem>>, vector<16xf32>,
        %get3A_701 = arith.index_cast %add3A_658 : i32 to index
        %get3A_702 = arith.constant 48 : index
        %get3A_703 = tpu.vector_load %arg10[%get3A_701, %get3A_702] {strides = array<i32>} : memref<128x128xf32, #tpu.memory_space<vmem>>, vector<16xf32>,
        %get3A_704 = arith.index_cast %add3A_658 : i32 to index
        %get3A_705 = arith.constant 48 : index
        %get3A_706 = tpu.vector_load %arg12[%get3A_704, %get3A_705] {strides = array<i32>} : memref<128x128xf32, #tpu.memory_space<vmem>>, vector<16xf32>,
        %mul3A_707 = arith.mulf %get3A_697, %get3A_700 : vector<16xf32>
        %add3A_708 = arith.addf %add3A_684, %mul3A_707 : vector<16xf32>
        %mul3A_709 = arith.mulf %get3A_697, %get3A_697 : vector<16xf32>
        %add3A_710 = arith.addf %add3A_686, %mul3A_709 : vector<16xf32>
        %mul3A_711 = arith.mulf %get3A_700, %get3A_700 : vector<16xf32>
        %add3A_712 = arith.addf %add3A_688, %mul3A_711 : vector<16xf32>
        %mul3A_713 = arith.mulf %get3A_703, %get3A_706 : vector<16xf32>
        %add3A_714 = arith.addf %add3A_690, %mul3A_713 : vector<16xf32>
        %mul3A_715 = arith.mulf %get3A_703, %get3A_703 : vector<16xf32>
        %add3A_716 = arith.addf %add3A_692, %mul3A_715 : vector<16xf32>
        %mul3A_717 = arith.mulf %get3A_706, %get3A_706 : vector<16xf32>
        %add3A_718 = arith.addf %add3A_694, %mul3A_717 : vector<16xf32>
        %get3A_719 = arith.index_cast %add3A_658 : i32 to index
        %get3A_720 = arith.constant 64 : index
        %get3A_721 = tpu.vector_load %arg10[%get3A_719, %get3A_720] {strides = array<i32>} : memref<128x128xf32, #tpu.memory_space<vmem>>, vector<16xf32>,
        %get3A_722 = arith.index_cast %add3A_658 : i32 to index
        %get3A_723 = arith.constant 64 : index
        %get3A_724 = tpu.vector_load %arg12[%get3A_722, %get3A_723] {strides = array<i32>} : memref<128x128xf32, #tpu.memory_space<vmem>>, vector<16xf32>,
        %get3A_725 = arith.index_cast %add3A_658 : i32 to index
        %get3A_726 = arith.constant 80 : index
        %get3A_727 = tpu.vector_load %arg10[%get3A_725, %get3A_726] {strides = array<i32>} : memref<128x128xf32, #tpu.memory_space<vmem>>, vector<16xf32>,
        %get3A_728 = arith.index_cast %add3A_658 : i32 to index
        %get3A_729 = arith.constant 80 : index
        %get3A_730 = tpu.vector_load %arg12[%get3A_728, %get3A_729] {strides = array<i32>} : memref<128x128xf32, #tpu.memory_space<vmem>>, vector<16xf32>,
        %mul3A_731 = arith.mulf %get3A_721, %get3A_724 : vector<16xf32>
        %add3A_732 = arith.addf %add3A_708, %mul3A_731 : vector<16xf32>
        %mul3A_733 = arith.mulf %get3A_721, %get3A_721 : vector<16xf32>
        %add3A_734 = arith.addf %add3A_710, %mul3A_733 : vector<16xf32>
        %mul3A_735 = arith.mulf %get3A_724, %get3A_724 : vector<16xf32>
        %add3A_736 = arith.addf %add3A_712, %mul3A_735 : vector<16xf32>
        %mul3A_737 = arith.mulf %get3A_727, %get3A_730 : vector<16xf32>
        %add3A_738 = arith.addf %add3A_714, %mul3A_737 : vector<16xf32>
        %mul3A_739 = arith.mulf %get3A_727, %get3A_727 : vector<16xf32>
        %add3A_740 = arith.addf %add3A_716, %mul3A_739 : vector<16xf32>
        %mul3A_741 = arith.mulf %get3A_730, %get3A_730 : vector<16xf32>
        %add3A_742 = arith.addf %add3A_718, %mul3A_741 : vector<16xf32>
        %get3A_743 = arith.index_cast %add3A_658 : i32 to index
        %get3A_744 = arith.constant 96 : index
        %get3A_745 = tpu.vector_load %arg10[%get3A_743, %get3A_744] {strides = array<i32>} : memref<128x128xf32, #tpu.memory_space<vmem>>, vector<16xf32>,
        %get3A_746 = arith.index_cast %add3A_658 : i32 to index
        %get3A_747 = arith.constant 96 : index
        %get3A_748 = tpu.vector_load %arg12[%get3A_746, %get3A_747] {strides = array<i32>} : memref<128x128xf32, #tpu.memory_space<vmem>>, vector<16xf32>,
        %get3A_749 = arith.index_cast %add3A_658 : i32 to index
        %get3A_750 = arith.constant 112 : index
        %get3A_751 = tpu.vector_load %arg10[%get3A_749, %get3A_750] {strides = array<i32>} : memref<128x128xf32, #tpu.memory_space<vmem>>, vector<16xf32>,
        %get3A_752 = arith.index_cast %add3A_658 : i32 to index
        %get3A_753 = arith.constant 112 : index
        %get3A_754 = tpu.vector_load %arg12[%get3A_752, %get3A_753] {strides = array<i32>} : memref<128x128xf32, #tpu.memory_space<vmem>>, vector<16xf32>,
        %mul3A_755 = arith.mulf %get3A_745, %get3A_748 : vector<16xf32>
        %add3A_756 = arith.addf %add3A_732, %mul3A_755 : vector<16xf32>
        %mul3A_757 = arith.mulf %get3A_745, %get3A_745 : vector<16xf32>
        %add3A_758 = arith.addf %add3A_734, %mul3A_757 : vector<16xf32>
        %mul3A_759 = arith.mulf %get3A_748, %get3A_748 : vector<16xf32>
        %add3A_760 = arith.addf %add3A_736, %mul3A_759 : vector<16xf32>
        %mul3A_761 = arith.mulf %get3A_751, %get3A_754 : vector<16xf32>
        %add3A_762 = arith.addf %add3A_738, %mul3A_761 : vector<16xf32>
        %mul3A_763 = arith.mulf %get3A_751, %get3A_751 : vector<16xf32>
        %add3A_764 = arith.addf %add3A_740, %mul3A_763 : vector<16xf32>
        %mul3A_765 = arith.mulf %get3A_754, %get3A_754 : vector<16xf32>
        %add3A_766 = arith.addf %add3A_742, %mul3A_765 : vector<16xf32>
        %eq3A_767 = arith.constant 4 : i32
        %eq3A_768 = vector.broadcast %eq3A_767 : i32 to vector<16xi32>
        %eq3A_769 = arith.cmpi eq, %iota3A, %eq3A_768 : vector<16xi32>
        %add3A_770 = arith.addf %add3A_756, %add3A_762 : vector<16xf32>
        %reduce_sum3A_771 = arith.constant true
        %reduce_sum3A_772 = vector.broadcast %reduce_sum3A_771 : i1 to vector<16xi1>
        %reduce_sum3A_773 = tpu.scan <sum>, %add3A_770 masked %reduce_sum3A_772 : vector<16xf32>, vector<16xi1> -> vector<16xf32>
        %reduce_sum3A_774 = vector.extract %reduce_sum3A_773[15] : f32 from vector<16xf32>
        %broadcast_in_dim3A_775 = vector.broadcast %reduce_sum3A_774 : f32 to vector<16xf32>
        %select_n3A_776 = arith.select %eq3A_769, %broadcast_in_dim3A_775, %select_n3A_634 : vector<16xi1>, vector<16xf32>
        %eq3A_777 = arith.constant 4 : i32
        %eq3A_778 = vector.broadcast %eq3A_777 : i32 to vector<16xi32>
        %eq3A_779 = arith.cmpi eq, %iota3A, %eq3A_778 : vector<16xi32>
        %add3A_780 = arith.addf %add3A_758, %add3A_764 : vector<16xf32>
        %reduce_sum3A_781 = arith.constant true
        %reduce_sum3A_782 = vector.broadcast %reduce_sum3A_781 : i1 to vector<16xi1>
        %reduce_sum3A_783 = tpu.scan <sum>, %add3A_780 masked %reduce_sum3A_782 : vector<16xf32>, vector<16xi1> -> vector<16xf32>
        %reduce_sum3A_784 = vector.extract %reduce_sum3A_783[15] : f32 from vector<16xf32>
        %broadcast_in_dim3A_785 = vector.broadcast %reduce_sum3A_784 : f32 to vector<16xf32>
        %select_n3A_786 = arith.select %eq3A_779, %broadcast_in_dim3A_785, %select_n3A_644 : vector<16xi1>, vector<16xf32>
        %eq3A_787 = arith.constant 4 : i32
        %eq3A_788 = vector.broadcast %eq3A_787 : i32 to vector<16xi32>
        %eq3A_789 = arith.cmpi eq, %iota3A, %eq3A_788 : vector<16xi32>
        %add3A_790 = arith.addf %add3A_760, %add3A_766 : vector<16xf32>
        %reduce_sum3A_791 = arith.constant true
        %reduce_sum3A_792 = vector.broadcast %reduce_sum3A_791 : i1 to vector<16xi1>
        %reduce_sum3A_793 = tpu.scan <sum>, %add3A_790 masked %reduce_sum3A_792 : vector<16xf32>, vector<16xi1> -> vector<16xf32>
        %reduce_sum3A_794 = vector.extract %reduce_sum3A_793[15] : f32 from vector<16xf32>
        %broadcast_in_dim3A_795 = vector.broadcast %reduce_sum3A_794 : f32 to vector<16xf32>
        %select_n3A_796 = arith.select %eq3A_789, %broadcast_in_dim3A_795, %select_n3A_654 : vector<16xi1>, vector<16xf32>
        %mul3A_797 = arith.constant 16 : i32
        %mul3A_798 = arith.muli %scan3A_83, %mul3A_797 : i32
        %add3A_799 = arith.constant 5 : i32
        %add3A_800 = arith.addi %mul3A_798, %add3A_799 : i32
        %broadcast_in_dim3A_801 = arith.constant 0.000000e+00 : f32
        %broadcast_in_dim3A_802 = vector.broadcast %broadcast_in_dim3A_801 : f32 to vector<16xf32>
        %broadcast_in_dim3A_803 = arith.constant 0.000000e+00 : f32
        %broadcast_in_dim3A_804 = vector.broadcast %broadcast_in_dim3A_803 : f32 to vector<16xf32>
        %broadcast_in_dim3A_805 = arith.constant 0.000000e+00 : f32
        %broadcast_in_dim3A_806 = vector.broadcast %broadcast_in_dim3A_805 : f32 to vector<16xf32>
        %broadcast_in_dim3A_807 = arith.constant 0.000000e+00 : f32
        %broadcast_in_dim3A_808 = vector.broadcast %broadcast_in_dim3A_807 : f32 to vector<16xf32>
        %broadcast_in_dim3A_809 = arith.constant 0.000000e+00 : f32
        %broadcast_in_dim3A_810 = vector.broadcast %broadcast_in_dim3A_809 : f32 to vector<16xf32>
        %broadcast_in_dim3A_811 = arith.constant 0.000000e+00 : f32
        %broadcast_in_dim3A_812 = vector.broadcast %broadcast_in_dim3A_811 : f32 to vector<16xf32>
        %get3A_813 = arith.index_cast %add3A_800 : i32 to index
        %get3A_814 = arith.constant 0 : index
        %get3A_815 = tpu.vector_load %arg10[%get3A_813, %get3A_814] {strides = array<i32>} : memref<128x128xf32, #tpu.memory_space<vmem>>, vector<16xf32>,
        %get3A_816 = arith.index_cast %add3A_800 : i32 to index
        %get3A_817 = arith.constant 0 : index
        %get3A_818 = tpu.vector_load %arg12[%get3A_816, %get3A_817] {strides = array<i32>} : memref<128x128xf32, #tpu.memory_space<vmem>>, vector<16xf32>,
        %get3A_819 = arith.index_cast %add3A_800 : i32 to index
        %get3A_820 = arith.constant 16 : index
        %get3A_821 = tpu.vector_load %arg10[%get3A_819, %get3A_820] {strides = array<i32>} : memref<128x128xf32, #tpu.memory_space<vmem>>, vector<16xf32>,
        %get3A_822 = arith.index_cast %add3A_800 : i32 to index
        %get3A_823 = arith.constant 16 : index
        %get3A_824 = tpu.vector_load %arg12[%get3A_822, %get3A_823] {strides = array<i32>} : memref<128x128xf32, #tpu.memory_space<vmem>>, vector<16xf32>,
        %mul3A_825 = arith.mulf %get3A_815, %get3A_818 : vector<16xf32>
        %add3A_826 = arith.addf %broadcast_in_dim3A_802, %mul3A_825 : vector<16xf32>
        %mul3A_827 = arith.mulf %get3A_815, %get3A_815 : vector<16xf32>
        %add3A_828 = arith.addf %broadcast_in_dim3A_804, %mul3A_827 : vector<16xf32>
        %mul3A_829 = arith.mulf %get3A_818, %get3A_818 : vector<16xf32>
        %add3A_830 = arith.addf %broadcast_in_dim3A_806, %mul3A_829 : vector<16xf32>
        %mul3A_831 = arith.mulf %get3A_821, %get3A_824 : vector<16xf32>
        %add3A_832 = arith.addf %broadcast_in_dim3A_808, %mul3A_831 : vector<16xf32>
        %mul3A_833 = arith.mulf %get3A_821, %get3A_821 : vector<16xf32>
        %add3A_834 = arith.addf %broadcast_in_dim3A_810, %mul3A_833 : vector<16xf32>
        %mul3A_835 = arith.mulf %get3A_824, %get3A_824 : vector<16xf32>
        %add3A_836 = arith.addf %broadcast_in_dim3A_812, %mul3A_835 : vector<16xf32>
        %get3A_837 = arith.index_cast %add3A_800 : i32 to index
        %get3A_838 = arith.constant 32 : index
        %get3A_839 = tpu.vector_load %arg10[%get3A_837, %get3A_838] {strides = array<i32>} : memref<128x128xf32, #tpu.memory_space<vmem>>, vector<16xf32>,
        %get3A_840 = arith.index_cast %add3A_800 : i32 to index
        %get3A_841 = arith.constant 32 : index
        %get3A_842 = tpu.vector_load %arg12[%get3A_840, %get3A_841] {strides = array<i32>} : memref<128x128xf32, #tpu.memory_space<vmem>>, vector<16xf32>,
        %get3A_843 = arith.index_cast %add3A_800 : i32 to index
        %get3A_844 = arith.constant 48 : index
        %get3A_845 = tpu.vector_load %arg10[%get3A_843, %get3A_844] {strides = array<i32>} : memref<128x128xf32, #tpu.memory_space<vmem>>, vector<16xf32>,
        %get3A_846 = arith.index_cast %add3A_800 : i32 to index
        %get3A_847 = arith.constant 48 : index
        %get3A_848 = tpu.vector_load %arg12[%get3A_846, %get3A_847] {strides = array<i32>} : memref<128x128xf32, #tpu.memory_space<vmem>>, vector<16xf32>,
        %mul3A_849 = arith.mulf %get3A_839, %get3A_842 : vector<16xf32>
        %add3A_850 = arith.addf %add3A_826, %mul3A_849 : vector<16xf32>
        %mul3A_851 = arith.mulf %get3A_839, %get3A_839 : vector<16xf32>
        %add3A_852 = arith.addf %add3A_828, %mul3A_851 : vector<16xf32>
        %mul3A_853 = arith.mulf %get3A_842, %get3A_842 : vector<16xf32>
        %add3A_854 = arith.addf %add3A_830, %mul3A_853 : vector<16xf32>
        %mul3A_855 = arith.mulf %get3A_845, %get3A_848 : vector<16xf32>
        %add3A_856 = arith.addf %add3A_832, %mul3A_855 : vector<16xf32>
        %mul3A_857 = arith.mulf %get3A_845, %get3A_845 : vector<16xf32>
        %add3A_858 = arith.addf %add3A_834, %mul3A_857 : vector<16xf32>
        %mul3A_859 = arith.mulf %get3A_848, %get3A_848 : vector<16xf32>
        %add3A_860 = arith.addf %add3A_836, %mul3A_859 : vector<16xf32>
        %get3A_861 = arith.index_cast %add3A_800 : i32 to index
        %get3A_862 = arith.constant 64 : index
        %get3A_863 = tpu.vector_load %arg10[%get3A_861, %get3A_862] {strides = array<i32>} : memref<128x128xf32, #tpu.memory_space<vmem>>, vector<16xf32>,
        %get3A_864 = arith.index_cast %add3A_800 : i32 to index
        %get3A_865 = arith.constant 64 : index
        %get3A_866 = tpu.vector_load %arg12[%get3A_864, %get3A_865] {strides = array<i32>} : memref<128x128xf32, #tpu.memory_space<vmem>>, vector<16xf32>,
        %get3A_867 = arith.index_cast %add3A_800 : i32 to index
        %get3A_868 = arith.constant 80 : index
        %get3A_869 = tpu.vector_load %arg10[%get3A_867, %get3A_868] {strides = array<i32>} : memref<128x128xf32, #tpu.memory_space<vmem>>, vector<16xf32>,
        %get3A_870 = arith.index_cast %add3A_800 : i32 to index
        %get3A_871 = arith.constant 80 : index
        %get3A_872 = tpu.vector_load %arg12[%get3A_870, %get3A_871] {strides = array<i32>} : memref<128x128xf32, #tpu.memory_space<vmem>>, vector<16xf32>,
        %mul3A_873 = arith.mulf %get3A_863, %get3A_866 : vector<16xf32>
        %add3A_874 = arith.addf %add3A_850, %mul3A_873 : vector<16xf32>
        %mul3A_875 = arith.mulf %get3A_863, %get3A_863 : vector<16xf32>
        %add3A_876 = arith.addf %add3A_852, %mul3A_875 : vector<16xf32>
        %mul3A_877 = arith.mulf %get3A_866, %get3A_866 : vector<16xf32>
        %add3A_878 = arith.addf %add3A_854, %mul3A_877 : vector<16xf32>
        %mul3A_879 = arith.mulf %get3A_869, %get3A_872 : vector<16xf32>
        %add3A_880 = arith.addf %add3A_856, %mul3A_879 : vector<16xf32>
        %mul3A_881 = arith.mulf %get3A_869, %get3A_869 : vector<16xf32>
        %add3A_882 = arith.addf %add3A_858, %mul3A_881 : vector<16xf32>
        %mul3A_883 = arith.mulf %get3A_872, %get3A_872 : vector<16xf32>
        %add3A_884 = arith.addf %add3A_860, %mul3A_883 : vector<16xf32>
        %get3A_885 = arith.index_cast %add3A_800 : i32 to index
        %get3A_886 = arith.constant 96 : index
        %get3A_887 = tpu.vector_load %arg10[%get3A_885, %get3A_886] {strides = array<i32>} : memref<128x128xf32, #tpu.memory_space<vmem>>, vector<16xf32>,
        %get3A_888 = arith.index_cast %add3A_800 : i32 to index
        %get3A_889 = arith.constant 96 : index
        %get3A_890 = tpu.vector_load %arg12[%get3A_888, %get3A_889] {strides = array<i32>} : memref<128x128xf32, #tpu.memory_space<vmem>>, vector<16xf32>,
        %get3A_891 = arith.index_cast %add3A_800 : i32 to index
        %get3A_892 = arith.constant 112 : index
        %get3A_893 = tpu.vector_load %arg10[%get3A_891, %get3A_892] {strides = array<i32>} : memref<128x128xf32, #tpu.memory_space<vmem>>, vector<16xf32>,
        %get3A_894 = arith.index_cast %add3A_800 : i32 to index
        %get3A_895 = arith.constant 112 : index
        %get3A_896 = tpu.vector_load %arg12[%get3A_894, %get3A_895] {strides = array<i32>} : memref<128x128xf32, #tpu.memory_space<vmem>>, vector<16xf32>,
        %mul3A_897 = arith.mulf %get3A_887, %get3A_890 : vector<16xf32>
        %add3A_898 = arith.addf %add3A_874, %mul3A_897 : vector<16xf32>
        %mul3A_899 = arith.mulf %get3A_887, %get3A_887 : vector<16xf32>
        %add3A_900 = arith.addf %add3A_876, %mul3A_899 : vector<16xf32>
        %mul3A_901 = arith.mulf %get3A_890, %get3A_890 : vector<16xf32>
        %add3A_902 = arith.addf %add3A_878, %mul3A_901 : vector<16xf32>
        %mul3A_903 = arith.mulf %get3A_893, %get3A_896 : vector<16xf32>
        %add3A_904 = arith.addf %add3A_880, %mul3A_903 : vector<16xf32>
        %mul3A_905 = arith.mulf %get3A_893, %get3A_893 : vector<16xf32>
        %add3A_906 = arith.addf %add3A_882, %mul3A_905 : vector<16xf32>
        %mul3A_907 = arith.mulf %get3A_896, %get3A_896 : vector<16xf32>
        %add3A_908 = arith.addf %add3A_884, %mul3A_907 : vector<16xf32>
        %eq3A_909 = arith.constant 5 : i32
        %eq3A_910 = vector.broadcast %eq3A_909 : i32 to vector<16xi32>
        %eq3A_911 = arith.cmpi eq, %iota3A, %eq3A_910 : vector<16xi32>
        %add3A_912 = arith.addf %add3A_898, %add3A_904 : vector<16xf32>
        %reduce_sum3A_913 = arith.constant true
        %reduce_sum3A_914 = vector.broadcast %reduce_sum3A_913 : i1 to vector<16xi1>
        %reduce_sum3A_915 = tpu.scan <sum>, %add3A_912 masked %reduce_sum3A_914 : vector<16xf32>, vector<16xi1> -> vector<16xf32>
        %reduce_sum3A_916 = vector.extract %reduce_sum3A_915[15] : f32 from vector<16xf32>
        %broadcast_in_dim3A_917 = vector.broadcast %reduce_sum3A_916 : f32 to vector<16xf32>
        %select_n3A_918 = arith.select %eq3A_911, %broadcast_in_dim3A_917, %select_n3A_776 : vector<16xi1>, vector<16xf32>
        %eq3A_919 = arith.constant 5 : i32
        %eq3A_920 = vector.broadcast %eq3A_919 : i32 to vector<16xi32>
        %eq3A_921 = arith.cmpi eq, %iota3A, %eq3A_920 : vector<16xi32>
        %add3A_922 = arith.addf %add3A_900, %add3A_906 : vector<16xf32>
        %reduce_sum3A_923 = arith.constant true
        %reduce_sum3A_924 = vector.broadcast %reduce_sum3A_923 : i1 to vector<16xi1>
        %reduce_sum3A_925 = tpu.scan <sum>, %add3A_922 masked %reduce_sum3A_924 : vector<16xf32>, vector<16xi1> -> vector<16xf32>
        %reduce_sum3A_926 = vector.extract %reduce_sum3A_925[15] : f32 from vector<16xf32>
        %broadcast_in_dim3A_927 = vector.broadcast %reduce_sum3A_926 : f32 to vector<16xf32>
        %select_n3A_928 = arith.select %eq3A_921, %broadcast_in_dim3A_927, %select_n3A_786 : vector<16xi1>, vector<16xf32>
        %eq3A_929 = arith.constant 5 : i32
        %eq3A_930 = vector.broadcast %eq3A_929 : i32 to vector<16xi32>
        %eq3A_931 = arith.cmpi eq, %iota3A, %eq3A_930 : vector<16xi32>
        %add3A_932 = arith.addf %add3A_902, %add3A_908 : vector<16xf32>
        %reduce_sum3A_933 = arith.constant true
        %reduce_sum3A_934 = vector.broadcast %reduce_sum3A_933 : i1 to vector<16xi1>
        %reduce_sum3A_935 = tpu.scan <sum>, %add3A_932 masked %reduce_sum3A_934 : vector<16xf32>, vector<16xi1> -> vector<16xf32>
        %reduce_sum3A_936 = vector.extract %reduce_sum3A_935[15] : f32 from vector<16xf32>
        %broadcast_in_dim3A_937 = vector.broadcast %reduce_sum3A_936 : f32 to vector<16xf32>
        %select_n3A_938 = arith.select %eq3A_931, %broadcast_in_dim3A_937, %select_n3A_796 : vector<16xi1>, vector<16xf32>
        %mul3A_939 = arith.constant 16 : i32
        %mul3A_940 = arith.muli %scan3A_83, %mul3A_939 : i32
        %add3A_941 = arith.constant 6 : i32
        %add3A_942 = arith.addi %mul3A_940, %add3A_941 : i32
        %broadcast_in_dim3A_943 = arith.constant 0.000000e+00 : f32
        %broadcast_in_dim3A_944 = vector.broadcast %broadcast_in_dim3A_943 : f32 to vector<16xf32>
        %broadcast_in_dim3A_945 = arith.constant 0.000000e+00 : f32
        %broadcast_in_dim3A_946 = vector.broadcast %broadcast_in_dim3A_945 : f32 to vector<16xf32>
        %broadcast_in_dim3A_947 = arith.constant 0.000000e+00 : f32
        %broadcast_in_dim3A_948 = vector.broadcast %broadcast_in_dim3A_947 : f32 to vector<16xf32>
        %broadcast_in_dim3A_949 = arith.constant 0.000000e+00 : f32
        %broadcast_in_dim3A_950 = vector.broadcast %broadcast_in_dim3A_949 : f32 to vector<16xf32>
        %broadcast_in_dim3A_951 = arith.constant 0.000000e+00 : f32
        %broadcast_in_dim3A_952 = vector.broadcast %broadcast_in_dim3A_951 : f32 to vector<16xf32>
        %broadcast_in_dim3A_953 = arith.constant 0.000000e+00 : f32
        %broadcast_in_dim3A_954 = vector.broadcast %broadcast_in_dim3A_953 : f32 to vector<16xf32>
        %get3A_955 = arith.index_cast %add3A_942 : i32 to index
        %get3A_956 = arith.constant 0 : index
        %get3A_957 = tpu.vector_load %arg10[%get3A_955, %get3A_956] {strides = array<i32>} : memref<128x128xf32, #tpu.memory_space<vmem>>, vector<16xf32>,
        %get3A_958 = arith.index_cast %add3A_942 : i32 to index
        %get3A_959 = arith.constant 0 : index
        %get3A_960 = tpu.vector_load %arg12[%get3A_958, %get3A_959] {strides = array<i32>} : memref<128x128xf32, #tpu.memory_space<vmem>>, vector<16xf32>,
        %get3A_961 = arith.index_cast %add3A_942 : i32 to index
        %get3A_962 = arith.constant 16 : index
        %get3A_963 = tpu.vector_load %arg10[%get3A_961, %get3A_962] {strides = array<i32>} : memref<128x128xf32, #tpu.memory_space<vmem>>, vector<16xf32>,
        %get3A_964 = arith.index_cast %add3A_942 : i32 to index
        %get3A_965 = arith.constant 16 : index
        %get3A_966 = tpu.vector_load %arg12[%get3A_964, %get3A_965] {strides = array<i32>} : memref<128x128xf32, #tpu.memory_space<vmem>>, vector<16xf32>,
        %mul3A_967 = arith.mulf %get3A_957, %get3A_960 : vector<16xf32>
        %add3A_968 = arith.addf %broadcast_in_dim3A_944, %mul3A_967 : vector<16xf32>
        %mul3A_969 = arith.mulf %get3A_957, %get3A_957 : vector<16xf32>
        %add3A_970 = arith.addf %broadcast_in_dim3A_946, %mul3A_969 : vector<16xf32>
        %mul3A_971 = arith.mulf %get3A_960, %get3A_960 : vector<16xf32>
        %add3A_972 = arith.addf %broadcast_in_dim3A_948, %mul3A_971 : vector<16xf32>
        %mul3A_973 = arith.mulf %get3A_963, %get3A_966 : vector<16xf32>
        %add3A_974 = arith.addf %broadcast_in_dim3A_950, %mul3A_973 : vector<16xf32>
        %mul3A_975 = arith.mulf %get3A_963, %get3A_963 : vector<16xf32>
        %add3A_976 = arith.addf %broadcast_in_dim3A_952, %mul3A_975 : vector<16xf32>
        %mul3A_977 = arith.mulf %get3A_966, %get3A_966 : vector<16xf32>
        %add3A_978 = arith.addf %broadcast_in_dim3A_954, %mul3A_977 : vector<16xf32>
        %get3A_979 = arith.index_cast %add3A_942 : i32 to index
        %get3A_980 = arith.constant 32 : index
        %get3A_981 = tpu.vector_load %arg10[%get3A_979, %get3A_980] {strides = array<i32>} : memref<128x128xf32, #tpu.memory_space<vmem>>, vector<16xf32>,
        %get3A_982 = arith.index_cast %add3A_942 : i32 to index
        %get3A_983 = arith.constant 32 : index
        %get3A_984 = tpu.vector_load %arg12[%get3A_982, %get3A_983] {strides = array<i32>} : memref<128x128xf32, #tpu.memory_space<vmem>>, vector<16xf32>,
        %get3A_985 = arith.index_cast %add3A_942 : i32 to index
        %get3A_986 = arith.constant 48 : index
        %get3A_987 = tpu.vector_load %arg10[%get3A_985, %get3A_986] {strides = array<i32>} : memref<128x128xf32, #tpu.memory_space<vmem>>, vector<16xf32>,
        %get3A_988 = arith.index_cast %add3A_942 : i32 to index
        %get3A_989 = arith.constant 48 : index
        %get3A_990 = tpu.vector_load %arg12[%get3A_988, %get3A_989] {strides = array<i32>} : memref<128x128xf32, #tpu.memory_space<vmem>>, vector<16xf32>,
        %mul3A_991 = arith.mulf %get3A_981, %get3A_984 : vector<16xf32>
        %add3A_992 = arith.addf %add3A_968, %mul3A_991 : vector<16xf32>
        %mul3A_993 = arith.mulf %get3A_981, %get3A_981 : vector<16xf32>
        %add3A_994 = arith.addf %add3A_970, %mul3A_993 : vector<16xf32>
        %mul3A_995 = arith.mulf %get3A_984, %get3A_984 : vector<16xf32>
        %add3A_996 = arith.addf %add3A_972, %mul3A_995 : vector<16xf32>
        %mul3A_997 = arith.mulf %get3A_987, %get3A_990 : vector<16xf32>
        %add3A_998 = arith.addf %add3A_974, %mul3A_997 : vector<16xf32>
        %mul3A_999 = arith.mulf %get3A_987, %get3A_987 : vector<16xf32>
        %add3A_1000 = arith.addf %add3A_976, %mul3A_999 : vector<16xf32>
        %mul3A_1001 = arith.mulf %get3A_990, %get3A_990 : vector<16xf32>
        %add3A_1002 = arith.addf %add3A_978, %mul3A_1001 : vector<16xf32>
        %get3A_1003 = arith.index_cast %add3A_942 : i32 to index
        %get3A_1004 = arith.constant 64 : index
        %get3A_1005 = tpu.vector_load %arg10[%get3A_1003, %get3A_1004] {strides = array<i32>} : memref<128x128xf32, #tpu.memory_space<vmem>>, vector<16xf32>,
        %get3A_1006 = arith.index_cast %add3A_942 : i32 to index
        %get3A_1007 = arith.constant 64 : index
        %get3A_1008 = tpu.vector_load %arg12[%get3A_1006, %get3A_1007] {strides = array<i32>} : memref<128x128xf32, #tpu.memory_space<vmem>>, vector<16xf32>,
        %get3A_1009 = arith.index_cast %add3A_942 : i32 to index
        %get3A_1010 = arith.constant 80 : index
        %get3A_1011 = tpu.vector_load %arg10[%get3A_1009, %get3A_1010] {strides = array<i32>} : memref<128x128xf32, #tpu.memory_space<vmem>>, vector<16xf32>,
        %get3A_1012 = arith.index_cast %add3A_942 : i32 to index
        %get3A_1013 = arith.constant 80 : index
        %get3A_1014 = tpu.vector_load %arg12[%get3A_1012, %get3A_1013] {strides = array<i32>} : memref<128x128xf32, #tpu.memory_space<vmem>>, vector<16xf32>,
        %mul3A_1015 = arith.mulf %get3A_1005, %get3A_1008 : vector<16xf32>
        %add3A_1016 = arith.addf %add3A_992, %mul3A_1015 : vector<16xf32>
        %mul3A_1017 = arith.mulf %get3A_1005, %get3A_1005 : vector<16xf32>
        %add3A_1018 = arith.addf %add3A_994, %mul3A_1017 : vector<16xf32>
        %mul3A_1019 = arith.mulf %get3A_1008, %get3A_1008 : vector<16xf32>
        %add3A_1020 = arith.addf %add3A_996, %mul3A_1019 : vector<16xf32>
        %mul3A_1021 = arith.mulf %get3A_1011, %get3A_1014 : vector<16xf32>
        %add3A_1022 = arith.addf %add3A_998, %mul3A_1021 : vector<16xf32>
        %mul3A_1023 = arith.mulf %get3A_1011, %get3A_1011 : vector<16xf32>
        %add3A_1024 = arith.addf %add3A_1000, %mul3A_1023 : vector<16xf32>
        %mul3A_1025 = arith.mulf %get3A_1014, %get3A_1014 : vector<16xf32>
        %add3A_1026 = arith.addf %add3A_1002, %mul3A_1025 : vector<16xf32>
        %get3A_1027 = arith.index_cast %add3A_942 : i32 to index
        %get3A_1028 = arith.constant 96 : index
        %get3A_1029 = tpu.vector_load %arg10[%get3A_1027, %get3A_1028] {strides = array<i32>} : memref<128x128xf32, #tpu.memory_space<vmem>>, vector<16xf32>,
        %get3A_1030 = arith.index_cast %add3A_942 : i32 to index
        %get3A_1031 = arith.constant 96 : index
        %get3A_1032 = tpu.vector_load %arg12[%get3A_1030, %get3A_1031] {strides = array<i32>} : memref<128x128xf32, #tpu.memory_space<vmem>>, vector<16xf32>,
        %get3A_1033 = arith.index_cast %add3A_942 : i32 to index
        %get3A_1034 = arith.constant 112 : index
        %get3A_1035 = tpu.vector_load %arg10[%get3A_1033, %get3A_1034] {strides = array<i32>} : memref<128x128xf32, #tpu.memory_space<vmem>>, vector<16xf32>,
        %get3A_1036 = arith.index_cast %add3A_942 : i32 to index
        %get3A_1037 = arith.constant 112 : index
        %get3A_1038 = tpu.vector_load %arg12[%get3A_1036, %get3A_1037] {strides = array<i32>} : memref<128x128xf32, #tpu.memory_space<vmem>>, vector<16xf32>,
        %mul3A_1039 = arith.mulf %get3A_1029, %get3A_1032 : vector<16xf32>
        %add3A_1040 = arith.addf %add3A_1016, %mul3A_1039 : vector<16xf32>
        %mul3A_1041 = arith.mulf %get3A_1029, %get3A_1029 : vector<16xf32>
        %add3A_1042 = arith.addf %add3A_1018, %mul3A_1041 : vector<16xf32>
        %mul3A_1043 = arith.mulf %get3A_1032, %get3A_1032 : vector<16xf32>
        %add3A_1044 = arith.addf %add3A_1020, %mul3A_1043 : vector<16xf32>
        %mul3A_1045 = arith.mulf %get3A_1035, %get3A_1038 : vector<16xf32>
        %add3A_1046 = arith.addf %add3A_1022, %mul3A_1045 : vector<16xf32>
        %mul3A_1047 = arith.mulf %get3A_1035, %get3A_1035 : vector<16xf32>
        %add3A_1048 = arith.addf %add3A_1024, %mul3A_1047 : vector<16xf32>
        %mul3A_1049 = arith.mulf %get3A_1038, %get3A_1038 : vector<16xf32>
        %add3A_1050 = arith.addf %add3A_1026, %mul3A_1049 : vector<16xf32>
        %eq3A_1051 = arith.constant 6 : i32
        %eq3A_1052 = vector.broadcast %eq3A_1051 : i32 to vector<16xi32>
        %eq3A_1053 = arith.cmpi eq, %iota3A, %eq3A_1052 : vector<16xi32>
        %add3A_1054 = arith.addf %add3A_1040, %add3A_1046 : vector<16xf32>
        %reduce_sum3A_1055 = arith.constant true
        %reduce_sum3A_1056 = vector.broadcast %reduce_sum3A_1055 : i1 to vector<16xi1>
        %reduce_sum3A_1057 = tpu.scan <sum>, %add3A_1054 masked %reduce_sum3A_1056 : vector<16xf32>, vector<16xi1> -> vector<16xf32>
        %reduce_sum3A_1058 = vector.extract %reduce_sum3A_1057[15] : f32 from vector<16xf32>
        %broadcast_in_dim3A_1059 = vector.broadcast %reduce_sum3A_1058 : f32 to vector<16xf32>
        %select_n3A_1060 = arith.select %eq3A_1053, %broadcast_in_dim3A_1059, %select_n3A_918 : vector<16xi1>, vector<16xf32>
        %eq3A_1061 = arith.constant 6 : i32
        %eq3A_1062 = vector.broadcast %eq3A_1061 : i32 to vector<16xi32>
        %eq3A_1063 = arith.cmpi eq, %iota3A, %eq3A_1062 : vector<16xi32>
        %add3A_1064 = arith.addf %add3A_1042, %add3A_1048 : vector<16xf32>
        %reduce_sum3A_1065 = arith.constant true
        %reduce_sum3A_1066 = vector.broadcast %reduce_sum3A_1065 : i1 to vector<16xi1>
        %reduce_sum3A_1067 = tpu.scan <sum>, %add3A_1064 masked %reduce_sum3A_1066 : vector<16xf32>, vector<16xi1> -> vector<16xf32>
        %reduce_sum3A_1068 = vector.extract %reduce_sum3A_1067[15] : f32 from vector<16xf32>
        %broadcast_in_dim3A_1069 = vector.broadcast %reduce_sum3A_1068 : f32 to vector<16xf32>
        %select_n3A_1070 = arith.select %eq3A_1063, %broadcast_in_dim3A_1069, %select_n3A_928 : vector<16xi1>, vector<16xf32>
        %eq3A_1071 = arith.constant 6 : i32
        %eq3A_1072 = vector.broadcast %eq3A_1071 : i32 to vector<16xi32>
        %eq3A_1073 = arith.cmpi eq, %iota3A, %eq3A_1072 : vector<16xi32>
        %add3A_1074 = arith.addf %add3A_1044, %add3A_1050 : vector<16xf32>
        %reduce_sum3A_1075 = arith.constant true
        %reduce_sum3A_1076 = vector.broadcast %reduce_sum3A_1075 : i1 to vector<16xi1>
        %reduce_sum3A_1077 = tpu.scan <sum>, %add3A_1074 masked %reduce_sum3A_1076 : vector<16xf32>, vector<16xi1> -> vector<16xf32>
        %reduce_sum3A_1078 = vector.extract %reduce_sum3A_1077[15] : f32 from vector<16xf32>
        %broadcast_in_dim3A_1079 = vector.broadcast %reduce_sum3A_1078 : f32 to vector<16xf32>
        %select_n3A_1080 = arith.select %eq3A_1073, %broadcast_in_dim3A_1079, %select_n3A_938 : vector<16xi1>, vector<16xf32>
        %mul3A_1081 = arith.constant 16 : i32
        %mul3A_1082 = arith.muli %scan3A_83, %mul3A_1081 : i32
        %add3A_1083 = arith.constant 7 : i32
        %add3A_1084 = arith.addi %mul3A_1082, %add3A_1083 : i32
        %broadcast_in_dim3A_1085 = arith.constant 0.000000e+00 : f32
        %broadcast_in_dim3A_1086 = vector.broadcast %broadcast_in_dim3A_1085 : f32 to vector<16xf32>
        %broadcast_in_dim3A_1087 = arith.constant 0.000000e+00 : f32
        %broadcast_in_dim3A_1088 = vector.broadcast %broadcast_in_dim3A_1087 : f32 to vector<16xf32>
        %broadcast_in_dim3A_1089 = arith.constant 0.000000e+00 : f32
        %broadcast_in_dim3A_1090 = vector.broadcast %broadcast_in_dim3A_1089 : f32 to vector<16xf32>
        %broadcast_in_dim3A_1091 = arith.constant 0.000000e+00 : f32
        %broadcast_in_dim3A_1092 = vector.broadcast %broadcast_in_dim3A_1091 : f32 to vector<16xf32>
        %broadcast_in_dim3A_1093 = arith.constant 0.000000e+00 : f32
        %broadcast_in_dim3A_1094 = vector.broadcast %broadcast_in_dim3A_1093 : f32 to vector<16xf32>
        %broadcast_in_dim3A_1095 = arith.constant 0.000000e+00 : f32
        %broadcast_in_dim3A_1096 = vector.broadcast %broadcast_in_dim3A_1095 : f32 to vector<16xf32>
        %get3A_1097 = arith.index_cast %add3A_1084 : i32 to index
        %get3A_1098 = arith.constant 0 : index
        %get3A_1099 = tpu.vector_load %arg10[%get3A_1097, %get3A_1098] {strides = array<i32>} : memref<128x128xf32, #tpu.memory_space<vmem>>, vector<16xf32>,
        %get3A_1100 = arith.index_cast %add3A_1084 : i32 to index
        %get3A_1101 = arith.constant 0 : index
        %get3A_1102 = tpu.vector_load %arg12[%get3A_1100, %get3A_1101] {strides = array<i32>} : memref<128x128xf32, #tpu.memory_space<vmem>>, vector<16xf32>,
        %get3A_1103 = arith.index_cast %add3A_1084 : i32 to index
        %get3A_1104 = arith.constant 16 : index
        %get3A_1105 = tpu.vector_load %arg10[%get3A_1103, %get3A_1104] {strides = array<i32>} : memref<128x128xf32, #tpu.memory_space<vmem>>, vector<16xf32>,
        %get3A_1106 = arith.index_cast %add3A_1084 : i32 to index
        %get3A_1107 = arith.constant 16 : index
        %get3A_1108 = tpu.vector_load %arg12[%get3A_1106, %get3A_1107] {strides = array<i32>} : memref<128x128xf32, #tpu.memory_space<vmem>>, vector<16xf32>,
        %mul3A_1109 = arith.mulf %get3A_1099, %get3A_1102 : vector<16xf32>
        %add3A_1110 = arith.addf %broadcast_in_dim3A_1086, %mul3A_1109 : vector<16xf32>
        %mul3A_1111 = arith.mulf %get3A_1099, %get3A_1099 : vector<16xf32>
        %add3A_1112 = arith.addf %broadcast_in_dim3A_1088, %mul3A_1111 : vector<16xf32>
        %mul3A_1113 = arith.mulf %get3A_1102, %get3A_1102 : vector<16xf32>
        %add3A_1114 = arith.addf %broadcast_in_dim3A_1090, %mul3A_1113 : vector<16xf32>
        %mul3A_1115 = arith.mulf %get3A_1105, %get3A_1108 : vector<16xf32>
        %add3A_1116 = arith.addf %broadcast_in_dim3A_1092, %mul3A_1115 : vector<16xf32>
        %mul3A_1117 = arith.mulf %get3A_1105, %get3A_1105 : vector<16xf32>
        %add3A_1118 = arith.addf %broadcast_in_dim3A_1094, %mul3A_1117 : vector<16xf32>
        %mul3A_1119 = arith.mulf %get3A_1108, %get3A_1108 : vector<16xf32>
        %add3A_1120 = arith.addf %broadcast_in_dim3A_1096, %mul3A_1119 : vector<16xf32>
        %get3A_1121 = arith.index_cast %add3A_1084 : i32 to index
        %get3A_1122 = arith.constant 32 : index
        %get3A_1123 = tpu.vector_load %arg10[%get3A_1121, %get3A_1122] {strides = array<i32>} : memref<128x128xf32, #tpu.memory_space<vmem>>, vector<16xf32>,
        %get3A_1124 = arith.index_cast %add3A_1084 : i32 to index
        %get3A_1125 = arith.constant 32 : index
        %get3A_1126 = tpu.vector_load %arg12[%get3A_1124, %get3A_1125] {strides = array<i32>} : memref<128x128xf32, #tpu.memory_space<vmem>>, vector<16xf32>,
        %get3A_1127 = arith.index_cast %add3A_1084 : i32 to index
        %get3A_1128 = arith.constant 48 : index
        %get3A_1129 = tpu.vector_load %arg10[%get3A_1127, %get3A_1128] {strides = array<i32>} : memref<128x128xf32, #tpu.memory_space<vmem>>, vector<16xf32>,
        %get3A_1130 = arith.index_cast %add3A_1084 : i32 to index
        %get3A_1131 = arith.constant 48 : index
        %get3A_1132 = tpu.vector_load %arg12[%get3A_1130, %get3A_1131] {strides = array<i32>} : memref<128x128xf32, #tpu.memory_space<vmem>>, vector<16xf32>,
        %mul3A_1133 = arith.mulf %get3A_1123, %get3A_1126 : vector<16xf32>
        %add3A_1134 = arith.addf %add3A_1110, %mul3A_1133 : vector<16xf32>
        %mul3A_1135 = arith.mulf %get3A_1123, %get3A_1123 : vector<16xf32>
        %add3A_1136 = arith.addf %add3A_1112, %mul3A_1135 : vector<16xf32>
        %mul3A_1137 = arith.mulf %get3A_1126, %get3A_1126 : vector<16xf32>
        %add3A_1138 = arith.addf %add3A_1114, %mul3A_1137 : vector<16xf32>
        %mul3A_1139 = arith.mulf %get3A_1129, %get3A_1132 : vector<16xf32>
        %add3A_1140 = arith.addf %add3A_1116, %mul3A_1139 : vector<16xf32>
        %mul3A_1141 = arith.mulf %get3A_1129, %get3A_1129 : vector<16xf32>
        %add3A_1142 = arith.addf %add3A_1118, %mul3A_1141 : vector<16xf32>
        %mul3A_1143 = arith.mulf %get3A_1132, %get3A_1132 : vector<16xf32>
        %add3A_1144 = arith.addf %add3A_1120, %mul3A_1143 : vector<16xf32>
        %get3A_1145 = arith.index_cast %add3A_1084 : i32 to index
        %get3A_1146 = arith.constant 64 : index
        %get3A_1147 = tpu.vector_load %arg10[%get3A_1145, %get3A_1146] {strides = array<i32>} : memref<128x128xf32, #tpu.memory_space<vmem>>, vector<16xf32>,
        %get3A_1148 = arith.index_cast %add3A_1084 : i32 to index
        %get3A_1149 = arith.constant 64 : index
        %get3A_1150 = tpu.vector_load %arg12[%get3A_1148, %get3A_1149] {strides = array<i32>} : memref<128x128xf32, #tpu.memory_space<vmem>>, vector<16xf32>,
        %get3A_1151 = arith.index_cast %add3A_1084 : i32 to index
        %get3A_1152 = arith.constant 80 : index
        %get3A_1153 = tpu.vector_load %arg10[%get3A_1151, %get3A_1152] {strides = array<i32>} : memref<128x128xf32, #tpu.memory_space<vmem>>, vector<16xf32>,
        %get3A_1154 = arith.index_cast %add3A_1084 : i32 to index
        %get3A_1155 = arith.constant 80 : index
        %get3A_1156 = tpu.vector_load %arg12[%get3A_1154, %get3A_1155] {strides = array<i32>} : memref<128x128xf32, #tpu.memory_space<vmem>>, vector<16xf32>,
        %mul3A_1157 = arith.mulf %get3A_1147, %get3A_1150 : vector<16xf32>
        %add3A_1158 = arith.addf %add3A_1134, %mul3A_1157 : vector<16xf32>
        %mul3A_1159 = arith.mulf %get3A_1147, %get3A_1147 : vector<16xf32>
        %add3A_1160 = arith.addf %add3A_1136, %mul3A_1159 : vector<16xf32>
        %mul3A_1161 = arith.mulf %get3A_1150, %get3A_1150 : vector<16xf32>
        %add3A_1162 = arith.addf %add3A_1138, %mul3A_1161 : vector<16xf32>
        %mul3A_1163 = arith.mulf %get3A_1153, %get3A_1156 : vector<16xf32>
        %add3A_1164 = arith.addf %add3A_1140, %mul3A_1163 : vector<16xf32>
        %mul3A_1165 = arith.mulf %get3A_1153, %get3A_1153 : vector<16xf32>
        %add3A_1166 = arith.addf %add3A_1142, %mul3A_1165 : vector<16xf32>
        %mul3A_1167 = arith.mulf %get3A_1156, %get3A_1156 : vector<16xf32>
        %add3A_1168 = arith.addf %add3A_1144, %mul3A_1167 : vector<16xf32>
        %get3A_1169 = arith.index_cast %add3A_1084 : i32 to index
        %get3A_1170 = arith.constant 96 : index
        %get3A_1171 = tpu.vector_load %arg10[%get3A_1169, %get3A_1170] {strides = array<i32>} : memref<128x128xf32, #tpu.memory_space<vmem>>, vector<16xf32>,
        %get3A_1172 = arith.index_cast %add3A_1084 : i32 to index
        %get3A_1173 = arith.constant 96 : index
        %get3A_1174 = tpu.vector_load %arg12[%get3A_1172, %get3A_1173] {strides = array<i32>} : memref<128x128xf32, #tpu.memory_space<vmem>>, vector<16xf32>,
        %get3A_1175 = arith.index_cast %add3A_1084 : i32 to index
        %get3A_1176 = arith.constant 112 : index
        %get3A_1177 = tpu.vector_load %arg10[%get3A_1175, %get3A_1176] {strides = array<i32>} : memref<128x128xf32, #tpu.memory_space<vmem>>, vector<16xf32>,
        %get3A_1178 = arith.index_cast %add3A_1084 : i32 to index
        %get3A_1179 = arith.constant 112 : index
        %get3A_1180 = tpu.vector_load %arg12[%get3A_1178, %get3A_1179] {strides = array<i32>} : memref<128x128xf32, #tpu.memory_space<vmem>>, vector<16xf32>,
        %mul3A_1181 = arith.mulf %get3A_1171, %get3A_1174 : vector<16xf32>
        %add3A_1182 = arith.addf %add3A_1158, %mul3A_1181 : vector<16xf32>
        %mul3A_1183 = arith.mulf %get3A_1171, %get3A_1171 : vector<16xf32>
        %add3A_1184 = arith.addf %add3A_1160, %mul3A_1183 : vector<16xf32>
        %mul3A_1185 = arith.mulf %get3A_1174, %get3A_1174 : vector<16xf32>
        %add3A_1186 = arith.addf %add3A_1162, %mul3A_1185 : vector<16xf32>
        %mul3A_1187 = arith.mulf %get3A_1177, %get3A_1180 : vector<16xf32>
        %add3A_1188 = arith.addf %add3A_1164, %mul3A_1187 : vector<16xf32>
        %mul3A_1189 = arith.mulf %get3A_1177, %get3A_1177 : vector<16xf32>
        %add3A_1190 = arith.addf %add3A_1166, %mul3A_1189 : vector<16xf32>
        %mul3A_1191 = arith.mulf %get3A_1180, %get3A_1180 : vector<16xf32>
        %add3A_1192 = arith.addf %add3A_1168, %mul3A_1191 : vector<16xf32>
        %eq3A_1193 = arith.constant 7 : i32
        %eq3A_1194 = vector.broadcast %eq3A_1193 : i32 to vector<16xi32>
        %eq3A_1195 = arith.cmpi eq, %iota3A, %eq3A_1194 : vector<16xi32>
        %add3A_1196 = arith.addf %add3A_1182, %add3A_1188 : vector<16xf32>
        %reduce_sum3A_1197 = arith.constant true
        %reduce_sum3A_1198 = vector.broadcast %reduce_sum3A_1197 : i1 to vector<16xi1>
        %reduce_sum3A_1199 = tpu.scan <sum>, %add3A_1196 masked %reduce_sum3A_1198 : vector<16xf32>, vector<16xi1> -> vector<16xf32>
        %reduce_sum3A_1200 = vector.extract %reduce_sum3A_1199[15] : f32 from vector<16xf32>
        %broadcast_in_dim3A_1201 = vector.broadcast %reduce_sum3A_1200 : f32 to vector<16xf32>
        %select_n3A_1202 = arith.select %eq3A_1195, %broadcast_in_dim3A_1201, %select_n3A_1060 : vector<16xi1>, vector<16xf32>
        %eq3A_1203 = arith.constant 7 : i32
        %eq3A_1204 = vector.broadcast %eq3A_1203 : i32 to vector<16xi32>
        %eq3A_1205 = arith.cmpi eq, %iota3A, %eq3A_1204 : vector<16xi32>
        %add3A_1206 = arith.addf %add3A_1184, %add3A_1190 : vector<16xf32>
        %reduce_sum3A_1207 = arith.constant true
        %reduce_sum3A_1208 = vector.broadcast %reduce_sum3A_1207 : i1 to vector<16xi1>
        %reduce_sum3A_1209 = tpu.scan <sum>, %add3A_1206 masked %reduce_sum3A_1208 : vector<16xf32>, vector<16xi1> -> vector<16xf32>
        %reduce_sum3A_1210 = vector.extract %reduce_sum3A_1209[15] : f32 from vector<16xf32>
        %broadcast_in_dim3A_1211 = vector.broadcast %reduce_sum3A_1210 : f32 to vector<16xf32>
        %select_n3A_1212 = arith.select %eq3A_1205, %broadcast_in_dim3A_1211, %select_n3A_1070 : vector<16xi1>, vector<16xf32>
        %eq3A_1213 = arith.constant 7 : i32
        %eq3A_1214 = vector.broadcast %eq3A_1213 : i32 to vector<16xi32>
        %eq3A_1215 = arith.cmpi eq, %iota3A, %eq3A_1214 : vector<16xi32>
        %add3A_1216 = arith.addf %add3A_1186, %add3A_1192 : vector<16xf32>
        %reduce_sum3A_1217 = arith.constant true
        %reduce_sum3A_1218 = vector.broadcast %reduce_sum3A_1217 : i1 to vector<16xi1>
        %reduce_sum3A_1219 = tpu.scan <sum>, %add3A_1216 masked %reduce_sum3A_1218 : vector<16xf32>, vector<16xi1> -> vector<16xf32>
        %reduce_sum3A_1220 = vector.extract %reduce_sum3A_1219[15] : f32 from vector<16xf32>
        %broadcast_in_dim3A_1221 = vector.broadcast %reduce_sum3A_1220 : f32 to vector<16xf32>
        %select_n3A_1222 = arith.select %eq3A_1215, %broadcast_in_dim3A_1221, %select_n3A_1080 : vector<16xi1>, vector<16xf32>
        %mul3A_1223 = arith.constant 16 : i32
        %mul3A_1224 = arith.muli %scan3A_83, %mul3A_1223 : i32
        %add3A_1225 = arith.constant 8 : i32
        %add3A_1226 = arith.addi %mul3A_1224, %add3A_1225 : i32
        %broadcast_in_dim3A_1227 = arith.constant 0.000000e+00 : f32
        %broadcast_in_dim3A_1228 = vector.broadcast %broadcast_in_dim3A_1227 : f32 to vector<16xf32>
        %broadcast_in_dim3A_1229 = arith.constant 0.000000e+00 : f32
        %broadcast_in_dim3A_1230 = vector.broadcast %broadcast_in_dim3A_1229 : f32 to vector<16xf32>
        %broadcast_in_dim3A_1231 = arith.constant 0.000000e+00 : f32
        %broadcast_in_dim3A_1232 = vector.broadcast %broadcast_in_dim3A_1231 : f32 to vector<16xf32>
        %broadcast_in_dim3A_1233 = arith.constant 0.000000e+00 : f32
        %broadcast_in_dim3A_1234 = vector.broadcast %broadcast_in_dim3A_1233 : f32 to vector<16xf32>
        %broadcast_in_dim3A_1235 = arith.constant 0.000000e+00 : f32
        %broadcast_in_dim3A_1236 = vector.broadcast %broadcast_in_dim3A_1235 : f32 to vector<16xf32>
        %broadcast_in_dim3A_1237 = arith.constant 0.000000e+00 : f32
        %broadcast_in_dim3A_1238 = vector.broadcast %broadcast_in_dim3A_1237 : f32 to vector<16xf32>
        %get3A_1239 = arith.index_cast %add3A_1226 : i32 to index
        %get3A_1240 = arith.constant 0 : index
        %get3A_1241 = tpu.vector_load %arg10[%get3A_1239, %get3A_1240] {strides = array<i32>} : memref<128x128xf32, #tpu.memory_space<vmem>>, vector<16xf32>,
        %get3A_1242 = arith.index_cast %add3A_1226 : i32 to index
        %get3A_1243 = arith.constant 0 : index
        %get3A_1244 = tpu.vector_load %arg12[%get3A_1242, %get3A_1243] {strides = array<i32>} : memref<128x128xf32, #tpu.memory_space<vmem>>, vector<16xf32>,
        %get3A_1245 = arith.index_cast %add3A_1226 : i32 to index
        %get3A_1246 = arith.constant 16 : index
        %get3A_1247 = tpu.vector_load %arg10[%get3A_1245, %get3A_1246] {strides = array<i32>} : memref<128x128xf32, #tpu.memory_space<vmem>>, vector<16xf32>,
        %get3A_1248 = arith.index_cast %add3A_1226 : i32 to index
        %get3A_1249 = arith.constant 16 : index
        %get3A_1250 = tpu.vector_load %arg12[%get3A_1248, %get3A_1249] {strides = array<i32>} : memref<128x128xf32, #tpu.memory_space<vmem>>, vector<16xf32>,
        %mul3A_1251 = arith.mulf %get3A_1241, %get3A_1244 : vector<16xf32>
        %add3A_1252 = arith.addf %broadcast_in_dim3A_1228, %mul3A_1251 : vector<16xf32>
        %mul3A_1253 = arith.mulf %get3A_1241, %get3A_1241 : vector<16xf32>
        %add3A_1254 = arith.addf %broadcast_in_dim3A_1230, %mul3A_1253 : vector<16xf32>
        %mul3A_1255 = arith.mulf %get3A_1244, %get3A_1244 : vector<16xf32>
        %add3A_1256 = arith.addf %broadcast_in_dim3A_1232, %mul3A_1255 : vector<16xf32>
        %mul3A_1257 = arith.mulf %get3A_1247, %get3A_1250 : vector<16xf32>
        %add3A_1258 = arith.addf %broadcast_in_dim3A_1234, %mul3A_1257 : vector<16xf32>
        %mul3A_1259 = arith.mulf %get3A_1247, %get3A_1247 : vector<16xf32>
        %add3A_1260 = arith.addf %broadcast_in_dim3A_1236, %mul3A_1259 : vector<16xf32>
        %mul3A_1261 = arith.mulf %get3A_1250, %get3A_1250 : vector<16xf32>
        %add3A_1262 = arith.addf %broadcast_in_dim3A_1238, %mul3A_1261 : vector<16xf32>
        %get3A_1263 = arith.index_cast %add3A_1226 : i32 to index
        %get3A_1264 = arith.constant 32 : index
        %get3A_1265 = tpu.vector_load %arg10[%get3A_1263, %get3A_1264] {strides = array<i32>} : memref<128x128xf32, #tpu.memory_space<vmem>>, vector<16xf32>,
        %get3A_1266 = arith.index_cast %add3A_1226 : i32 to index
        %get3A_1267 = arith.constant 32 : index
        %get3A_1268 = tpu.vector_load %arg12[%get3A_1266, %get3A_1267] {strides = array<i32>} : memref<128x128xf32, #tpu.memory_space<vmem>>, vector<16xf32>,
        %get3A_1269 = arith.index_cast %add3A_1226 : i32 to index
        %get3A_1270 = arith.constant 48 : index
        %get3A_1271 = tpu.vector_load %arg10[%get3A_1269, %get3A_1270] {strides = array<i32>} : memref<128x128xf32, #tpu.memory_space<vmem>>, vector<16xf32>,
        %get3A_1272 = arith.index_cast %add3A_1226 : i32 to index
        %get3A_1273 = arith.constant 48 : index
        %get3A_1274 = tpu.vector_load %arg12[%get3A_1272, %get3A_1273] {strides = array<i32>} : memref<128x128xf32, #tpu.memory_space<vmem>>, vector<16xf32>,
        %mul3A_1275 = arith.mulf %get3A_1265, %get3A_1268 : vector<16xf32>
        %add3A_1276 = arith.addf %add3A_1252, %mul3A_1275 : vector<16xf32>
        %mul3A_1277 = arith.mulf %get3A_1265, %get3A_1265 : vector<16xf32>
        %add3A_1278 = arith.addf %add3A_1254, %mul3A_1277 : vector<16xf32>
        %mul3A_1279 = arith.mulf %get3A_1268, %get3A_1268 : vector<16xf32>
        %add3A_1280 = arith.addf %add3A_1256, %mul3A_1279 : vector<16xf32>
        %mul3A_1281 = arith.mulf %get3A_1271, %get3A_1274 : vector<16xf32>
        %add3A_1282 = arith.addf %add3A_1258, %mul3A_1281 : vector<16xf32>
        %mul3A_1283 = arith.mulf %get3A_1271, %get3A_1271 : vector<16xf32>
        %add3A_1284 = arith.addf %add3A_1260, %mul3A_1283 : vector<16xf32>
        %mul3A_1285 = arith.mulf %get3A_1274, %get3A_1274 : vector<16xf32>
        %add3A_1286 = arith.addf %add3A_1262, %mul3A_1285 : vector<16xf32>
        %get3A_1287 = arith.index_cast %add3A_1226 : i32 to index
        %get3A_1288 = arith.constant 64 : index
        %get3A_1289 = tpu.vector_load %arg10[%get3A_1287, %get3A_1288] {strides = array<i32>} : memref<128x128xf32, #tpu.memory_space<vmem>>, vector<16xf32>,
        %get3A_1290 = arith.index_cast %add3A_1226 : i32 to index
        %get3A_1291 = arith.constant 64 : index
        %get3A_1292 = tpu.vector_load %arg12[%get3A_1290, %get3A_1291] {strides = array<i32>} : memref<128x128xf32, #tpu.memory_space<vmem>>, vector<16xf32>,
        %get3A_1293 = arith.index_cast %add3A_1226 : i32 to index
        %get3A_1294 = arith.constant 80 : index
        %get3A_1295 = tpu.vector_load %arg10[%get3A_1293, %get3A_1294] {strides = array<i32>} : memref<128x128xf32, #tpu.memory_space<vmem>>, vector<16xf32>,
        %get3A_1296 = arith.index_cast %add3A_1226 : i32 to index
        %get3A_1297 = arith.constant 80 : index
        %get3A_1298 = tpu.vector_load %arg12[%get3A_1296, %get3A_1297] {strides = array<i32>} : memref<128x128xf32, #tpu.memory_space<vmem>>, vector<16xf32>,
        %mul3A_1299 = arith.mulf %get3A_1289, %get3A_1292 : vector<16xf32>
        %add3A_1300 = arith.addf %add3A_1276, %mul3A_1299 : vector<16xf32>
        %mul3A_1301 = arith.mulf %get3A_1289, %get3A_1289 : vector<16xf32>
        %add3A_1302 = arith.addf %add3A_1278, %mul3A_1301 : vector<16xf32>
        %mul3A_1303 = arith.mulf %get3A_1292, %get3A_1292 : vector<16xf32>
        %add3A_1304 = arith.addf %add3A_1280, %mul3A_1303 : vector<16xf32>
        %mul3A_1305 = arith.mulf %get3A_1295, %get3A_1298 : vector<16xf32>
        %add3A_1306 = arith.addf %add3A_1282, %mul3A_1305 : vector<16xf32>
        %mul3A_1307 = arith.mulf %get3A_1295, %get3A_1295 : vector<16xf32>
        %add3A_1308 = arith.addf %add3A_1284, %mul3A_1307 : vector<16xf32>
        %mul3A_1309 = arith.mulf %get3A_1298, %get3A_1298 : vector<16xf32>
        %add3A_1310 = arith.addf %add3A_1286, %mul3A_1309 : vector<16xf32>
        %get3A_1311 = arith.index_cast %add3A_1226 : i32 to index
        %get3A_1312 = arith.constant 96 : index
        %get3A_1313 = tpu.vector_load %arg10[%get3A_1311, %get3A_1312] {strides = array<i32>} : memref<128x128xf32, #tpu.memory_space<vmem>>, vector<16xf32>,
        %get3A_1314 = arith.index_cast %add3A_1226 : i32 to index
        %get3A_1315 = arith.constant 96 : index
        %get3A_1316 = tpu.vector_load %arg12[%get3A_1314, %get3A_1315] {strides = array<i32>} : memref<128x128xf32, #tpu.memory_space<vmem>>, vector<16xf32>,
        %get3A_1317 = arith.index_cast %add3A_1226 : i32 to index
        %get3A_1318 = arith.constant 112 : index
        %get3A_1319 = tpu.vector_load %arg10[%get3A_1317, %get3A_1318] {strides = array<i32>} : memref<128x128xf32, #tpu.memory_space<vmem>>, vector<16xf32>,
        %get3A_1320 = arith.index_cast %add3A_1226 : i32 to index
        %get3A_1321 = arith.constant 112 : index
        %get3A_1322 = tpu.vector_load %arg12[%get3A_1320, %get3A_1321] {strides = array<i32>} : memref<128x128xf32, #tpu.memory_space<vmem>>, vector<16xf32>,
        %mul3A_1323 = arith.mulf %get3A_1313, %get3A_1316 : vector<16xf32>
        %add3A_1324 = arith.addf %add3A_1300, %mul3A_1323 : vector<16xf32>
        %mul3A_1325 = arith.mulf %get3A_1313, %get3A_1313 : vector<16xf32>
        %add3A_1326 = arith.addf %add3A_1302, %mul3A_1325 : vector<16xf32>
        %mul3A_1327 = arith.mulf %get3A_1316, %get3A_1316 : vector<16xf32>
        %add3A_1328 = arith.addf %add3A_1304, %mul3A_1327 : vector<16xf32>
        %mul3A_1329 = arith.mulf %get3A_1319, %get3A_1322 : vector<16xf32>
        %add3A_1330 = arith.addf %add3A_1306, %mul3A_1329 : vector<16xf32>
        %mul3A_1331 = arith.mulf %get3A_1319, %get3A_1319 : vector<16xf32>
        %add3A_1332 = arith.addf %add3A_1308, %mul3A_1331 : vector<16xf32>
        %mul3A_1333 = arith.mulf %get3A_1322, %get3A_1322 : vector<16xf32>
        %add3A_1334 = arith.addf %add3A_1310, %mul3A_1333 : vector<16xf32>
        %eq3A_1335 = arith.constant 8 : i32
        %eq3A_1336 = vector.broadcast %eq3A_1335 : i32 to vector<16xi32>
        %eq3A_1337 = arith.cmpi eq, %iota3A, %eq3A_1336 : vector<16xi32>
        %add3A_1338 = arith.addf %add3A_1324, %add3A_1330 : vector<16xf32>
        %reduce_sum3A_1339 = arith.constant true
        %reduce_sum3A_1340 = vector.broadcast %reduce_sum3A_1339 : i1 to vector<16xi1>
        %reduce_sum3A_1341 = tpu.scan <sum>, %add3A_1338 masked %reduce_sum3A_1340 : vector<16xf32>, vector<16xi1> -> vector<16xf32>
        %reduce_sum3A_1342 = vector.extract %reduce_sum3A_1341[15] : f32 from vector<16xf32>
        %broadcast_in_dim3A_1343 = vector.broadcast %reduce_sum3A_1342 : f32 to vector<16xf32>
        %select_n3A_1344 = arith.select %eq3A_1337, %broadcast_in_dim3A_1343, %select_n3A_1202 : vector<16xi1>, vector<16xf32>
        %eq3A_1345 = arith.constant 8 : i32
        %eq3A_1346 = vector.broadcast %eq3A_1345 : i32 to vector<16xi32>
        %eq3A_1347 = arith.cmpi eq, %iota3A, %eq3A_1346 : vector<16xi32>
        %add3A_1348 = arith.addf %add3A_1326, %add3A_1332 : vector<16xf32>
        %reduce_sum3A_1349 = arith.constant true
        %reduce_sum3A_1350 = vector.broadcast %reduce_sum3A_1349 : i1 to vector<16xi1>
        %reduce_sum3A_1351 = tpu.scan <sum>, %add3A_1348 masked %reduce_sum3A_1350 : vector<16xf32>, vector<16xi1> -> vector<16xf32>
        %reduce_sum3A_1352 = vector.extract %reduce_sum3A_1351[15] : f32 from vector<16xf32>
        %broadcast_in_dim3A_1353 = vector.broadcast %reduce_sum3A_1352 : f32 to vector<16xf32>
        %select_n3A_1354 = arith.select %eq3A_1347, %broadcast_in_dim3A_1353, %select_n3A_1212 : vector<16xi1>, vector<16xf32>
        %eq3A_1355 = arith.constant 8 : i32
        %eq3A_1356 = vector.broadcast %eq3A_1355 : i32 to vector<16xi32>
        %eq3A_1357 = arith.cmpi eq, %iota3A, %eq3A_1356 : vector<16xi32>
        %add3A_1358 = arith.addf %add3A_1328, %add3A_1334 : vector<16xf32>
        %reduce_sum3A_1359 = arith.constant true
        %reduce_sum3A_1360 = vector.broadcast %reduce_sum3A_1359 : i1 to vector<16xi1>
        %reduce_sum3A_1361 = tpu.scan <sum>, %add3A_1358 masked %reduce_sum3A_1360 : vector<16xf32>, vector<16xi1> -> vector<16xf32>
        %reduce_sum3A_1362 = vector.extract %reduce_sum3A_1361[15] : f32 from vector<16xf32>
        %broadcast_in_dim3A_1363 = vector.broadcast %reduce_sum3A_1362 : f32 to vector<16xf32>
        %select_n3A_1364 = arith.select %eq3A_1357, %broadcast_in_dim3A_1363, %select_n3A_1222 : vector<16xi1>, vector<16xf32>
        %mul3A_1365 = arith.constant 16 : i32
        %mul3A_1366 = arith.muli %scan3A_83, %mul3A_1365 : i32
        %add3A_1367 = arith.constant 9 : i32
        %add3A_1368 = arith.addi %mul3A_1366, %add3A_1367 : i32
        %broadcast_in_dim3A_1369 = arith.constant 0.000000e+00 : f32
        %broadcast_in_dim3A_1370 = vector.broadcast %broadcast_in_dim3A_1369 : f32 to vector<16xf32>
        %broadcast_in_dim3A_1371 = arith.constant 0.000000e+00 : f32
        %broadcast_in_dim3A_1372 = vector.broadcast %broadcast_in_dim3A_1371 : f32 to vector<16xf32>
        %broadcast_in_dim3A_1373 = arith.constant 0.000000e+00 : f32
        %broadcast_in_dim3A_1374 = vector.broadcast %broadcast_in_dim3A_1373 : f32 to vector<16xf32>
        %broadcast_in_dim3A_1375 = arith.constant 0.000000e+00 : f32
        %broadcast_in_dim3A_1376 = vector.broadcast %broadcast_in_dim3A_1375 : f32 to vector<16xf32>
        %broadcast_in_dim3A_1377 = arith.constant 0.000000e+00 : f32
        %broadcast_in_dim3A_1378 = vector.broadcast %broadcast_in_dim3A_1377 : f32 to vector<16xf32>
        %broadcast_in_dim3A_1379 = arith.constant 0.000000e+00 : f32
        %broadcast_in_dim3A_1380 = vector.broadcast %broadcast_in_dim3A_1379 : f32 to vector<16xf32>
        %get3A_1381 = arith.index_cast %add3A_1368 : i32 to index
        %get3A_1382 = arith.constant 0 : index
        %get3A_1383 = tpu.vector_load %arg10[%get3A_1381, %get3A_1382] {strides = array<i32>} : memref<128x128xf32, #tpu.memory_space<vmem>>, vector<16xf32>,
        %get3A_1384 = arith.index_cast %add3A_1368 : i32 to index
        %get3A_1385 = arith.constant 0 : index
        %get3A_1386 = tpu.vector_load %arg12[%get3A_1384, %get3A_1385] {strides = array<i32>} : memref<128x128xf32, #tpu.memory_space<vmem>>, vector<16xf32>,
        %get3A_1387 = arith.index_cast %add3A_1368 : i32 to index
        %get3A_1388 = arith.constant 16 : index
        %get3A_1389 = tpu.vector_load %arg10[%get3A_1387, %get3A_1388] {strides = array<i32>} : memref<128x128xf32, #tpu.memory_space<vmem>>, vector<16xf32>,
        %get3A_1390 = arith.index_cast %add3A_1368 : i32 to index
        %get3A_1391 = arith.constant 16 : index
        %get3A_1392 = tpu.vector_load %arg12[%get3A_1390, %get3A_1391] {strides = array<i32>} : memref<128x128xf32, #tpu.memory_space<vmem>>, vector<16xf32>,
        %mul3A_1393 = arith.mulf %get3A_1383, %get3A_1386 : vector<16xf32>
        %add3A_1394 = arith.addf %broadcast_in_dim3A_1370, %mul3A_1393 : vector<16xf32>
        %mul3A_1395 = arith.mulf %get3A_1383, %get3A_1383 : vector<16xf32>
        %add3A_1396 = arith.addf %broadcast_in_dim3A_1372, %mul3A_1395 : vector<16xf32>
        %mul3A_1397 = arith.mulf %get3A_1386, %get3A_1386 : vector<16xf32>
        %add3A_1398 = arith.addf %broadcast_in_dim3A_1374, %mul3A_1397 : vector<16xf32>
        %mul3A_1399 = arith.mulf %get3A_1389, %get3A_1392 : vector<16xf32>
        %add3A_1400 = arith.addf %broadcast_in_dim3A_1376, %mul3A_1399 : vector<16xf32>
        %mul3A_1401 = arith.mulf %get3A_1389, %get3A_1389 : vector<16xf32>
        %add3A_1402 = arith.addf %broadcast_in_dim3A_1378, %mul3A_1401 : vector<16xf32>
        %mul3A_1403 = arith.mulf %get3A_1392, %get3A_1392 : vector<16xf32>
        %add3A_1404 = arith.addf %broadcast_in_dim3A_1380, %mul3A_1403 : vector<16xf32>
        %get3A_1405 = arith.index_cast %add3A_1368 : i32 to index
        %get3A_1406 = arith.constant 32 : index
        %get3A_1407 = tpu.vector_load %arg10[%get3A_1405, %get3A_1406] {strides = array<i32>} : memref<128x128xf32, #tpu.memory_space<vmem>>, vector<16xf32>,
        %get3A_1408 = arith.index_cast %add3A_1368 : i32 to index
        %get3A_1409 = arith.constant 32 : index
        %get3A_1410 = tpu.vector_load %arg12[%get3A_1408, %get3A_1409] {strides = array<i32>} : memref<128x128xf32, #tpu.memory_space<vmem>>, vector<16xf32>,
        %get3A_1411 = arith.index_cast %add3A_1368 : i32 to index
        %get3A_1412 = arith.constant 48 : index
        %get3A_1413 = tpu.vector_load %arg10[%get3A_1411, %get3A_1412] {strides = array<i32>} : memref<128x128xf32, #tpu.memory_space<vmem>>, vector<16xf32>,
        %get3A_1414 = arith.index_cast %add3A_1368 : i32 to index
        %get3A_1415 = arith.constant 48 : index
        %get3A_1416 = tpu.vector_load %arg12[%get3A_1414, %get3A_1415] {strides = array<i32>} : memref<128x128xf32, #tpu.memory_space<vmem>>, vector<16xf32>,
        %mul3A_1417 = arith.mulf %get3A_1407, %get3A_1410 : vector<16xf32>
        %add3A_1418 = arith.addf %add3A_1394, %mul3A_1417 : vector<16xf32>
        %mul3A_1419 = arith.mulf %get3A_1407, %get3A_1407 : vector<16xf32>
        %add3A_1420 = arith.addf %add3A_1396, %mul3A_1419 : vector<16xf32>
        %mul3A_1421 = arith.mulf %get3A_1410, %get3A_1410 : vector<16xf32>
        %add3A_1422 = arith.addf %add3A_1398, %mul3A_1421 : vector<16xf32>
        %mul3A_1423 = arith.mulf %get3A_1413, %get3A_1416 : vector<16xf32>
        %add3A_1424 = arith.addf %add3A_1400, %mul3A_1423 : vector<16xf32>
        %mul3A_1425 = arith.mulf %get3A_1413, %get3A_1413 : vector<16xf32>
        %add3A_1426 = arith.addf %add3A_1402, %mul3A_1425 : vector<16xf32>
        %mul3A_1427 = arith.mulf %get3A_1416, %get3A_1416 : vector<16xf32>
        %add3A_1428 = arith.addf %add3A_1404, %mul3A_1427 : vector<16xf32>
        %get3A_1429 = arith.index_cast %add3A_1368 : i32 to index
        %get3A_1430 = arith.constant 64 : index
        %get3A_1431 = tpu.vector_load %arg10[%get3A_1429, %get3A_1430] {strides = array<i32>} : memref<128x128xf32, #tpu.memory_space<vmem>>, vector<16xf32>,
        %get3A_1432 = arith.index_cast %add3A_1368 : i32 to index
        %get3A_1433 = arith.constant 64 : index
        %get3A_1434 = tpu.vector_load %arg12[%get3A_1432, %get3A_1433] {strides = array<i32>} : memref<128x128xf32, #tpu.memory_space<vmem>>, vector<16xf32>,
        %get3A_1435 = arith.index_cast %add3A_1368 : i32 to index
        %get3A_1436 = arith.constant 80 : index
        %get3A_1437 = tpu.vector_load %arg10[%get3A_1435, %get3A_1436] {strides = array<i32>} : memref<128x128xf32, #tpu.memory_space<vmem>>, vector<16xf32>,
        %get3A_1438 = arith.index_cast %add3A_1368 : i32 to index
        %get3A_1439 = arith.constant 80 : index
        %get3A_1440 = tpu.vector_load %arg12[%get3A_1438, %get3A_1439] {strides = array<i32>} : memref<128x128xf32, #tpu.memory_space<vmem>>, vector<16xf32>,
        %mul3A_1441 = arith.mulf %get3A_1431, %get3A_1434 : vector<16xf32>
        %add3A_1442 = arith.addf %add3A_1418, %mul3A_1441 : vector<16xf32>
        %mul3A_1443 = arith.mulf %get3A_1431, %get3A_1431 : vector<16xf32>
        %add3A_1444 = arith.addf %add3A_1420, %mul3A_1443 : vector<16xf32>
        %mul3A_1445 = arith.mulf %get3A_1434, %get3A_1434 : vector<16xf32>
        %add3A_1446 = arith.addf %add3A_1422, %mul3A_1445 : vector<16xf32>
        %mul3A_1447 = arith.mulf %get3A_1437, %get3A_1440 : vector<16xf32>
        %add3A_1448 = arith.addf %add3A_1424, %mul3A_1447 : vector<16xf32>
        %mul3A_1449 = arith.mulf %get3A_1437, %get3A_1437 : vector<16xf32>
        %add3A_1450 = arith.addf %add3A_1426, %mul3A_1449 : vector<16xf32>
        %mul3A_1451 = arith.mulf %get3A_1440, %get3A_1440 : vector<16xf32>
        %add3A_1452 = arith.addf %add3A_1428, %mul3A_1451 : vector<16xf32>
        %get3A_1453 = arith.index_cast %add3A_1368 : i32 to index
        %get3A_1454 = arith.constant 96 : index
        %get3A_1455 = tpu.vector_load %arg10[%get3A_1453, %get3A_1454] {strides = array<i32>} : memref<128x128xf32, #tpu.memory_space<vmem>>, vector<16xf32>,
        %get3A_1456 = arith.index_cast %add3A_1368 : i32 to index
        %get3A_1457 = arith.constant 96 : index
        %get3A_1458 = tpu.vector_load %arg12[%get3A_1456, %get3A_1457] {strides = array<i32>} : memref<128x128xf32, #tpu.memory_space<vmem>>, vector<16xf32>,
        %get3A_1459 = arith.index_cast %add3A_1368 : i32 to index
        %get3A_1460 = arith.constant 112 : index
        %get3A_1461 = tpu.vector_load %arg10[%get3A_1459, %get3A_1460] {strides = array<i32>} : memref<128x128xf32, #tpu.memory_space<vmem>>, vector<16xf32>,
        %get3A_1462 = arith.index_cast %add3A_1368 : i32 to index
        %get3A_1463 = arith.constant 112 : index
        %get3A_1464 = tpu.vector_load %arg12[%get3A_1462, %get3A_1463] {strides = array<i32>} : memref<128x128xf32, #tpu.memory_space<vmem>>, vector<16xf32>,
        %mul3A_1465 = arith.mulf %get3A_1455, %get3A_1458 : vector<16xf32>
        %add3A_1466 = arith.addf %add3A_1442, %mul3A_1465 : vector<16xf32>
        %mul3A_1467 = arith.mulf %get3A_1455, %get3A_1455 : vector<16xf32>
        %add3A_1468 = arith.addf %add3A_1444, %mul3A_1467 : vector<16xf32>
        %mul3A_1469 = arith.mulf %get3A_1458, %get3A_1458 : vector<16xf32>
        %add3A_1470 = arith.addf %add3A_1446, %mul3A_1469 : vector<16xf32>
        %mul3A_1471 = arith.mulf %get3A_1461, %get3A_1464 : vector<16xf32>
        %add3A_1472 = arith.addf %add3A_1448, %mul3A_1471 : vector<16xf32>
        %mul3A_1473 = arith.mulf %get3A_1461, %get3A_1461 : vector<16xf32>
        %add3A_1474 = arith.addf %add3A_1450, %mul3A_1473 : vector<16xf32>
        %mul3A_1475 = arith.mulf %get3A_1464, %get3A_1464 : vector<16xf32>
        %add3A_1476 = arith.addf %add3A_1452, %mul3A_1475 : vector<16xf32>
        %eq3A_1477 = arith.constant 9 : i32
        %eq3A_1478 = vector.broadcast %eq3A_1477 : i32 to vector<16xi32>
        %eq3A_1479 = arith.cmpi eq, %iota3A, %eq3A_1478 : vector<16xi32>
        %add3A_1480 = arith.addf %add3A_1466, %add3A_1472 : vector<16xf32>
        %reduce_sum3A_1481 = arith.constant true
        %reduce_sum3A_1482 = vector.broadcast %reduce_sum3A_1481 : i1 to vector<16xi1>
        %reduce_sum3A_1483 = tpu.scan <sum>, %add3A_1480 masked %reduce_sum3A_1482 : vector<16xf32>, vector<16xi1> -> vector<16xf32>
        %reduce_sum3A_1484 = vector.extract %reduce_sum3A_1483[15] : f32 from vector<16xf32>
        %broadcast_in_dim3A_1485 = vector.broadcast %reduce_sum3A_1484 : f32 to vector<16xf32>
        %select_n3A_1486 = arith.select %eq3A_1479, %broadcast_in_dim3A_1485, %select_n3A_1344 : vector<16xi1>, vector<16xf32>
        %eq3A_1487 = arith.constant 9 : i32
        %eq3A_1488 = vector.broadcast %eq3A_1487 : i32 to vector<16xi32>
        %eq3A_1489 = arith.cmpi eq, %iota3A, %eq3A_1488 : vector<16xi32>
        %add3A_1490 = arith.addf %add3A_1468, %add3A_1474 : vector<16xf32>
        %reduce_sum3A_1491 = arith.constant true
        %reduce_sum3A_1492 = vector.broadcast %reduce_sum3A_1491 : i1 to vector<16xi1>
        %reduce_sum3A_1493 = tpu.scan <sum>, %add3A_1490 masked %reduce_sum3A_1492 : vector<16xf32>, vector<16xi1> -> vector<16xf32>
        %reduce_sum3A_1494 = vector.extract %reduce_sum3A_1493[15] : f32 from vector<16xf32>
        %broadcast_in_dim3A_1495 = vector.broadcast %reduce_sum3A_1494 : f32 to vector<16xf32>
        %select_n3A_1496 = arith.select %eq3A_1489, %broadcast_in_dim3A_1495, %select_n3A_1354 : vector<16xi1>, vector<16xf32>
        %eq3A_1497 = arith.constant 9 : i32
        %eq3A_1498 = vector.broadcast %eq3A_1497 : i32 to vector<16xi32>
        %eq3A_1499 = arith.cmpi eq, %iota3A, %eq3A_1498 : vector<16xi32>
        %add3A_1500 = arith.addf %add3A_1470, %add3A_1476 : vector<16xf32>
        %reduce_sum3A_1501 = arith.constant true
        %reduce_sum3A_1502 = vector.broadcast %reduce_sum3A_1501 : i1 to vector<16xi1>
        %reduce_sum3A_1503 = tpu.scan <sum>, %add3A_1500 masked %reduce_sum3A_1502 : vector<16xf32>, vector<16xi1> -> vector<16xf32>
        %reduce_sum3A_1504 = vector.extract %reduce_sum3A_1503[15] : f32 from vector<16xf32>
        %broadcast_in_dim3A_1505 = vector.broadcast %reduce_sum3A_1504 : f32 to vector<16xf32>
        %select_n3A_1506 = arith.select %eq3A_1499, %broadcast_in_dim3A_1505, %select_n3A_1364 : vector<16xi1>, vector<16xf32>
        %mul3A_1507 = arith.constant 16 : i32
        %mul3A_1508 = arith.muli %scan3A_83, %mul3A_1507 : i32
        %add3A_1509 = arith.constant 10 : i32
        %add3A_1510 = arith.addi %mul3A_1508, %add3A_1509 : i32
        %broadcast_in_dim3A_1511 = arith.constant 0.000000e+00 : f32
        %broadcast_in_dim3A_1512 = vector.broadcast %broadcast_in_dim3A_1511 : f32 to vector<16xf32>
        %broadcast_in_dim3A_1513 = arith.constant 0.000000e+00 : f32
        %broadcast_in_dim3A_1514 = vector.broadcast %broadcast_in_dim3A_1513 : f32 to vector<16xf32>
        %broadcast_in_dim3A_1515 = arith.constant 0.000000e+00 : f32
        %broadcast_in_dim3A_1516 = vector.broadcast %broadcast_in_dim3A_1515 : f32 to vector<16xf32>
        %broadcast_in_dim3A_1517 = arith.constant 0.000000e+00 : f32
        %broadcast_in_dim3A_1518 = vector.broadcast %broadcast_in_dim3A_1517 : f32 to vector<16xf32>
        %broadcast_in_dim3A_1519 = arith.constant 0.000000e+00 : f32
        %broadcast_in_dim3A_1520 = vector.broadcast %broadcast_in_dim3A_1519 : f32 to vector<16xf32>
        %broadcast_in_dim3A_1521 = arith.constant 0.000000e+00 : f32
        %broadcast_in_dim3A_1522 = vector.broadcast %broadcast_in_dim3A_1521 : f32 to vector<16xf32>
        %get3A_1523 = arith.index_cast %add3A_1510 : i32 to index
        %get3A_1524 = arith.constant 0 : index
        %get3A_1525 = tpu.vector_load %arg10[%get3A_1523, %get3A_1524] {strides = array<i32>} : memref<128x128xf32, #tpu.memory_space<vmem>>, vector<16xf32>,
        %get3A_1526 = arith.index_cast %add3A_1510 : i32 to index
        %get3A_1527 = arith.constant 0 : index
        %get3A_1528 = tpu.vector_load %arg12[%get3A_1526, %get3A_1527] {strides = array<i32>} : memref<128x128xf32, #tpu.memory_space<vmem>>, vector<16xf32>,
        %get3A_1529 = arith.index_cast %add3A_1510 : i32 to index
        %get3A_1530 = arith.constant 16 : index
        %get3A_1531 = tpu.vector_load %arg10[%get3A_1529, %get3A_1530] {strides = array<i32>} : memref<128x128xf32, #tpu.memory_space<vmem>>, vector<16xf32>,
        %get3A_1532 = arith.index_cast %add3A_1510 : i32 to index
        %get3A_1533 = arith.constant 16 : index
        %get3A_1534 = tpu.vector_load %arg12[%get3A_1532, %get3A_1533] {strides = array<i32>} : memref<128x128xf32, #tpu.memory_space<vmem>>, vector<16xf32>,
        %mul3A_1535 = arith.mulf %get3A_1525, %get3A_1528 : vector<16xf32>
        %add3A_1536 = arith.addf %broadcast_in_dim3A_1512, %mul3A_1535 : vector<16xf32>
        %mul3A_1537 = arith.mulf %get3A_1525, %get3A_1525 : vector<16xf32>
        %add3A_1538 = arith.addf %broadcast_in_dim3A_1514, %mul3A_1537 : vector<16xf32>
        %mul3A_1539 = arith.mulf %get3A_1528, %get3A_1528 : vector<16xf32>
        %add3A_1540 = arith.addf %broadcast_in_dim3A_1516, %mul3A_1539 : vector<16xf32>
        %mul3A_1541 = arith.mulf %get3A_1531, %get3A_1534 : vector<16xf32>
        %add3A_1542 = arith.addf %broadcast_in_dim3A_1518, %mul3A_1541 : vector<16xf32>
        %mul3A_1543 = arith.mulf %get3A_1531, %get3A_1531 : vector<16xf32>
        %add3A_1544 = arith.addf %broadcast_in_dim3A_1520, %mul3A_1543 : vector<16xf32>
        %mul3A_1545 = arith.mulf %get3A_1534, %get3A_1534 : vector<16xf32>
        %add3A_1546 = arith.addf %broadcast_in_dim3A_1522, %mul3A_1545 : vector<16xf32>
        %get3A_1547 = arith.index_cast %add3A_1510 : i32 to index
        %get3A_1548 = arith.constant 32 : index
        %get3A_1549 = tpu.vector_load %arg10[%get3A_1547, %get3A_1548] {strides = array<i32>} : memref<128x128xf32, #tpu.memory_space<vmem>>, vector<16xf32>,
        %get3A_1550 = arith.index_cast %add3A_1510 : i32 to index
        %get3A_1551 = arith.constant 32 : index
        %get3A_1552 = tpu.vector_load %arg12[%get3A_1550, %get3A_1551] {strides = array<i32>} : memref<128x128xf32, #tpu.memory_space<vmem>>, vector<16xf32>,
        %get3A_1553 = arith.index_cast %add3A_1510 : i32 to index
        %get3A_1554 = arith.constant 48 : index
        %get3A_1555 = tpu.vector_load %arg10[%get3A_1553, %get3A_1554] {strides = array<i32>} : memref<128x128xf32, #tpu.memory_space<vmem>>, vector<16xf32>,
        %get3A_1556 = arith.index_cast %add3A_1510 : i32 to index
        %get3A_1557 = arith.constant 48 : index
        %get3A_1558 = tpu.vector_load %arg12[%get3A_1556, %get3A_1557] {strides = array<i32>} : memref<128x128xf32, #tpu.memory_space<vmem>>, vector<16xf32>,
        %mul3A_1559 = arith.mulf %get3A_1549, %get3A_1552 : vector<16xf32>
        %add3A_1560 = arith.addf %add3A_1536, %mul3A_1559 : vector<16xf32>
        %mul3A_1561 = arith.mulf %get3A_1549, %get3A_1549 : vector<16xf32>
        %add3A_1562 = arith.addf %add3A_1538, %mul3A_1561 : vector<16xf32>
        %mul3A_1563 = arith.mulf %get3A_1552, %get3A_1552 : vector<16xf32>
        %add3A_1564 = arith.addf %add3A_1540, %mul3A_1563 : vector<16xf32>
        %mul3A_1565 = arith.mulf %get3A_1555, %get3A_1558 : vector<16xf32>
        %add3A_1566 = arith.addf %add3A_1542, %mul3A_1565 : vector<16xf32>
        %mul3A_1567 = arith.mulf %get3A_1555, %get3A_1555 : vector<16xf32>
        %add3A_1568 = arith.addf %add3A_1544, %mul3A_1567 : vector<16xf32>
        %mul3A_1569 = arith.mulf %get3A_1558, %get3A_1558 : vector<16xf32>
        %add3A_1570 = arith.addf %add3A_1546, %mul3A_1569 : vector<16xf32>
        %get3A_1571 = arith.index_cast %add3A_1510 : i32 to index
        %get3A_1572 = arith.constant 64 : index
        %get3A_1573 = tpu.vector_load %arg10[%get3A_1571, %get3A_1572] {strides = array<i32>} : memref<128x128xf32, #tpu.memory_space<vmem>>, vector<16xf32>,
        %get3A_1574 = arith.index_cast %add3A_1510 : i32 to index
        %get3A_1575 = arith.constant 64 : index
        %get3A_1576 = tpu.vector_load %arg12[%get3A_1574, %get3A_1575] {strides = array<i32>} : memref<128x128xf32, #tpu.memory_space<vmem>>, vector<16xf32>,
        %get3A_1577 = arith.index_cast %add3A_1510 : i32 to index
        %get3A_1578 = arith.constant 80 : index
        %get3A_1579 = tpu.vector_load %arg10[%get3A_1577, %get3A_1578] {strides = array<i32>} : memref<128x128xf32, #tpu.memory_space<vmem>>, vector<16xf32>,
        %get3A_1580 = arith.index_cast %add3A_1510 : i32 to index
        %get3A_1581 = arith.constant 80 : index
        %get3A_1582 = tpu.vector_load %arg12[%get3A_1580, %get3A_1581] {strides = array<i32>} : memref<128x128xf32, #tpu.memory_space<vmem>>, vector<16xf32>,
        %mul3A_1583 = arith.mulf %get3A_1573, %get3A_1576 : vector<16xf32>
        %add3A_1584 = arith.addf %add3A_1560, %mul3A_1583 : vector<16xf32>
        %mul3A_1585 = arith.mulf %get3A_1573, %get3A_1573 : vector<16xf32>
        %add3A_1586 = arith.addf %add3A_1562, %mul3A_1585 : vector<16xf32>
        %mul3A_1587 = arith.mulf %get3A_1576, %get3A_1576 : vector<16xf32>
        %add3A_1588 = arith.addf %add3A_1564, %mul3A_1587 : vector<16xf32>
        %mul3A_1589 = arith.mulf %get3A_1579, %get3A_1582 : vector<16xf32>
        %add3A_1590 = arith.addf %add3A_1566, %mul3A_1589 : vector<16xf32>
        %mul3A_1591 = arith.mulf %get3A_1579, %get3A_1579 : vector<16xf32>
        %add3A_1592 = arith.addf %add3A_1568, %mul3A_1591 : vector<16xf32>
        %mul3A_1593 = arith.mulf %get3A_1582, %get3A_1582 : vector<16xf32>
        %add3A_1594 = arith.addf %add3A_1570, %mul3A_1593 : vector<16xf32>
        %get3A_1595 = arith.index_cast %add3A_1510 : i32 to index
        %get3A_1596 = arith.constant 96 : index
        %get3A_1597 = tpu.vector_load %arg10[%get3A_1595, %get3A_1596] {strides = array<i32>} : memref<128x128xf32, #tpu.memory_space<vmem>>, vector<16xf32>,
        %get3A_1598 = arith.index_cast %add3A_1510 : i32 to index
        %get3A_1599 = arith.constant 96 : index
        %get3A_1600 = tpu.vector_load %arg12[%get3A_1598, %get3A_1599] {strides = array<i32>} : memref<128x128xf32, #tpu.memory_space<vmem>>, vector<16xf32>,
        %get3A_1601 = arith.index_cast %add3A_1510 : i32 to index
        %get3A_1602 = arith.constant 112 : index
        %get3A_1603 = tpu.vector_load %arg10[%get3A_1601, %get3A_1602] {strides = array<i32>} : memref<128x128xf32, #tpu.memory_space<vmem>>, vector<16xf32>,
        %get3A_1604 = arith.index_cast %add3A_1510 : i32 to index
        %get3A_1605 = arith.constant 112 : index
        %get3A_1606 = tpu.vector_load %arg12[%get3A_1604, %get3A_1605] {strides = array<i32>} : memref<128x128xf32, #tpu.memory_space<vmem>>, vector<16xf32>,
        %mul3A_1607 = arith.mulf %get3A_1597, %get3A_1600 : vector<16xf32>
        %add3A_1608 = arith.addf %add3A_1584, %mul3A_1607 : vector<16xf32>
        %mul3A_1609 = arith.mulf %get3A_1597, %get3A_1597 : vector<16xf32>
        %add3A_1610 = arith.addf %add3A_1586, %mul3A_1609 : vector<16xf32>
        %mul3A_1611 = arith.mulf %get3A_1600, %get3A_1600 : vector<16xf32>
        %add3A_1612 = arith.addf %add3A_1588, %mul3A_1611 : vector<16xf32>
        %mul3A_1613 = arith.mulf %get3A_1603, %get3A_1606 : vector<16xf32>
        %add3A_1614 = arith.addf %add3A_1590, %mul3A_1613 : vector<16xf32>
        %mul3A_1615 = arith.mulf %get3A_1603, %get3A_1603 : vector<16xf32>
        %add3A_1616 = arith.addf %add3A_1592, %mul3A_1615 : vector<16xf32>
        %mul3A_1617 = arith.mulf %get3A_1606, %get3A_1606 : vector<16xf32>
        %add3A_1618 = arith.addf %add3A_1594, %mul3A_1617 : vector<16xf32>
        %eq3A_1619 = arith.constant 10 : i32
        %eq3A_1620 = vector.broadcast %eq3A_1619 : i32 to vector<16xi32>
        %eq3A_1621 = arith.cmpi eq, %iota3A, %eq3A_1620 : vector<16xi32>
        %add3A_1622 = arith.addf %add3A_1608, %add3A_1614 : vector<16xf32>
        %reduce_sum3A_1623 = arith.constant true
        %reduce_sum3A_1624 = vector.broadcast %reduce_sum3A_1623 : i1 to vector<16xi1>
        %reduce_sum3A_1625 = tpu.scan <sum>, %add3A_1622 masked %reduce_sum3A_1624 : vector<16xf32>, vector<16xi1> -> vector<16xf32>
        %reduce_sum3A_1626 = vector.extract %reduce_sum3A_1625[15] : f32 from vector<16xf32>
        %broadcast_in_dim3A_1627 = vector.broadcast %reduce_sum3A_1626 : f32 to vector<16xf32>
        %select_n3A_1628 = arith.select %eq3A_1621, %broadcast_in_dim3A_1627, %select_n3A_1486 : vector<16xi1>, vector<16xf32>
        %eq3A_1629 = arith.constant 10 : i32
        %eq3A_1630 = vector.broadcast %eq3A_1629 : i32 to vector<16xi32>
        %eq3A_1631 = arith.cmpi eq, %iota3A, %eq3A_1630 : vector<16xi32>
        %add3A_1632 = arith.addf %add3A_1610, %add3A_1616 : vector<16xf32>
        %reduce_sum3A_1633 = arith.constant true
        %reduce_sum3A_1634 = vector.broadcast %reduce_sum3A_1633 : i1 to vector<16xi1>
        %reduce_sum3A_1635 = tpu.scan <sum>, %add3A_1632 masked %reduce_sum3A_1634 : vector<16xf32>, vector<16xi1> -> vector<16xf32>
        %reduce_sum3A_1636 = vector.extract %reduce_sum3A_1635[15] : f32 from vector<16xf32>
        %broadcast_in_dim3A_1637 = vector.broadcast %reduce_sum3A_1636 : f32 to vector<16xf32>
        %select_n3A_1638 = arith.select %eq3A_1631, %broadcast_in_dim3A_1637, %select_n3A_1496 : vector<16xi1>, vector<16xf32>
        %eq3A_1639 = arith.constant 10 : i32
        %eq3A_1640 = vector.broadcast %eq3A_1639 : i32 to vector<16xi32>
        %eq3A_1641 = arith.cmpi eq, %iota3A, %eq3A_1640 : vector<16xi32>
        %add3A_1642 = arith.addf %add3A_1612, %add3A_1618 : vector<16xf32>
        %reduce_sum3A_1643 = arith.constant true
        %reduce_sum3A_1644 = vector.broadcast %reduce_sum3A_1643 : i1 to vector<16xi1>
        %reduce_sum3A_1645 = tpu.scan <sum>, %add3A_1642 masked %reduce_sum3A_1644 : vector<16xf32>, vector<16xi1> -> vector<16xf32>
        %reduce_sum3A_1646 = vector.extract %reduce_sum3A_1645[15] : f32 from vector<16xf32>
        %broadcast_in_dim3A_1647 = vector.broadcast %reduce_sum3A_1646 : f32 to vector<16xf32>
        %select_n3A_1648 = arith.select %eq3A_1641, %broadcast_in_dim3A_1647, %select_n3A_1506 : vector<16xi1>, vector<16xf32>
        %mul3A_1649 = arith.constant 16 : i32
        %mul3A_1650 = arith.muli %scan3A_83, %mul3A_1649 : i32
        %add3A_1651 = arith.constant 11 : i32
        %add3A_1652 = arith.addi %mul3A_1650, %add3A_1651 : i32
        %broadcast_in_dim3A_1653 = arith.constant 0.000000e+00 : f32
        %broadcast_in_dim3A_1654 = vector.broadcast %broadcast_in_dim3A_1653 : f32 to vector<16xf32>
        %broadcast_in_dim3A_1655 = arith.constant 0.000000e+00 : f32
        %broadcast_in_dim3A_1656 = vector.broadcast %broadcast_in_dim3A_1655 : f32 to vector<16xf32>
        %broadcast_in_dim3A_1657 = arith.constant 0.000000e+00 : f32
        %broadcast_in_dim3A_1658 = vector.broadcast %broadcast_in_dim3A_1657 : f32 to vector<16xf32>
        %broadcast_in_dim3A_1659 = arith.constant 0.000000e+00 : f32
        %broadcast_in_dim3A_1660 = vector.broadcast %broadcast_in_dim3A_1659 : f32 to vector<16xf32>
        %broadcast_in_dim3A_1661 = arith.constant 0.000000e+00 : f32
        %broadcast_in_dim3A_1662 = vector.broadcast %broadcast_in_dim3A_1661 : f32 to vector<16xf32>
        %broadcast_in_dim3A_1663 = arith.constant 0.000000e+00 : f32
        %broadcast_in_dim3A_1664 = vector.broadcast %broadcast_in_dim3A_1663 : f32 to vector<16xf32>
        %get3A_1665 = arith.index_cast %add3A_1652 : i32 to index
        %get3A_1666 = arith.constant 0 : index
        %get3A_1667 = tpu.vector_load %arg10[%get3A_1665, %get3A_1666] {strides = array<i32>} : memref<128x128xf32, #tpu.memory_space<vmem>>, vector<16xf32>,
        %get3A_1668 = arith.index_cast %add3A_1652 : i32 to index
        %get3A_1669 = arith.constant 0 : index
        %get3A_1670 = tpu.vector_load %arg12[%get3A_1668, %get3A_1669] {strides = array<i32>} : memref<128x128xf32, #tpu.memory_space<vmem>>, vector<16xf32>,
        %get3A_1671 = arith.index_cast %add3A_1652 : i32 to index
        %get3A_1672 = arith.constant 16 : index
        %get3A_1673 = tpu.vector_load %arg10[%get3A_1671, %get3A_1672] {strides = array<i32>} : memref<128x128xf32, #tpu.memory_space<vmem>>, vector<16xf32>,
        %get3A_1674 = arith.index_cast %add3A_1652 : i32 to index
        %get3A_1675 = arith.constant 16 : index
        %get3A_1676 = tpu.vector_load %arg12[%get3A_1674, %get3A_1675] {strides = array<i32>} : memref<128x128xf32, #tpu.memory_space<vmem>>, vector<16xf32>,
        %mul3A_1677 = arith.mulf %get3A_1667, %get3A_1670 : vector<16xf32>
        %add3A_1678 = arith.addf %broadcast_in_dim3A_1654, %mul3A_1677 : vector<16xf32>
        %mul3A_1679 = arith.mulf %get3A_1667, %get3A_1667 : vector<16xf32>
        %add3A_1680 = arith.addf %broadcast_in_dim3A_1656, %mul3A_1679 : vector<16xf32>
        %mul3A_1681 = arith.mulf %get3A_1670, %get3A_1670 : vector<16xf32>
        %add3A_1682 = arith.addf %broadcast_in_dim3A_1658, %mul3A_1681 : vector<16xf32>
        %mul3A_1683 = arith.mulf %get3A_1673, %get3A_1676 : vector<16xf32>
        %add3A_1684 = arith.addf %broadcast_in_dim3A_1660, %mul3A_1683 : vector<16xf32>
        %mul3A_1685 = arith.mulf %get3A_1673, %get3A_1673 : vector<16xf32>
        %add3A_1686 = arith.addf %broadcast_in_dim3A_1662, %mul3A_1685 : vector<16xf32>
        %mul3A_1687 = arith.mulf %get3A_1676, %get3A_1676 : vector<16xf32>
        %add3A_1688 = arith.addf %broadcast_in_dim3A_1664, %mul3A_1687 : vector<16xf32>
        %get3A_1689 = arith.index_cast %add3A_1652 : i32 to index
        %get3A_1690 = arith.constant 32 : index
        %get3A_1691 = tpu.vector_load %arg10[%get3A_1689, %get3A_1690] {strides = array<i32>} : memref<128x128xf32, #tpu.memory_space<vmem>>, vector<16xf32>,
        %get3A_1692 = arith.index_cast %add3A_1652 : i32 to index
        %get3A_1693 = arith.constant 32 : index
        %get3A_1694 = tpu.vector_load %arg12[%get3A_1692, %get3A_1693] {strides = array<i32>} : memref<128x128xf32, #tpu.memory_space<vmem>>, vector<16xf32>,
        %get3A_1695 = arith.index_cast %add3A_1652 : i32 to index
        %get3A_1696 = arith.constant 48 : index
        %get3A_1697 = tpu.vector_load %arg10[%get3A_1695, %get3A_1696] {strides = array<i32>} : memref<128x128xf32, #tpu.memory_space<vmem>>, vector<16xf32>,
        %get3A_1698 = arith.index_cast %add3A_1652 : i32 to index
        %get3A_1699 = arith.constant 48 : index
        %get3A_1700 = tpu.vector_load %arg12[%get3A_1698, %get3A_1699] {strides = array<i32>} : memref<128x128xf32, #tpu.memory_space<vmem>>, vector<16xf32>,
        %mul3A_1701 = arith.mulf %get3A_1691, %get3A_1694 : vector<16xf32>
        %add3A_1702 = arith.addf %add3A_1678, %mul3A_1701 : vector<16xf32>
        %mul3A_1703 = arith.mulf %get3A_1691, %get3A_1691 : vector<16xf32>
        %add3A_1704 = arith.addf %add3A_1680, %mul3A_1703 : vector<16xf32>
        %mul3A_1705 = arith.mulf %get3A_1694, %get3A_1694 : vector<16xf32>
        %add3A_1706 = arith.addf %add3A_1682, %mul3A_1705 : vector<16xf32>
        %mul3A_1707 = arith.mulf %get3A_1697, %get3A_1700 : vector<16xf32>
        %add3A_1708 = arith.addf %add3A_1684, %mul3A_1707 : vector<16xf32>
        %mul3A_1709 = arith.mulf %get3A_1697, %get3A_1697 : vector<16xf32>
        %add3A_1710 = arith.addf %add3A_1686, %mul3A_1709 : vector<16xf32>
        %mul3A_1711 = arith.mulf %get3A_1700, %get3A_1700 : vector<16xf32>
        %add3A_1712 = arith.addf %add3A_1688, %mul3A_1711 : vector<16xf32>
        %get3A_1713 = arith.index_cast %add3A_1652 : i32 to index
        %get3A_1714 = arith.constant 64 : index
        %get3A_1715 = tpu.vector_load %arg10[%get3A_1713, %get3A_1714] {strides = array<i32>} : memref<128x128xf32, #tpu.memory_space<vmem>>, vector<16xf32>,
        %get3A_1716 = arith.index_cast %add3A_1652 : i32 to index
        %get3A_1717 = arith.constant 64 : index
        %get3A_1718 = tpu.vector_load %arg12[%get3A_1716, %get3A_1717] {strides = array<i32>} : memref<128x128xf32, #tpu.memory_space<vmem>>, vector<16xf32>,
        %get3A_1719 = arith.index_cast %add3A_1652 : i32 to index
        %get3A_1720 = arith.constant 80 : index
        %get3A_1721 = tpu.vector_load %arg10[%get3A_1719, %get3A_1720] {strides = array<i32>} : memref<128x128xf32, #tpu.memory_space<vmem>>, vector<16xf32>,
        %get3A_1722 = arith.index_cast %add3A_1652 : i32 to index
        %get3A_1723 = arith.constant 80 : index
        %get3A_1724 = tpu.vector_load %arg12[%get3A_1722, %get3A_1723] {strides = array<i32>} : memref<128x128xf32, #tpu.memory_space<vmem>>, vector<16xf32>,
        %mul3A_1725 = arith.mulf %get3A_1715, %get3A_1718 : vector<16xf32>
        %add3A_1726 = arith.addf %add3A_1702, %mul3A_1725 : vector<16xf32>
        %mul3A_1727 = arith.mulf %get3A_1715, %get3A_1715 : vector<16xf32>
        %add3A_1728 = arith.addf %add3A_1704, %mul3A_1727 : vector<16xf32>
        %mul3A_1729 = arith.mulf %get3A_1718, %get3A_1718 : vector<16xf32>
        %add3A_1730 = arith.addf %add3A_1706, %mul3A_1729 : vector<16xf32>
        %mul3A_1731 = arith.mulf %get3A_1721, %get3A_1724 : vector<16xf32>
        %add3A_1732 = arith.addf %add3A_1708, %mul3A_1731 : vector<16xf32>
        %mul3A_1733 = arith.mulf %get3A_1721, %get3A_1721 : vector<16xf32>
        %add3A_1734 = arith.addf %add3A_1710, %mul3A_1733 : vector<16xf32>
        %mul3A_1735 = arith.mulf %get3A_1724, %get3A_1724 : vector<16xf32>
        %add3A_1736 = arith.addf %add3A_1712, %mul3A_1735 : vector<16xf32>
        %get3A_1737 = arith.index_cast %add3A_1652 : i32 to index
        %get3A_1738 = arith.constant 96 : index
        %get3A_1739 = tpu.vector_load %arg10[%get3A_1737, %get3A_1738] {strides = array<i32>} : memref<128x128xf32, #tpu.memory_space<vmem>>, vector<16xf32>,
        %get3A_1740 = arith.index_cast %add3A_1652 : i32 to index
        %get3A_1741 = arith.constant 96 : index
        %get3A_1742 = tpu.vector_load %arg12[%get3A_1740, %get3A_1741] {strides = array<i32>} : memref<128x128xf32, #tpu.memory_space<vmem>>, vector<16xf32>,
        %get3A_1743 = arith.index_cast %add3A_1652 : i32 to index
        %get3A_1744 = arith.constant 112 : index
        %get3A_1745 = tpu.vector_load %arg10[%get3A_1743, %get3A_1744] {strides = array<i32>} : memref<128x128xf32, #tpu.memory_space<vmem>>, vector<16xf32>,
        %get3A_1746 = arith.index_cast %add3A_1652 : i32 to index
        %get3A_1747 = arith.constant 112 : index
        %get3A_1748 = tpu.vector_load %arg12[%get3A_1746, %get3A_1747] {strides = array<i32>} : memref<128x128xf32, #tpu.memory_space<vmem>>, vector<16xf32>,
        %mul3A_1749 = arith.mulf %get3A_1739, %get3A_1742 : vector<16xf32>
        %add3A_1750 = arith.addf %add3A_1726, %mul3A_1749 : vector<16xf32>
        %mul3A_1751 = arith.mulf %get3A_1739, %get3A_1739 : vector<16xf32>
        %add3A_1752 = arith.addf %add3A_1728, %mul3A_1751 : vector<16xf32>
        %mul3A_1753 = arith.mulf %get3A_1742, %get3A_1742 : vector<16xf32>
        %add3A_1754 = arith.addf %add3A_1730, %mul3A_1753 : vector<16xf32>
        %mul3A_1755 = arith.mulf %get3A_1745, %get3A_1748 : vector<16xf32>
        %add3A_1756 = arith.addf %add3A_1732, %mul3A_1755 : vector<16xf32>
        %mul3A_1757 = arith.mulf %get3A_1745, %get3A_1745 : vector<16xf32>
        %add3A_1758 = arith.addf %add3A_1734, %mul3A_1757 : vector<16xf32>
        %mul3A_1759 = arith.mulf %get3A_1748, %get3A_1748 : vector<16xf32>
        %add3A_1760 = arith.addf %add3A_1736, %mul3A_1759 : vector<16xf32>
        %eq3A_1761 = arith.constant 11 : i32
        %eq3A_1762 = vector.broadcast %eq3A_1761 : i32 to vector<16xi32>
        %eq3A_1763 = arith.cmpi eq, %iota3A, %eq3A_1762 : vector<16xi32>
        %add3A_1764 = arith.addf %add3A_1750, %add3A_1756 : vector<16xf32>
        %reduce_sum3A_1765 = arith.constant true
        %reduce_sum3A_1766 = vector.broadcast %reduce_sum3A_1765 : i1 to vector<16xi1>
        %reduce_sum3A_1767 = tpu.scan <sum>, %add3A_1764 masked %reduce_sum3A_1766 : vector<16xf32>, vector<16xi1> -> vector<16xf32>
        %reduce_sum3A_1768 = vector.extract %reduce_sum3A_1767[15] : f32 from vector<16xf32>
        %broadcast_in_dim3A_1769 = vector.broadcast %reduce_sum3A_1768 : f32 to vector<16xf32>
        %select_n3A_1770 = arith.select %eq3A_1763, %broadcast_in_dim3A_1769, %select_n3A_1628 : vector<16xi1>, vector<16xf32>
        %eq3A_1771 = arith.constant 11 : i32
        %eq3A_1772 = vector.broadcast %eq3A_1771 : i32 to vector<16xi32>
        %eq3A_1773 = arith.cmpi eq, %iota3A, %eq3A_1772 : vector<16xi32>
        %add3A_1774 = arith.addf %add3A_1752, %add3A_1758 : vector<16xf32>
        %reduce_sum3A_1775 = arith.constant true
        %reduce_sum3A_1776 = vector.broadcast %reduce_sum3A_1775 : i1 to vector<16xi1>
        %reduce_sum3A_1777 = tpu.scan <sum>, %add3A_1774 masked %reduce_sum3A_1776 : vector<16xf32>, vector<16xi1> -> vector<16xf32>
        %reduce_sum3A_1778 = vector.extract %reduce_sum3A_1777[15] : f32 from vector<16xf32>
        %broadcast_in_dim3A_1779 = vector.broadcast %reduce_sum3A_1778 : f32 to vector<16xf32>
        %select_n3A_1780 = arith.select %eq3A_1773, %broadcast_in_dim3A_1779, %select_n3A_1638 : vector<16xi1>, vector<16xf32>
        %eq3A_1781 = arith.constant 11 : i32
        %eq3A_1782 = vector.broadcast %eq3A_1781 : i32 to vector<16xi32>
        %eq3A_1783 = arith.cmpi eq, %iota3A, %eq3A_1782 : vector<16xi32>
        %add3A_1784 = arith.addf %add3A_1754, %add3A_1760 : vector<16xf32>
        %reduce_sum3A_1785 = arith.constant true
        %reduce_sum3A_1786 = vector.broadcast %reduce_sum3A_1785 : i1 to vector<16xi1>
        %reduce_sum3A_1787 = tpu.scan <sum>, %add3A_1784 masked %reduce_sum3A_1786 : vector<16xf32>, vector<16xi1> -> vector<16xf32>
        %reduce_sum3A_1788 = vector.extract %reduce_sum3A_1787[15] : f32 from vector<16xf32>
        %broadcast_in_dim3A_1789 = vector.broadcast %reduce_sum3A_1788 : f32 to vector<16xf32>
        %select_n3A_1790 = arith.select %eq3A_1783, %broadcast_in_dim3A_1789, %select_n3A_1648 : vector<16xi1>, vector<16xf32>
        %mul3A_1791 = arith.constant 16 : i32
        %mul3A_1792 = arith.muli %scan3A_83, %mul3A_1791 : i32
        %add3A_1793 = arith.constant 12 : i32
        %add3A_1794 = arith.addi %mul3A_1792, %add3A_1793 : i32
        %broadcast_in_dim3A_1795 = arith.constant 0.000000e+00 : f32
        %broadcast_in_dim3A_1796 = vector.broadcast %broadcast_in_dim3A_1795 : f32 to vector<16xf32>
        %broadcast_in_dim3A_1797 = arith.constant 0.000000e+00 : f32
        %broadcast_in_dim3A_1798 = vector.broadcast %broadcast_in_dim3A_1797 : f32 to vector<16xf32>
        %broadcast_in_dim3A_1799 = arith.constant 0.000000e+00 : f32
        %broadcast_in_dim3A_1800 = vector.broadcast %broadcast_in_dim3A_1799 : f32 to vector<16xf32>
        %broadcast_in_dim3A_1801 = arith.constant 0.000000e+00 : f32
        %broadcast_in_dim3A_1802 = vector.broadcast %broadcast_in_dim3A_1801 : f32 to vector<16xf32>
        %broadcast_in_dim3A_1803 = arith.constant 0.000000e+00 : f32
        %broadcast_in_dim3A_1804 = vector.broadcast %broadcast_in_dim3A_1803 : f32 to vector<16xf32>
        %broadcast_in_dim3A_1805 = arith.constant 0.000000e+00 : f32
        %broadcast_in_dim3A_1806 = vector.broadcast %broadcast_in_dim3A_1805 : f32 to vector<16xf32>
        %get3A_1807 = arith.index_cast %add3A_1794 : i32 to index
        %get3A_1808 = arith.constant 0 : index
        %get3A_1809 = tpu.vector_load %arg10[%get3A_1807, %get3A_1808] {strides = array<i32>} : memref<128x128xf32, #tpu.memory_space<vmem>>, vector<16xf32>,
        %get3A_1810 = arith.index_cast %add3A_1794 : i32 to index
        %get3A_1811 = arith.constant 0 : index
        %get3A_1812 = tpu.vector_load %arg12[%get3A_1810, %get3A_1811] {strides = array<i32>} : memref<128x128xf32, #tpu.memory_space<vmem>>, vector<16xf32>,
        %get3A_1813 = arith.index_cast %add3A_1794 : i32 to index
        %get3A_1814 = arith.constant 16 : index
        %get3A_1815 = tpu.vector_load %arg10[%get3A_1813, %get3A_1814] {strides = array<i32>} : memref<128x128xf32, #tpu.memory_space<vmem>>, vector<16xf32>,
        %get3A_1816 = arith.index_cast %add3A_1794 : i32 to index
        %get3A_1817 = arith.constant 16 : index
        %get3A_1818 = tpu.vector_load %arg12[%get3A_1816, %get3A_1817] {strides = array<i32>} : memref<128x128xf32, #tpu.memory_space<vmem>>, vector<16xf32>,
        %mul3A_1819 = arith.mulf %get3A_1809, %get3A_1812 : vector<16xf32>
        %add3A_1820 = arith.addf %broadcast_in_dim3A_1796, %mul3A_1819 : vector<16xf32>
        %mul3A_1821 = arith.mulf %get3A_1809, %get3A_1809 : vector<16xf32>
        %add3A_1822 = arith.addf %broadcast_in_dim3A_1798, %mul3A_1821 : vector<16xf32>
        %mul3A_1823 = arith.mulf %get3A_1812, %get3A_1812 : vector<16xf32>
        %add3A_1824 = arith.addf %broadcast_in_dim3A_1800, %mul3A_1823 : vector<16xf32>
        %mul3A_1825 = arith.mulf %get3A_1815, %get3A_1818 : vector<16xf32>
        %add3A_1826 = arith.addf %broadcast_in_dim3A_1802, %mul3A_1825 : vector<16xf32>
        %mul3A_1827 = arith.mulf %get3A_1815, %get3A_1815 : vector<16xf32>
        %add3A_1828 = arith.addf %broadcast_in_dim3A_1804, %mul3A_1827 : vector<16xf32>
        %mul3A_1829 = arith.mulf %get3A_1818, %get3A_1818 : vector<16xf32>
        %add3A_1830 = arith.addf %broadcast_in_dim3A_1806, %mul3A_1829 : vector<16xf32>
        %get3A_1831 = arith.index_cast %add3A_1794 : i32 to index
        %get3A_1832 = arith.constant 32 : index
        %get3A_1833 = tpu.vector_load %arg10[%get3A_1831, %get3A_1832] {strides = array<i32>} : memref<128x128xf32, #tpu.memory_space<vmem>>, vector<16xf32>,
        %get3A_1834 = arith.index_cast %add3A_1794 : i32 to index
        %get3A_1835 = arith.constant 32 : index
        %get3A_1836 = tpu.vector_load %arg12[%get3A_1834, %get3A_1835] {strides = array<i32>} : memref<128x128xf32, #tpu.memory_space<vmem>>, vector<16xf32>,
        %get3A_1837 = arith.index_cast %add3A_1794 : i32 to index
        %get3A_1838 = arith.constant 48 : index
        %get3A_1839 = tpu.vector_load %arg10[%get3A_1837, %get3A_1838] {strides = array<i32>} : memref<128x128xf32, #tpu.memory_space<vmem>>, vector<16xf32>,
        %get3A_1840 = arith.index_cast %add3A_1794 : i32 to index
        %get3A_1841 = arith.constant 48 : index
        %get3A_1842 = tpu.vector_load %arg12[%get3A_1840, %get3A_1841] {strides = array<i32>} : memref<128x128xf32, #tpu.memory_space<vmem>>, vector<16xf32>,
        %mul3A_1843 = arith.mulf %get3A_1833, %get3A_1836 : vector<16xf32>
        %add3A_1844 = arith.addf %add3A_1820, %mul3A_1843 : vector<16xf32>
        %mul3A_1845 = arith.mulf %get3A_1833, %get3A_1833 : vector<16xf32>
        %add3A_1846 = arith.addf %add3A_1822, %mul3A_1845 : vector<16xf32>
        %mul3A_1847 = arith.mulf %get3A_1836, %get3A_1836 : vector<16xf32>
        %add3A_1848 = arith.addf %add3A_1824, %mul3A_1847 : vector<16xf32>
        %mul3A_1849 = arith.mulf %get3A_1839, %get3A_1842 : vector<16xf32>
        %add3A_1850 = arith.addf %add3A_1826, %mul3A_1849 : vector<16xf32>
        %mul3A_1851 = arith.mulf %get3A_1839, %get3A_1839 : vector<16xf32>
        %add3A_1852 = arith.addf %add3A_1828, %mul3A_1851 : vector<16xf32>
        %mul3A_1853 = arith.mulf %get3A_1842, %get3A_1842 : vector<16xf32>
        %add3A_1854 = arith.addf %add3A_1830, %mul3A_1853 : vector<16xf32>
        %get3A_1855 = arith.index_cast %add3A_1794 : i32 to index
        %get3A_1856 = arith.constant 64 : index
        %get3A_1857 = tpu.vector_load %arg10[%get3A_1855, %get3A_1856] {strides = array<i32>} : memref<128x128xf32, #tpu.memory_space<vmem>>, vector<16xf32>,
        %get3A_1858 = arith.index_cast %add3A_1794 : i32 to index
        %get3A_1859 = arith.constant 64 : index
        %get3A_1860 = tpu.vector_load %arg12[%get3A_1858, %get3A_1859] {strides = array<i32>} : memref<128x128xf32, #tpu.memory_space<vmem>>, vector<16xf32>,
        %get3A_1861 = arith.index_cast %add3A_1794 : i32 to index
        %get3A_1862 = arith.constant 80 : index
        %get3A_1863 = tpu.vector_load %arg10[%get3A_1861, %get3A_1862] {strides = array<i32>} : memref<128x128xf32, #tpu.memory_space<vmem>>, vector<16xf32>,
        %get3A_1864 = arith.index_cast %add3A_1794 : i32 to index
        %get3A_1865 = arith.constant 80 : index
        %get3A_1866 = tpu.vector_load %arg12[%get3A_1864, %get3A_1865] {strides = array<i32>} : memref<128x128xf32, #tpu.memory_space<vmem>>, vector<16xf32>,
        %mul3A_1867 = arith.mulf %get3A_1857, %get3A_1860 : vector<16xf32>
        %add3A_1868 = arith.addf %add3A_1844, %mul3A_1867 : vector<16xf32>
        %mul3A_1869 = arith.mulf %get3A_1857, %get3A_1857 : vector<16xf32>
        %add3A_1870 = arith.addf %add3A_1846, %mul3A_1869 : vector<16xf32>
        %mul3A_1871 = arith.mulf %get3A_1860, %get3A_1860 : vector<16xf32>
        %add3A_1872 = arith.addf %add3A_1848, %mul3A_1871 : vector<16xf32>
        %mul3A_1873 = arith.mulf %get3A_1863, %get3A_1866 : vector<16xf32>
        %add3A_1874 = arith.addf %add3A_1850, %mul3A_1873 : vector<16xf32>
        %mul3A_1875 = arith.mulf %get3A_1863, %get3A_1863 : vector<16xf32>
        %add3A_1876 = arith.addf %add3A_1852, %mul3A_1875 : vector<16xf32>
        %mul3A_1877 = arith.mulf %get3A_1866, %get3A_1866 : vector<16xf32>
        %add3A_1878 = arith.addf %add3A_1854, %mul3A_1877 : vector<16xf32>
        %get3A_1879 = arith.index_cast %add3A_1794 : i32 to index
        %get3A_1880 = arith.constant 96 : index
        %get3A_1881 = tpu.vector_load %arg10[%get3A_1879, %get3A_1880] {strides = array<i32>} : memref<128x128xf32, #tpu.memory_space<vmem>>, vector<16xf32>,
        %get3A_1882 = arith.index_cast %add3A_1794 : i32 to index
        %get3A_1883 = arith.constant 96 : index
        %get3A_1884 = tpu.vector_load %arg12[%get3A_1882, %get3A_1883] {strides = array<i32>} : memref<128x128xf32, #tpu.memory_space<vmem>>, vector<16xf32>,
        %get3A_1885 = arith.index_cast %add3A_1794 : i32 to index
        %get3A_1886 = arith.constant 112 : index
        %get3A_1887 = tpu.vector_load %arg10[%get3A_1885, %get3A_1886] {strides = array<i32>} : memref<128x128xf32, #tpu.memory_space<vmem>>, vector<16xf32>,
        %get3A_1888 = arith.index_cast %add3A_1794 : i32 to index
        %get3A_1889 = arith.constant 112 : index
        %get3A_1890 = tpu.vector_load %arg12[%get3A_1888, %get3A_1889] {strides = array<i32>} : memref<128x128xf32, #tpu.memory_space<vmem>>, vector<16xf32>,
        %mul3A_1891 = arith.mulf %get3A_1881, %get3A_1884 : vector<16xf32>
        %add3A_1892 = arith.addf %add3A_1868, %mul3A_1891 : vector<16xf32>
        %mul3A_1893 = arith.mulf %get3A_1881, %get3A_1881 : vector<16xf32>
        %add3A_1894 = arith.addf %add3A_1870, %mul3A_1893 : vector<16xf32>
        %mul3A_1895 = arith.mulf %get3A_1884, %get3A_1884 : vector<16xf32>
        %add3A_1896 = arith.addf %add3A_1872, %mul3A_1895 : vector<16xf32>
        %mul3A_1897 = arith.mulf %get3A_1887, %get3A_1890 : vector<16xf32>
        %add3A_1898 = arith.addf %add3A_1874, %mul3A_1897 : vector<16xf32>
        %mul3A_1899 = arith.mulf %get3A_1887, %get3A_1887 : vector<16xf32>
        %add3A_1900 = arith.addf %add3A_1876, %mul3A_1899 : vector<16xf32>
        %mul3A_1901 = arith.mulf %get3A_1890, %get3A_1890 : vector<16xf32>
        %add3A_1902 = arith.addf %add3A_1878, %mul3A_1901 : vector<16xf32>
        %eq3A_1903 = arith.constant 12 : i32
        %eq3A_1904 = vector.broadcast %eq3A_1903 : i32 to vector<16xi32>
        %eq3A_1905 = arith.cmpi eq, %iota3A, %eq3A_1904 : vector<16xi32>
        %add3A_1906 = arith.addf %add3A_1892, %add3A_1898 : vector<16xf32>
        %reduce_sum3A_1907 = arith.constant true
        %reduce_sum3A_1908 = vector.broadcast %reduce_sum3A_1907 : i1 to vector<16xi1>
        %reduce_sum3A_1909 = tpu.scan <sum>, %add3A_1906 masked %reduce_sum3A_1908 : vector<16xf32>, vector<16xi1> -> vector<16xf32>
        %reduce_sum3A_1910 = vector.extract %reduce_sum3A_1909[15] : f32 from vector<16xf32>
        %broadcast_in_dim3A_1911 = vector.broadcast %reduce_sum3A_1910 : f32 to vector<16xf32>
        %select_n3A_1912 = arith.select %eq3A_1905, %broadcast_in_dim3A_1911, %select_n3A_1770 : vector<16xi1>, vector<16xf32>
        %eq3A_1913 = arith.constant 12 : i32
        %eq3A_1914 = vector.broadcast %eq3A_1913 : i32 to vector<16xi32>
        %eq3A_1915 = arith.cmpi eq, %iota3A, %eq3A_1914 : vector<16xi32>
        %add3A_1916 = arith.addf %add3A_1894, %add3A_1900 : vector<16xf32>
        %reduce_sum3A_1917 = arith.constant true
        %reduce_sum3A_1918 = vector.broadcast %reduce_sum3A_1917 : i1 to vector<16xi1>
        %reduce_sum3A_1919 = tpu.scan <sum>, %add3A_1916 masked %reduce_sum3A_1918 : vector<16xf32>, vector<16xi1> -> vector<16xf32>
        %reduce_sum3A_1920 = vector.extract %reduce_sum3A_1919[15] : f32 from vector<16xf32>
        %broadcast_in_dim3A_1921 = vector.broadcast %reduce_sum3A_1920 : f32 to vector<16xf32>
        %select_n3A_1922 = arith.select %eq3A_1915, %broadcast_in_dim3A_1921, %select_n3A_1780 : vector<16xi1>, vector<16xf32>
        %eq3A_1923 = arith.constant 12 : i32
        %eq3A_1924 = vector.broadcast %eq3A_1923 : i32 to vector<16xi32>
        %eq3A_1925 = arith.cmpi eq, %iota3A, %eq3A_1924 : vector<16xi32>
        %add3A_1926 = arith.addf %add3A_1896, %add3A_1902 : vector<16xf32>
        %reduce_sum3A_1927 = arith.constant true
        %reduce_sum3A_1928 = vector.broadcast %reduce_sum3A_1927 : i1 to vector<16xi1>
        %reduce_sum3A_1929 = tpu.scan <sum>, %add3A_1926 masked %reduce_sum3A_1928 : vector<16xf32>, vector<16xi1> -> vector<16xf32>
        %reduce_sum3A_1930 = vector.extract %reduce_sum3A_1929[15] : f32 from vector<16xf32>
        %broadcast_in_dim3A_1931 = vector.broadcast %reduce_sum3A_1930 : f32 to vector<16xf32>
        %select_n3A_1932 = arith.select %eq3A_1925, %broadcast_in_dim3A_1931, %select_n3A_1790 : vector<16xi1>, vector<16xf32>
        %mul3A_1933 = arith.constant 16 : i32
        %mul3A_1934 = arith.muli %scan3A_83, %mul3A_1933 : i32
        %add3A_1935 = arith.constant 13 : i32
        %add3A_1936 = arith.addi %mul3A_1934, %add3A_1935 : i32
        %broadcast_in_dim3A_1937 = arith.constant 0.000000e+00 : f32
        %broadcast_in_dim3A_1938 = vector.broadcast %broadcast_in_dim3A_1937 : f32 to vector<16xf32>
        %broadcast_in_dim3A_1939 = arith.constant 0.000000e+00 : f32
        %broadcast_in_dim3A_1940 = vector.broadcast %broadcast_in_dim3A_1939 : f32 to vector<16xf32>
        %broadcast_in_dim3A_1941 = arith.constant 0.000000e+00 : f32
        %broadcast_in_dim3A_1942 = vector.broadcast %broadcast_in_dim3A_1941 : f32 to vector<16xf32>
        %broadcast_in_dim3A_1943 = arith.constant 0.000000e+00 : f32
        %broadcast_in_dim3A_1944 = vector.broadcast %broadcast_in_dim3A_1943 : f32 to vector<16xf32>
        %broadcast_in_dim3A_1945 = arith.constant 0.000000e+00 : f32
        %broadcast_in_dim3A_1946 = vector.broadcast %broadcast_in_dim3A_1945 : f32 to vector<16xf32>
        %broadcast_in_dim3A_1947 = arith.constant 0.000000e+00 : f32
        %broadcast_in_dim3A_1948 = vector.broadcast %broadcast_in_dim3A_1947 : f32 to vector<16xf32>
        %get3A_1949 = arith.index_cast %add3A_1936 : i32 to index
        %get3A_1950 = arith.constant 0 : index
        %get3A_1951 = tpu.vector_load %arg10[%get3A_1949, %get3A_1950] {strides = array<i32>} : memref<128x128xf32, #tpu.memory_space<vmem>>, vector<16xf32>,
        %get3A_1952 = arith.index_cast %add3A_1936 : i32 to index
        %get3A_1953 = arith.constant 0 : index
        %get3A_1954 = tpu.vector_load %arg12[%get3A_1952, %get3A_1953] {strides = array<i32>} : memref<128x128xf32, #tpu.memory_space<vmem>>, vector<16xf32>,
        %get3A_1955 = arith.index_cast %add3A_1936 : i32 to index
        %get3A_1956 = arith.constant 16 : index
        %get3A_1957 = tpu.vector_load %arg10[%get3A_1955, %get3A_1956] {strides = array<i32>} : memref<128x128xf32, #tpu.memory_space<vmem>>, vector<16xf32>,
        %get3A_1958 = arith.index_cast %add3A_1936 : i32 to index
        %get3A_1959 = arith.constant 16 : index
        %get3A_1960 = tpu.vector_load %arg12[%get3A_1958, %get3A_1959] {strides = array<i32>} : memref<128x128xf32, #tpu.memory_space<vmem>>, vector<16xf32>,
        %mul3A_1961 = arith.mulf %get3A_1951, %get3A_1954 : vector<16xf32>
        %add3A_1962 = arith.addf %broadcast_in_dim3A_1938, %mul3A_1961 : vector<16xf32>
        %mul3A_1963 = arith.mulf %get3A_1951, %get3A_1951 : vector<16xf32>
        %add3A_1964 = arith.addf %broadcast_in_dim3A_1940, %mul3A_1963 : vector<16xf32>
        %mul3A_1965 = arith.mulf %get3A_1954, %get3A_1954 : vector<16xf32>
        %add3A_1966 = arith.addf %broadcast_in_dim3A_1942, %mul3A_1965 : vector<16xf32>
        %mul3A_1967 = arith.mulf %get3A_1957, %get3A_1960 : vector<16xf32>
        %add3A_1968 = arith.addf %broadcast_in_dim3A_1944, %mul3A_1967 : vector<16xf32>
        %mul3A_1969 = arith.mulf %get3A_1957, %get3A_1957 : vector<16xf32>
        %add3A_1970 = arith.addf %broadcast_in_dim3A_1946, %mul3A_1969 : vector<16xf32>
        %mul3A_1971 = arith.mulf %get3A_1960, %get3A_1960 : vector<16xf32>
        %add3A_1972 = arith.addf %broadcast_in_dim3A_1948, %mul3A_1971 : vector<16xf32>
        %get3A_1973 = arith.index_cast %add3A_1936 : i32 to index
        %get3A_1974 = arith.constant 32 : index
        %get3A_1975 = tpu.vector_load %arg10[%get3A_1973, %get3A_1974] {strides = array<i32>} : memref<128x128xf32, #tpu.memory_space<vmem>>, vector<16xf32>,
        %get3A_1976 = arith.index_cast %add3A_1936 : i32 to index
        %get3A_1977 = arith.constant 32 : index
        %get3A_1978 = tpu.vector_load %arg12[%get3A_1976, %get3A_1977] {strides = array<i32>} : memref<128x128xf32, #tpu.memory_space<vmem>>, vector<16xf32>,
        %get3A_1979 = arith.index_cast %add3A_1936 : i32 to index
        %get3A_1980 = arith.constant 48 : index
        %get3A_1981 = tpu.vector_load %arg10[%get3A_1979, %get3A_1980] {strides = array<i32>} : memref<128x128xf32, #tpu.memory_space<vmem>>, vector<16xf32>,
        %get3A_1982 = arith.index_cast %add3A_1936 : i32 to index
        %get3A_1983 = arith.constant 48 : index
        %get3A_1984 = tpu.vector_load %arg12[%get3A_1982, %get3A_1983] {strides = array<i32>} : memref<128x128xf32, #tpu.memory_space<vmem>>, vector<16xf32>,
        %mul3A_1985 = arith.mulf %get3A_1975, %get3A_1978 : vector<16xf32>
        %add3A_1986 = arith.addf %add3A_1962, %mul3A_1985 : vector<16xf32>
        %mul3A_1987 = arith.mulf %get3A_1975, %get3A_1975 : vector<16xf32>
        %add3A_1988 = arith.addf %add3A_1964, %mul3A_1987 : vector<16xf32>
        %mul3A_1989 = arith.mulf %get3A_1978, %get3A_1978 : vector<16xf32>
        %add3A_1990 = arith.addf %add3A_1966, %mul3A_1989 : vector<16xf32>
        %mul3A_1991 = arith.mulf %get3A_1981, %get3A_1984 : vector<16xf32>
        %add3A_1992 = arith.addf %add3A_1968, %mul3A_1991 : vector<16xf32>
        %mul3A_1993 = arith.mulf %get3A_1981, %get3A_1981 : vector<16xf32>
        %add3A_1994 = arith.addf %add3A_1970, %mul3A_1993 : vector<16xf32>
        %mul3A_1995 = arith.mulf %get3A_1984, %get3A_1984 : vector<16xf32>
        %add3A_1996 = arith.addf %add3A_1972, %mul3A_1995 : vector<16xf32>
        %get3A_1997 = arith.index_cast %add3A_1936 : i32 to index
        %get3A_1998 = arith.constant 64 : index
        %get3A_1999 = tpu.vector_load %arg10[%get3A_1997, %get3A_1998] {strides = array<i32>} : memref<128x128xf32, #tpu.memory_space<vmem>>, vector<16xf32>,
        %get3A_2000 = arith.index_cast %add3A_1936 : i32 to index
        %get3A_2001 = arith.constant 64 : index
        %get3A_2002 = tpu.vector_load %arg12[%get3A_2000, %get3A_2001] {strides = array<i32>} : memref<128x128xf32, #tpu.memory_space<vmem>>, vector<16xf32>,
        %get3A_2003 = arith.index_cast %add3A_1936 : i32 to index
        %get3A_2004 = arith.constant 80 : index
        %get3A_2005 = tpu.vector_load %arg10[%get3A_2003, %get3A_2004] {strides = array<i32>} : memref<128x128xf32, #tpu.memory_space<vmem>>, vector<16xf32>,
        %get3A_2006 = arith.index_cast %add3A_1936 : i32 to index
        %get3A_2007 = arith.constant 80 : index
        %get3A_2008 = tpu.vector_load %arg12[%get3A_2006, %get3A_2007] {strides = array<i32>} : memref<128x128xf32, #tpu.memory_space<vmem>>, vector<16xf32>,
        %mul3A_2009 = arith.mulf %get3A_1999, %get3A_2002 : vector<16xf32>
        %add3A_2010 = arith.addf %add3A_1986, %mul3A_2009 : vector<16xf32>
        %mul3A_2011 = arith.mulf %get3A_1999, %get3A_1999 : vector<16xf32>
        %add3A_2012 = arith.addf %add3A_1988, %mul3A_2011 : vector<16xf32>
        %mul3A_2013 = arith.mulf %get3A_2002, %get3A_2002 : vector<16xf32>
        %add3A_2014 = arith.addf %add3A_1990, %mul3A_2013 : vector<16xf32>
        %mul3A_2015 = arith.mulf %get3A_2005, %get3A_2008 : vector<16xf32>
        %add3A_2016 = arith.addf %add3A_1992, %mul3A_2015 : vector<16xf32>
        %mul3A_2017 = arith.mulf %get3A_2005, %get3A_2005 : vector<16xf32>
        %add3A_2018 = arith.addf %add3A_1994, %mul3A_2017 : vector<16xf32>
        %mul3A_2019 = arith.mulf %get3A_2008, %get3A_2008 : vector<16xf32>
        %add3A_2020 = arith.addf %add3A_1996, %mul3A_2019 : vector<16xf32>
        %get3A_2021 = arith.index_cast %add3A_1936 : i32 to index
        %get3A_2022 = arith.constant 96 : index
        %get3A_2023 = tpu.vector_load %arg10[%get3A_2021, %get3A_2022] {strides = array<i32>} : memref<128x128xf32, #tpu.memory_space<vmem>>, vector<16xf32>,
        %get3A_2024 = arith.index_cast %add3A_1936 : i32 to index
        %get3A_2025 = arith.constant 96 : index
        %get3A_2026 = tpu.vector_load %arg12[%get3A_2024, %get3A_2025] {strides = array<i32>} : memref<128x128xf32, #tpu.memory_space<vmem>>, vector<16xf32>,
        %get3A_2027 = arith.index_cast %add3A_1936 : i32 to index
        %get3A_2028 = arith.constant 112 : index
        %get3A_2029 = tpu.vector_load %arg10[%get3A_2027, %get3A_2028] {strides = array<i32>} : memref<128x128xf32, #tpu.memory_space<vmem>>, vector<16xf32>,
        %get3A_2030 = arith.index_cast %add3A_1936 : i32 to index
        %get3A_2031 = arith.constant 112 : index
        %get3A_2032 = tpu.vector_load %arg12[%get3A_2030, %get3A_2031] {strides = array<i32>} : memref<128x128xf32, #tpu.memory_space<vmem>>, vector<16xf32>,
        %mul3A_2033 = arith.mulf %get3A_2023, %get3A_2026 : vector<16xf32>
        %add3A_2034 = arith.addf %add3A_2010, %mul3A_2033 : vector<16xf32>
        %mul3A_2035 = arith.mulf %get3A_2023, %get3A_2023 : vector<16xf32>
        %add3A_2036 = arith.addf %add3A_2012, %mul3A_2035 : vector<16xf32>
        %mul3A_2037 = arith.mulf %get3A_2026, %get3A_2026 : vector<16xf32>
        %add3A_2038 = arith.addf %add3A_2014, %mul3A_2037 : vector<16xf32>
        %mul3A_2039 = arith.mulf %get3A_2029, %get3A_2032 : vector<16xf32>
        %add3A_2040 = arith.addf %add3A_2016, %mul3A_2039 : vector<16xf32>
        %mul3A_2041 = arith.mulf %get3A_2029, %get3A_2029 : vector<16xf32>
        %add3A_2042 = arith.addf %add3A_2018, %mul3A_2041 : vector<16xf32>
        %mul3A_2043 = arith.mulf %get3A_2032, %get3A_2032 : vector<16xf32>
        %add3A_2044 = arith.addf %add3A_2020, %mul3A_2043 : vector<16xf32>
        %eq3A_2045 = arith.constant 13 : i32
        %eq3A_2046 = vector.broadcast %eq3A_2045 : i32 to vector<16xi32>
        %eq3A_2047 = arith.cmpi eq, %iota3A, %eq3A_2046 : vector<16xi32>
        %add3A_2048 = arith.addf %add3A_2034, %add3A_2040 : vector<16xf32>
        %reduce_sum3A_2049 = arith.constant true
        %reduce_sum3A_2050 = vector.broadcast %reduce_sum3A_2049 : i1 to vector<16xi1>
        %reduce_sum3A_2051 = tpu.scan <sum>, %add3A_2048 masked %reduce_sum3A_2050 : vector<16xf32>, vector<16xi1> -> vector<16xf32>
        %reduce_sum3A_2052 = vector.extract %reduce_sum3A_2051[15] : f32 from vector<16xf32>
        %broadcast_in_dim3A_2053 = vector.broadcast %reduce_sum3A_2052 : f32 to vector<16xf32>
        %select_n3A_2054 = arith.select %eq3A_2047, %broadcast_in_dim3A_2053, %select_n3A_1912 : vector<16xi1>, vector<16xf32>
        %eq3A_2055 = arith.constant 13 : i32
        %eq3A_2056 = vector.broadcast %eq3A_2055 : i32 to vector<16xi32>
        %eq3A_2057 = arith.cmpi eq, %iota3A, %eq3A_2056 : vector<16xi32>
        %add3A_2058 = arith.addf %add3A_2036, %add3A_2042 : vector<16xf32>
        %reduce_sum3A_2059 = arith.constant true
        %reduce_sum3A_2060 = vector.broadcast %reduce_sum3A_2059 : i1 to vector<16xi1>
        %reduce_sum3A_2061 = tpu.scan <sum>, %add3A_2058 masked %reduce_sum3A_2060 : vector<16xf32>, vector<16xi1> -> vector<16xf32>
        %reduce_sum3A_2062 = vector.extract %reduce_sum3A_2061[15] : f32 from vector<16xf32>
        %broadcast_in_dim3A_2063 = vector.broadcast %reduce_sum3A_2062 : f32 to vector<16xf32>
        %select_n3A_2064 = arith.select %eq3A_2057, %broadcast_in_dim3A_2063, %select_n3A_1922 : vector<16xi1>, vector<16xf32>
        %eq3A_2065 = arith.constant 13 : i32
        %eq3A_2066 = vector.broadcast %eq3A_2065 : i32 to vector<16xi32>
        %eq3A_2067 = arith.cmpi eq, %iota3A, %eq3A_2066 : vector<16xi32>
        %add3A_2068 = arith.addf %add3A_2038, %add3A_2044 : vector<16xf32>
        %reduce_sum3A_2069 = arith.constant true
        %reduce_sum3A_2070 = vector.broadcast %reduce_sum3A_2069 : i1 to vector<16xi1>
        %reduce_sum3A_2071 = tpu.scan <sum>, %add3A_2068 masked %reduce_sum3A_2070 : vector<16xf32>, vector<16xi1> -> vector<16xf32>
        %reduce_sum3A_2072 = vector.extract %reduce_sum3A_2071[15] : f32 from vector<16xf32>
        %broadcast_in_dim3A_2073 = vector.broadcast %reduce_sum3A_2072 : f32 to vector<16xf32>
        %select_n3A_2074 = arith.select %eq3A_2067, %broadcast_in_dim3A_2073, %select_n3A_1932 : vector<16xi1>, vector<16xf32>
        %mul3A_2075 = arith.constant 16 : i32
        %mul3A_2076 = arith.muli %scan3A_83, %mul3A_2075 : i32
        %add3A_2077 = arith.constant 14 : i32
        %add3A_2078 = arith.addi %mul3A_2076, %add3A_2077 : i32
        %broadcast_in_dim3A_2079 = arith.constant 0.000000e+00 : f32
        %broadcast_in_dim3A_2080 = vector.broadcast %broadcast_in_dim3A_2079 : f32 to vector<16xf32>
        %broadcast_in_dim3A_2081 = arith.constant 0.000000e+00 : f32
        %broadcast_in_dim3A_2082 = vector.broadcast %broadcast_in_dim3A_2081 : f32 to vector<16xf32>
        %broadcast_in_dim3A_2083 = arith.constant 0.000000e+00 : f32
        %broadcast_in_dim3A_2084 = vector.broadcast %broadcast_in_dim3A_2083 : f32 to vector<16xf32>
        %broadcast_in_dim3A_2085 = arith.constant 0.000000e+00 : f32
        %broadcast_in_dim3A_2086 = vector.broadcast %broadcast_in_dim3A_2085 : f32 to vector<16xf32>
        %broadcast_in_dim3A_2087 = arith.constant 0.000000e+00 : f32
        %broadcast_in_dim3A_2088 = vector.broadcast %broadcast_in_dim3A_2087 : f32 to vector<16xf32>
        %broadcast_in_dim3A_2089 = arith.constant 0.000000e+00 : f32
        %broadcast_in_dim3A_2090 = vector.broadcast %broadcast_in_dim3A_2089 : f32 to vector<16xf32>
        %get3A_2091 = arith.index_cast %add3A_2078 : i32 to index
        %get3A_2092 = arith.constant 0 : index
        %get3A_2093 = tpu.vector_load %arg10[%get3A_2091, %get3A_2092] {strides = array<i32>} : memref<128x128xf32, #tpu.memory_space<vmem>>, vector<16xf32>,
        %get3A_2094 = arith.index_cast %add3A_2078 : i32 to index
        %get3A_2095 = arith.constant 0 : index
        %get3A_2096 = tpu.vector_load %arg12[%get3A_2094, %get3A_2095] {strides = array<i32>} : memref<128x128xf32, #tpu.memory_space<vmem>>, vector<16xf32>,
        %get3A_2097 = arith.index_cast %add3A_2078 : i32 to index
        %get3A_2098 = arith.constant 16 : index
        %get3A_2099 = tpu.vector_load %arg10[%get3A_2097, %get3A_2098] {strides = array<i32>} : memref<128x128xf32, #tpu.memory_space<vmem>>, vector<16xf32>,
        %get3A_2100 = arith.index_cast %add3A_2078 : i32 to index
        %get3A_2101 = arith.constant 16 : index
        %get3A_2102 = tpu.vector_load %arg12[%get3A_2100, %get3A_2101] {strides = array<i32>} : memref<128x128xf32, #tpu.memory_space<vmem>>, vector<16xf32>,
        %mul3A_2103 = arith.mulf %get3A_2093, %get3A_2096 : vector<16xf32>
        %add3A_2104 = arith.addf %broadcast_in_dim3A_2080, %mul3A_2103 : vector<16xf32>
        %mul3A_2105 = arith.mulf %get3A_2093, %get3A_2093 : vector<16xf32>
        %add3A_2106 = arith.addf %broadcast_in_dim3A_2082, %mul3A_2105 : vector<16xf32>
        %mul3A_2107 = arith.mulf %get3A_2096, %get3A_2096 : vector<16xf32>
        %add3A_2108 = arith.addf %broadcast_in_dim3A_2084, %mul3A_2107 : vector<16xf32>
        %mul3A_2109 = arith.mulf %get3A_2099, %get3A_2102 : vector<16xf32>
        %add3A_2110 = arith.addf %broadcast_in_dim3A_2086, %mul3A_2109 : vector<16xf32>
        %mul3A_2111 = arith.mulf %get3A_2099, %get3A_2099 : vector<16xf32>
        %add3A_2112 = arith.addf %broadcast_in_dim3A_2088, %mul3A_2111 : vector<16xf32>
        %mul3A_2113 = arith.mulf %get3A_2102, %get3A_2102 : vector<16xf32>
        %add3A_2114 = arith.addf %broadcast_in_dim3A_2090, %mul3A_2113 : vector<16xf32>
        %get3A_2115 = arith.index_cast %add3A_2078 : i32 to index
        %get3A_2116 = arith.constant 32 : index
        %get3A_2117 = tpu.vector_load %arg10[%get3A_2115, %get3A_2116] {strides = array<i32>} : memref<128x128xf32, #tpu.memory_space<vmem>>, vector<16xf32>,
        %get3A_2118 = arith.index_cast %add3A_2078 : i32 to index
        %get3A_2119 = arith.constant 32 : index
        %get3A_2120 = tpu.vector_load %arg12[%get3A_2118, %get3A_2119] {strides = array<i32>} : memref<128x128xf32, #tpu.memory_space<vmem>>, vector<16xf32>,
        %get3A_2121 = arith.index_cast %add3A_2078 : i32 to index
        %get3A_2122 = arith.constant 48 : index
        %get3A_2123 = tpu.vector_load %arg10[%get3A_2121, %get3A_2122] {strides = array<i32>} : memref<128x128xf32, #tpu.memory_space<vmem>>, vector<16xf32>,
        %get3A_2124 = arith.index_cast %add3A_2078 : i32 to index
        %get3A_2125 = arith.constant 48 : index
        %get3A_2126 = tpu.vector_load %arg12[%get3A_2124, %get3A_2125] {strides = array<i32>} : memref<128x128xf32, #tpu.memory_space<vmem>>, vector<16xf32>,
        %mul3A_2127 = arith.mulf %get3A_2117, %get3A_2120 : vector<16xf32>
        %add3A_2128 = arith.addf %add3A_2104, %mul3A_2127 : vector<16xf32>
        %mul3A_2129 = arith.mulf %get3A_2117, %get3A_2117 : vector<16xf32>
        %add3A_2130 = arith.addf %add3A_2106, %mul3A_2129 : vector<16xf32>
        %mul3A_2131 = arith.mulf %get3A_2120, %get3A_2120 : vector<16xf32>
        %add3A_2132 = arith.addf %add3A_2108, %mul3A_2131 : vector<16xf32>
        %mul3A_2133 = arith.mulf %get3A_2123, %get3A_2126 : vector<16xf32>
        %add3A_2134 = arith.addf %add3A_2110, %mul3A_2133 : vector<16xf32>
        %mul3A_2135 = arith.mulf %get3A_2123, %get3A_2123 : vector<16xf32>
        %add3A_2136 = arith.addf %add3A_2112, %mul3A_2135 : vector<16xf32>
        %mul3A_2137 = arith.mulf %get3A_2126, %get3A_2126 : vector<16xf32>
        %add3A_2138 = arith.addf %add3A_2114, %mul3A_2137 : vector<16xf32>
        %get3A_2139 = arith.index_cast %add3A_2078 : i32 to index
        %get3A_2140 = arith.constant 64 : index
        %get3A_2141 = tpu.vector_load %arg10[%get3A_2139, %get3A_2140] {strides = array<i32>} : memref<128x128xf32, #tpu.memory_space<vmem>>, vector<16xf32>,
        %get3A_2142 = arith.index_cast %add3A_2078 : i32 to index
        %get3A_2143 = arith.constant 64 : index
        %get3A_2144 = tpu.vector_load %arg12[%get3A_2142, %get3A_2143] {strides = array<i32>} : memref<128x128xf32, #tpu.memory_space<vmem>>, vector<16xf32>,
        %get3A_2145 = arith.index_cast %add3A_2078 : i32 to index
        %get3A_2146 = arith.constant 80 : index
        %get3A_2147 = tpu.vector_load %arg10[%get3A_2145, %get3A_2146] {strides = array<i32>} : memref<128x128xf32, #tpu.memory_space<vmem>>, vector<16xf32>,
        %get3A_2148 = arith.index_cast %add3A_2078 : i32 to index
        %get3A_2149 = arith.constant 80 : index
        %get3A_2150 = tpu.vector_load %arg12[%get3A_2148, %get3A_2149] {strides = array<i32>} : memref<128x128xf32, #tpu.memory_space<vmem>>, vector<16xf32>,
        %mul3A_2151 = arith.mulf %get3A_2141, %get3A_2144 : vector<16xf32>
        %add3A_2152 = arith.addf %add3A_2128, %mul3A_2151 : vector<16xf32>
        %mul3A_2153 = arith.mulf %get3A_2141, %get3A_2141 : vector<16xf32>
        %add3A_2154 = arith.addf %add3A_2130, %mul3A_2153 : vector<16xf32>
        %mul3A_2155 = arith.mulf %get3A_2144, %get3A_2144 : vector<16xf32>
        %add3A_2156 = arith.addf %add3A_2132, %mul3A_2155 : vector<16xf32>
        %mul3A_2157 = arith.mulf %get3A_2147, %get3A_2150 : vector<16xf32>
        %add3A_2158 = arith.addf %add3A_2134, %mul3A_2157 : vector<16xf32>
        %mul3A_2159 = arith.mulf %get3A_2147, %get3A_2147 : vector<16xf32>
        %add3A_2160 = arith.addf %add3A_2136, %mul3A_2159 : vector<16xf32>
        %mul3A_2161 = arith.mulf %get3A_2150, %get3A_2150 : vector<16xf32>
        %add3A_2162 = arith.addf %add3A_2138, %mul3A_2161 : vector<16xf32>
        %get3A_2163 = arith.index_cast %add3A_2078 : i32 to index
        %get3A_2164 = arith.constant 96 : index
        %get3A_2165 = tpu.vector_load %arg10[%get3A_2163, %get3A_2164] {strides = array<i32>} : memref<128x128xf32, #tpu.memory_space<vmem>>, vector<16xf32>,
        %get3A_2166 = arith.index_cast %add3A_2078 : i32 to index
        %get3A_2167 = arith.constant 96 : index
        %get3A_2168 = tpu.vector_load %arg12[%get3A_2166, %get3A_2167] {strides = array<i32>} : memref<128x128xf32, #tpu.memory_space<vmem>>, vector<16xf32>,
        %get3A_2169 = arith.index_cast %add3A_2078 : i32 to index
        %get3A_2170 = arith.constant 112 : index
        %get3A_2171 = tpu.vector_load %arg10[%get3A_2169, %get3A_2170] {strides = array<i32>} : memref<128x128xf32, #tpu.memory_space<vmem>>, vector<16xf32>,
        %get3A_2172 = arith.index_cast %add3A_2078 : i32 to index
        %get3A_2173 = arith.constant 112 : index
        %get3A_2174 = tpu.vector_load %arg12[%get3A_2172, %get3A_2173] {strides = array<i32>} : memref<128x128xf32, #tpu.memory_space<vmem>>, vector<16xf32>,
        %mul3A_2175 = arith.mulf %get3A_2165, %get3A_2168 : vector<16xf32>
        %add3A_2176 = arith.addf %add3A_2152, %mul3A_2175 : vector<16xf32>
        %mul3A_2177 = arith.mulf %get3A_2165, %get3A_2165 : vector<16xf32>
        %add3A_2178 = arith.addf %add3A_2154, %mul3A_2177 : vector<16xf32>
        %mul3A_2179 = arith.mulf %get3A_2168, %get3A_2168 : vector<16xf32>
        %add3A_2180 = arith.addf %add3A_2156, %mul3A_2179 : vector<16xf32>
        %mul3A_2181 = arith.mulf %get3A_2171, %get3A_2174 : vector<16xf32>
        %add3A_2182 = arith.addf %add3A_2158, %mul3A_2181 : vector<16xf32>
        %mul3A_2183 = arith.mulf %get3A_2171, %get3A_2171 : vector<16xf32>
        %add3A_2184 = arith.addf %add3A_2160, %mul3A_2183 : vector<16xf32>
        %mul3A_2185 = arith.mulf %get3A_2174, %get3A_2174 : vector<16xf32>
        %add3A_2186 = arith.addf %add3A_2162, %mul3A_2185 : vector<16xf32>
        %eq3A_2187 = arith.constant 14 : i32
        %eq3A_2188 = vector.broadcast %eq3A_2187 : i32 to vector<16xi32>
        %eq3A_2189 = arith.cmpi eq, %iota3A, %eq3A_2188 : vector<16xi32>
        %add3A_2190 = arith.addf %add3A_2176, %add3A_2182 : vector<16xf32>
        %reduce_sum3A_2191 = arith.constant true
        %reduce_sum3A_2192 = vector.broadcast %reduce_sum3A_2191 : i1 to vector<16xi1>
        %reduce_sum3A_2193 = tpu.scan <sum>, %add3A_2190 masked %reduce_sum3A_2192 : vector<16xf32>, vector<16xi1> -> vector<16xf32>
        %reduce_sum3A_2194 = vector.extract %reduce_sum3A_2193[15] : f32 from vector<16xf32>
        %broadcast_in_dim3A_2195 = vector.broadcast %reduce_sum3A_2194 : f32 to vector<16xf32>
        %select_n3A_2196 = arith.select %eq3A_2189, %broadcast_in_dim3A_2195, %select_n3A_2054 : vector<16xi1>, vector<16xf32>
        %eq3A_2197 = arith.constant 14 : i32
        %eq3A_2198 = vector.broadcast %eq3A_2197 : i32 to vector<16xi32>
        %eq3A_2199 = arith.cmpi eq, %iota3A, %eq3A_2198 : vector<16xi32>
        %add3A_2200 = arith.addf %add3A_2178, %add3A_2184 : vector<16xf32>
        %reduce_sum3A_2201 = arith.constant true
        %reduce_sum3A_2202 = vector.broadcast %reduce_sum3A_2201 : i1 to vector<16xi1>
        %reduce_sum3A_2203 = tpu.scan <sum>, %add3A_2200 masked %reduce_sum3A_2202 : vector<16xf32>, vector<16xi1> -> vector<16xf32>
        %reduce_sum3A_2204 = vector.extract %reduce_sum3A_2203[15] : f32 from vector<16xf32>
        %broadcast_in_dim3A_2205 = vector.broadcast %reduce_sum3A_2204 : f32 to vector<16xf32>
        %select_n3A_2206 = arith.select %eq3A_2199, %broadcast_in_dim3A_2205, %select_n3A_2064 : vector<16xi1>, vector<16xf32>
        %eq3A_2207 = arith.constant 14 : i32
        %eq3A_2208 = vector.broadcast %eq3A_2207 : i32 to vector<16xi32>
        %eq3A_2209 = arith.cmpi eq, %iota3A, %eq3A_2208 : vector<16xi32>
        %add3A_2210 = arith.addf %add3A_2180, %add3A_2186 : vector<16xf32>
        %reduce_sum3A_2211 = arith.constant true
        %reduce_sum3A_2212 = vector.broadcast %reduce_sum3A_2211 : i1 to vector<16xi1>
        %reduce_sum3A_2213 = tpu.scan <sum>, %add3A_2210 masked %reduce_sum3A_2212 : vector<16xf32>, vector<16xi1> -> vector<16xf32>
        %reduce_sum3A_2214 = vector.extract %reduce_sum3A_2213[15] : f32 from vector<16xf32>
        %broadcast_in_dim3A_2215 = vector.broadcast %reduce_sum3A_2214 : f32 to vector<16xf32>
        %select_n3A_2216 = arith.select %eq3A_2209, %broadcast_in_dim3A_2215, %select_n3A_2074 : vector<16xi1>, vector<16xf32>
        %mul3A_2217 = arith.constant 16 : i32
        %mul3A_2218 = arith.muli %scan3A_83, %mul3A_2217 : i32
        %add3A_2219 = arith.constant 15 : i32
        %add3A_2220 = arith.addi %mul3A_2218, %add3A_2219 : i32
        %broadcast_in_dim3A_2221 = arith.constant 0.000000e+00 : f32
        %broadcast_in_dim3A_2222 = vector.broadcast %broadcast_in_dim3A_2221 : f32 to vector<16xf32>
        %broadcast_in_dim3A_2223 = arith.constant 0.000000e+00 : f32
        %broadcast_in_dim3A_2224 = vector.broadcast %broadcast_in_dim3A_2223 : f32 to vector<16xf32>
        %broadcast_in_dim3A_2225 = arith.constant 0.000000e+00 : f32
        %broadcast_in_dim3A_2226 = vector.broadcast %broadcast_in_dim3A_2225 : f32 to vector<16xf32>
        %broadcast_in_dim3A_2227 = arith.constant 0.000000e+00 : f32
        %broadcast_in_dim3A_2228 = vector.broadcast %broadcast_in_dim3A_2227 : f32 to vector<16xf32>
        %broadcast_in_dim3A_2229 = arith.constant 0.000000e+00 : f32
        %broadcast_in_dim3A_2230 = vector.broadcast %broadcast_in_dim3A_2229 : f32 to vector<16xf32>
        %broadcast_in_dim3A_2231 = arith.constant 0.000000e+00 : f32
        %broadcast_in_dim3A_2232 = vector.broadcast %broadcast_in_dim3A_2231 : f32 to vector<16xf32>
        %get3A_2233 = arith.index_cast %add3A_2220 : i32 to index
        %get3A_2234 = arith.constant 0 : index
        %get3A_2235 = tpu.vector_load %arg10[%get3A_2233, %get3A_2234] {strides = array<i32>} : memref<128x128xf32, #tpu.memory_space<vmem>>, vector<16xf32>,
        %get3A_2236 = arith.index_cast %add3A_2220 : i32 to index
        %get3A_2237 = arith.constant 0 : index
        %get3A_2238 = tpu.vector_load %arg12[%get3A_2236, %get3A_2237] {strides = array<i32>} : memref<128x128xf32, #tpu.memory_space<vmem>>, vector<16xf32>,
        %get3A_2239 = arith.index_cast %add3A_2220 : i32 to index
        %get3A_2240 = arith.constant 16 : index
        %get3A_2241 = tpu.vector_load %arg10[%get3A_2239, %get3A_2240] {strides = array<i32>} : memref<128x128xf32, #tpu.memory_space<vmem>>, vector<16xf32>,
        %get3A_2242 = arith.index_cast %add3A_2220 : i32 to index
        %get3A_2243 = arith.constant 16 : index
        %get3A_2244 = tpu.vector_load %arg12[%get3A_2242, %get3A_2243] {strides = array<i32>} : memref<128x128xf32, #tpu.memory_space<vmem>>, vector<16xf32>,
        %mul3A_2245 = arith.mulf %get3A_2235, %get3A_2238 : vector<16xf32>
        %add3A_2246 = arith.addf %broadcast_in_dim3A_2222, %mul3A_2245 : vector<16xf32>
        %mul3A_2247 = arith.mulf %get3A_2235, %get3A_2235 : vector<16xf32>
        %add3A_2248 = arith.addf %broadcast_in_dim3A_2224, %mul3A_2247 : vector<16xf32>
        %mul3A_2249 = arith.mulf %get3A_2238, %get3A_2238 : vector<16xf32>
        %add3A_2250 = arith.addf %broadcast_in_dim3A_2226, %mul3A_2249 : vector<16xf32>
        %mul3A_2251 = arith.mulf %get3A_2241, %get3A_2244 : vector<16xf32>
        %add3A_2252 = arith.addf %broadcast_in_dim3A_2228, %mul3A_2251 : vector<16xf32>
        %mul3A_2253 = arith.mulf %get3A_2241, %get3A_2241 : vector<16xf32>
        %add3A_2254 = arith.addf %broadcast_in_dim3A_2230, %mul3A_2253 : vector<16xf32>
        %mul3A_2255 = arith.mulf %get3A_2244, %get3A_2244 : vector<16xf32>
        %add3A_2256 = arith.addf %broadcast_in_dim3A_2232, %mul3A_2255 : vector<16xf32>
        %get3A_2257 = arith.index_cast %add3A_2220 : i32 to index
        %get3A_2258 = arith.constant 32 : index
        %get3A_2259 = tpu.vector_load %arg10[%get3A_2257, %get3A_2258] {strides = array<i32>} : memref<128x128xf32, #tpu.memory_space<vmem>>, vector<16xf32>,
        %get3A_2260 = arith.index_cast %add3A_2220 : i32 to index
        %get3A_2261 = arith.constant 32 : index
        %get3A_2262 = tpu.vector_load %arg12[%get3A_2260, %get3A_2261] {strides = array<i32>} : memref<128x128xf32, #tpu.memory_space<vmem>>, vector<16xf32>,
        %get3A_2263 = arith.index_cast %add3A_2220 : i32 to index
        %get3A_2264 = arith.constant 48 : index
        %get3A_2265 = tpu.vector_load %arg10[%get3A_2263, %get3A_2264] {strides = array<i32>} : memref<128x128xf32, #tpu.memory_space<vmem>>, vector<16xf32>,
        %get3A_2266 = arith.index_cast %add3A_2220 : i32 to index
        %get3A_2267 = arith.constant 48 : index
        %get3A_2268 = tpu.vector_load %arg12[%get3A_2266, %get3A_2267] {strides = array<i32>} : memref<128x128xf32, #tpu.memory_space<vmem>>, vector<16xf32>,
        %mul3A_2269 = arith.mulf %get3A_2259, %get3A_2262 : vector<16xf32>
        %add3A_2270 = arith.addf %add3A_2246, %mul3A_2269 : vector<16xf32>
        %mul3A_2271 = arith.mulf %get3A_2259, %get3A_2259 : vector<16xf32>
        %add3A_2272 = arith.addf %add3A_2248, %mul3A_2271 : vector<16xf32>
        %mul3A_2273 = arith.mulf %get3A_2262, %get3A_2262 : vector<16xf32>
        %add3A_2274 = arith.addf %add3A_2250, %mul3A_2273 : vector<16xf32>
        %mul3A_2275 = arith.mulf %get3A_2265, %get3A_2268 : vector<16xf32>
        %add3A_2276 = arith.addf %add3A_2252, %mul3A_2275 : vector<16xf32>
        %mul3A_2277 = arith.mulf %get3A_2265, %get3A_2265 : vector<16xf32>
        %add3A_2278 = arith.addf %add3A_2254, %mul3A_2277 : vector<16xf32>
        %mul3A_2279 = arith.mulf %get3A_2268, %get3A_2268 : vector<16xf32>
        %add3A_2280 = arith.addf %add3A_2256, %mul3A_2279 : vector<16xf32>
        %get3A_2281 = arith.index_cast %add3A_2220 : i32 to index
        %get3A_2282 = arith.constant 64 : index
        %get3A_2283 = tpu.vector_load %arg10[%get3A_2281, %get3A_2282] {strides = array<i32>} : memref<128x128xf32, #tpu.memory_space<vmem>>, vector<16xf32>,
        %get3A_2284 = arith.index_cast %add3A_2220 : i32 to index
        %get3A_2285 = arith.constant 64 : index
        %get3A_2286 = tpu.vector_load %arg12[%get3A_2284, %get3A_2285] {strides = array<i32>} : memref<128x128xf32, #tpu.memory_space<vmem>>, vector<16xf32>,
        %get3A_2287 = arith.index_cast %add3A_2220 : i32 to index
        %get3A_2288 = arith.constant 80 : index
        %get3A_2289 = tpu.vector_load %arg10[%get3A_2287, %get3A_2288] {strides = array<i32>} : memref<128x128xf32, #tpu.memory_space<vmem>>, vector<16xf32>,
        %get3A_2290 = arith.index_cast %add3A_2220 : i32 to index
        %get3A_2291 = arith.constant 80 : index
        %get3A_2292 = tpu.vector_load %arg12[%get3A_2290, %get3A_2291] {strides = array<i32>} : memref<128x128xf32, #tpu.memory_space<vmem>>, vector<16xf32>,
        %mul3A_2293 = arith.mulf %get3A_2283, %get3A_2286 : vector<16xf32>
        %add3A_2294 = arith.addf %add3A_2270, %mul3A_2293 : vector<16xf32>
        %mul3A_2295 = arith.mulf %get3A_2283, %get3A_2283 : vector<16xf32>
        %add3A_2296 = arith.addf %add3A_2272, %mul3A_2295 : vector<16xf32>
        %mul3A_2297 = arith.mulf %get3A_2286, %get3A_2286 : vector<16xf32>
        %add3A_2298 = arith.addf %add3A_2274, %mul3A_2297 : vector<16xf32>
        %mul3A_2299 = arith.mulf %get3A_2289, %get3A_2292 : vector<16xf32>
        %add3A_2300 = arith.addf %add3A_2276, %mul3A_2299 : vector<16xf32>
        %mul3A_2301 = arith.mulf %get3A_2289, %get3A_2289 : vector<16xf32>
        %add3A_2302 = arith.addf %add3A_2278, %mul3A_2301 : vector<16xf32>
        %mul3A_2303 = arith.mulf %get3A_2292, %get3A_2292 : vector<16xf32>
        %add3A_2304 = arith.addf %add3A_2280, %mul3A_2303 : vector<16xf32>
        %get3A_2305 = arith.index_cast %add3A_2220 : i32 to index
        %get3A_2306 = arith.constant 96 : index
        %get3A_2307 = tpu.vector_load %arg10[%get3A_2305, %get3A_2306] {strides = array<i32>} : memref<128x128xf32, #tpu.memory_space<vmem>>, vector<16xf32>,
        %get3A_2308 = arith.index_cast %add3A_2220 : i32 to index
        %get3A_2309 = arith.constant 96 : index
        %get3A_2310 = tpu.vector_load %arg12[%get3A_2308, %get3A_2309] {strides = array<i32>} : memref<128x128xf32, #tpu.memory_space<vmem>>, vector<16xf32>,
        %get3A_2311 = arith.index_cast %add3A_2220 : i32 to index
        %get3A_2312 = arith.constant 112 : index
        %get3A_2313 = tpu.vector_load %arg10[%get3A_2311, %get3A_2312] {strides = array<i32>} : memref<128x128xf32, #tpu.memory_space<vmem>>, vector<16xf32>,
        %get3A_2314 = arith.index_cast %add3A_2220 : i32 to index
        %get3A_2315 = arith.constant 112 : index
        %get3A_2316 = tpu.vector_load %arg12[%get3A_2314, %get3A_2315] {strides = array<i32>} : memref<128x128xf32, #tpu.memory_space<vmem>>, vector<16xf32>,
        %mul3A_2317 = arith.mulf %get3A_2307, %get3A_2310 : vector<16xf32>
        %add3A_2318 = arith.addf %add3A_2294, %mul3A_2317 : vector<16xf32>
        %mul3A_2319 = arith.mulf %get3A_2307, %get3A_2307 : vector<16xf32>
        %add3A_2320 = arith.addf %add3A_2296, %mul3A_2319 : vector<16xf32>
        %mul3A_2321 = arith.mulf %get3A_2310, %get3A_2310 : vector<16xf32>
        %add3A_2322 = arith.addf %add3A_2298, %mul3A_2321 : vector<16xf32>
        %mul3A_2323 = arith.mulf %get3A_2313, %get3A_2316 : vector<16xf32>
        %add3A_2324 = arith.addf %add3A_2300, %mul3A_2323 : vector<16xf32>
        %mul3A_2325 = arith.mulf %get3A_2313, %get3A_2313 : vector<16xf32>
        %add3A_2326 = arith.addf %add3A_2302, %mul3A_2325 : vector<16xf32>
        %mul3A_2327 = arith.mulf %get3A_2316, %get3A_2316 : vector<16xf32>
        %add3A_2328 = arith.addf %add3A_2304, %mul3A_2327 : vector<16xf32>
        %eq3A_2329 = arith.constant 15 : i32
        %eq3A_2330 = vector.broadcast %eq3A_2329 : i32 to vector<16xi32>
        %eq3A_2331 = arith.cmpi eq, %iota3A, %eq3A_2330 : vector<16xi32>
        %add3A_2332 = arith.addf %add3A_2318, %add3A_2324 : vector<16xf32>
        %reduce_sum3A_2333 = arith.constant true
        %reduce_sum3A_2334 = vector.broadcast %reduce_sum3A_2333 : i1 to vector<16xi1>
        %reduce_sum3A_2335 = tpu.scan <sum>, %add3A_2332 masked %reduce_sum3A_2334 : vector<16xf32>, vector<16xi1> -> vector<16xf32>
        %reduce_sum3A_2336 = vector.extract %reduce_sum3A_2335[15] : f32 from vector<16xf32>
        %broadcast_in_dim3A_2337 = vector.broadcast %reduce_sum3A_2336 : f32 to vector<16xf32>
        %select_n3A_2338 = arith.select %eq3A_2331, %broadcast_in_dim3A_2337, %select_n3A_2196 : vector<16xi1>, vector<16xf32>
        %eq3A_2339 = arith.constant 15 : i32
        %eq3A_2340 = vector.broadcast %eq3A_2339 : i32 to vector<16xi32>
        %eq3A_2341 = arith.cmpi eq, %iota3A, %eq3A_2340 : vector<16xi32>
        %add3A_2342 = arith.addf %add3A_2320, %add3A_2326 : vector<16xf32>
        %reduce_sum3A_2343 = arith.constant true
        %reduce_sum3A_2344 = vector.broadcast %reduce_sum3A_2343 : i1 to vector<16xi1>
        %reduce_sum3A_2345 = tpu.scan <sum>, %add3A_2342 masked %reduce_sum3A_2344 : vector<16xf32>, vector<16xi1> -> vector<16xf32>
        %reduce_sum3A_2346 = vector.extract %reduce_sum3A_2345[15] : f32 from vector<16xf32>
        %broadcast_in_dim3A_2347 = vector.broadcast %reduce_sum3A_2346 : f32 to vector<16xf32>
        %select_n3A_2348 = arith.select %eq3A_2341, %broadcast_in_dim3A_2347, %select_n3A_2206 : vector<16xi1>, vector<16xf32>
        %eq3A_2349 = arith.constant 15 : i32
        %eq3A_2350 = vector.broadcast %eq3A_2349 : i32 to vector<16xi32>
        %eq3A_2351 = arith.cmpi eq, %iota3A, %eq3A_2350 : vector<16xi32>
        %add3A_2352 = arith.addf %add3A_2322, %add3A_2328 : vector<16xf32>
        %reduce_sum3A_2353 = arith.constant true
        %reduce_sum3A_2354 = vector.broadcast %reduce_sum3A_2353 : i1 to vector<16xi1>
        %reduce_sum3A_2355 = tpu.scan <sum>, %add3A_2352 masked %reduce_sum3A_2354 : vector<16xf32>, vector<16xi1> -> vector<16xf32>
        %reduce_sum3A_2356 = vector.extract %reduce_sum3A_2355[15] : f32 from vector<16xf32>
        %broadcast_in_dim3A_2357 = vector.broadcast %reduce_sum3A_2356 : f32 to vector<16xf32>
        %select_n3A_2358 = arith.select %eq3A_2351, %broadcast_in_dim3A_2357, %select_n3A_2216 : vector<16xi1>, vector<16xf32>
        %bitcast_convert_type3A = tpu.bitcast %select_n3A_2348 : vector<16xf32> -> vector<16xi32>
        %shift_right_arithmetic3A = arith.constant 1 : i32
        %shift_right_arithmetic3A_2359 = vector.broadcast %shift_right_arithmetic3A : i32 to vector<16xi32>
        %shift_right_arithmetic3A_2360 = arith.shrsi %bitcast_convert_type3A, %shift_right_arithmetic3A_2359 : vector<16xi32>
        %sub3A = arith.constant 1597463007 : i32
        %sub3A_2361 = vector.broadcast %sub3A : i32 to vector<16xi32>
        %sub3A_2362 = arith.subi %sub3A_2361, %shift_right_arithmetic3A_2360 : vector<16xi32>
        %bitcast_convert_type3A_2363 = tpu.bitcast %sub3A_2362 : vector<16xi32> -> vector<16xf32>
        %mul3A_2364 = arith.constant 5.000000e-01 : f32
        %mul3A_2365 = vector.broadcast %mul3A_2364 : f32 to vector<16xf32>
        %mul3A_2366 = arith.mulf %mul3A_2365, %select_n3A_2348 : vector<16xf32>
        %mul3A_2367 = arith.mulf %mul3A_2366, %bitcast_convert_type3A_2363 : vector<16xf32>
        %mul3A_2368 = arith.mulf %mul3A_2367, %bitcast_convert_type3A_2363 : vector<16xf32>
        %sub3A_2369 = arith.constant 1.500000e+00 : f32
        %sub3A_2370 = vector.broadcast %sub3A_2369 : f32 to vector<16xf32>
        %sub3A_2371 = arith.subf %sub3A_2370, %mul3A_2368 : vector<16xf32>
        %mul3A_2372 = arith.mulf %bitcast_convert_type3A_2363, %sub3A_2371 : vector<16xf32>
        %mul3A_2373 = arith.constant 5.000000e-01 : f32
        %mul3A_2374 = vector.broadcast %mul3A_2373 : f32 to vector<16xf32>
        %mul3A_2375 = arith.mulf %mul3A_2374, %select_n3A_2348 : vector<16xf32>
        %mul3A_2376 = arith.mulf %mul3A_2375, %mul3A_2372 : vector<16xf32>
        %mul3A_2377 = arith.mulf %mul3A_2376, %mul3A_2372 : vector<16xf32>
        %sub3A_2378 = arith.constant 1.500000e+00 : f32
        %sub3A_2379 = vector.broadcast %sub3A_2378 : f32 to vector<16xf32>
        %sub3A_2380 = arith.subf %sub3A_2379, %mul3A_2377 : vector<16xf32>
        %mul3A_2381 = arith.mulf %mul3A_2372, %sub3A_2380 : vector<16xf32>
        %mul3A_2382 = arith.constant 5.000000e-01 : f32
        %mul3A_2383 = vector.broadcast %mul3A_2382 : f32 to vector<16xf32>
        %mul3A_2384 = arith.mulf %mul3A_2383, %select_n3A_2348 : vector<16xf32>
        %mul3A_2385 = arith.mulf %mul3A_2384, %mul3A_2381 : vector<16xf32>
        %mul3A_2386 = arith.mulf %mul3A_2385, %mul3A_2381 : vector<16xf32>
        %sub3A_2387 = arith.constant 1.500000e+00 : f32
        %sub3A_2388 = vector.broadcast %sub3A_2387 : f32 to vector<16xf32>
        %sub3A_2389 = arith.subf %sub3A_2388, %mul3A_2386 : vector<16xf32>
        %mul3A_2390 = arith.mulf %mul3A_2381, %sub3A_2389 : vector<16xf32>
        %mul3A_2391 = arith.mulf %select_n3A_2348, %mul3A_2390 : vector<16xf32>
        %bitcast_convert_type3A_2392 = tpu.bitcast %select_n3A_2358 : vector<16xf32> -> vector<16xi32>
        %shift_right_arithmetic3A_2393 = arith.constant 1 : i32
        %shift_right_arithmetic3A_2394 = vector.broadcast %shift_right_arithmetic3A_2393 : i32 to vector<16xi32>
        %shift_right_arithmetic3A_2395 = arith.shrsi %bitcast_convert_type3A_2392, %shift_right_arithmetic3A_2394 : vector<16xi32>
        %sub3A_2396 = arith.constant 1597463007 : i32
        %sub3A_2397 = vector.broadcast %sub3A_2396 : i32 to vector<16xi32>
        %sub3A_2398 = arith.subi %sub3A_2397, %shift_right_arithmetic3A_2395 : vector<16xi32>
        %bitcast_convert_type3A_2399 = tpu.bitcast %sub3A_2398 : vector<16xi32> -> vector<16xf32>
        %mul3A_2400 = arith.constant 5.000000e-01 : f32
        %mul3A_2401 = vector.broadcast %mul3A_2400 : f32 to vector<16xf32>
        %mul3A_2402 = arith.mulf %mul3A_2401, %select_n3A_2358 : vector<16xf32>
        %mul3A_2403 = arith.mulf %mul3A_2402, %bitcast_convert_type3A_2399 : vector<16xf32>
        %mul3A_2404 = arith.mulf %mul3A_2403, %bitcast_convert_type3A_2399 : vector<16xf32>
        %sub3A_2405 = arith.constant 1.500000e+00 : f32
        %sub3A_2406 = vector.broadcast %sub3A_2405 : f32 to vector<16xf32>
        %sub3A_2407 = arith.subf %sub3A_2406, %mul3A_2404 : vector<16xf32>
        %mul3A_2408 = arith.mulf %bitcast_convert_type3A_2399, %sub3A_2407 : vector<16xf32>
        %mul3A_2409 = arith.constant 5.000000e-01 : f32
        %mul3A_2410 = vector.broadcast %mul3A_2409 : f32 to vector<16xf32>
        %mul3A_2411 = arith.mulf %mul3A_2410, %select_n3A_2358 : vector<16xf32>
        %mul3A_2412 = arith.mulf %mul3A_2411, %mul3A_2408 : vector<16xf32>
        %mul3A_2413 = arith.mulf %mul3A_2412, %mul3A_2408 : vector<16xf32>
        %sub3A_2414 = arith.constant 1.500000e+00 : f32
        %sub3A_2415 = vector.broadcast %sub3A_2414 : f32 to vector<16xf32>
        %sub3A_2416 = arith.subf %sub3A_2415, %mul3A_2413 : vector<16xf32>
        %mul3A_2417 = arith.mulf %mul3A_2408, %sub3A_2416 : vector<16xf32>
        %mul3A_2418 = arith.constant 5.000000e-01 : f32
        %mul3A_2419 = vector.broadcast %mul3A_2418 : f32 to vector<16xf32>
        %mul3A_2420 = arith.mulf %mul3A_2419, %select_n3A_2358 : vector<16xf32>
        %mul3A_2421 = arith.mulf %mul3A_2420, %mul3A_2417 : vector<16xf32>
        %mul3A_2422 = arith.mulf %mul3A_2421, %mul3A_2417 : vector<16xf32>
        %sub3A_2423 = arith.constant 1.500000e+00 : f32
        %sub3A_2424 = vector.broadcast %sub3A_2423 : f32 to vector<16xf32>
        %sub3A_2425 = arith.subf %sub3A_2424, %mul3A_2422 : vector<16xf32>
        %mul3A_2426 = arith.mulf %mul3A_2417, %sub3A_2425 : vector<16xf32>
        %mul3A_2427 = arith.mulf %select_n3A_2358, %mul3A_2426 : vector<16xf32>
        %max3A = arith.constant 9.99999993E-9 : f32
        %max3A_2428 = vector.broadcast %max3A : f32 to vector<16xf32>
        %max3A_2429 = arith.maximumf %mul3A_2391, %max3A_2428 : vector<16xf32>
        %max3A_2430 = arith.constant 9.99999993E-9 : f32
        %max3A_2431 = vector.broadcast %max3A_2430 : f32 to vector<16xf32>
        %max3A_2432 = arith.maximumf %mul3A_2427, %max3A_2431 : vector<16xf32>
        %mul3A_2433 = arith.mulf %max3A_2429, %max3A_2432 : vector<16xf32>
        %div3A = arith.divf %select_n3A_2338, %mul3A_2433 : vector<16xf32>
        %mul3A_2434 = arith.constant 1.000000e+01 : f32
        %mul3A_2435 = vector.broadcast %mul3A_2434 : f32 to vector<16xf32>
        %mul3A_2436 = arith.mulf %div3A, %mul3A_2435 : vector<16xf32>
        %get3A_2437 = arith.constant 0 : index
        %get3A_2438 = tpu.vector_load %arg13[%get3A_2437] {strides = array<i32>} : memref<16xf32, #tpu.memory_space<vmem>>, vector<16xf32>,
        %sub3A_2439 = arith.constant 1.000000e+01 : f32
        %sub3A_2440 = vector.broadcast %sub3A_2439 : f32 to vector<16xf32>
        %sub3A_2441 = arith.subf %mul3A_2436, %sub3A_2440 : vector<16xf32>
        %exp3A = math.exp %sub3A_2441 : vector<16xf32>
        %add3A_2442 = arith.addf %get3A_2438, %exp3A : vector<16xf32>
        %swap3A_2443 = arith.constant 0 : index
        %swap3A_2444 = tpu.vector_load %arg13[%swap3A_2443] {strides = array<i32>} : memref<16xf32, #tpu.memory_space<vmem>>, vector<16xf32>,
        tpu.vector_store %arg13[%swap3A_2443], %add3A_2442 {strides = array<i32>} : memref<16xf32, #tpu.memory_space<vmem>>, vector<16xf32>,
        %add3A_2445 = arith.addi %mul3A_2, %mul3A_74 : i32
        %mul3A_2446 = arith.constant 16 : i32
        %mul3A_2447 = arith.muli %scan3A_83, %mul3A_2446 : i32
        %add3A_2448 = arith.addi %add3A_2445, %mul3A_2447 : i32
        %add3A_2449 = vector.broadcast %add3A_2448 : i32 to vector<16xi32>
        %add3A_2450 = arith.addi %add3A_2449, %iota3A : vector<16xi32>
        %get3A_2451 = arith.constant 0 : index
        %get3A_2452 = tpu.vector_load %arg14[%get3A_2451] {strides = array<i32>} : memref<16xf32, #tpu.memory_space<vmem>>, vector<16xf32>,
        %lt3A_2453 = arith.constant 65536 : i32
        %lt3A_2454 = vector.broadcast %lt3A_2453 : i32 to vector<16xi32>
        %lt3A_2455 = arith.cmpi slt, %add3A_2450, %lt3A_2454 : vector<16xi32>
        %jit3A = arith.constant 0.000000e+00 : f32
        %broadcast_in_dim3A_2456 = vector.broadcast %jit3A : f32 to vector<16xf32>
        %select_n3A_2457 = arith.select %lt3A_2455, %mul3A_2436, %broadcast_in_dim3A_2456 : vector<16xi1>, vector<16xf32>
        %add3A_2458 = arith.addf %get3A_2452, %select_n3A_2457 : vector<16xf32>
        %swap3A_2459 = arith.constant 0 : index
        %swap3A_2460 = tpu.vector_load %arg14[%swap3A_2459] {strides = array<i32>} : memref<16xf32, #tpu.memory_space<vmem>>, vector<16xf32>,
        tpu.vector_store %arg14[%swap3A_2459], %add3A_2458 {strides = array<i32>} : memref<16xf32, #tpu.memory_space<vmem>>, vector<16xf32>,
        %scan3A_2461 = arith.constant 0 : i32
        scf.yield %scan3A_2461 : i32
      }
      %scan3A_81 = arith.constant 8 : i32
      %scan3A_82 = arith.constant 0 : i32
      scf.yield %scan3A_82 : i32
    }
    %scan3A_23 = arith.constant 24 : i32
    "tpu.region"() ({
      %run_scoped3A = tpu.sem_alloc : memref<!tpu.dma_semaphore, #tpu.memory_space<semaphore_mem>>
      %dma_start3A_24 = arith.constant 0 : i32
      %dma_start3A_25 = tpu.memref_slice %arg5[%add3A, %dma_start3A_24] : memref<32x16xf32, #tpu.memory_space<hbm>> -> memref<1x16xf32, #tpu.memory_space<hbm>>
      %dma_start3A_26 = tpu.memref_squeeze %dma_start3A_25 : memref<1x16xf32, #tpu.memory_space<hbm>> -> memref<16xf32, #tpu.memory_space<hbm>>
      %dma_start3A_27 = arith.constant 0 : i32
      %dma_start3A_28 = tpu.memref_slice %arg5[%add3A, %dma_start3A_27] : memref<32x16xf32, #tpu.memory_space<hbm>> -> memref<1x16xf32, #tpu.memory_space<hbm>>
      %dma_start3A_29 = tpu.memref_squeeze %dma_start3A_28 : memref<1x16xf32, #tpu.memory_space<hbm>> -> memref<16xf32, #tpu.memory_space<hbm>>
      tpu.enqueue_dma source(%arg13 : memref<16xf32, #tpu.memory_space<vmem>>) target(%dma_start3A_29 : memref<16xf32, #tpu.memory_space<hbm>>) target_semaphore(%run_scoped3A : memref<!tpu.dma_semaphore, #tpu.memory_space<semaphore_mem>>)
      %dma_wait3A = arith.constant 0 : i32
      %dma_wait3A_30 = tpu.memref_slice %arg5[%add3A, %dma_wait3A] : memref<32x16xf32, #tpu.memory_space<hbm>> -> memref<1x16xf32, #tpu.memory_space<hbm>>
      %dma_wait3A_31 = tpu.memref_squeeze %dma_wait3A_30 : memref<1x16xf32, #tpu.memory_space<hbm>> -> memref<16xf32, #tpu.memory_space<hbm>>
      %dma_wait3A_32 = arith.constant 0 : i32
      %dma_wait3A_33 = tpu.memref_slice %arg5[%add3A, %dma_wait3A_32] : memref<32x16xf32, #tpu.memory_space<hbm>> -> memref<1x16xf32, #tpu.memory_space<hbm>>
      %dma_wait3A_34 = tpu.memref_squeeze %dma_wait3A_33 : memref<1x16xf32, #tpu.memory_space<hbm>> -> memref<16xf32, #tpu.memory_space<hbm>>
      tpu.wait_dma2 semaphore(%run_scoped3A : memref<!tpu.dma_semaphore, #tpu.memory_space<semaphore_mem>>) src(%arg13 : memref<16xf32, #tpu.memory_space<vmem>>) dst(%dma_wait3A_34 : memref<16xf32, #tpu.memory_space<hbm>>)
      tpu.yield
    }) : () -> ()
    "tpu.region"() ({
      %run_scoped3A = tpu.sem_alloc : memref<!tpu.dma_semaphore, #tpu.memory_space<semaphore_mem>>
      %dma_start3A_24 = arith.constant 0 : i32
      %dma_start3A_25 = tpu.memref_slice %arg6[%add3A, %dma_start3A_24] : memref<32x16xf32, #tpu.memory_space<hbm>> -> memref<1x16xf32, #tpu.memory_space<hbm>>
      %dma_start3A_26 = tpu.memref_squeeze %dma_start3A_25 : memref<1x16xf32, #tpu.memory_space<hbm>> -> memref<16xf32, #tpu.memory_space<hbm>>
      %dma_start3A_27 = arith.constant 0 : i32
      %dma_start3A_28 = tpu.memref_slice %arg6[%add3A, %dma_start3A_27] : memref<32x16xf32, #tpu.memory_space<hbm>> -> memref<1x16xf32, #tpu.memory_space<hbm>>
      %dma_start3A_29 = tpu.memref_squeeze %dma_start3A_28 : memref<1x16xf32, #tpu.memory_space<hbm>> -> memref<16xf32, #tpu.memory_space<hbm>>
      tpu.enqueue_dma source(%arg14 : memref<16xf32, #tpu.memory_space<vmem>>) target(%dma_start3A_29 : memref<16xf32, #tpu.memory_space<hbm>>) target_semaphore(%run_scoped3A : memref<!tpu.dma_semaphore, #tpu.memory_space<semaphore_mem>>)
      %dma_wait3A = arith.constant 0 : i32
      %dma_wait3A_30 = tpu.memref_slice %arg6[%add3A, %dma_wait3A] : memref<32x16xf32, #tpu.memory_space<hbm>> -> memref<1x16xf32, #tpu.memory_space<hbm>>
      %dma_wait3A_31 = tpu.memref_squeeze %dma_wait3A_30 : memref<1x16xf32, #tpu.memory_space<hbm>> -> memref<16xf32, #tpu.memory_space<hbm>>
      %dma_wait3A_32 = arith.constant 0 : i32
      %dma_wait3A_33 = tpu.memref_slice %arg6[%add3A, %dma_wait3A_32] : memref<32x16xf32, #tpu.memory_space<hbm>> -> memref<1x16xf32, #tpu.memory_space<hbm>>
      %dma_wait3A_34 = tpu.memref_squeeze %dma_wait3A_33 : memref<1x16xf32, #tpu.memory_space<hbm>> -> memref<16xf32, #tpu.memory_space<hbm>>
      tpu.wait_dma2 semaphore(%run_scoped3A : memref<!tpu.dma_semaphore, #tpu.memory_space<semaphore_mem>>) src(%arg14 : memref<16xf32, #tpu.memory_space<vmem>>) dst(%dma_wait3A_34 : memref<16xf32, #tpu.memory_space<hbm>>)
      tpu.yield
    }) : () -> ()
    return
  }
}

</mosaic_0001>

<sc_bundles>
// kernel: kernel.3.cloned.1.call-start
scs
__scs_entry_jumppad:
0x0: {  	(pc) =	sbr.rel $0x88, $3  }
0x1: {  	(tag) =	ssettag $0x0;
	lr =	simm.s32 $0x1  }
0x2: {  	[smem:$0x3F9E] =	sst lr;
	_ =	strace $0xD0000000  }
0x3: {  	_ = 	snop  }
0x4: {  	_ = 	snop  }
0x5: {  	_ = 	snop  }
0x6: {  	_ = 	snop  }
0x7: {  	_ = 	snop  }
__scs_overlays_trampoline_lowered:
0x8: {  	[smem:$0x3FAD] =	sst s0  }
0x9: {  	[smem:$0x3FAE] =	sst s1  }
0xa: {  	[smem:$0x3FAF] =	sst s2  }
0xb: {  	[smem:$0x3FB0] =	sst s3  }
0xc: {  	[smem:$0x3FB1] =	sst s4  }
0xd: {  	[smem:$0x3FB2] =	sst s5  }
0xe: {  	[smem:$0x3FB3] =	sst s6  }
0xf: {  	[smem:$0x3FB4] =	sst s7  }
0x10: {  	[smem:$0x3FB5] =	sst s8  }
0x11: {  	[smem:$0x3FB6] =	sst s9;
	s0 =	simm.s32 @!p0 $0x0  }
0x12: {  	s1 =	sld [smem:$0x3F9C];
	s0 =	simm.s32 @p0 $0x1  }
0x13: {  	[smem:$0x3FB7] =	sst s0;
	s0 =	simm.s32 @!p1 $0x0  }
0x14: {  	s2 =	sld [smem:$0x3F9B];
	s0 =	simm.s32 @p1 $0x1  }
0x15: {  	[smem:$0x3FB8] =	sst s0;
	s0 =	simm.s32 @!p2 $0x0  }
0x16: {  	s3 =	sld [smem:$0x3FDB];
	s0 =	simm.s32 @p2 $0x1  }
0x17: {  	s4 =	simm.s32 $0x1BF5;
	[smem:$0x3FBA] =	sst s0  }
0x18: {  	s0 =	sld [smem:$0x3F9D];
	_ =	swait.ge [sflag:s4], $0x0  }
0x19: {  	s7 =	sld [smem:$0x3F9E]  }
0x1a: {  	s8 =	sadd.s32 $0xFFFFE003, lr  }
0x1b: {  	s9 =	sadd.s32 $0xFFFFFEF7, lr;
	s5 =	simm.s32 $0xFFFFFFFF;
	p2 =	slt.u32 s8, $0xFFFFF086  }
0x1c: {  	p1 =	slt.u32 s9, $0xF7A;
	s5 =	simm.s32 @!p2 $0x0  }
0x1d: {  	s5 =	simm.s32 @p1 $0x1;
	p0 =	seq.s32 s7, s2  }
0x1e: {  	s7 =	smul.u32 @!p0 $0xF7A, s2;
	p2 =	seq.s32 @!p0 s5, $0x0  }
0x1f: {  	s9 =	smul.u32 $0xF7A, s1;
	s8 =	simm.s32 @!p0 $0x1BF5;
	p2 =	por !p2, p0  }
0x20: {  	[sflag:s8] =	ssyncset.s32 @!p0 $0xFFFFF086;
	s6 =	sadd.s32 @!p0 s3, s7;
	s7 =	simm.s32 @!p0 $0x108  }
0x21: {  	s3 =	sadd.s32 s3, s9;
	s6 =	sadd.s32 @!p0 $0x88, s6;
	s7 =	simm.s32 @p2 $0x1082  }
0x22: {  	[simem:s7], [sflag:s8] =	dma.local @!p0 [hbm:s6], $0xF7A  }
0x23: {  	s9 =	sor.u32 $0xD0000000, s2;
	s6 =	simm.s32 $0x108;
	_ =	swait.ge @!p0 [sflag:s8], $0x0  }
0x24: {  	s3 =	sadd.s32 $0x88, s3;
	s6 =	simm.s32 @!p1 $0x1082;
	[sflag:s4] =	ssyncset.s32 $0xFFFFF086  }
0x25: {  	[simem:s6], [sflag:s4] =	dma.local [hbm:s3], $0xF7A  }
0x26: {  	[smem:$0x3F9E] =	sst s1;
	(tag) =	ssettag s2;
	_ =	strace s9  }
0x27: {  	s1 =	sld [smem:$0x3FAE]  }
0x28: {  	s2 =	sld [smem:$0x3FAF]  }
0x29: {  	s4 =	sld [smem:$0x3FB1]  }
0x2a: {  	p0 =	seq.s32 s5, $0x0;
	s5 =	sld [smem:$0x3FB2]  }
0x2b: {  	s6 =	sld [smem:$0x3FB3]  }
0x2c: {  	s7 =	sld [smem:$0x3FB4]  }
0x2d: {  	s3 =	simm.s32 $0x108;
	s8 =	sld [smem:$0x3FB5]  }
0x2e: {  	s3 =	simm.s32 @!p0 $0x1082;
	s9 =	sld [smem:$0x3FB6]  }
0x2f: {  	lr =	sadd.s32 s0, s3;
	s0 =	sld [smem:$0x3FAD]  }
0x30: {  	s3 =	sld [smem:$0x3FB0]  }
0x31: {  	[smem:$0x3FB9] =	sst s10  }
0x32: {  	s10 =	sld [smem:$0x3FB7];
	_ =	sdelay $0x3  }
0x33: {  	p0 =	seq.s32 s10, $0x1;
	s10 =	sld [smem:$0x3FB9];
	_ =	sdelay $0x3  }
0x34: {  	[smem:$0x3FB9] =	sst s10  }
0x35: {  	s10 =	sld [smem:$0x3FB8];
	_ =	sdelay $0x3  }
0x36: {  	p1 =	seq.s32 s10, $0x1;
	s10 =	sld [smem:$0x3FB9];
	_ =	sdelay $0x3  }
0x37: {  	[smem:$0x3FB9] =	sst s10  }
0x38: {  	s10 =	sld [smem:$0x3FBA]  }
0x39: {  	_ = 	snop;
	(pc) =	sbr.ind lr, $3  }
0x3a: {  	_ = 	snop  }
0x3b: {  	_ = 	snop  }
0x3c: {  	p2 =	seq.s32 s10, $0x1;
	s10 =	sld [smem:$0x3FB9]  }
0x3d: {  	_ =	shalt  }
0x3e: {  	_ =	shalt  }
0x3f: {  	_ =	shalt  }
0x40: {  	_ =	shalt  }
0x41: {  	_ =	shalt  }
0x42: {  	_ =	shalt  }
0x43: {  	_ =	shalt  }
0x44: {  	_ =	shalt  }
0x45: {  	_ =	shalt  }
0x46: {  	_ =	shalt  }
0x47: {  	_ =	shalt  }
0x48: {  	_ =	shalt  }
0x49: {  	_ =	shalt  }
0x4a: {  	_ =	shalt  }
0x4b: {  	_ =	shalt  }
0x4c: {  	_ =	shalt  }
0x4d: {  	_ =	shalt  }
0x4e: {  	_ =	shalt  }
0x4f: {  	_ =	shalt  }
0x50: {  	_ =	shalt  }
0x51: {  	_ =	shalt  }
0x52: {  	_ =	shalt  }
0x53: {  	_ =	shalt  }
0x54: {  	_ =	shalt  }
0x55: {  	_ =	shalt  }
0x56: {  	_ =	shalt  }
0x57: {  	_ =	shalt  }
0x58: {  	_ =	shalt  }
0x59: {  	_ =	shalt  }
0x5a: {  	_ =	shalt  }
0x5b: {  	_ =	shalt  }
0x5c: {  	_ =	shalt  }
0x5d: {  	_ =	shalt  }
0x5e: {  	_ =	shalt  }
0x5f: {  	_ =	shalt  }
0x60: {  	_ =	shalt  }
0x61: {  	_ =	shalt  }
0x62: {  	_ =	shalt  }
0x63: {  	_ =	shalt  }
0x64: {  	_ =	shalt  }
0x65: {  	_ =	shalt  }
0x66: {  	_ =	shalt  }
0x67: {  	_ =	shalt  }
0x68: {  	_ =	shalt  }
0x69: {  	_ =	shalt  }
0x6a: {  	_ =	shalt  }
0x6b: {  	_ =	shalt  }
0x6c: {  	_ =	shalt  }
0x6d: {  	_ =	shalt  }
0x6e: {  	_ =	shalt  }
0x6f: {  	_ =	shalt  }
0x70: {  	_ =	shalt  }
0x71: {  	_ =	shalt  }
0x72: {  	_ =	shalt  }
0x73: {  	_ =	shalt  }
0x74: {  	_ =	shalt  }
0x75: {  	_ =	shalt  }
0x76: {  	_ =	shalt  }
0x77: {  	_ =	shalt  }
0x78: {  	_ =	shalt  }
0x79: {  	_ =	shalt  }
0x7a: {  	_ =	shalt  }
0x7b: {  	_ =	shalt  }
0x7c: {  	_ =	shalt  }
0x7d: {  	_ =	shalt  }
0x7e: {  	_ =	shalt  }
0x7f: {  	_ =	shalt  }
0x80: {  	_ =	shalt  }
0x81: {  	_ =	shalt  }
0x82: {  	_ =	shalt  }
0x83: {  	_ =	shalt  }
0x84: {  	_ =	shalt  }
0x85: {  	_ =	shalt  }
0x86: {  	_ =	shalt  }
0x87: {  	_ =	shalt  }
.Lfunc_end0:
.L_simem_size_0:
called_computation_lowered:
.L_overlay_start_0:
0x88: {  	s2 =	sld [smem:$0x3FD9]  }
0x89: {  	s3 =	sld [smem:$0x3FFE];
	_ =	sdelay $0x1  }
0x8a: {  	s1 =	srdreg.scid  }
0x8b: {  	s0 =	sand.u32 $0x1, s1  }
0x8c: {  	s17 =	sshll.u32 s0, $0xA;
	s2 =	sadd.s32 s3, s2  }
0x8d: {  	s2 =	sadd.s32 s2, s17  }
0x8e: {  	[smem:$0x3FC5] =	sst s2  }
0x8f: {  	_ = 	snop  }
0x90: {  	s2 =	sld [smem:$0x3FC9];
	(tm) =	ssettm $0x1  }
0x91: {  	s18 =	sld [smem:$0x3FFB];
	_ =	sdelay $0x3  }
0x92: {  	_ =	strace s18  }
0x93: {  	s3 =	sld [smem:$0x3FFC];
	_ =	sdelay $0x3  }
0x94: {  	_ =	strace s3  }
0x95: {  	s3 =	sld [smem:$0x3FFD];
	_ =	sdelay $0x3  }
0x96: {  	_ =	strace s3  }
0x97: {  	_ =	strace $0x8FFFFFFF  }
0x98: {  	s19 =	sld [smem:$0x3FDB];
	_ =	sdelay $0x1  }
0x99: {  	s4 =	simm.s32 $_scs_section_size  }
0x9a: {  	s5 =	simm.s32 $_size__tile_overlayer_lowered;
	s6 =	simm.s32 $_tile_overlayer_lowered  }
0x9b: {  	s22 =	simm.s32 $0x1BFF;
	s21 =	sshll.u32 s6, $0x1;
	s3 =	sadd.s32 s4, s19  }
0x9c: {  	s7 =	simm.s32 $0x0;
	s20 =	sshll.u32 s5, $0x1;
	s5 =	sadd.s32 s21, s3  }
0x9d: {  	[timem:s7], [sflag:s22] =	dma.local [hbm:s5], s20  }
0x9e: {  	_ =	swait.ge [sflag:s22], s20  }
0x9f: {  	s4 =	ssub.s32 $0x0, s20;
	[sflag:s22] =	ssyncset.done $0x0  }
0xa0: {  	[sflag:s22] =	ssyncadd.s32 s4;
	_ =	sdelay $0x1  }
0xa1: {  	s23 =	simm.s32 $0x1B8B  }
0xa2: {  	_ =	swait.ge [sflag:s23], $0x1  }
0xa3: {  	[sflag:s23] =	ssyncset.done $0x0  }
0xa4: {  	s25 =	simm.s32 $0x1B8E;
	s24 =	sld [smem:$0x3FFE];
	[sflag:s23] =	ssyncadd.s32 $0xFFFFFFFF  }
0xa5: {  	s26 =	simm.s32 $execute0_lowered;
	[smem:$0x3FD2] =	sst s25  }
0xa6: {  	s5 =	sshll.u32 s26, $0x1;
	_ =	strace $0x80000046;
	[dreg:$0x1] =	wrdreg $0xFFFFFFFF  }
0xa7: {  	s28 =	simm.s32 $_size_execute0_lowered;
	s3 =	sadd.s32 s3, s5;
	[dreg:$0x0] =	wrdreg $0x0  }
0xa8: {  	s5 =	sshll.u32 s28, $0x1;
	[dreg:$0x2] =	wrdreg s3  }
0xa9: {  	[dreg:$0x3] =	wrdreg s5  }
0xaa: {  	[dreg:$0x4] =	wrdreg $0xC0  }
0xab: {  	_ =	task [dreg:s7], $0x5FFFF  }
0xac: {  	[dreg:$0x1] =	wrdreg $0xFFFFFFFF  }
0xad: {  	[dreg:$0x0] =	wrdreg $0x60  }
0xae: {  	[dreg:$0x2] =	wrdreg s2  }
0xaf: {  	[dreg:$0x3] =	wrdreg s24  }
0xb0: {  	[dreg:$0x4] =	wrdreg $0x9  }
0xb1: {  	_ =	task.clear_ibuf [dreg:s7], $0x5FFFF;
	_ =	strace $0x90000046  }
0xb2: {  	s29 =	simm.s32 $0x9;
	_ =	strace $0x80000048  }
0xb3: {  	_ =	swait.ge [sflag:s29], $0x1  }
0xb4: {  	[sflag:s29] =	ssyncadd.s32 $0xFFFFFFFF  }
0xb5: {  	_ =	strace $0x90000048  }
0xb6: {  	_ =	sfence  }
0xb7: {  	s30 =	sld [smem:$0x0];
	_ =	sdelay $0x2  }
0xb8: {  	s31 =	sshll.u32 s1, $0xD;
	s1 =	sshrl.u32 s1, $0x2  }
0xb9: {  	s3 =	sand.u32 $0x4000, s31;
	s1 =	sadd.s32 s1, s30  }
0xba: {  	s0 =	sor.u32 s3, s0;
	s1 =	sshll.u32 s1, $0x11  }
0xbb: {  	s0 =	sor.u32 s1, s0  }
0xbc: {  	s0 =	sadd.s32 $0x8F2B, s0  }
0xbd: {  	[sflag:s0] =	ssyncadd.remote.s32 $0x1  }
0xbe: {  	_ =	sfence.sel $0xFFFF  }
0xbf: {  	[dreg:$0x0] =	wrdreg $0xFFFFFFFF;
	(pc) =	sbr.abs _section_cstart, $3  }
0xc0: {  	[dreg:$0x1] =	wrdreg $0xFFFFFFFF  }
0xc1: {  	_ =	task.clear_ibuf [dreg:s7], $0x2FFFF;
	_ =	strace $0x9FFFFFFF  }
0xc2: {  	(tm) =	ssettm $0x7FFFFFFF  }
0xc3: {  	_ =	shalt  }
tec
execute0_lowered:
.L_overlay_start_1:
0x0: {  	(tag) =	ssettag $0x1  }
0x1: {  	s1 =	srdreg.scid;
	s2 =	rddreg [dreg:$0x0]  }
0x2: {  	s0 =	stileid.u32;
	s6 =	rddreg [dreg:$0x1];
	s3 =	simm.s32 $0x0  }
0x3: {  	s11 =	simm.s32 $0x1800;
	s12 =	simm.s32 $0x80;
	s13 =	simm.s32 $0x3000  }
0x4: {  	s14 =	simm.s32 $0xB000;
	s15 =	simm.s32 $0x7000;
	s16 =	simm.s32 $0xF000  }
0x5: {  	s17 =	simm.s32 $0x1;
	s18 =	simm.s32 $0x3;
	s19 =	simm.s32 $0x2  }
0x6: {  	s20 =	simm.s32 $0x4;
	s5 =	sand.u32 $0x1, s1;
	s31 =	sshll.u32 s0, $0x1  }
0x7: {  	s21 =	simm.s32 $0x13000;
	s22 =	simm.s32 $0x13010;
	s7 =	sor.u32 s5, s31  }
0x8: {  	v0 =	vimm.f32 $0.0e+00;
	s23 =	simm.s32 $0x0;
	[smem:$0x7FF] =	sst s3;
	s4 =	smul.u32 $0x1800, s7  }
0x9: {  	vm0 =	vmmov $0x1;
	vm1 =	vmmov $0x3;
	vm2 =	vmmov $0x7;
	s1 =	rddreg [dreg:$0x2];
	_ =	strace $0x80000047;
	s5 =	ssub.s32 $0x2, s5  }
0xa: {  	vm3 =	vmmov $0xf;
	vm4 =	vmmov $0x1f;
	vm5 =	vmmov $0x3f;
	s7 =	sshll.u32 s7, $0x1;
	s9 =	sshrl.u32 s5, $0x1;
	s8 =	sshrl.u32 s4, $0x3  }
0xb: {  	vm6 =	vmmov $0x7f;
	vm7 =	vmmov $0xff;
	vm8 =	vmmov $0x1ff;
	s10 =	sadd.s32 s7, s6;
	s9 =	ssub.s32 s5, s9;
	s8 =	sadd.s32 s8, s6  }
0xc: {  	vm9 =	vmmov $0x3ff;
	vm10 =	vmmov $0x7ff;
	vm11 =	vmmov $0xfff;
	s7 =	sadd.s32 $0xC400, s10;
	s9 =	smax.u32 s9, $0x1;
	s5 =	sadd.s32 $0x6200, s8  }
0xd: {  	vm12 =	vmmov $0x1fff;
	vm13 =	vmmov $0x3fff;
	vm14 =	vmmov $0x7fff;
	s6 =	sadd.s32 $0x200, s8;
	s8 =	sadd.s32 $0xC200, s10;
	s10 =	simm.s32 $0x5  }
.LBB2_1:
0xe: {  	[tilespmem:s3], [sflag:$0x5] =	stream.linear.gather [hbm4b:s5+s3], $0x1800, $0x38;
	[tilespmem:$0x13020] =	vst v63  }
0xf: {  	_ =	swait.ge [sflag:s10], $0x1800  }
0x10: {  	[sflag:s10] =	ssyncset.done $0x0  }
0x11: {  	[sflag:s10] =	ssyncadd.s32 $0xFFFFE800  }
0x12: {  	[tilespmem:s11], [sflag:$0x5] =	stream.linear.gather [hbm4b:s6+s3], $0x1800, $0x38;
	[tilespmem:$0x13020] =	vst v63  }
0x13: {  	_ =	swait.ge [sflag:s10], $0x1800  }
0x14: {  	[sflag:s10] =	ssyncset.done $0x0  }
0x15: {  	[sflag:s10] =	ssyncadd.s32 $0xFFFFE800  }
0x16: {  	[tilespmem:$0x13000] =	vst v0  }
0x17: {  	[tilespmem:$0x13010] =	vst v0  }
0x18: {  	[tilespmem:s13], [sflag:$0x1] =	stream.indirect.gather [hbm4b:s2+s12], $0x80, s3, s12, $0xb8;
	[tilespmem:$0x13020] =	vst v63  }
0x19: {  	s24 =	simm.s32 $0x0  }
0x1a: {  	[tilespmem:s14], [sflag:$0x3] =	stream.indirect.gather [hbm4b:s2+s12], $0x80, s11, s12, $0xb8;
	[tilespmem:$0x13020] =	vst v63  }
.LBB2_2:
0x1b: {  	s26 =	sshll.u32 s24, $0x8  }
0x1c: {  	s25 =	sor.u32 $0x80, s26  }
0x1d: {  	[tilespmem:s15], [sflag:$0x2] =	stream.indirect.gather [hbm4b:s2+s12], $0x80, s25, s12, $0xb8;
	[tilespmem:$0x13020] =	vst v63  }
0x1e: {  	s28 =	sadd.s32 $0x1880, s26  }
0x1f: {  	[tilespmem:s16], [sflag:$0x4] =	stream.indirect.gather [hbm4b:s2+s12], $0x80, s28, s12, $0xb8;
	[tilespmem:$0x13020] =	vst v63  }
0x20: {  	_ =	swait.ge [sflag:s17], $0x4000  }
0x21: {  	[sflag:s17] =	ssyncset.done $0x0  }
0x22: {  	[sflag:s17] =	ssyncadd.s32 $0xFFFFC000  }
0x23: {  	_ =	swait.ge [sflag:s18], $0x4000  }
0x24: {  	[sflag:s18] =	ssyncset.done $0x0  }
0x25: {  	s29 =	simm.s32 $0x0;
	s28 =	sadd.s32 s4, s26;
	[sflag:s18] =	ssyncadd.s32 $0xFFFFC000  }
.LBB2_3:
0x26: {  	s30 =	sshll.u32 s29, $0xB  }
0x27: {  	v1 =	vld [tilespmem:s30+$0x3000]  }
0x28: {  	v2 =	vld [tilespmem:s30+$0xB000]  }
0x29: {  	v3 =	vld [tilespmem:s30+$0x3010]  }
0x2a: {  	v4 =	vld [tilespmem:s30+$0xB010]  }
0x2b: {  	v5 =	vld [tilespmem:s30+$0x3020]  }
0x2c: {  	v6 =	vld [tilespmem:s30+$0xB020]  }
0x2d: {  	v7 =	vld [tilespmem:s30+$0x3030]  }
0x2e: {  	v8 =	vld [tilespmem:s30+$0xB030]  }
0x2f: {  	v10 =	vld [tilespmem:s30+$0x3040]  }
0x30: {  	v11 =	vld [tilespmem:s30+$0xB040]  }
0x31: {  	v13 =	vld [tilespmem:s30+$0x3050]  }
0x32: {  	v15 =	vld [tilespmem:s30+$0xB050]  }
0x33: {  	v16 =	vld [tilespmem:s30+$0x3060]  }
0x34: {  	v17 =	vld [tilespmem:s30+$0xB060]  }
0x35: {  	v29 =	vld [tilespmem:s30+$0x3070]  }
0x36: {  	v32 =	vld [tilespmem:s30+$0xB070]  }
0x37: {  	v35 =	vld [tilespmem:s30+$0x3080];
	v9 =	vmul.f32 v2, v1;
	v1 =	vmul.f32 v1, v1  }
0x38: {  	v37 =	vld [tilespmem:s30+$0xB080];
	v2 =	vmul.f32 v2, v2;
	v12 =	vmul.f32 v4, v3  }
0x39: {  	v39 =	vld [tilespmem:s30+$0x3090];
	v3 =	vmul.f32 v3, v3;
	v4 =	vmul.f32 v4, v4  }
0x3a: {  	v41 =	vld [tilespmem:s30+$0xB090];
	v14 =	vmul.f32 v6, v5;
	v5 =	vmul.f32 v5, v5  }
0x3b: {  	v44 =	vld [tilespmem:s30+$0x30A0];
	v6 =	vmul.f32 v6, v6;
	v27 =	vmul.f32 v8, v7  }
0x3c: {  	v46 =	vld [tilespmem:s30+$0xB0A0];
	v7 =	vmul.f32 v7, v7;
	v28 =	vmul.f32 v8, v8  }
0x3d: {  	v49 =	vld [tilespmem:s30+$0x30B0];
	v31 =	vmul.f32 v11, v10;
	v33 =	vmul.f32 v10, v10  }
0x3e: {  	v50 =	vld [tilespmem:s30+$0xB0B0];
	v34 =	vmul.f32 v11, v11;
	v36 =	vmul.f32 v15, v13  }
0x3f: {  	v52 =	vld [tilespmem:s30+$0x30C0];
	v13 =	vmul.f32 v13, v13;
	v38 =	vmul.f32 v15, v15  }
0x40: {  	v53 =	vld [tilespmem:s30+$0xB0C0];
	v40 =	vmul.f32 v17, v16;
	v42 =	vmul.f32 v16, v16  }
0x41: {  	v55 =	vld [tilespmem:s30+$0x30D0];
	v43 =	vmul.f32 v32, v29;
	v45 =	vmul.f32 v17, v17  }
0x42: {  	v58 =	vld [tilespmem:s30+$0xB0D0];
	v48 =	vmul.f32 v32, v32;
	v51 =	vmul.f32 v37, v35  }
0x43: {  	v54 =	vmul.f32 v39, v39;
	v56 =	vmul.f32 v41, v41  }
0x44: {  	v61 =	vld [tilespmem:s30+$0x30E0];
	v57 =	vmul.f32 v46, v44;
	v59 =	vmul.f32 v44, v44  }
0x45: {  	v18 =	vld [tilespmem:s30+$0xB0E0];
	v60 =	vmul.f32 v46, v46;
	v62 =	vmul.f32 v50, v49  }
0x46: {  	v63 =	vld [tilespmem:s30+$0x30F0];
	v22 =	vmul.f32 v53, v52;
	v9 =	vadd.f32 $0.0e+00, v9;
	v12 =	vadd.f32 $0.0e+00, v12  }
0x47: {  	v23 =	vld [tilespmem:s30+$0xB0F0];
	v25 =	vmul.f32 v58, v55;
	v1 =	vadd.f32 v5, v1;
	v2 =	vadd.f32 v6, v2  }
0x48: {  	v19 =	vld [tilespmem:s30+$0xB100];
	v10 =	vmul.f32 v55, v55;
	v3 =	vadd.f32 v7, v3;
	v4 =	vadd.f32 v28, v4  }
0x49: {  	v26 =	vmul.f32 v58, v58;
	v32 =	vld [tilespmem:s30+$0x3120];
	v5 =	vadd.f32 $0.0e+00, v51;
	v9 =	vadd.f32 v14, v9  }
0x4a: {  	v6 =	vmul.f32 v29, v29;
	v29 =	vld [tilespmem:s30+$0xB110];
	v30 =	vadd.f32 v27, v12;
	v1 =	vadd.f32 v33, v1  }
0x4b: {  	v15 =	vmul.f32 v63, v63;
	v2 =	vadd.f32 v34, v2;
	v3 =	vadd.f32 v13, v3;
	v27 =	vld [tilespmem:s30+$0x3110]  }
0x4c: {  	v28 =	vmul.f32 v18, v61;
	v4 =	vadd.f32 v38, v4;
	v5 =	vadd.f32 v57, v5;
	v34 =	vld [tilespmem:s30+$0xB120]  }
0x4d: {  	v12 =	vmul.f32 v49, v49;
	v38 =	vld [tilespmem:s30+$0x3140];
	v7 =	vadd.f32 v31, v9;
	v8 =	vadd.f32 v36, v30  }
0x4e: {  	v33 =	vmul.f32 v18, v18;
	v49 =	vld [tilespmem:s30+$0xB170];
	v1 =	vadd.f32 v42, v1;
	v2 =	vadd.f32 v45, v2  }
0x4f: {  	v17 =	vmul.f32 v32, v32;
	v3 =	vadd.f32 v6, v3;
	v4 =	vadd.f32 v48, v4;
	v36 =	vld [tilespmem:s30+$0x3130]  }
0x50: {  	v6 =	vmul.f32 v50, v50;
	v9 =	vmul.f32 v53, v53;
	v5 =	vadd.f32 v22, v5;
	v42 =	vld [tilespmem:s30+$0x3150]  }
0x51: {  	v30 =	vmul.f32 v61, v61;
	v31 =	vmul.f32 v23, v63;
	v45 =	vld [tilespmem:s30+$0xB150];
	v7 =	vadd.f32 v40, v7  }
0x52: {  	v22 =	vld [tilespmem:s30+$0x3160];
	v47 =	vadd.f32 v43, v8;
	v20 =	vadd.f32 v3, v1;
	v1 =	vmul.f32 v35, v35  }
0x53: {  	v61 =	vld [tilespmem:s30+$0xB1A0];
	v3 =	vmul.f32 v37, v37;
	v8 =	vadd.f32 v4, v2;
	v2 =	vmul.f32 v41, v39  }
0x54: {  	v63 =	vld [tilespmem:s30+$0x31B0];
	v4 =	vadd.f32 v12, v54;
	v6 =	vadd.f32 v6, v56;
	v35 =	vmul.f32 v23, v23  }
0x55: {  	v5 =	vadd.f32 v28, v5;
	v37 =	vld [tilespmem:s30+$0xB130];
	v39 =	vmul.f32 v19, v19;
	v43 =	vmul.f32 v29, v29  }
0x56: {  	v40 =	vld [tilespmem:s30+$0xB140];
	v41 =	vmul.f32 v27, v27;
	v44 =	vmul.f32 v34, v32;
	v21 =	vadd.f32 v47, v7  }
0x57: {  	v23 =	vld [tilespmem:s30+$0xB160];
	v18 =	vmul.f32 v34, v34;
	v2 =	vadd.f32 $0.0e+00, v2;
	v1 =	vadd.f32 v59, v1  }
0x58: {  	v56 =	vld [tilespmem:s30+$0xB190];
	v3 =	vadd.f32 v60, v3;
	v7 =	vmul.f32 v52, v52;
	v4 =	vadd.f32 v10, v4  }
0x59: {  	v28 =	vld [tilespmem:s30+$0xB1B0];
	v6 =	vadd.f32 v26, v6;
	v13 =	vmul.f32 v36, v36;
	v51 =	vmul.f32 v45, v42  }
0x5a: {  	v32 =	vld [tilespmem:s30+$0x31D0];
	v53 =	vmul.f32 v45, v45;
	v57 =	vmul.f32 v22, v22;
	v2 =	vadd.f32 v62, v2  }
0x5b: {  	v47 =	vld [tilespmem:s30+$0x3170];
	v3 =	vadd.f32 v9, v3;
	v9 =	vmul.f32 v42, v42;
	v62 =	vmul.f32 v49, v49  }
0x5c: {  	v59 =	vld [tilespmem:s30+$0x31A0];
	v1 =	vadd.f32 v7, v1;
	v46 =	vmul.f32 v37, v36;
	v10 =	vmul.f32 v37, v37  }
0x5d: {  	v26 =	vld [tilespmem:s30+$0xB1E0];
	v4 =	vadd.f32 v15, v4;
	v48 =	vmul.f32 v40, v38;
	v7 =	vmul.f32 v40, v40  }
0x5e: {  	v24 =	vld [tilespmem:s30+$0x3100];
	v6 =	vadd.f32 v35, v6;
	v55 =	vmul.f32 v23, v22;
	v60 =	vmul.f32 v23, v23  }
0x5f: {  	v50 =	vld [tilespmem:s30+$0x3180];
	v23 =	vmul.f32 v61, v61;
	v35 =	vmul.f32 v28, v63;
	v2 =	vadd.f32 v25, v2  }
0x60: {  	v52 =	vld [tilespmem:s30+$0xB180];
	v3 =	vadd.f32 v33, v3;
	v33 =	vmul.f32 v56, v56;
	v12 =	vmul.f32 v32, v32  }
0x61: {  	v54 =	vld [tilespmem:s30+$0x3190];
	v1 =	vadd.f32 v30, v1;
	v58 =	vmul.f32 v49, v47;
	v34 =	vmul.f32 v61, v59  }
0x62: {  	v45 =	vld [tilespmem:s30+$0xB210];
	v10 =	vadd.f32 v10, v43;
	v22 =	vmul.f32 v59, v59;
	v49 =	vmul.f32 v26, v26  }
0x63: {  	v36 =	vld [tilespmem:s30+$0x31F0];
	v2 =	vadd.f32 v31, v2;
	v15 =	vadd.f32 v4, v1;
	v1 =	vmul.f32 v24, v24  }
0x64: {  	v30 =	vld [tilespmem:s30+$0xB1C0];
	v14 =	vadd.f32 v6, v3;
	v3 =	vmul.f32 v29, v27;
	v4 =	vadd.f32 v18, v39  }
0x65: {  	v25 =	vld [tilespmem:s30+$0x31E0];
	v6 =	vadd.f32 v13, v41;
	v29 =	vmul.f32 v52, v52;
	v13 =	vmul.f32 v63, v63  }
0x66: {  	v43 =	vld [tilespmem:s30+$0x3210];
	v16 =	vadd.f32 v2, v5;
	v2 =	vmul.f32 v19, v24;
	v3 =	vadd.f32 $0.0e+00, v3  }
0x67: {  	v61 =	vld [tilespmem:s30+$0x3270];
	v1 =	vadd.f32 v17, v1;
	v5 =	vmul.f32 v38, v38;
	v4 =	vadd.f32 v7, v4  }
0x68: {  	v39 =	vld [tilespmem:s30+$0x3200];
	v6 =	vadd.f32 v9, v6;
	v17 =	vmul.f32 v47, v47;
	v2 =	vadd.f32 $0.0e+00, v2  }
0x69: {  	v41 =	vld [tilespmem:s30+$0xB200];
	v7 =	vmul.f32 v54, v54;
	v3 =	vadd.f32 v46, v3;
	v1 =	vadd.f32 v5, v1  }
0x6a: {  	v31 =	vmul.f32 v56, v54;
	v56 =	vld [tilespmem:s30+$0xB240];
	v5 =	vadd.f32 v53, v10;
	v4 =	vadd.f32 v60, v4  }
0x6b: {  	v24 =	vld [tilespmem:s30+$0xB1D0];
	v6 =	vadd.f32 v17, v6;
	v17 =	vmul.f32 v28, v28;
	v7 =	vadd.f32 v13, v7  }
0x6c: {  	v38 =	vld [tilespmem:s30+$0xB1F0];
	v10 =	vmul.f32 v30, v30;
	v46 =	vmul.f32 v25, v25;
	v2 =	vadd.f32 v44, v2  }
0x6d: {  	v27 =	vld [tilespmem:s30+$0xB250];
	v13 =	vmul.f32 v45, v45;
	v3 =	vadd.f32 v51, v3;
	v1 =	vadd.f32 v57, v1  }
0x6e: {  	v54 =	vld [tilespmem:s30+$0x3240];
	v18 =	vmul.f32 v39, v39;
	v5 =	vadd.f32 v62, v5;
	v17 =	vadd.f32 v17, v33  }
0x6f: {  	v63 =	vld [tilespmem:s30+$0xB270];
	v7 =	vadd.f32 v12, v7;
	v44 =	vmul.f32 v26, v25;
	v57 =	vmul.f32 v45, v43  }
0x70: {  	v53 =	vld [tilespmem:s30+$0xB230];
	v40 =	vmul.f32 v24, v32;
	v42 =	vmul.f32 v24, v24;
	v2 =	vadd.f32 v48, v2  }
0x71: {  	v45 =	vld [tilespmem:s30+$0x32B0];
	v47 =	vmul.f32 v38, v36;
	v51 =	vmul.f32 v38, v38;
	v3 =	vadd.f32 v58, v3  }
0x72: {  	v9 =	vadd.f32 v6, v1;
	v1 =	vmul.f32 v50, v50;
	v48 =	vld [tilespmem:s30+$0x3220];
	v2 =	vadd.f32 v55, v2  }
0x73: {  	v62 =	vmul.f32 v56, v54;
	v4 =	vadd.f32 v5, v4;
	v5 =	vadd.f32 $0.0e+00, v31;
	v58 =	vld [tilespmem:s30+$0x3250]  }
0x74: {  	v31 =	vmul.f32 v56, v56;
	v1 =	vadd.f32 v22, v1;
	v11 =	vadd.f32 v3, v2;
	v3 =	vld [tilespmem:s30+$0x31C0]  }
0x75: {  	v5 =	vadd.f32 v35, v5;
	v22 =	vmul.f32 v36, v36;
	v2 =	vmul.f32 v52, v50;
	v50 =	vld [tilespmem:s30+$0xB220]  }
0x76: {  	v6 =	vadd.f32 v23, v29;
	v55 =	vmul.f32 v41, v41;
	v35 =	vmul.f32 v27, v27;
	v52 =	vld [tilespmem:s30+$0x3230]  }
0x77: {  	v38 =	vld [tilespmem:s30+$0xB290];
	v24 =	vmul.f32 v45, v45;
	v5 =	vadd.f32 v40, v5;
	v25 =	vmul.f32 v48, v48  }
0x78: {  	v36 =	vld [tilespmem:s30+$0x3290];
	v40 =	vmul.f32 v63, v61;
	v33 =	vmul.f32 v27, v58;
	v2 =	vadd.f32 $0.0e+00, v2  }
0x79: {  	v28 =	vld [tilespmem:s30+$0x3260];
	v18 =	vadd.f32 v25, v18;
	v25 =	vmul.f32 v61, v61;
	v37 =	vmul.f32 v30, v3  }
0x7a: {  	v29 =	vld [tilespmem:s30+$0xB260];
	v2 =	vadd.f32 v34, v2;
	v3 =	vmul.f32 v3, v3;
	v59 =	vmul.f32 v50, v48  }
0x7b: {  	v5 =	vadd.f32 v47, v5;
	v26 =	vmul.f32 v50, v50;
	v60 =	vmul.f32 v53, v52  }
0x7c: {  	v32 =	vld [tilespmem:s30+$0x3280];
	v19 =	vmul.f32 v52, v52;
	v30 =	vmul.f32 v54, v54;
	v2 =	vadd.f32 v37, v2  }
0x7d: {  	v34 =	vld [tilespmem:s30+$0xB280];
	v52 =	vmul.f32 v38, v36;
	v1 =	vadd.f32 v3, v1;
	v3 =	vadd.f32 v10, v6  }
0x7e: {  	v6 =	vadd.f32 v42, v17;
	v10 =	vmul.f32 v43, v43;
	v2 =	vadd.f32 v44, v2  }
0x7f: {  	v61 =	vld [tilespmem:s30+$0x3300];
	v37 =	vmul.f32 v29, v28;
	v1 =	vadd.f32 v46, v1;
	v12 =	vadd.f32 v49, v3  }
0x80: {  	v48 =	vld [tilespmem:s30+$0x32C0];
	v42 =	vmul.f32 v29, v29;
	v3 =	vadd.f32 v22, v7;
	v6 =	vadd.f32 v51, v6  }
0x81: {  	v54 =	vld [tilespmem:s30+$0x32D0];
	v22 =	vadd.f32 v26, v55;
	v7 =	vmul.f32 v53, v53;
	v44 =	vmul.f32 v63, v63  }
0x82: {  	v43 =	vld [tilespmem:s30+$0xB2A0];
	v10 =	vadd.f32 v19, v10;
	v47 =	vmul.f32 v34, v32;
	v49 =	vmul.f32 v32, v32  }
0x83: {  	v46 =	vld [tilespmem:s30+$0xB2B0];
	v50 =	vmul.f32 v34, v34;
	v53 =	vmul.f32 v36, v36;
	v5 =	vadd.f32 v5, v2  }
0x84: {  	v51 =	vld [tilespmem:s30+$0xB2C0];
	v19 =	vmul.f32 v38, v38;
	v3 =	vadd.f32 v3, v1;
	v1 =	vadd.f32 v6, v12  }
0x85: {  	v32 =	vld [tilespmem:s30+$0xB2E0];
	v2 =	vmul.f32 v41, v39;
	v6 =	vadd.f32 $0.0e+00, v57;
	v7 =	vadd.f32 v7, v13  }
0x86: {  	v63 =	vld [tilespmem:s30+$0xB300];
	v12 =	vmul.f32 v58, v58;
	v13 =	vadd.f32 v30, v18;
	v17 =	vadd.f32 v31, v22  }
0x87: {  	v39 =	vmul.f32 v28, v28;
	v41 =	vld [tilespmem:s30+$0x32A0];
	v22 =	vmul.f32 v54, v54;
	v2 =	vadd.f32 $0.0e+00, v2  }
0x88: {  	v30 =	vld [tilespmem:s30+$0xB2D0];
	v29 =	vmul.f32 v43, v43;
	v6 =	vadd.f32 v60, v6;
	v10 =	vadd.f32 v12, v10  }
0x89: {  	v31 =	vld [tilespmem:s30+$0x32E0];
	v7 =	vadd.f32 v35, v7;
	v13 =	vadd.f32 v39, v13;
	v60 =	vmul.f32 v48, v48  }
0x8a: {  	v57 =	vld [tilespmem:s30+$0x32F0];
	v12 =	vadd.f32 v42, v17;
	v56 =	vmul.f32 v46, v45;
	v17 =	vmul.f32 v46, v46  }
0x8b: {  	v58 =	vmul.f32 v51, v48;
	v23 =	vmul.f32 v51, v51;
	v45 =	vld [tilespmem:s30+$0x3330];
	v2 =	vadd.f32 v59, v2  }
0x8c: {  	v42 =	vmul.f32 v32, v32;
	v46 =	vld [tilespmem:s30+$0xB330];
	v6 =	vadd.f32 v33, v6;
	v10 =	vadd.f32 v25, v10  }
0x8d: {  	v18 =	vadd.f32 v44, v7;
	v25 =	vadd.f32 $0.0e+00, v47;
	v59 =	vld [tilespmem:s30+$0xB2F0];
	v47 =	vmul.f32 v63, v61  }
0x8e: {  	v55 =	vmul.f32 v43, v41;
	v28 =	vmul.f32 v41, v41;
	v17 =	vadd.f32 v17, v19  }
0x8f: {  	v51 =	vld [tilespmem:s30+$0xB340];
	v35 =	vmul.f32 v30, v30;
	v39 =	vmul.f32 v31, v31;
	v2 =	vadd.f32 v62, v2  }
0x90: {  	v36 =	vld [tilespmem:s30+$0x3310];
	v6 =	vadd.f32 v40, v6;
	v62 =	vmul.f32 v30, v54;
	v25 =	vadd.f32 v55, v25  }
0x91: {  	v38 =	vld [tilespmem:s30+$0xB310];
	v2 =	vadd.f32 v37, v2;
	v37 =	vmul.f32 v32, v31;
	v55 =	vmul.f32 v46, v45  }
0x92: {  	v41 =	vld [tilespmem:s30+$0x3320];
	v17 =	vadd.f32 v35, v17;
	v26 =	vmul.f32 v45, v45;
	v40 =	vmul.f32 v59, v57  }
0x93: {  	v43 =	vld [tilespmem:s30+$0xB320];
	v44 =	vmul.f32 v59, v59;
	v7 =	vadd.f32 v6, v2;
	v6 =	vadd.f32 v10, v13  }
0x94: {  	v59 =	vmul.f32 v51, v51;
	v2 =	vadd.f32 v18, v12;
	v12 =	vadd.f32 $0.0e+00, v52  }
0x95: {  	v48 =	vld [tilespmem:s30+$0x3340];
	v10 =	vadd.f32 v28, v49;
	v13 =	vadd.f32 v29, v50;
	v28 =	vmul.f32 v57, v57  }
0x96: {  	v34 =	vld [tilespmem:s30+$0x3360];
	v18 =	vadd.f32 v24, v53;
	v49 =	vmul.f32 v61, v61;
	v50 =	vmul.f32 v63, v63  }
0x97: {  	v33 =	vld [tilespmem:s30+$0xB350];
	v24 =	vadd.f32 v58, v25;
	v52 =	vmul.f32 v38, v36;
	v25 =	vmul.f32 v38, v38  }
0x98: {  	v19 =	vadd.f32 $0.0e+00, v47;
	v35 =	vld [tilespmem:s30+$0xB360];
	v54 =	vmul.f32 v43, v41;
	v31 =	vmul.f32 v41, v41  }
0x99: {  	v53 =	vld [tilespmem:s30+$0x3350];
	v32 =	vmul.f32 v43, v43;
	v17 =	vadd.f32 v44, v17;
	v12 =	vadd.f32 v56, v12  }
0x9a: {  	v57 =	vmul.f32 v51, v48;
	v58 =	vld [tilespmem:s30+$0xB370];
	v10 =	vadd.f32 v60, v10;
	v13 =	vadd.f32 v23, v13  }
0x9b: {  	v44 =	vld [tilespmem:s30+$0xB3A0];
	v18 =	vadd.f32 v22, v18;
	v22 =	vadd.f32 v37, v24;
	v23 =	vmul.f32 v36, v36  }
0x9c: {  	v19 =	vadd.f32 v54, v19;
	v27 =	vadd.f32 v32, v50;
	v56 =	vld [tilespmem:s30+$0x3370];
	v36 =	vmul.f32 v33, v33  }
0x9d: {  	v60 =	vld [tilespmem:s30+$0x3380];
	v38 =	vmul.f32 v35, v34;
	v12 =	vadd.f32 v62, v12;
	v10 =	vadd.f32 v39, v10  }
0x9e: {  	v37 =	vld [tilespmem:s30+$0x3390];
	v43 =	vmul.f32 v35, v35;
	v24 =	vadd.f32 v42, v13;
	v18 =	vadd.f32 v28, v18  }
0x9f: {  	v47 =	vld [tilespmem:s30+$0xB3B0];
	v28 =	vmul.f32 v46, v46;
	v23 =	vadd.f32 v26, v23;
	v19 =	vadd.f32 v57, v19  }
0xa0: {  	v62 =	vld [tilespmem:s30+$0xB380];
	v63 =	vadd.f32 v59, v27;
	v61 =	vmul.f32 v33, v53;
	v45 =	vmul.f32 v58, v58  }
0xa1: {  	v39 =	vld [tilespmem:s30+$0xB390];
	v12 =	vadd.f32 v40, v12;
	v25 =	vadd.f32 v28, v25;
	v40 =	vmul.f32 v34, v34  }
0xa2: {  	v42 =	vld [tilespmem:s30+$0x33A0];
	v19 =	vadd.f32 v38, v19;
	v35 =	vmul.f32 v44, v44;
	v41 =	vmul.f32 v58, v56  }
0xa3: {  	v46 =	vld [tilespmem:s30+$0x33B0];
	v50 =	vmul.f32 v60, v60;
	v54 =	vmul.f32 v37, v37;
	v13 =	vadd.f32 v12, v22  }
0xa4: {  	v38 =	vld [tilespmem:s30+$0xB3E0];
	v12 =	vadd.f32 v18, v10;
	v10 =	vadd.f32 v17, v24;
	v22 =	vmul.f32 v48, v48  }
0xa5: {  	v58 =	vld [tilespmem:s30+$0x33F0];
	v18 =	vadd.f32 v31, v49;
	v24 =	vmul.f32 v53, v53;
	v31 =	vmul.f32 v56, v56  }
0xa6: {  	v17 =	vadd.f32 $0.0e+00, v52;
	v49 =	vld [tilespmem:s30+$0x33C0];
	v48 =	vmul.f32 v62, v60;
	v51 =	vmul.f32 v62, v62  }
0xa7: {  	v25 =	vadd.f32 v36, v25;
	v52 =	vld [tilespmem:s30+$0xB3C0];
	v53 =	vmul.f32 v39, v37;
	v26 =	vmul.f32 v39, v39  }
0xa8: {  	v36 =	vld [tilespmem:s30+$0xB3D0];
	v56 =	vmul.f32 v44, v42;
	v17 =	vadd.f32 v55, v17;
	v18 =	vadd.f32 v22, v18  }
0xa9: {  	v34 =	vmul.f32 v42, v42;
	v37 =	vld [tilespmem:s30+$0x33E0];
	v23 =	vadd.f32 v24, v23;
	v22 =	vadd.f32 v43, v63  }
0xaa: {  	v57 =	vmul.f32 v47, v46;
	v60 =	vld [tilespmem:s30+$0xB3F0];
	v25 =	vadd.f32 v45, v25;
	v27 =	vadd.f32 $0.0e+00, v48  }
0xab: {  	v44 =	vld [tilespmem:s30+$0x3410];
	v24 =	vmul.f32 v47, v47;
	v29 =	vadd.f32 v35, v51;
	v17 =	vadd.f32 v61, v17  }
0xac: {  	v30 =	vmul.f32 v46, v46;
	v46 =	vld [tilespmem:s30+$0xB410];
	v18 =	vadd.f32 v40, v18;
	v23 =	vadd.f32 v31, v23  }
0xad: {  	v39 =	vld [tilespmem:s30+$0xB450];
	v24 =	vadd.f32 v24, v26;
	v59 =	vmul.f32 v52, v49;
	v61 =	vmul.f32 v49, v49  }
0xae: {  	v55 =	vld [tilespmem:s30+$0x33D0];
	v27 =	vadd.f32 v56, v27;
	v62 =	vmul.f32 v52, v52;
	v43 =	vmul.f32 v36, v36  }
0xaf: {  	v63 =	vld [tilespmem:s30+$0x3400];
	v18 =	vadd.f32 v23, v18;
	v45 =	vmul.f32 v38, v37;
	v47 =	vmul.f32 v37, v37  }
0xb0: {  	v51 =	vld [tilespmem:s30+$0xB420];
	v23 =	vadd.f32 v34, v50;
	v48 =	vmul.f32 v60, v58;
	v50 =	vmul.f32 v38, v38  }
0xb1: {  	v49 =	vld [tilespmem:s30+$0x3420];
	v17 =	vadd.f32 v41, v17;
	v34 =	vmul.f32 v58, v58;
	v52 =	vmul.f32 v60, v60  }
0xb2: {  	v56 =	vld [tilespmem:s30+$0x3440];
	v60 =	vmul.f32 v46, v44;
	v27 =	vadd.f32 v59, v27;
	v42 =	vadd.f32 v62, v29  }
0xb3: {  	v41 =	vld [tilespmem:s30+$0xB400];
	v40 =	vmul.f32 v36, v55;
	v24 =	vadd.f32 v43, v24;
	v19 =	vadd.f32 v17, v19  }
0xb4: {  	v28 =	vmul.f32 v55, v55;
	v59 =	vld [tilespmem:s30+$0xB440];
	v17 =	vadd.f32 v25, v22;
	v22 =	vadd.f32 $0.0e+00, v53  }
0xb5: {  	v62 =	vld [tilespmem:s30+$0x3450];
	v25 =	vadd.f32 v30, v54;
	v23 =	vadd.f32 v61, v23;
	v61 =	vmul.f32 v44, v44  }
0xb6: {  	v53 =	vld [tilespmem:s30+$0x3430];
	v30 =	vmul.f32 v46, v46;
	v38 =	vmul.f32 v51, v51;
	v27 =	vadd.f32 v45, v27  }
0xb7: {  	v54 =	vld [tilespmem:s30+$0xB430];
	v26 =	vadd.f32 v50, v42;
	v22 =	vadd.f32 v57, v22;
	v57 =	vmul.f32 v63, v63  }
0xb8: {  	v29 =	vadd.f32 v52, v24;
	v37 =	vmul.f32 v49, v49;
	v55 =	vmul.f32 v41, v63  }
0xb9: {  	v25 =	vadd.f32 v28, v25;
	v58 =	vmul.f32 v41, v41;
	v63 =	vmul.f32 v51, v49  }
0xba: {  	v23 =	vadd.f32 v47, v23;
	v46 =	vmul.f32 v59, v56;
	v49 =	vmul.f32 v59, v59  }
0xbb: {  	v45 =	vld [tilespmem:s30+$0x3470];
	v22 =	vadd.f32 v40, v22;
	v50 =	vmul.f32 v39, v62;
	v31 =	vmul.f32 v62, v62  }
0xbc: {  	v47 =	vld [tilespmem:s30+$0xB470];
	v25 =	vadd.f32 v34, v25;
	v44 =	vmul.f32 v54, v53;
	v33 =	vmul.f32 v53, v53  }
0xbd: {  	v41 =	vld [tilespmem:s30+$0xB460];
	v32 =	vadd.f32 v38, v58;
	v28 =	vmul.f32 v54, v54;
	v22 =	vadd.f32 v48, v22  }
0xbe: {  	v51 =	vld [tilespmem:s30+$0x3480];
	v53 =	vmul.f32 v39, v39;
	v23 =	vadd.f32 v25, v23;
	v25 =	vadd.f32 v37, v57  }
0xbf: {  	v40 =	vld [tilespmem:s30+$0x3460];
	v48 =	vmul.f32 v56, v56;
	v28 =	vadd.f32 v28, v30;
	v52 =	vadd.f32 v49, v32  }
0xc0: {  	v59 =	vld [tilespmem:s30+$0xB490];
	v37 =	vmul.f32 v45, v45;
	v24 =	vadd.f32 v22, v27;
	v22 =	vadd.f32 v29, v26  }
0xc1: {  	v54 =	vld [tilespmem:s30+$0xB480];
	v58 =	vmul.f32 v47, v45;
	v27 =	vadd.f32 $0.0e+00, v55;
	v26 =	vadd.f32 $0.0e+00, v60  }
0xc2: {  	v56 =	vld [tilespmem:s30+$0x3490];
	v62 =	vmul.f32 v47, v47;
	v29 =	vadd.f32 v33, v61;
	v25 =	vadd.f32 v48, v25  }
0xc3: {  	v45 =	vld [tilespmem:s30+$0xB4B0];
	v60 =	vmul.f32 v41, v41;
	v35 =	vmul.f32 v51, v51;
	v28 =	vadd.f32 v53, v28  }
0xc4: {  	v47 =	vld [tilespmem:s30+$0x34C0];
	v57 =	vmul.f32 v40, v40;
	v27 =	vadd.f32 v63, v27;
	v26 =	vadd.f32 v44, v26  }
0xc5: {  	v61 =	vld [tilespmem:s30+$0x34A0];
	v55 =	vmul.f32 v41, v40;
	v29 =	vadd.f32 v31, v29;
	v30 =	vadd.f32 v60, v52  }
0xc6: {  	v63 =	vld [tilespmem:s30+$0xB4A0];
	v48 =	vmul.f32 v54, v54;
	v25 =	vadd.f32 v57, v25;
	v28 =	vadd.f32 v62, v28  }
0xc7: {  	v44 =	vld [tilespmem:s30+$0x34B0];
	v49 =	vmul.f32 v59, v56;
	v52 =	vmul.f32 v56, v56;
	v27 =	vadd.f32 v46, v27  }
0xc8: {  	(xrf2) =	vadd.scan.msk.f32 $0xffff, v21;
	v38 =	vld [tilespmem:s30+$0x3530];
	v56 =	vmul.f32 v59, v59;
	v26 =	vadd.f32 v50, v26;
	v46 =	vmul.f32 v54, v51  }
0xc9: {  	(xrf2) =	vadd.scan.msk.f32 $0xffff, v20;
	v62 =	vld [tilespmem:s30+$0x34E0];
	v29 =	vadd.f32 v37, v29;
	v32 =	vmul.f32 v45, v45;
	v27 =	vadd.f32 v55, v27  }
0xca: {  	(xrf2) =	vadd.scan.msk.f32 $0xffff, v8;
	v50 =	vld [tilespmem:s30+$0xB4C0];
	v57 =	vmul.f32 v61, v61;
	v26 =	vadd.f32 v58, v26;
	v51 =	vadd.f32 $0.0e+00, v46  }
0xcb: {  	v54 =	vld [tilespmem:s30+$0x34D0];
	v55 =	vadd.f32 $0.0e+00, v49;
	v46 =	vmul.f32 v47, v47;
	v53 =	vmul.f32 v63, v61  }
0xcc: {  	v58 =	vld [tilespmem:s30+$0xB4D0];
	v60 =	vmul.f32 v63, v63;
	v61 =	vmul.f32 v45, v44;
	v35 =	vadd.f32 v57, v35  }
0xcd: {  	(xrf2) =	vadd.scan.msk.f32 $0xffff, v16;
	v31 =	vmul.f32 v44, v44;
	v63 =	vld [tilespmem:s30+$0xB4E0];
	v27 =	vadd.f32 v26, v27;
	v26 =	vadd.f32 v29, v25  }
0xce: {  	(xrf2) =	vadd.scan.msk.f32 $0xffff, v15;
	v45 =	vld [tilespmem:s30+$0x34F0];
	v25 =	vadd.f32 v28, v30;
	v30 =	vadd.f32 v32, v56;
	v57 =	vmul.f32 v62, v62  }
0xcf: {  	v59 =	vadd.f32 v53, v51;
	v21 =	vadd.f32 v60, v48;
	v44 =	vmul.f32 v50, v47;
	v47 =	vld [tilespmem:s30+$0xB4F0]  }
0xd0: {  	v20 =	vadd.f32 v61, v55;
	v29 =	vadd.f32 v31, v52;
	v48 =	vmul.f32 v50, v50;
	v50 =	vld [tilespmem:s30+$0x3500]  }
0xd1: {  	v31 =	vadd.f32 v46, v35;
	v51 =	vmul.f32 v54, v54;
	v53 =	vld [tilespmem:s30+$0xB500];
	v28 =	vadd.f32 v44, v59  }
0xd2: {  	v8, _, _ =	vpop (xrf2);
	v55 =	vld [tilespmem:s30+$0x3510];
	v49 =	vmul.f32 v58, v54;
	v52 =	vmul.f32 v58, v58;
	v21 =	vadd.f32 v48, v21  }
0xd3: {  	v42, _, _ =	vpop (xrf2);
	v61 =	vld [tilespmem:s30+$0x3520];
	v29 =	vadd.f32 v51, v29;
	v43 =	vadd.f32 v57, v31;
	v54 =	vmul.f32 v63, v62  }
0xd4: {  	v58 =	vld [tilespmem:s30+$0xB510];
	v59 =	vmul.f32 v63, v63;
	v33 =	vmul.f32 v45, v45;
	v62, _, _ =	vpop (xrf2);
	v20 =	vadd.f32 v49, v20  }
0xd5: {  	v44 =	vld [tilespmem:s30+$0xB520];
	v56 =	vadd.f32 v52, v30;
	v30 =	vbroadcast v42, $0xF;
	v31 =	vbroadcast v62, $0xF  }
0xd6: {  	v63 =	vld [tilespmem:s30+$0xB530];
	v28 =	vadd.f32 v54, v28;
	v60 =	vmul.f32 v47, v45;
	v32 =	vmul.f32 v47, v47  }
0xd7: {  	(xrf2) =	vadd.scan.msk.f32 $0xffff, v14;
	v49 =	vld [tilespmem:s30+$0x3540];
	v14, _, _ =	vpop (xrf2);
	v34 =	vadd.f32 v59, v21;
	v47 =	vmul.f32 v53, v50;
	v48 =	vmul.f32 v50, v50  }
0xd8: {  	v52 =	vld [tilespmem:s30+$0xB540];
	v29 =	vadd.f32 v33, v29;
	v50 =	vmul.f32 v53, v53;
	v54 =	vmul.f32 v55, v55;
	v46, _, _ =	vpop (xrf2)  }
0xd9: {  	v62 =	vld [tilespmem:s30+$0x3560];
	v39 =	vmul.f32 v61, v61;
	v46 =	vbroadcast v46, $0xF;
	v20 =	vadd.f32 v60, v20  }
0xda: {  	v42 =	vld [tilespmem:s30+$0x3580];
	v32 =	vadd.f32 v32, v56;
	v51 =	vmul.f32 v58, v55;
	v55 =	vmul.f32 v44, v61  }
0xdb: {  	v53 =	vadd.f32 $0.0e+00, v47;
	v56 =	vld [tilespmem:s30+$0x3550];
	v36 =	vmul.f32 v58, v58;
	v60 =	vmul.f32 v44, v44  }
0xdc: {  	v58 =	vld [tilespmem:s30+$0xB550];
	v35 =	vadd.f32 v39, v48;
	v61 =	vmul.f32 v63, v38;
	v38 =	vmul.f32 v38, v38  }
0xdd: {  	v48 =	vld [tilespmem:s30+$0x3570];
	v33 =	vmul.f32 v63, v63;
	v21 =	vadd.f32 v20, v28;
	v20 =	vadd.f32 v29, v43  }
0xde: {  	v63 =	vld [tilespmem:s30+$0xB560];
	v57 =	vadd.f32 $0.0e+00, v51;
	v59 =	vadd.f32 v55, v53;
	v47 =	vmul.f32 v52, v49  }
0xdf: {  	v45 =	vld [tilespmem:s30+$0x3590];
	v16 =	vadd.f32 v60, v50;
	v49 =	vmul.f32 v49, v49;
	v51 =	vmul.f32 v52, v52  }
0xe0: {  	v50 =	vld [tilespmem:s30+$0xB570];
	v55 =	vmul.f32 v62, v62;
	v28 =	vadd.f32 v38, v54;
	v33 =	vadd.f32 v33, v36  }
0xe1: {  	v43 =	vld [tilespmem:s30+$0xB580];
	v15 =	vadd.f32 v61, v57;
	v29 =	vadd.f32 v47, v59;
	v52 =	vmul.f32 v58, v56  }
0xe2: {  	v60 =	vld [tilespmem:s30+$0xB5A0];
	v35 =	vadd.f32 v49, v35;
	v53 =	vmul.f32 v56, v56;
	v40 =	vmul.f32 v58, v58  }
0xe3: {  	v16 =	vadd.f32 v51, v16;
	v61 =	vld [tilespmem:s30+$0x35B0];
	v59 =	vmul.f32 v48, v48;
	v54 =	vmul.f32 v63, v62  }
0xe4: {  	v49 =	vld [tilespmem:s30+$0xB5E0];
	v56 =	vmul.f32 v63, v63;
	v35 =	vadd.f32 v55, v35;
	v15 =	vadd.f32 v52, v15  }
0xe5: {  	v58 =	vld [tilespmem:s30+$0x35A0];
	v47, _, _ =	vpop (xrf2);
	v28 =	vadd.f32 v53, v28;
	v57 =	vmul.f32 v50, v48;
	v37 =	vmul.f32 v50, v50  }
0xe6: {  	v63 =	vld [tilespmem:s30+$0xB5B0];
	v33 =	vadd.f32 v40, v33;
	v47 =	vbroadcast v47, $0xF;
	v51 =	vmul.f32 v43, v42  }
0xe7: {  	v40 =	vld [tilespmem:s30+$0xB590];
	v43 =	vmul.f32 v43, v43;
	v38 =	vadd.f32 v54, v29;
	v48 =	vadd.f32 v56, v16  }
0xe8: {  	v53 =	vld [tilespmem:s30+$0xB5C0];
	v29 =	vadd.f32 v32, v34;
	v54 =	vmul.f32 v42, v42;
	v15 =	vadd.f32 v57, v15  }
0xe9: {  	v34 =	vld [tilespmem:s30+$0x35C0];
	v62 =	vadd.f32 v59, v28;
	v33 =	vadd.f32 v37, v33;
	v39 =	vmul.f32 v61, v61  }
0xea: {  	v56 =	vld [tilespmem:s30+$0x35D0];
	v32 =	vadd.f32 $0.0e+00, v51;
	v55 =	vmul.f32 v60, v58;
	v44 =	vmul.f32 v58, v58  }
0xeb: {  	v57 =	vld [tilespmem:s30+$0xB5D0];
	v58 =	vmul.f32 v60, v60;
	v28 =	vadd.f32 v15, v38;
	v16 =	vadd.f32 v62, v35  }
0xec: {  	v59 =	vld [tilespmem:s30+$0x35E0];
	v15 =	vadd.f32 v33, v48;
	v60 =	vmul.f32 v63, v61;
	v36 =	vmul.f32 v63, v63  }
0xed: {  	v51 =	vld [tilespmem:s30+$0xB610];
	v52 =	vmul.f32 v40, v45;
	v45 =	vmul.f32 v45, v45;
	v32 =	vadd.f32 v55, v32  }
0xee: {  	v61 =	vld [tilespmem:s30+$0x35F0];
	v37 =	vadd.f32 v44, v54;
	v40 =	vmul.f32 v40, v40;
	v35 =	vmul.f32 v53, v53  }
0xef: {  	v63 =	vld [tilespmem:s30+$0xB5F0];
	v38 =	vadd.f32 v58, v43;
	v62 =	vmul.f32 v53, v34;
	v34 =	vmul.f32 v34, v34  }
0xf0: {  	v44 =	vld [tilespmem:s30+$0x3600];
	v42 =	vmul.f32 v56, v56;
	v33 =	vadd.f32 $0.0e+00, v52;
	v39 =	vadd.f32 v39, v45  }
0xf1: {  	v52 =	vmul.f32 v57, v56;
	v35 =	vadd.f32 v35, v38;
	v53 =	vmul.f32 v57, v57;
	v38 =	vld [tilespmem:s30+$0xB600]  }
0xf2: {  	v36 =	vadd.f32 v36, v40;
	v54 =	vmul.f32 v49, v59;
	v48 =	vmul.f32 v59, v59;
	v59 =	vld [tilespmem:s30+$0x3620]  }
0xf3: {  	v57 =	vmul.f32 v49, v49;
	v40 =	vld [tilespmem:s30+$0x3640];
	v32 =	vadd.f32 v62, v32;
	v34 =	vadd.f32 v34, v37  }
0xf4: {  	v33 =	vadd.f32 v60, v33;
	v50 =	vmul.f32 v63, v61;
	v58 =	vmul.f32 v61, v61;
	v61 =	vld [tilespmem:s30+$0xB620]  }
0xf5: {  	v45 =	vsel vm0, v30, v46;
	v39 =	vadd.f32 v42, v39;
	v42 =	vld [tilespmem:s30+$0x3610];
	v55 =	vadd.f32 v53, v36  }
0xf6: {  	v60 =	vmul.f32 v63, v63;
	v63 =	vld [tilespmem:s30+$0x3630];
	v56 =	vadd.f32 v54, v32;
	v33 =	vadd.f32 v52, v33  }
0xf7: {  	(xrf2) =	vadd.scan.msk.f32 $0xffff, v11;
	v41 =	vmul.f32 v51, v51;
	v34 =	vadd.f32 v48, v34;
	v62 =	vadd.f32 v58, v39;
	v58 =	vld [tilespmem:s30+$0x3650]  }
0xf8: {  	(xrf2) =	vadd.scan.msk.f32 $0xffff, v9;
	v32 =	vadd.f32 v57, v35;
	v53 =	vmul.f32 v44, v44;
	v33 =	vadd.f32 v50, v33;
	v50 =	vld [tilespmem:s30+$0x3770]  }
0xf9: {  	v36 =	vadd.f32 v60, v55;
	v43 =	vmul.f32 v59, v59;
	v57 =	vmul.f32 v61, v59;
	v59 =	vld [tilespmem:s30+$0xB650]  }
0xfa: {  	v52 =	vmul.f32 v38, v44;
	v54 =	vmul.f32 v38, v38;
	v30 =	vadd.f32 v33, v56;
	v33 =	vld [tilespmem:s30+$0xB630]  }
0xfb: {  	v11 =	vadd.f32 v62, v34;
	v9 =	vadd.f32 v36, v32;
	v55 =	vmul.f32 v51, v42;
	v56 =	vld [tilespmem:s30+$0xB640]  }
0xfc: {  	(xrf2) =	vadd.scan.msk.f32 $0xffff, v4;
	v39 =	vld [tilespmem:s30+$0xB660];
	v34 =	vadd.f32 $0.0e+00, v52;
	v42 =	vmul.f32 v42, v42;
	v37 =	vmul.f32 v61, v61  }
0xfd: {  	v61 =	vld [tilespmem:s30+$0x3660];
	v62 =	vmul.f32 v63, v63;
	v36 =	vadd.f32 $0.0e+00, v55;
	v49 =	vmul.f32 v50, v50  }
0xfe: {  	v34 =	vadd.f32 v57, v34;
	v55 =	vmul.f32 v59, v58;
	v57 =	vmul.f32 v59, v59  }
0xff: {  	v35 =	vadd.f32 v43, v53;
	v53 =	vld [tilespmem:s30+$0x3670];
	v60 =	vmul.f32 v33, v63;
	v33 =	vmul.f32 v33, v33  }
0x100: {  	v31 =	vsel vm0, v31, v47;
	v46 =	vld [tilespmem:s30+$0xB690];
	v52 =	vmul.f32 v56, v40;
	v40 =	vmul.f32 v40, v40  }
0x101: {  	v4, _, _ =	vpop (xrf2);
	v32 =	vadd.f32 v37, v54;
	v54 =	vld [tilespmem:s30+$0xB670];
	v38 =	vmul.f32 v56, v56;
	v56 =	vmul.f32 v58, v58  }
0x102: {  	v44 =	vld [tilespmem:s30+$0x3680];
	v37 =	vadd.f32 v62, v42;
	v63, _, _ =	vpop (xrf2);
	v58 =	vmul.f32 v39, v61;
	v39 =	vmul.f32 v39, v39  }
0x103: {  	v59 =	vld [tilespmem:s30+$0xB680];
	v43 =	vbroadcast v63, $0xF;
	v36 =	vadd.f32 v60, v36;
	v33 =	vadd.f32 v33, v41  }
0x104: {  	v63 =	vmul.f32 v53, v53;
	v34 =	vadd.f32 v52, v34;
	v35 =	vadd.f32 v40, v35;
	v41 =	vld [tilespmem:s30+$0x3690]  }
0x105: {  	v32 =	vadd.f32 v38, v32;
	v37 =	vadd.f32 v56, v37;
	v60 =	vmul.f32 v61, v61;
	v52 =	vld [tilespmem:s30+$0x36A0]  }
0x106: {  	v62, _, _ =	vpop (xrf2);
	v61 =	vmul.f32 v54, v53;
	v53 =	vmul.f32 v54, v54;
	v54 =	vld [tilespmem:s30+$0xB6A0];
	v36 =	vadd.f32 v55, v36  }
0x107: {  	v48 =	vbroadcast v62, $0xF;
	v62 =	vld [tilespmem:s30+$0x36D0];
	v33 =	vadd.f32 v57, v33;
	v34 =	vadd.f32 v58, v34  }
0x108: {  	v43 =	vsel vm1, v45, v43;
	v35 =	vadd.f32 v60, v35;
	v37 =	vadd.f32 v63, v37;
	v55 =	vld [tilespmem:s30+$0x36B0]  }
0x109: {  	v32 =	vadd.f32 v39, v32;
	v56 =	vmul.f32 v59, v44;
	v57 =	vmul.f32 v44, v44;
	v60 =	vld [tilespmem:s30+$0xB6C0]  }
0x10a: {  	(xrf2) =	vadd.scan.msk.f32 $0xffff, v5;
	v58 =	vmul.f32 v59, v59;
	v36 =	vadd.f32 v61, v36;
	v5 =	vadd.f32 v37, v35;
	v37 =	vld [tilespmem:s30+$0x36C0]  }
0x10b: {  	v40 =	vsel vm1, v31, v48;
	v61 =	vmul.f32 v54, v52;
	v63 =	vmul.f32 v52, v52;
	v52 =	vld [tilespmem:s30+$0xB6D0]  }
0x10c: {  	v33 =	vadd.f32 v53, v33;
	v59 =	vmul.f32 v46, v41;
	v31 =	vadd.f32 v36, v34;
	v34 =	vld [tilespmem:s30+$0xB6B0]  }
0x10d: {  	(xrf2) =	vadd.scan.msk.f32 $0xffff, v3;
	v35 =	vadd.f32 $0.0e+00, v56;
	v41 =	vmul.f32 v41, v41;
	v42 =	vmul.f32 v54, v54;
	v54 =	vld [tilespmem:s30+$0x36E0]  }
0x10e: {  	(xrf2) =	vadd.scan.msk.f32 $0xffff, v1;
	v46 =	vmul.f32 v46, v46;
	v3 =	vadd.f32 v33, v32;
	v1 =	vadd.f32 $0.0e+00, v59  }
0x10f: {  	v33 =	vadd.f32 v63, v57;
	v38 =	vmul.f32 v60, v60;
	v57 =	vmul.f32 v60, v37  }
0x110: {  	v39 =	vld [tilespmem:s30+$0xB6E0];
	v32 =	vadd.f32 v42, v58;
	v37 =	vmul.f32 v37, v37;
	v58 =	vmul.f32 v52, v62  }
0x111: {  	v44 =	vld [tilespmem:s30+$0x36F0];
	v35 =	vadd.f32 v61, v35;
	v61 =	vmul.f32 v52, v52;
	v53 =	vmul.f32 v34, v55  }
0x112: {  	v32 =	vadd.f32 v38, v32;
	v38 =	vld [tilespmem:s30+$0x3700];
	v52 =	vmul.f32 v54, v54;
	v55 =	vmul.f32 v55, v55  }
0x113: {  	v63 =	vld [tilespmem:s30+$0xB700];
	v33 =	vadd.f32 v37, v33;
	v56 =	vadd.f32 v53, v1;
	v1 =	vmul.f32 v34, v34  }
0x114: {  	v59 =	vmul.f32 v62, v62;
	v36 =	vadd.f32 v55, v41;
	v41 =	vld [tilespmem:s30+$0xB6F0];
	v34 =	vadd.f32 v57, v35  }
0x115: {  	v62 =	vmul.f32 v39, v54;
	v53 =	vld [tilespmem:s30+$0x3710];
	v33 =	vadd.f32 v52, v33;
	v46 =	vadd.f32 v1, v46  }
0x116: {  	v52 =	vld [tilespmem:s30+$0xB740];
	v35 =	vadd.f32 v58, v56;
	v36 =	vadd.f32 v59, v36;
	v58 =	vmul.f32 v44, v44  }
0x117: {  	v57 =	vmul.f32 v39, v39;
	v34 =	vadd.f32 v62, v34;
	v59 =	vld [tilespmem:s30+$0x3720];
	v62 =	vmul.f32 v38, v38  }
0x118: {  	(xrf2) =	vadd.scan.msk.f32 $0xffff, v7;
	v1, _, _ =	vpop (xrf2);
	v54 =	vadd.f32 v61, v46;
	v46 =	vld [tilespmem:s30+$0xB710];
	v36 =	vadd.f32 v58, v36;
	v61 =	vmul.f32 v63, v38  }
0x119: {  	(xrf2) =	vadd.scan.msk.f32 $0xffff, v6;
	v32 =	vadd.f32 v57, v32;
	v57 =	vld [tilespmem:s30+$0xB750];
	v60, _, _ =	vpop (xrf2);
	v55 =	vmul.f32 v41, v44;
	v41 =	vmul.f32 v41, v41  }
0x11a: {  	v63 =	vmul.f32 v63, v63;
	v45 =	vbroadcast v60, $0xF;
	v56, _, _ =	vpop (xrf2);
	v60 =	vld [tilespmem:s30+$0xB720];
	v33 =	vadd.f32 v36, v33  }
0x11b: {  	(xrf2) =	vadd.scan.msk.f32 $0xffff, v2;
	v36 =	vld [tilespmem:s30+$0x3740];
	v7 =	vadd.f32 $0.0e+00, v61;
	v6 =	vbroadcast v56, $0xF;
	v2 =	vadd.f32 v41, v54  }
0x11c: {  	v35 =	vadd.f32 v55, v35;
	v55 =	vld [tilespmem:s30+$0x3750];
	v44 =	vmul.f32 v59, v59;
	v43 =	vsel vm2, v43, v45  }
0x11d: {  	v37 =	vld [tilespmem:s30+$0x3730];
	v39 =	vsel vm2, v40, v6;
	v32 =	vadd.f32 v2, v32;
	v2 =	vmul.f32 v46, v53  }
0x11e: {  	v34 =	vadd.f32 v35, v34;
	v6 =	vld [tilespmem:s30+$0xB730];
	v53 =	vmul.f32 v53, v53;
	v58 =	vmul.f32 v46, v46  }
0x11f: {  	v51 =	vld [tilespmem:s30+$0xB770];
	v54 =	vmul.f32 v60, v59;
	v56 =	vadd.f32 $0.0e+00, v2;
	v42 =	vmul.f32 v60, v60  }
0x120: {  	(xrf2) =	vadd.scan.msk.f32 $0xffff, v13;
	v46 =	vld [tilespmem:s30+$0x3760];
	v60 =	vadd.f32 v44, v62;
	v48 =	vmul.f32 v52, v36;
	v36 =	vmul.f32 v36, v36  }
0x121: {  	(xrf2) =	vadd.scan.msk.f32 $0xffff, v12;
	v38 =	vld [tilespmem:s30+$0xB760];
	v52 =	vmul.f32 v52, v52;
	v7 =	vadd.f32 v54, v7;
	v54 =	vmul.f32 v57, v55  }
0x122: {  	(xrf2) =	vadd.scan.msk.f32 $0xffff, v10;
	v2, _, _ =	vpop (xrf2);
	v61 =	vadd.f32 v42, v63;
	v55 =	vmul.f32 v55, v55;
	v57 =	vmul.f32 v57, v57  }
0x123: {  	(xrf2) =	vadd.scan.msk.f32 $0xffff, v19;
	v40 =	vld [tilespmem:s30+$0x3790];
	v12 =	vadd.f32 v36, v60;
	v59 =	vmul.f32 v6, v37;
	v37 =	vmul.f32 v37, v37;
	v62, _, _ =	vpop (xrf2)  }
0x124: {  	(xrf2) =	vadd.scan.msk.f32 $0xffff, v18;
	v18 =	vld [tilespmem:s30+$0x3780];
	v6 =	vmul.f32 v6, v6;
	v19 =	vbroadcast v62, $0xF;
	v7 =	vadd.f32 v48, v7  }
0x125: {  	v42 =	vld [tilespmem:s30+$0xB780];
	v13 =	vadd.f32 v52, v61;
	v61 =	vmul.f32 v46, v46;
	v37 =	vadd.f32 v37, v53;
	v53, _, _ =	vpop (xrf2);
	(xrf2) =	vadd.scan.msk.f32 $0xffff, v17  }
0x126: {  	v36 =	vld [tilespmem:s30+$0xB790];
	v62 =	vmul.f32 v51, v50;
	v48 =	vmul.f32 v38, v38;
	v6 =	vadd.f32 v6, v58;
	(xrf2) =	vadd.scan.msk.f32 $0xffff, v24  }
0x127: {  	v50 =	vld [tilespmem:s30+$0xB7A0];
	v51 =	vmul.f32 v51, v51;
	v63 =	vadd.f32 v59, v56;
	v59 =	vmul.f32 v38, v46;
	(xrf2) =	vadd.scan.msk.f32 $0xffff, v23  }
0x128: {  	v52 =	vld [tilespmem:s30+$0x37B0];
	v56 =	vbroadcast v53, $0xF;
	v12 =	vadd.f32 v61, v12;
	v13 =	vadd.f32 v48, v13;
	(xrf2) =	vadd.scan.msk.f32 $0xffff, v22  }
0x129: {  	v19 =	vsel vm3, v43, v19;
	v10 =	vadd.f32 v54, v63;
	v63 =	vld [tilespmem:s30+$0x37A0];
	v7 =	vadd.f32 v59, v7;
	(xrf2) =	vadd.scan.msk.f32 $0xffff, v27  }
0x12a: {  	v58 =	vadd.f32 v55, v37;
	v60 =	vadd.f32 v57, v6;
	v23 =	vld [tilespmem:s30+$0xB7B0];
	v54 =	vmul.f32 v42, v18;
	v6, _, _ =	vpop (xrf2);
	(xrf2) =	vadd.scan.msk.f32 $0xffff, v26  }
0x12b: {  	v55 =	vmul.f32 v18, v18;
	v18 =	vld [tilespmem:s30+$0xB7C0];
	v57 =	vmul.f32 v36, v40;
	v10 =	vadd.f32 v62, v10;
	v37, _, _ =	vpop (xrf2);
	(xrf2) =	vadd.scan.msk.f32 $0xffff, v25  }
0x12c: {  	v24 =	vsel vm3, v39, v56;
	v56 =	vmul.f32 v42, v42;
	v42 =	vld [tilespmem:s30+$0xB7D0];
	v17 =	vadd.f32 v49, v58;
	v25, _, _ =	vpop (xrf2);
	(xrf2) =	vadd.scan.msk.f32 $0xffff, v21  }
0x12d: {  	v40 =	vmul.f32 v40, v40;
	v53 =	vadd.f32 v51, v60;
	v62 =	vld [tilespmem:s30+$0x37E0];
	v22 =	vadd.f32 v10, v7;
	v7, _, _ =	vpop (xrf2);
	(xrf2) =	vadd.scan.msk.f32 $0xffff, v20  }
0x12e: {  	v58 =	vadd.f32 $0.0e+00, v54;
	v38 =	vmul.f32 v50, v50;
	v26 =	vld [tilespmem:s30+$0x37C0];
	v43 =	vbroadcast v37, $0xF;
	v20, _, _ =	vpop (xrf2);
	(xrf2) =	vadd.scan.msk.f32 $0xffff, v29  }
0x12f: {  	v60 =	vadd.f32 $0.0e+00, v57;
	v49 =	vld [tilespmem:s30+$0xB7E0];
	v59 =	vmul.f32 v50, v63;
	v61 =	vmul.f32 v63, v63;
	v39, _, _ =	vpop (xrf2);
	(xrf2) =	vadd.scan.msk.f32 $0xffff, v28  }
0x130: {  	v17 =	vadd.f32 v17, v12;
	v63 =	vmul.f32 v36, v36;
	v48 =	vmul.f32 v23, v52;
	v29 =	vld [tilespmem:s30+$0x37D0];
	v10, _, _ =	vpop (xrf2);
	(xrf2) =	vadd.scan.msk.f32 $0xffff, v16  }
0x131: {  	v51 =	vld [tilespmem:s30+$0x37F0];
	v13 =	vadd.f32 v53, v13;
	v50 =	vmul.f32 v52, v52;
	v53 =	vmul.f32 v23, v23;
	v44, _, _ =	vpop (xrf2);
	(xrf2) =	vadd.scan.msk.f32 $0xffff, v15  }
0x132: {  	v27 =	vadd.f32 v61, v55;
	v52 =	vadd.f32 v48, v60;
	v55 =	vld [tilespmem:s30+$0xB7F0];
	v60 =	vmul.f32 v42, v42;
	v45, _, _ =	vpop (xrf2);
	(xrf2) =	vadd.scan.msk.f32 $0xffff, v30  }
0x133: {  	v21 =	vadd.f32 v38, v56;
	v54 =	vmul.f32 v18, v26;
	v26 =	vmul.f32 v26, v26;
	v12, _, _ =	vpop (xrf2);
	(xrf2) =	vadd.scan.msk.f32 $0xffff, v11  }
0x134: {  	v61 =	vmul.f32 v49, v62;
	v62 =	vmul.f32 v62, v62;
	v28 =	vadd.f32 v59, v58;
	v38, _, _ =	vpop (xrf2);
	(xrf2) =	vadd.scan.msk.f32 $0xffff, v9  }
0x135: {  	v15 =	vadd.f32 v53, v63;
	v30 =	vadd.f32 v50, v40;
	v57 =	vmul.f32 v42, v29;
	v40, _, _ =	vpop (xrf2);
	(xrf2) =	vadd.scan.msk.f32 $0xffff, v31  }
0x136: {  	v18 =	vmul.f32 v18, v18;
	v56 =	vadd.f32 v54, v28;
	v58 =	vadd.f32 v26, v27;
	v9, _, _ =	vpop (xrf2);
	(xrf2) =	vadd.scan.msk.f32 $0xffff, v5  }
0x137: {  	v59 =	vmul.f32 v29, v29;
	v63 =	vmul.f32 v55, v51;
	v11 =	vadd.f32 v57, v52;
	v26, _, _ =	vpop (xrf2);
	(xrf2) =	vadd.scan.msk.f32 $0xffff, v3  }
0x138: {  	v41 =	vmul.f32 v49, v49;
	v18 =	vadd.f32 v18, v21;
	v16 =	vadd.f32 v61, v56;
	v28, _, _ =	vpop (xrf2);
	(xrf2) =	vadd.scan.msk.f32 $0xffff, v34  }
0x139: {  	v21 =	vadd.f32 v59, v30;
	v11 =	vadd.f32 v63, v11;
	v34 =	vmul.f32 v51, v51;
	v3, _, _ =	vpop (xrf2);
	(xrf2) =	vadd.scan.msk.f32 $0xffff, v33  }
0x13a: {  	v15 =	vadd.f32 v60, v15;
	v46 =	vmul.f32 v55, v55;
	v5 =	vadd.f32 v62, v58;
	v35, _, _ =	vpop (xrf2);
	(xrf2) =	vadd.scan.msk.f32 $0xffff, v32  }
0x13b: {  	v48 =	vbroadcast v25, $0xF;
	v11 =	vadd.f32 v11, v16;
	v21 =	vadd.f32 v34, v21;
	v42, _, _ =	vpop (xrf2);
	(xrf2) =	vadd.scan.msk.f32 $0xffff, v22  }
0x13c: {  	v49 =	vsel vm4, v19, v43;
	v47 =	vadd.f32 v41, v18;
	v51 =	vadd.f32 v46, v15;
	v31, _, _ =	vpop (xrf2);
	(xrf2) =	vadd.scan.msk.f32 $0xffff, v17  }
0x13d: {  	v53 =	vbroadcast v20, $0xF;
	v54 =	vbroadcast v39, $0xF;
	v5 =	vadd.f32 v21, v5;
	v50, _, _ =	vpop (xrf2);
	(xrf2) =	vadd.scan.msk.f32 $0xffff, v13  }
0x13e: {  	v52 =	vsel vm4, v24, v48;
	v57 =	vbroadcast v45, $0xF;
	v13 =	vadd.f32 v51, v47;
	v55, _, _ =	vpop (xrf2);
	(xrf2) =	vadd.scan.msk.f32 $0xffff, v11  }
0x13f: {  	v56 =	vbroadcast v44, $0xF;
	v60 =	vbroadcast v40, $0xF;
	v15 =	vsel vm5, v52, v54;
	v11, _, _ =	vpop (xrf2);
	(xrf2) =	vadd.scan.msk.f32 $0xffff, v5  }
0x140: {  	v59 =	vbroadcast v38, $0xF;
	v62 =	vbroadcast v26, $0xF;
	v15 =	vsel vm6, v15, v57;
	v58, _, _ =	vpop (xrf2);
	(xrf2) =	vadd.scan.msk.f32 $0xffff, v13  }
0x141: {  	v16 =	vsel vm5, v49, v53;
	v63 =	vbroadcast v28, $0xF;
	v15 =	vsel vm7, v15, v60;
	v61, _, _ =	vpop (xrf2)  }
0x142: {  	v29 =	vbroadcast v35, $0xF;
	v30 =	vbroadcast v42, $0xF;
	v5 =	vsel vm6, v16, v56;
	v13, _, _ =	vpop (xrf2)  }
0x143: {  	v15 =	vsel vm8, v15, v63;
	v37 =	vbroadcast v55, $0xF;
	v5 =	vsel vm7, v5, v59;
	v28, _, _ =	vpop (xrf2)  }
0x144: {  	v33 =	vbroadcast v50, $0xF;
	v15 =	vsel vm9, v15, v30;
	v5 =	vsel vm8, v5, v62;
	v32, _, _ =	vpop (xrf2)  }
0x145: {  	v35 =	vbroadcast v58, $0xF;
	v15 =	vsel vm10, v15, v37;
	v5 =	vsel vm9, v5, v29;
	v34, _, _ =	vpop (xrf2)  }
0x146: {  	v40 =	vbroadcast v61, $0xF;
	v5 =	vsel vm10, v5, v33;
	v38 =	vbroadcast v28, $0xF;
	v36, _, _ =	vpop (xrf2)  }
0x147: {  	v5 =	vsel vm11, v5, v35;
	v42 =	vbroadcast v32, $0xF;
	v39, _, _ =	vpop (xrf2);
	v17 =	vbroadcast v36, $0xF  }
0x148: {  	v15 =	vsel vm11, v15, v40;
	v5 =	vsel vm12, v5, v38;
	v41, _, _ =	vpop (xrf2);
	v44 =	vbroadcast v39, $0xF  }
0x149: {  	v15 =	vsel vm12, v15, v42;
	v43, _, _ =	vpop (xrf2);
	v5 =	vsel vm13, v5, v17  }
0x14a: {  	v5 =	vsel vm14, v5, v43;
	v15 =	vsel vm13, v15, v44;
	v45, _, _ =	vpop (xrf2)  }
0x14b: {  	v46 =	vshra.s32 v5, $0x1;
	v15 =	vsel vm14, v15, v45  }
0x14c: {  	v47 =	vmul.f32 $5.000000000e-01, v5;
	v49 =	vshra.s32 v15, $0x1;
	v50 =	vmul.f32 $5.000000000e-01, v15  }
0x14d: {  	v48 =	vsub.s32 $0x5F3759DF, v46;
	v21 =	vsub.s32 $0x5F3759DF, v49  }
0x14e: {  	v17 =	vmul.f32 v48, v47;
	v51 =	vmul.f32 v21, v50;
	_ =	sdelay $0x1  }
0x14f: {  	v17 =	vmul.f32 v48, v17;
	v23 =	vmul.f32 v21, v51;
	_ =	sdelay $0x1  }
0x150: {  	v17 =	vsub.f32 $1.500000000e+00, v17;
	v52 =	vsub.f32 $1.500000000e+00, v23;
	_ =	sdelay $0x1  }
0x151: {  	v16 =	vmul.f32 v48, v17;
	v17 =	vmul.f32 v21, v52;
	_ =	sdelay $0x1  }
0x152: {  	v53 =	vmul.f32 v16, v47;
	v55 =	vmul.f32 v17, v50;
	_ =	sdelay $0x1  }
0x153: {  	v54 =	vmul.f32 v53, v16;
	v23 =	vmul.f32 v55, v17;
	_ =	sdelay $0x1  }
0x154: {  	v21 =	vsub.f32 $1.500000000e+00, v54;
	v56 =	vsub.f32 $1.500000000e+00, v23;
	_ =	sdelay $0x1  }
0x155: {  	v16 =	vmul.f32 v21, v16;
	v17 =	vmul.f32 v56, v17;
	_ =	sdelay $0x1  }
0x156: {  	v18 =	vmul.f32 v16, v47;
	v21 =	vmul.f32 v17, v50;
	_ =	sdelay $0x1  }
0x157: {  	v18 =	vmul.f32 v18, v16;
	v21 =	vmul.f32 v21, v17  }
0x158: {  	v8 =	vbroadcast v8, $0xF  }
0x159: {  	v14 =	vbroadcast v14, $0xF;
	v18 =	vsub.f32 $1.500000000e+00, v18;
	v57 =	vsub.f32 $1.500000000e+00, v21  }
0x15a: {  	v4 =	vbroadcast v4, $0xF;
	v1 =	vbroadcast v1, $0xF  }
0x15b: {  	v8 =	vsel vm0, v8, v14;
	v16 =	vmul.f32 v18, v16;
	v17 =	vmul.f32 v57, v17  }
0x15c: {  	v4 =	vsel vm1, v8, v4;
	v2 =	vbroadcast v2, $0xF  }
0x15d: {  	v1 =	vsel vm2, v4, v1;
	v5 =	vmul.f32 v16, v5;
	v58 =	vmul.f32 v17, v15  }
0x15e: {  	v1 =	vsel vm3, v1, v2;
	v59 =	vbroadcast v6, $0xF  }
0x15f: {  	v2 =	vbroadcast v7, $0xF;
	v5 =	vmax.f32 v5, $9.999999930e-09;
	v60 =	vmax.f32 v58, $9.999999930e-09  }
0x160: {  	v1 =	vsel vm4, v1, v59;
	v61 =	vbroadcast v10, $0xF;
	v5 =	vmul.f32 v60, v5  }
0x161: {  	v1 =	vsel vm5, v1, v2;
	v2 =	vbroadcast v12, $0xF  }
0x162: {  	v62 =	vbroadcast v9, $0xF;
	v1 =	vsel vm6, v1, v61;
	(erf) = vrcp.f32 v5  }
0x163: {  	v1 =	vsel vm7, v1, v2;
	v2 =	vbroadcast v3, $0xF  }
0x164: {  	v3 =	vbroadcast v31, $0xF;
	v1 =	vsel vm8, v1, v62  }
0x165: {  	v1 =	vsel vm9, v1, v2;
	v2 =	vbroadcast v11, $0xF  }
0x166: {  	v1 =	vsel vm10, v1, v3  }
0x167: {  	v3 =	vbroadcast v13, $0xF;
	v1 =	vsel vm11, v1, v2;
	v2 =	vbroadcast v34, $0xF;
	_ =	sdelay $0x1  }
0x168: {  	v1 =	vsel vm12, v1, v3  }
0x169: {  	v1 =	vsel vm13, v1, v2  }
0x16a: {  	v1 =	vsel vm14, v1, v41;
	v2 =	vpop (erf)  }
0x16b: {  	v1 =	vmul.f32 v2, v1;
	_ =	sdelay $0x1  }
0x16c: {  	v1 =	vmul.f32 $1.000000000e+01, v1;
	_ =	sdelay $0x1  }
0x16d: {  	v2 =	vadd.f32 $-1.000000000e+01, v1;
	_ =	sdelay $0x1  }
0x16e: {  	v2 =	vmul.f32 $1.442695020e+00, v2;
	_ =	sdelay $0x1  }
0x16f: {  	(erf) = vpow2.f32 v2;
	_ =	sdelay $0x3  }
0x170: {  	s31 =	sshll.u32 s29, $0x4;
	v3 =	vld [tilespmem:$0x13010]  }
0x171: {  	s30 =	sadd.s32 s28, s31;
	v2 =	vld [tilespmem:$0x13000]  }
0x172: {  	p0 =	slt.u32 s30, $0x10000  }
0x173: {  	v1 =	vpsel !p0, $0x0, v1;
	p0 =	sne.s32 s29, $0x7  }
.Ltmp0:
0x174: {  	_ = 	snop;
	(pc) =	sbr.rel @p0 .LBB2_3-.Ltmp0, $4  }
0x175: {  	v1 =	vadd.f32 v1, v3;
	v63 =	vpop (erf)  }
0x176: {  	v2 =	vadd.f32 v63, v2  }
0x177: {  	[tilespmem:$0x13010] =	vst v1  }
0x178: {  	s29 =	sadd.s32 $0x1, s29;
	[tilespmem:$0x13000] =	vst v2  }
0x179: {  	p0 =	seq.s32 s24, $0x17  }
0x17a: {  	s28 =	sadd.s32 @!p0 $0x100, s26;
	s29 =	simm.s32 @!p0 $0x80;
	s30 =	simm.s32 @!p0 $0x3000  }
0x17b: {  	[tilespmem:s30], [sflag:$0x1] =	stream.indirect.gather @!p0 [hbm4b:s2+s29], $0x80, s28, s29, $0xb8;
	[tilespmem:$0x13020] =	vst v63  }
0x17c: {  	s26 =	sadd.s32 @!p0 $0x1900, s26;
	s28 =	simm.s32 @!p0 $0xB000  }
0x17d: {  	[tilespmem:s28], [sflag:$0x3] =	stream.indirect.gather @!p0 [hbm4b:s2+s29], $0x80, s26, s29, $0xb8;
	[tilespmem:$0x13020] =	vst v63  }
0x17e: {  	_ =	swait.ge [sflag:s19], $0x4000  }
0x17f: {  	[sflag:s19] =	ssyncset.done $0x0  }
0x180: {  	[sflag:s19] =	ssyncadd.s32 $0xFFFFC000  }
0x181: {  	_ =	swait.ge [sflag:s20], $0x4000  }
0x182: {  	[sflag:s20] =	ssyncset.done $0x0  }
0x183: {  	s25 =	sadd.s32 s4, s25;
	s26 =	simm.s32 $0x0;
	[sflag:s20] =	ssyncadd.s32 $0xFFFFC000  }
.LBB2_5:
0x184: {  	s28 =	sshll.u32 s26, $0xB  }
0x185: {  	v1 =	vld [tilespmem:s28+$0x7000]  }
0x186: {  	v2 =	vld [tilespmem:s28+$0xF000]  }
0x187: {  	v3 =	vld [tilespmem:s28+$0x7010]  }
0x188: {  	v4 =	vld [tilespmem:s28+$0xF010]  }
0x189: {  	v5 =	vld [tilespmem:s28+$0x7020]  }
0x18a: {  	v6 =	vld [tilespmem:s28+$0xF020]  }
0x18b: {  	v7 =	vld [tilespmem:s28+$0x7030]  }
0x18c: {  	v8 =	vld [tilespmem:s28+$0xF030]  }
0x18d: {  	v10 =	vld [tilespmem:s28+$0x7040]  }
0x18e: {  	v11 =	vld [tilespmem:s28+$0xF040]  }
0x18f: {  	v13 =	vld [tilespmem:s28+$0x7050]  }
0x190: {  	v15 =	vld [tilespmem:s28+$0xF050]  }
0x191: {  	v16 =	vld [tilespmem:s28+$0x7060]  }
0x192: {  	v17 =	vld [tilespmem:s28+$0xF060]  }
0x193: {  	v29 =	vld [tilespmem:s28+$0x7070]  }
0x194: {  	v32 =	vld [tilespmem:s28+$0xF070]  }
0x195: {  	v35 =	vld [tilespmem:s28+$0x7080];
	v9 =	vmul.f32 v2, v1;
	v1 =	vmul.f32 v1, v1  }
0x196: {  	v37 =	vld [tilespmem:s28+$0xF080];
	v2 =	vmul.f32 v2, v2;
	v12 =	vmul.f32 v4, v3  }
0x197: {  	v39 =	vld [tilespmem:s28+$0x7090];
	v3 =	vmul.f32 v3, v3;
	v4 =	vmul.f32 v4, v4  }
0x198: {  	v41 =	vld [tilespmem:s28+$0xF090];
	v14 =	vmul.f32 v6, v5;
	v5 =	vmul.f32 v5, v5  }
0x199: {  	v44 =	vld [tilespmem:s28+$0x70A0];
	v6 =	vmul.f32 v6, v6;
	v27 =	vmul.f32 v8, v7  }
0x19a: {  	v46 =	vld [tilespmem:s28+$0xF0A0];
	v7 =	vmul.f32 v7, v7;
	v28 =	vmul.f32 v8, v8  }
0x19b: {  	v49 =	vld [tilespmem:s28+$0x70B0];
	v31 =	vmul.f32 v11, v10;
	v33 =	vmul.f32 v10, v10  }
0x19c: {  	v50 =	vld [tilespmem:s28+$0xF0B0];
	v34 =	vmul.f32 v11, v11;
	v36 =	vmul.f32 v15, v13  }
0x19d: {  	v52 =	vld [tilespmem:s28+$0x70C0];
	v13 =	vmul.f32 v13, v13;
	v38 =	vmul.f32 v15, v15  }
0x19e: {  	v53 =	vld [tilespmem:s28+$0xF0C0];
	v40 =	vmul.f32 v17, v16;
	v42 =	vmul.f32 v16, v16  }
0x19f: {  	v55 =	vld [tilespmem:s28+$0x70D0];
	v43 =	vmul.f32 v32, v29;
	v45 =	vmul.f32 v17, v17  }
0x1a0: {  	v58 =	vld [tilespmem:s28+$0xF0D0];
	v48 =	vmul.f32 v32, v32;
	v51 =	vmul.f32 v37, v35  }
0x1a1: {  	v54 =	vmul.f32 v39, v39;
	v56 =	vmul.f32 v41, v41  }
0x1a2: {  	v61 =	vld [tilespmem:s28+$0x70E0];
	v57 =	vmul.f32 v46, v44;
	v59 =	vmul.f32 v44, v44  }
0x1a3: {  	v18 =	vld [tilespmem:s28+$0xF0E0];
	v60 =	vmul.f32 v46, v46;
	v62 =	vmul.f32 v50, v49  }
0x1a4: {  	v63 =	vld [tilespmem:s28+$0x70F0];
	v22 =	vmul.f32 v53, v52;
	v9 =	vadd.f32 $0.0e+00, v9;
	v12 =	vadd.f32 $0.0e+00, v12  }
0x1a5: {  	v23 =	vld [tilespmem:s28+$0xF0F0];
	v25 =	vmul.f32 v58, v55;
	v1 =	vadd.f32 v5, v1;
	v2 =	vadd.f32 v6, v2  }
0x1a6: {  	v19 =	vld [tilespmem:s28+$0xF100];
	v10 =	vmul.f32 v55, v55;
	v3 =	vadd.f32 v7, v3;
	v4 =	vadd.f32 v28, v4  }
0x1a7: {  	v26 =	vmul.f32 v58, v58;
	v32 =	vld [tilespmem:s28+$0x7120];
	v5 =	vadd.f32 $0.0e+00, v51;
	v9 =	vadd.f32 v14, v9  }
0x1a8: {  	v6 =	vmul.f32 v29, v29;
	v29 =	vld [tilespmem:s28+$0xF110];
	v30 =	vadd.f32 v27, v12;
	v1 =	vadd.f32 v33, v1  }
0x1a9: {  	v15 =	vmul.f32 v63, v63;
	v2 =	vadd.f32 v34, v2;
	v3 =	vadd.f32 v13, v3;
	v27 =	vld [tilespmem:s28+$0x7110]  }
0x1aa: {  	v28 =	vmul.f32 v18, v61;
	v4 =	vadd.f32 v38, v4;
	v5 =	vadd.f32 v57, v5;
	v34 =	vld [tilespmem:s28+$0xF120]  }
0x1ab: {  	v12 =	vmul.f32 v49, v49;
	v38 =	vld [tilespmem:s28+$0x7140];
	v7 =	vadd.f32 v31, v9;
	v8 =	vadd.f32 v36, v30  }
0x1ac: {  	v33 =	vmul.f32 v18, v18;
	v49 =	vld [tilespmem:s28+$0xF170];
	v1 =	vadd.f32 v42, v1;
	v2 =	vadd.f32 v45, v2  }
0x1ad: {  	v17 =	vmul.f32 v32, v32;
	v3 =	vadd.f32 v6, v3;
	v4 =	vadd.f32 v48, v4;
	v36 =	vld [tilespmem:s28+$0x7130]  }
0x1ae: {  	v6 =	vmul.f32 v50, v50;
	v9 =	vmul.f32 v53, v53;
	v5 =	vadd.f32 v22, v5;
	v42 =	vld [tilespmem:s28+$0x7150]  }
0x1af: {  	v30 =	vmul.f32 v61, v61;
	v31 =	vmul.f32 v23, v63;
	v45 =	vld [tilespmem:s28+$0xF150];
	v7 =	vadd.f32 v40, v7  }
0x1b0: {  	v22 =	vld [tilespmem:s28+$0x7160];
	v47 =	vadd.f32 v43, v8;
	v20 =	vadd.f32 v3, v1;
	v1 =	vmul.f32 v35, v35  }
0x1b1: {  	v61 =	vld [tilespmem:s28+$0xF1A0];
	v3 =	vmul.f32 v37, v37;
	v8 =	vadd.f32 v4, v2;
	v2 =	vmul.f32 v41, v39  }
0x1b2: {  	v63 =	vld [tilespmem:s28+$0x71B0];
	v4 =	vadd.f32 v12, v54;
	v6 =	vadd.f32 v6, v56;
	v35 =	vmul.f32 v23, v23  }
0x1b3: {  	v5 =	vadd.f32 v28, v5;
	v37 =	vld [tilespmem:s28+$0xF130];
	v39 =	vmul.f32 v19, v19;
	v43 =	vmul.f32 v29, v29  }
0x1b4: {  	v40 =	vld [tilespmem:s28+$0xF140];
	v41 =	vmul.f32 v27, v27;
	v44 =	vmul.f32 v34, v32;
	v21 =	vadd.f32 v47, v7  }
0x1b5: {  	v23 =	vld [tilespmem:s28+$0xF160];
	v18 =	vmul.f32 v34, v34;
	v2 =	vadd.f32 $0.0e+00, v2;
	v1 =	vadd.f32 v59, v1  }
0x1b6: {  	v56 =	vld [tilespmem:s28+$0xF190];
	v3 =	vadd.f32 v60, v3;
	v7 =	vmul.f32 v52, v52;
	v4 =	vadd.f32 v10, v4  }
0x1b7: {  	v28 =	vld [tilespmem:s28+$0xF1B0];
	v6 =	vadd.f32 v26, v6;
	v13 =	vmul.f32 v36, v36;
	v51 =	vmul.f32 v45, v42  }
0x1b8: {  	v32 =	vld [tilespmem:s28+$0x71D0];
	v53 =	vmul.f32 v45, v45;
	v57 =	vmul.f32 v22, v22;
	v2 =	vadd.f32 v62, v2  }
0x1b9: {  	v47 =	vld [tilespmem:s28+$0x7170];
	v3 =	vadd.f32 v9, v3;
	v9 =	vmul.f32 v42, v42;
	v62 =	vmul.f32 v49, v49  }
0x1ba: {  	v59 =	vld [tilespmem:s28+$0x71A0];
	v1 =	vadd.f32 v7, v1;
	v46 =	vmul.f32 v37, v36;
	v10 =	vmul.f32 v37, v37  }
0x1bb: {  	v26 =	vld [tilespmem:s28+$0xF1E0];
	v4 =	vadd.f32 v15, v4;
	v48 =	vmul.f32 v40, v38;
	v7 =	vmul.f32 v40, v40  }
0x1bc: {  	v24 =	vld [tilespmem:s28+$0x7100];
	v6 =	vadd.f32 v35, v6;
	v55 =	vmul.f32 v23, v22;
	v60 =	vmul.f32 v23, v23  }
0x1bd: {  	v50 =	vld [tilespmem:s28+$0x7180];
	v23 =	vmul.f32 v61, v61;
	v35 =	vmul.f32 v28, v63;
	v2 =	vadd.f32 v25, v2  }
0x1be: {  	v52 =	vld [tilespmem:s28+$0xF180];
	v3 =	vadd.f32 v33, v3;
	v33 =	vmul.f32 v56, v56;
	v12 =	vmul.f32 v32, v32  }
0x1bf: {  	v54 =	vld [tilespmem:s28+$0x7190];
	v1 =	vadd.f32 v30, v1;
	v58 =	vmul.f32 v49, v47;
	v34 =	vmul.f32 v61, v59  }
0x1c0: {  	v45 =	vld [tilespmem:s28+$0xF210];
	v10 =	vadd.f32 v10, v43;
	v22 =	vmul.f32 v59, v59;
	v49 =	vmul.f32 v26, v26  }
0x1c1: {  	v36 =	vld [tilespmem:s28+$0x71F0];
	v2 =	vadd.f32 v31, v2;
	v15 =	vadd.f32 v4, v1;
	v1 =	vmul.f32 v24, v24  }
0x1c2: {  	v30 =	vld [tilespmem:s28+$0xF1C0];
	v14 =	vadd.f32 v6, v3;
	v3 =	vmul.f32 v29, v27;
	v4 =	vadd.f32 v18, v39  }
0x1c3: {  	v25 =	vld [tilespmem:s28+$0x71E0];
	v6 =	vadd.f32 v13, v41;
	v29 =	vmul.f32 v52, v52;
	v13 =	vmul.f32 v63, v63  }
0x1c4: {  	v43 =	vld [tilespmem:s28+$0x7210];
	v16 =	vadd.f32 v2, v5;
	v2 =	vmul.f32 v19, v24;
	v3 =	vadd.f32 $0.0e+00, v3  }
0x1c5: {  	v61 =	vld [tilespmem:s28+$0x7270];
	v1 =	vadd.f32 v17, v1;
	v5 =	vmul.f32 v38, v38;
	v4 =	vadd.f32 v7, v4  }
0x1c6: {  	v39 =	vld [tilespmem:s28+$0x7200];
	v6 =	vadd.f32 v9, v6;
	v17 =	vmul.f32 v47, v47;
	v2 =	vadd.f32 $0.0e+00, v2  }
0x1c7: {  	v41 =	vld [tilespmem:s28+$0xF200];
	v7 =	vmul.f32 v54, v54;
	v3 =	vadd.f32 v46, v3;
	v1 =	vadd.f32 v5, v1  }
0x1c8: {  	v31 =	vmul.f32 v56, v54;
	v56 =	vld [tilespmem:s28+$0xF240];
	v5 =	vadd.f32 v53, v10;
	v4 =	vadd.f32 v60, v4  }
0x1c9: {  	v24 =	vld [tilespmem:s28+$0xF1D0];
	v6 =	vadd.f32 v17, v6;
	v17 =	vmul.f32 v28, v28;
	v7 =	vadd.f32 v13, v7  }
0x1ca: {  	v38 =	vld [tilespmem:s28+$0xF1F0];
	v10 =	vmul.f32 v30, v30;
	v46 =	vmul.f32 v25, v25;
	v2 =	vadd.f32 v44, v2  }
0x1cb: {  	v27 =	vld [tilespmem:s28+$0xF250];
	v13 =	vmul.f32 v45, v45;
	v3 =	vadd.f32 v51, v3;
	v1 =	vadd.f32 v57, v1  }
0x1cc: {  	v54 =	vld [tilespmem:s28+$0x7240];
	v18 =	vmul.f32 v39, v39;
	v5 =	vadd.f32 v62, v5;
	v17 =	vadd.f32 v17, v33  }
0x1cd: {  	v63 =	vld [tilespmem:s28+$0xF270];
	v7 =	vadd.f32 v12, v7;
	v44 =	vmul.f32 v26, v25;
	v57 =	vmul.f32 v45, v43  }
0x1ce: {  	v53 =	vld [tilespmem:s28+$0xF230];
	v40 =	vmul.f32 v24, v32;
	v42 =	vmul.f32 v24, v24;
	v2 =	vadd.f32 v48, v2  }
0x1cf: {  	v45 =	vld [tilespmem:s28+$0x72B0];
	v47 =	vmul.f32 v38, v36;
	v51 =	vmul.f32 v38, v38;
	v3 =	vadd.f32 v58, v3  }
0x1d0: {  	v9 =	vadd.f32 v6, v1;
	v1 =	vmul.f32 v50, v50;
	v48 =	vld [tilespmem:s28+$0x7220];
	v2 =	vadd.f32 v55, v2  }
0x1d1: {  	v62 =	vmul.f32 v56, v54;
	v4 =	vadd.f32 v5, v4;
	v5 =	vadd.f32 $0.0e+00, v31;
	v58 =	vld [tilespmem:s28+$0x7250]  }
0x1d2: {  	v31 =	vmul.f32 v56, v56;
	v1 =	vadd.f32 v22, v1;
	v11 =	vadd.f32 v3, v2;
	v3 =	vld [tilespmem:s28+$0x71C0]  }
0x1d3: {  	v5 =	vadd.f32 v35, v5;
	v22 =	vmul.f32 v36, v36;
	v2 =	vmul.f32 v52, v50;
	v50 =	vld [tilespmem:s28+$0xF220]  }
0x1d4: {  	v6 =	vadd.f32 v23, v29;
	v55 =	vmul.f32 v41, v41;
	v35 =	vmul.f32 v27, v27;
	v52 =	vld [tilespmem:s28+$0x7230]  }
0x1d5: {  	v38 =	vld [tilespmem:s28+$0xF290];
	v24 =	vmul.f32 v45, v45;
	v5 =	vadd.f32 v40, v5;
	v25 =	vmul.f32 v48, v48  }
0x1d6: {  	v36 =	vld [tilespmem:s28+$0x7290];
	v40 =	vmul.f32 v63, v61;
	v33 =	vmul.f32 v27, v58;
	v2 =	vadd.f32 $0.0e+00, v2  }
0x1d7: {  	v28 =	vld [tilespmem:s28+$0x7260];
	v18 =	vadd.f32 v25, v18;
	v25 =	vmul.f32 v61, v61;
	v37 =	vmul.f32 v30, v3  }
0x1d8: {  	v29 =	vld [tilespmem:s28+$0xF260];
	v2 =	vadd.f32 v34, v2;
	v3 =	vmul.f32 v3, v3;
	v59 =	vmul.f32 v50, v48  }
0x1d9: {  	v5 =	vadd.f32 v47, v5;
	v26 =	vmul.f32 v50, v50;
	v60 =	vmul.f32 v53, v52  }
0x1da: {  	v32 =	vld [tilespmem:s28+$0x7280];
	v19 =	vmul.f32 v52, v52;
	v30 =	vmul.f32 v54, v54;
	v2 =	vadd.f32 v37, v2  }
0x1db: {  	v34 =	vld [tilespmem:s28+$0xF280];
	v52 =	vmul.f32 v38, v36;
	v1 =	vadd.f32 v3, v1;
	v3 =	vadd.f32 v10, v6  }
0x1dc: {  	v6 =	vadd.f32 v42, v17;
	v10 =	vmul.f32 v43, v43;
	v2 =	vadd.f32 v44, v2  }
0x1dd: {  	v61 =	vld [tilespmem:s28+$0x7300];
	v37 =	vmul.f32 v29, v28;
	v1 =	vadd.f32 v46, v1;
	v12 =	vadd.f32 v49, v3  }
0x1de: {  	v48 =	vld [tilespmem:s28+$0x72C0];
	v42 =	vmul.f32 v29, v29;
	v3 =	vadd.f32 v22, v7;
	v6 =	vadd.f32 v51, v6  }
0x1df: {  	v54 =	vld [tilespmem:s28+$0x72D0];
	v22 =	vadd.f32 v26, v55;
	v7 =	vmul.f32 v53, v53;
	v44 =	vmul.f32 v63, v63  }
0x1e0: {  	v43 =	vld [tilespmem:s28+$0xF2A0];
	v10 =	vadd.f32 v19, v10;
	v47 =	vmul.f32 v34, v32;
	v49 =	vmul.f32 v32, v32  }
0x1e1: {  	v46 =	vld [tilespmem:s28+$0xF2B0];
	v50 =	vmul.f32 v34, v34;
	v53 =	vmul.f32 v36, v36;
	v5 =	vadd.f32 v5, v2  }
0x1e2: {  	v51 =	vld [tilespmem:s28+$0xF2C0];
	v19 =	vmul.f32 v38, v38;
	v3 =	vadd.f32 v3, v1;
	v1 =	vadd.f32 v6, v12  }
0x1e3: {  	v32 =	vld [tilespmem:s28+$0xF2E0];
	v2 =	vmul.f32 v41, v39;
	v6 =	vadd.f32 $0.0e+00, v57;
	v7 =	vadd.f32 v7, v13  }
0x1e4: {  	v63 =	vld [tilespmem:s28+$0xF300];
	v12 =	vmul.f32 v58, v58;
	v13 =	vadd.f32 v30, v18;
	v17 =	vadd.f32 v31, v22  }
0x1e5: {  	v39 =	vmul.f32 v28, v28;
	v41 =	vld [tilespmem:s28+$0x72A0];
	v22 =	vmul.f32 v54, v54;
	v2 =	vadd.f32 $0.0e+00, v2  }
0x1e6: {  	v30 =	vld [tilespmem:s28+$0xF2D0];
	v29 =	vmul.f32 v43, v43;
	v6 =	vadd.f32 v60, v6;
	v10 =	vadd.f32 v12, v10  }
0x1e7: {  	v31 =	vld [tilespmem:s28+$0x72E0];
	v7 =	vadd.f32 v35, v7;
	v13 =	vadd.f32 v39, v13;
	v60 =	vmul.f32 v48, v48  }
0x1e8: {  	v57 =	vld [tilespmem:s28+$0x72F0];
	v12 =	vadd.f32 v42, v17;
	v56 =	vmul.f32 v46, v45;
	v17 =	vmul.f32 v46, v46  }
0x1e9: {  	v58 =	vmul.f32 v51, v48;
	v23 =	vmul.f32 v51, v51;
	v45 =	vld [tilespmem:s28+$0x7330];
	v2 =	vadd.f32 v59, v2  }
0x1ea: {  	v42 =	vmul.f32 v32, v32;
	v46 =	vld [tilespmem:s28+$0xF330];
	v6 =	vadd.f32 v33, v6;
	v10 =	vadd.f32 v25, v10  }
0x1eb: {  	v18 =	vadd.f32 v44, v7;
	v25 =	vadd.f32 $0.0e+00, v47;
	v59 =	vld [tilespmem:s28+$0xF2F0];
	v47 =	vmul.f32 v63, v61  }
0x1ec: {  	v55 =	vmul.f32 v43, v41;
	v28 =	vmul.f32 v41, v41;
	v17 =	vadd.f32 v17, v19  }
0x1ed: {  	v51 =	vld [tilespmem:s28+$0xF340];
	v35 =	vmul.f32 v30, v30;
	v39 =	vmul.f32 v31, v31;
	v2 =	vadd.f32 v62, v2  }
0x1ee: {  	v36 =	vld [tilespmem:s28+$0x7310];
	v6 =	vadd.f32 v40, v6;
	v62 =	vmul.f32 v30, v54;
	v25 =	vadd.f32 v55, v25  }
0x1ef: {  	v38 =	vld [tilespmem:s28+$0xF310];
	v2 =	vadd.f32 v37, v2;
	v37 =	vmul.f32 v32, v31;
	v55 =	vmul.f32 v46, v45  }
0x1f0: {  	v41 =	vld [tilespmem:s28+$0x7320];
	v17 =	vadd.f32 v35, v17;
	v26 =	vmul.f32 v45, v45;
	v40 =	vmul.f32 v59, v57  }
0x1f1: {  	v43 =	vld [tilespmem:s28+$0xF320];
	v44 =	vmul.f32 v59, v59;
	v7 =	vadd.f32 v6, v2;
	v6 =	vadd.f32 v10, v13  }
0x1f2: {  	v59 =	vmul.f32 v51, v51;
	v2 =	vadd.f32 v18, v12;
	v12 =	vadd.f32 $0.0e+00, v52  }
0x1f3: {  	v48 =	vld [tilespmem:s28+$0x7340];
	v10 =	vadd.f32 v28, v49;
	v13 =	vadd.f32 v29, v50;
	v28 =	vmul.f32 v57, v57  }
0x1f4: {  	v34 =	vld [tilespmem:s28+$0x7360];
	v18 =	vadd.f32 v24, v53;
	v49 =	vmul.f32 v61, v61;
	v50 =	vmul.f32 v63, v63  }
0x1f5: {  	v33 =	vld [tilespmem:s28+$0xF350];
	v24 =	vadd.f32 v58, v25;
	v52 =	vmul.f32 v38, v36;
	v25 =	vmul.f32 v38, v38  }
0x1f6: {  	v19 =	vadd.f32 $0.0e+00, v47;
	v35 =	vld [tilespmem:s28+$0xF360];
	v54 =	vmul.f32 v43, v41;
	v31 =	vmul.f32 v41, v41  }
0x1f7: {  	v53 =	vld [tilespmem:s28+$0x7350];
	v32 =	vmul.f32 v43, v43;
	v17 =	vadd.f32 v44, v17;
	v12 =	vadd.f32 v56, v12  }
0x1f8: {  	v57 =	vmul.f32 v51, v48;
	v58 =	vld [tilespmem:s28+$0xF370];
	v10 =	vadd.f32 v60, v10;
	v13 =	vadd.f32 v23, v13  }
0x1f9: {  	v44 =	vld [tilespmem:s28+$0xF3A0];
	v18 =	vadd.f32 v22, v18;
	v22 =	vadd.f32 v37, v24;
	v23 =	vmul.f32 v36, v36  }
0x1fa: {  	v19 =	vadd.f32 v54, v19;
	v27 =	vadd.f32 v32, v50;
	v56 =	vld [tilespmem:s28+$0x7370];
	v36 =	vmul.f32 v33, v33  }
0x1fb: {  	v60 =	vld [tilespmem:s28+$0x7380];
	v38 =	vmul.f32 v35, v34;
	v12 =	vadd.f32 v62, v12;
	v10 =	vadd.f32 v39, v10  }
0x1fc: {  	v37 =	vld [tilespmem:s28+$0x7390];
	v43 =	vmul.f32 v35, v35;
	v24 =	vadd.f32 v42, v13;
	v18 =	vadd.f32 v28, v18  }
0x1fd: {  	v47 =	vld [tilespmem:s28+$0xF3B0];
	v28 =	vmul.f32 v46, v46;
	v23 =	vadd.f32 v26, v23;
	v19 =	vadd.f32 v57, v19  }
0x1fe: {  	v62 =	vld [tilespmem:s28+$0xF380];
	v63 =	vadd.f32 v59, v27;
	v61 =	vmul.f32 v33, v53;
	v45 =	vmul.f32 v58, v58  }
0x1ff: {  	v39 =	vld [tilespmem:s28+$0xF390];
	v12 =	vadd.f32 v40, v12;
	v25 =	vadd.f32 v28, v25;
	v40 =	vmul.f32 v34, v34  }
0x200: {  	v42 =	vld [tilespmem:s28+$0x73A0];
	v19 =	vadd.f32 v38, v19;
	v35 =	vmul.f32 v44, v44;
	v41 =	vmul.f32 v58, v56  }
0x201: {  	v46 =	vld [tilespmem:s28+$0x73B0];
	v50 =	vmul.f32 v60, v60;
	v54 =	vmul.f32 v37, v37;
	v13 =	vadd.f32 v12, v22  }
0x202: {  	v38 =	vld [tilespmem:s28+$0xF3E0];
	v12 =	vadd.f32 v18, v10;
	v10 =	vadd.f32 v17, v24;
	v22 =	vmul.f32 v48, v48  }
0x203: {  	v58 =	vld [tilespmem:s28+$0x73F0];
	v18 =	vadd.f32 v31, v49;
	v24 =	vmul.f32 v53, v53;
	v31 =	vmul.f32 v56, v56  }
0x204: {  	v17 =	vadd.f32 $0.0e+00, v52;
	v49 =	vld [tilespmem:s28+$0x73C0];
	v48 =	vmul.f32 v62, v60;
	v51 =	vmul.f32 v62, v62  }
0x205: {  	v25 =	vadd.f32 v36, v25;
	v52 =	vld [tilespmem:s28+$0xF3C0];
	v53 =	vmul.f32 v39, v37;
	v26 =	vmul.f32 v39, v39  }
0x206: {  	v36 =	vld [tilespmem:s28+$0xF3D0];
	v56 =	vmul.f32 v44, v42;
	v17 =	vadd.f32 v55, v17;
	v18 =	vadd.f32 v22, v18  }
0x207: {  	v34 =	vmul.f32 v42, v42;
	v37 =	vld [tilespmem:s28+$0x73E0];
	v23 =	vadd.f32 v24, v23;
	v22 =	vadd.f32 v43, v63  }
0x208: {  	v57 =	vmul.f32 v47, v46;
	v60 =	vld [tilespmem:s28+$0xF3F0];
	v25 =	vadd.f32 v45, v25;
	v27 =	vadd.f32 $0.0e+00, v48  }
0x209: {  	v44 =	vld [tilespmem:s28+$0x7410];
	v24 =	vmul.f32 v47, v47;
	v29 =	vadd.f32 v35, v51;
	v17 =	vadd.f32 v61, v17  }
0x20a: {  	v30 =	vmul.f32 v46, v46;
	v46 =	vld [tilespmem:s28+$0xF410];
	v18 =	vadd.f32 v40, v18;
	v23 =	vadd.f32 v31, v23  }
0x20b: {  	v39 =	vld [tilespmem:s28+$0xF450];
	v24 =	vadd.f32 v24, v26;
	v59 =	vmul.f32 v52, v49;
	v61 =	vmul.f32 v49, v49  }
0x20c: {  	v55 =	vld [tilespmem:s28+$0x73D0];
	v27 =	vadd.f32 v56, v27;
	v62 =	vmul.f32 v52, v52;
	v43 =	vmul.f32 v36, v36  }
0x20d: {  	v63 =	vld [tilespmem:s28+$0x7400];
	v18 =	vadd.f32 v23, v18;
	v45 =	vmul.f32 v38, v37;
	v47 =	vmul.f32 v37, v37  }
0x20e: {  	v51 =	vld [tilespmem:s28+$0xF420];
	v23 =	vadd.f32 v34, v50;
	v48 =	vmul.f32 v60, v58;
	v50 =	vmul.f32 v38, v38  }
0x20f: {  	v49 =	vld [tilespmem:s28+$0x7420];
	v17 =	vadd.f32 v41, v17;
	v34 =	vmul.f32 v58, v58;
	v52 =	vmul.f32 v60, v60  }
0x210: {  	v56 =	vld [tilespmem:s28+$0x7440];
	v60 =	vmul.f32 v46, v44;
	v27 =	vadd.f32 v59, v27;
	v42 =	vadd.f32 v62, v29  }
0x211: {  	v41 =	vld [tilespmem:s28+$0xF400];
	v40 =	vmul.f32 v36, v55;
	v24 =	vadd.f32 v43, v24;
	v19 =	vadd.f32 v17, v19  }
0x212: {  	v28 =	vmul.f32 v55, v55;
	v59 =	vld [tilespmem:s28+$0xF440];
	v17 =	vadd.f32 v25, v22;
	v22 =	vadd.f32 $0.0e+00, v53  }
0x213: {  	v62 =	vld [tilespmem:s28+$0x7450];
	v25 =	vadd.f32 v30, v54;
	v23 =	vadd.f32 v61, v23;
	v61 =	vmul.f32 v44, v44  }
0x214: {  	v53 =	vld [tilespmem:s28+$0x7430];
	v30 =	vmul.f32 v46, v46;
	v38 =	vmul.f32 v51, v51;
	v27 =	vadd.f32 v45, v27  }
0x215: {  	v54 =	vld [tilespmem:s28+$0xF430];
	v26 =	vadd.f32 v50, v42;
	v22 =	vadd.f32 v57, v22;
	v57 =	vmul.f32 v63, v63  }
0x216: {  	v29 =	vadd.f32 v52, v24;
	v37 =	vmul.f32 v49, v49;
	v55 =	vmul.f32 v41, v63  }
0x217: {  	v25 =	vadd.f32 v28, v25;
	v58 =	vmul.f32 v41, v41;
	v63 =	vmul.f32 v51, v49  }
0x218: {  	v23 =	vadd.f32 v47, v23;
	v46 =	vmul.f32 v59, v56;
	v49 =	vmul.f32 v59, v59  }
0x219: {  	v45 =	vld [tilespmem:s28+$0x7470];
	v22 =	vadd.f32 v40, v22;
	v50 =	vmul.f32 v39, v62;
	v31 =	vmul.f32 v62, v62  }
0x21a: {  	v47 =	vld [tilespmem:s28+$0xF470];
	v25 =	vadd.f32 v34, v25;
	v44 =	vmul.f32 v54, v53;
	v33 =	vmul.f32 v53, v53  }
0x21b: {  	v41 =	vld [tilespmem:s28+$0xF460];
	v32 =	vadd.f32 v38, v58;
	v28 =	vmul.f32 v54, v54;
	v22 =	vadd.f32 v48, v22  }
0x21c: {  	v51 =	vld [tilespmem:s28+$0x7480];
	v53 =	vmul.f32 v39, v39;
	v23 =	vadd.f32 v25, v23;
	v25 =	vadd.f32 v37, v57  }
0x21d: {  	v40 =	vld [tilespmem:s28+$0x7460];
	v48 =	vmul.f32 v56, v56;
	v28 =	vadd.f32 v28, v30;
	v52 =	vadd.f32 v49, v32  }
0x21e: {  	v59 =	vld [tilespmem:s28+$0xF490];
	v37 =	vmul.f32 v45, v45;
	v24 =	vadd.f32 v22, v27;
	v22 =	vadd.f32 v29, v26  }
0x21f: {  	v54 =	vld [tilespmem:s28+$0xF480];
	v58 =	vmul.f32 v47, v45;
	v27 =	vadd.f32 $0.0e+00, v55;
	v26 =	vadd.f32 $0.0e+00, v60  }
0x220: {  	v56 =	vld [tilespmem:s28+$0x7490];
	v62 =	vmul.f32 v47, v47;
	v29 =	vadd.f32 v33, v61;
	v25 =	vadd.f32 v48, v25  }
0x221: {  	v45 =	vld [tilespmem:s28+$0xF4B0];
	v60 =	vmul.f32 v41, v41;
	v35 =	vmul.f32 v51, v51;
	v28 =	vadd.f32 v53, v28  }
0x222: {  	v47 =	vld [tilespmem:s28+$0x74C0];
	v57 =	vmul.f32 v40, v40;
	v27 =	vadd.f32 v63, v27;
	v26 =	vadd.f32 v44, v26  }
0x223: {  	v61 =	vld [tilespmem:s28+$0x74A0];
	v55 =	vmul.f32 v41, v40;
	v29 =	vadd.f32 v31, v29;
	v30 =	vadd.f32 v60, v52  }
0x224: {  	v63 =	vld [tilespmem:s28+$0xF4A0];
	v48 =	vmul.f32 v54, v54;
	v25 =	vadd.f32 v57, v25;
	v28 =	vadd.f32 v62, v28  }
0x225: {  	v44 =	vld [tilespmem:s28+$0x74B0];
	v49 =	vmul.f32 v59, v56;
	v52 =	vmul.f32 v56, v56;
	v27 =	vadd.f32 v46, v27  }
0x226: {  	(xrf2) =	vadd.scan.msk.f32 $0xffff, v21;
	v38 =	vld [tilespmem:s28+$0x7530];
	v56 =	vmul.f32 v59, v59;
	v26 =	vadd.f32 v50, v26;
	v46 =	vmul.f32 v54, v51  }
0x227: {  	(xrf2) =	vadd.scan.msk.f32 $0xffff, v20;
	v62 =	vld [tilespmem:s28+$0x74E0];
	v29 =	vadd.f32 v37, v29;
	v32 =	vmul.f32 v45, v45;
	v27 =	vadd.f32 v55, v27  }
0x228: {  	(xrf2) =	vadd.scan.msk.f32 $0xffff, v8;
	v50 =	vld [tilespmem:s28+$0xF4C0];
	v57 =	vmul.f32 v61, v61;
	v26 =	vadd.f32 v58, v26;
	v51 =	vadd.f32 $0.0e+00, v46  }
0x229: {  	v54 =	vld [tilespmem:s28+$0x74D0];
	v55 =	vadd.f32 $0.0e+00, v49;
	v46 =	vmul.f32 v47, v47;
	v53 =	vmul.f32 v63, v61  }
0x22a: {  	v58 =	vld [tilespmem:s28+$0xF4D0];
	v60 =	vmul.f32 v63, v63;
	v61 =	vmul.f32 v45, v44;
	v35 =	vadd.f32 v57, v35  }
0x22b: {  	(xrf2) =	vadd.scan.msk.f32 $0xffff, v16;
	v31 =	vmul.f32 v44, v44;
	v63 =	vld [tilespmem:s28+$0xF4E0];
	v27 =	vadd.f32 v26, v27;
	v26 =	vadd.f32 v29, v25  }
0x22c: {  	(xrf2) =	vadd.scan.msk.f32 $0xffff, v15;
	v45 =	vld [tilespmem:s28+$0x74F0];
	v25 =	vadd.f32 v28, v30;
	v30 =	vadd.f32 v32, v56;
	v57 =	vmul.f32 v62, v62  }
0x22d: {  	v59 =	vadd.f32 v53, v51;
	v21 =	vadd.f32 v60, v48;
	v44 =	vmul.f32 v50, v47;
	v47 =	vld [tilespmem:s28+$0xF4F0]  }
0x22e: {  	v20 =	vadd.f32 v61, v55;
	v29 =	vadd.f32 v31, v52;
	v48 =	vmul.f32 v50, v50;
	v50 =	vld [tilespmem:s28+$0x7500]  }
0x22f: {  	v31 =	vadd.f32 v46, v35;
	v51 =	vmul.f32 v54, v54;
	v53 =	vld [tilespmem:s28+$0xF500];
	v28 =	vadd.f32 v44, v59  }
0x230: {  	v8, _, _ =	vpop (xrf2);
	v55 =	vld [tilespmem:s28+$0x7510];
	v49 =	vmul.f32 v58, v54;
	v52 =	vmul.f32 v58, v58;
	v21 =	vadd.f32 v48, v21  }
0x231: {  	v42, _, _ =	vpop (xrf2);
	v61 =	vld [tilespmem:s28+$0x7520];
	v29 =	vadd.f32 v51, v29;
	v43 =	vadd.f32 v57, v31;
	v54 =	vmul.f32 v63, v62  }
0x232: {  	v58 =	vld [tilespmem:s28+$0xF510];
	v59 =	vmul.f32 v63, v63;
	v33 =	vmul.f32 v45, v45;
	v62, _, _ =	vpop (xrf2);
	v20 =	vadd.f32 v49, v20  }
0x233: {  	v44 =	vld [tilespmem:s28+$0xF520];
	v56 =	vadd.f32 v52, v30;
	v30 =	vbroadcast v42, $0xF;
	v31 =	vbroadcast v62, $0xF  }
0x234: {  	v63 =	vld [tilespmem:s28+$0xF530];
	v28 =	vadd.f32 v54, v28;
	v60 =	vmul.f32 v47, v45;
	v32 =	vmul.f32 v47, v47  }
0x235: {  	(xrf2) =	vadd.scan.msk.f32 $0xffff, v14;
	v49 =	vld [tilespmem:s28+$0x7540];
	v14, _, _ =	vpop (xrf2);
	v34 =	vadd.f32 v59, v21;
	v47 =	vmul.f32 v53, v50;
	v48 =	vmul.f32 v50, v50  }
0x236: {  	v52 =	vld [tilespmem:s28+$0xF540];
	v29 =	vadd.f32 v33, v29;
	v50 =	vmul.f32 v53, v53;
	v54 =	vmul.f32 v55, v55;
	v46, _, _ =	vpop (xrf2)  }
0x237: {  	v62 =	vld [tilespmem:s28+$0x7560];
	v39 =	vmul.f32 v61, v61;
	v46 =	vbroadcast v46, $0xF;
	v20 =	vadd.f32 v60, v20  }
0x238: {  	v42 =	vld [tilespmem:s28+$0x7580];
	v32 =	vadd.f32 v32, v56;
	v51 =	vmul.f32 v58, v55;
	v55 =	vmul.f32 v44, v61  }
0x239: {  	v53 =	vadd.f32 $0.0e+00, v47;
	v56 =	vld [tilespmem:s28+$0x7550];
	v36 =	vmul.f32 v58, v58;
	v60 =	vmul.f32 v44, v44  }
0x23a: {  	v58 =	vld [tilespmem:s28+$0xF550];
	v35 =	vadd.f32 v39, v48;
	v61 =	vmul.f32 v63, v38;
	v38 =	vmul.f32 v38, v38  }
0x23b: {  	v48 =	vld [tilespmem:s28+$0x7570];
	v33 =	vmul.f32 v63, v63;
	v21 =	vadd.f32 v20, v28;
	v20 =	vadd.f32 v29, v43  }
0x23c: {  	v63 =	vld [tilespmem:s28+$0xF560];
	v57 =	vadd.f32 $0.0e+00, v51;
	v59 =	vadd.f32 v55, v53;
	v47 =	vmul.f32 v52, v49  }
0x23d: {  	v45 =	vld [tilespmem:s28+$0x7590];
	v16 =	vadd.f32 v60, v50;
	v49 =	vmul.f32 v49, v49;
	v51 =	vmul.f32 v52, v52  }
0x23e: {  	v50 =	vld [tilespmem:s28+$0xF570];
	v55 =	vmul.f32 v62, v62;
	v28 =	vadd.f32 v38, v54;
	v33 =	vadd.f32 v33, v36  }
0x23f: {  	v43 =	vld [tilespmem:s28+$0xF580];
	v15 =	vadd.f32 v61, v57;
	v29 =	vadd.f32 v47, v59;
	v52 =	vmul.f32 v58, v56  }
0x240: {  	v60 =	vld [tilespmem:s28+$0xF5A0];
	v35 =	vadd.f32 v49, v35;
	v53 =	vmul.f32 v56, v56;
	v40 =	vmul.f32 v58, v58  }
0x241: {  	v16 =	vadd.f32 v51, v16;
	v61 =	vld [tilespmem:s28+$0x75B0];
	v59 =	vmul.f32 v48, v48;
	v54 =	vmul.f32 v63, v62  }
0x242: {  	v49 =	vld [tilespmem:s28+$0xF5E0];
	v56 =	vmul.f32 v63, v63;
	v35 =	vadd.f32 v55, v35;
	v15 =	vadd.f32 v52, v15  }
0x243: {  	v58 =	vld [tilespmem:s28+$0x75A0];
	v47, _, _ =	vpop (xrf2);
	v28 =	vadd.f32 v53, v28;
	v57 =	vmul.f32 v50, v48;
	v37 =	vmul.f32 v50, v50  }
0x244: {  	v63 =	vld [tilespmem:s28+$0xF5B0];
	v33 =	vadd.f32 v40, v33;
	v47 =	vbroadcast v47, $0xF;
	v51 =	vmul.f32 v43, v42  }
0x245: {  	v40 =	vld [tilespmem:s28+$0xF590];
	v43 =	vmul.f32 v43, v43;
	v38 =	vadd.f32 v54, v29;
	v48 =	vadd.f32 v56, v16  }
0x246: {  	v53 =	vld [tilespmem:s28+$0xF5C0];
	v29 =	vadd.f32 v32, v34;
	v54 =	vmul.f32 v42, v42;
	v15 =	vadd.f32 v57, v15  }
0x247: {  	v34 =	vld [tilespmem:s28+$0x75C0];
	v62 =	vadd.f32 v59, v28;
	v33 =	vadd.f32 v37, v33;
	v39 =	vmul.f32 v61, v61  }
0x248: {  	v56 =	vld [tilespmem:s28+$0x75D0];
	v32 =	vadd.f32 $0.0e+00, v51;
	v55 =	vmul.f32 v60, v58;
	v44 =	vmul.f32 v58, v58  }
0x249: {  	v57 =	vld [tilespmem:s28+$0xF5D0];
	v58 =	vmul.f32 v60, v60;
	v28 =	vadd.f32 v15, v38;
	v16 =	vadd.f32 v62, v35  }
0x24a: {  	v59 =	vld [tilespmem:s28+$0x75E0];
	v15 =	vadd.f32 v33, v48;
	v60 =	vmul.f32 v63, v61;
	v36 =	vmul.f32 v63, v63  }
0x24b: {  	v51 =	vld [tilespmem:s28+$0xF610];
	v52 =	vmul.f32 v40, v45;
	v45 =	vmul.f32 v45, v45;
	v32 =	vadd.f32 v55, v32  }
0x24c: {  	v61 =	vld [tilespmem:s28+$0x75F0];
	v37 =	vadd.f32 v44, v54;
	v40 =	vmul.f32 v40, v40;
	v35 =	vmul.f32 v53, v53  }
0x24d: {  	v63 =	vld [tilespmem:s28+$0xF5F0];
	v38 =	vadd.f32 v58, v43;
	v62 =	vmul.f32 v53, v34;
	v34 =	vmul.f32 v34, v34  }
0x24e: {  	v44 =	vld [tilespmem:s28+$0x7600];
	v42 =	vmul.f32 v56, v56;
	v33 =	vadd.f32 $0.0e+00, v52;
	v39 =	vadd.f32 v39, v45  }
0x24f: {  	v52 =	vmul.f32 v57, v56;
	v35 =	vadd.f32 v35, v38;
	v53 =	vmul.f32 v57, v57;
	v38 =	vld [tilespmem:s28+$0xF600]  }
0x250: {  	v36 =	vadd.f32 v36, v40;
	v54 =	vmul.f32 v49, v59;
	v48 =	vmul.f32 v59, v59;
	v59 =	vld [tilespmem:s28+$0x7620]  }
0x251: {  	v57 =	vmul.f32 v49, v49;
	v40 =	vld [tilespmem:s28+$0x7640];
	v32 =	vadd.f32 v62, v32;
	v34 =	vadd.f32 v34, v37  }
0x252: {  	v33 =	vadd.f32 v60, v33;
	v50 =	vmul.f32 v63, v61;
	v58 =	vmul.f32 v61, v61;
	v61 =	vld [tilespmem:s28+$0xF620]  }
0x253: {  	v45 =	vsel vm0, v30, v46;
	v39 =	vadd.f32 v42, v39;
	v42 =	vld [tilespmem:s28+$0x7610];
	v55 =	vadd.f32 v53, v36  }
0x254: {  	v60 =	vmul.f32 v63, v63;
	v63 =	vld [tilespmem:s28+$0x7630];
	v56 =	vadd.f32 v54, v32;
	v33 =	vadd.f32 v52, v33  }
0x255: {  	(xrf2) =	vadd.scan.msk.f32 $0xffff, v11;
	v41 =	vmul.f32 v51, v51;
	v34 =	vadd.f32 v48, v34;
	v62 =	vadd.f32 v58, v39;
	v58 =	vld [tilespmem:s28+$0x7650]  }
0x256: {  	(xrf2) =	vadd.scan.msk.f32 $0xffff, v9;
	v32 =	vadd.f32 v57, v35;
	v53 =	vmul.f32 v44, v44;
	v33 =	vadd.f32 v50, v33;
	v50 =	vld [tilespmem:s28+$0x7770]  }
0x257: {  	v36 =	vadd.f32 v60, v55;
	v43 =	vmul.f32 v59, v59;
	v57 =	vmul.f32 v61, v59;
	v59 =	vld [tilespmem:s28+$0xF650]  }
0x258: {  	v52 =	vmul.f32 v38, v44;
	v54 =	vmul.f32 v38, v38;
	v30 =	vadd.f32 v33, v56;
	v33 =	vld [tilespmem:s28+$0xF630]  }
0x259: {  	v11 =	vadd.f32 v62, v34;
	v9 =	vadd.f32 v36, v32;
	v55 =	vmul.f32 v51, v42;
	v56 =	vld [tilespmem:s28+$0xF640]  }
0x25a: {  	(xrf2) =	vadd.scan.msk.f32 $0xffff, v4;
	v39 =	vld [tilespmem:s28+$0xF660];
	v34 =	vadd.f32 $0.0e+00, v52;
	v42 =	vmul.f32 v42, v42;
	v37 =	vmul.f32 v61, v61  }
0x25b: {  	v61 =	vld [tilespmem:s28+$0x7660];
	v62 =	vmul.f32 v63, v63;
	v36 =	vadd.f32 $0.0e+00, v55;
	v49 =	vmul.f32 v50, v50  }
0x25c: {  	v34 =	vadd.f32 v57, v34;
	v55 =	vmul.f32 v59, v58;
	v57 =	vmul.f32 v59, v59  }
0x25d: {  	v35 =	vadd.f32 v43, v53;
	v53 =	vld [tilespmem:s28+$0x7670];
	v60 =	vmul.f32 v33, v63;
	v33 =	vmul.f32 v33, v33  }
0x25e: {  	v31 =	vsel vm0, v31, v47;
	v46 =	vld [tilespmem:s28+$0xF690];
	v52 =	vmul.f32 v56, v40;
	v40 =	vmul.f32 v40, v40  }
0x25f: {  	v4, _, _ =	vpop (xrf2);
	v32 =	vadd.f32 v37, v54;
	v54 =	vld [tilespmem:s28+$0xF670];
	v38 =	vmul.f32 v56, v56;
	v56 =	vmul.f32 v58, v58  }
0x260: {  	v44 =	vld [tilespmem:s28+$0x7680];
	v37 =	vadd.f32 v62, v42;
	v63, _, _ =	vpop (xrf2);
	v58 =	vmul.f32 v39, v61;
	v39 =	vmul.f32 v39, v39  }
0x261: {  	v59 =	vld [tilespmem:s28+$0xF680];
	v43 =	vbroadcast v63, $0xF;
	v36 =	vadd.f32 v60, v36;
	v33 =	vadd.f32 v33, v41  }
0x262: {  	v63 =	vmul.f32 v53, v53;
	v34 =	vadd.f32 v52, v34;
	v35 =	vadd.f32 v40, v35;
	v41 =	vld [tilespmem:s28+$0x7690]  }
0x263: {  	v32 =	vadd.f32 v38, v32;
	v37 =	vadd.f32 v56, v37;
	v60 =	vmul.f32 v61, v61;
	v52 =	vld [tilespmem:s28+$0x76A0]  }
0x264: {  	v62, _, _ =	vpop (xrf2);
	v61 =	vmul.f32 v54, v53;
	v53 =	vmul.f32 v54, v54;
	v54 =	vld [tilespmem:s28+$0xF6A0];
	v36 =	vadd.f32 v55, v36  }
0x265: {  	v48 =	vbroadcast v62, $0xF;
	v62 =	vld [tilespmem:s28+$0x76D0];
	v33 =	vadd.f32 v57, v33;
	v34 =	vadd.f32 v58, v34  }
0x266: {  	v43 =	vsel vm1, v45, v43;
	v35 =	vadd.f32 v60, v35;
	v37 =	vadd.f32 v63, v37;
	v55 =	vld [tilespmem:s28+$0x76B0]  }
0x267: {  	v32 =	vadd.f32 v39, v32;
	v56 =	vmul.f32 v59, v44;
	v57 =	vmul.f32 v44, v44;
	v60 =	vld [tilespmem:s28+$0xF6C0]  }
0x268: {  	(xrf2) =	vadd.scan.msk.f32 $0xffff, v5;
	v58 =	vmul.f32 v59, v59;
	v36 =	vadd.f32 v61, v36;
	v5 =	vadd.f32 v37, v35;
	v37 =	vld [tilespmem:s28+$0x76C0]  }
0x269: {  	v40 =	vsel vm1, v31, v48;
	v61 =	vmul.f32 v54, v52;
	v63 =	vmul.f32 v52, v52;
	v52 =	vld [tilespmem:s28+$0xF6D0]  }
0x26a: {  	v33 =	vadd.f32 v53, v33;
	v59 =	vmul.f32 v46, v41;
	v31 =	vadd.f32 v36, v34;
	v34 =	vld [tilespmem:s28+$0xF6B0]  }
0x26b: {  	(xrf2) =	vadd.scan.msk.f32 $0xffff, v3;
	v35 =	vadd.f32 $0.0e+00, v56;
	v41 =	vmul.f32 v41, v41;
	v42 =	vmul.f32 v54, v54;
	v54 =	vld [tilespmem:s28+$0x76E0]  }
0x26c: {  	(xrf2) =	vadd.scan.msk.f32 $0xffff, v1;
	v46 =	vmul.f32 v46, v46;
	v3 =	vadd.f32 v33, v32;
	v1 =	vadd.f32 $0.0e+00, v59  }
0x26d: {  	v33 =	vadd.f32 v63, v57;
	v38 =	vmul.f32 v60, v60;
	v57 =	vmul.f32 v60, v37  }
0x26e: {  	v39 =	vld [tilespmem:s28+$0xF6E0];
	v32 =	vadd.f32 v42, v58;
	v37 =	vmul.f32 v37, v37;
	v58 =	vmul.f32 v52, v62  }
0x26f: {  	v44 =	vld [tilespmem:s28+$0x76F0];
	v35 =	vadd.f32 v61, v35;
	v61 =	vmul.f32 v52, v52;
	v53 =	vmul.f32 v34, v55  }
0x270: {  	v32 =	vadd.f32 v38, v32;
	v38 =	vld [tilespmem:s28+$0x7700];
	v52 =	vmul.f32 v54, v54;
	v55 =	vmul.f32 v55, v55  }
0x271: {  	v63 =	vld [tilespmem:s28+$0xF700];
	v33 =	vadd.f32 v37, v33;
	v56 =	vadd.f32 v53, v1;
	v1 =	vmul.f32 v34, v34  }
0x272: {  	v59 =	vmul.f32 v62, v62;
	v36 =	vadd.f32 v55, v41;
	v41 =	vld [tilespmem:s28+$0xF6F0];
	v34 =	vadd.f32 v57, v35  }
0x273: {  	v62 =	vmul.f32 v39, v54;
	v53 =	vld [tilespmem:s28+$0x7710];
	v33 =	vadd.f32 v52, v33;
	v46 =	vadd.f32 v1, v46  }
0x274: {  	v52 =	vld [tilespmem:s28+$0xF740];
	v35 =	vadd.f32 v58, v56;
	v36 =	vadd.f32 v59, v36;
	v58 =	vmul.f32 v44, v44  }
0x275: {  	v57 =	vmul.f32 v39, v39;
	v34 =	vadd.f32 v62, v34;
	v59 =	vld [tilespmem:s28+$0x7720];
	v62 =	vmul.f32 v38, v38  }
0x276: {  	(xrf2) =	vadd.scan.msk.f32 $0xffff, v7;
	v1, _, _ =	vpop (xrf2);
	v54 =	vadd.f32 v61, v46;
	v46 =	vld [tilespmem:s28+$0xF710];
	v36 =	vadd.f32 v58, v36;
	v61 =	vmul.f32 v63, v38  }
0x277: {  	(xrf2) =	vadd.scan.msk.f32 $0xffff, v6;
	v32 =	vadd.f32 v57, v32;
	v57 =	vld [tilespmem:s28+$0xF750];
	v60, _, _ =	vpop (xrf2);
	v55 =	vmul.f32 v41, v44;
	v41 =	vmul.f32 v41, v41  }
0x278: {  	v63 =	vmul.f32 v63, v63;
	v45 =	vbroadcast v60, $0xF;
	v56, _, _ =	vpop (xrf2);
	v60 =	vld [tilespmem:s28+$0xF720];
	v33 =	vadd.f32 v36, v33  }
0x279: {  	(xrf2) =	vadd.scan.msk.f32 $0xffff, v2;
	v36 =	vld [tilespmem:s28+$0x7740];
	v7 =	vadd.f32 $0.0e+00, v61;
	v6 =	vbroadcast v56, $0xF;
	v2 =	vadd.f32 v41, v54  }
0x27a: {  	v35 =	vadd.f32 v55, v35;
	v55 =	vld [tilespmem:s28+$0x7750];
	v44 =	vmul.f32 v59, v59;
	v43 =	vsel vm2, v43, v45  }
0x27b: {  	v37 =	vld [tilespmem:s28+$0x7730];
	v39 =	vsel vm2, v40, v6;
	v32 =	vadd.f32 v2, v32;
	v2 =	vmul.f32 v46, v53  }
0x27c: {  	v34 =	vadd.f32 v35, v34;
	v6 =	vld [tilespmem:s28+$0xF730];
	v53 =	vmul.f32 v53, v53;
	v58 =	vmul.f32 v46, v46  }
0x27d: {  	v51 =	vld [tilespmem:s28+$0xF770];
	v54 =	vmul.f32 v60, v59;
	v56 =	vadd.f32 $0.0e+00, v2;
	v42 =	vmul.f32 v60, v60  }
0x27e: {  	(xrf2) =	vadd.scan.msk.f32 $0xffff, v13;
	v46 =	vld [tilespmem:s28+$0x7760];
	v60 =	vadd.f32 v44, v62;
	v48 =	vmul.f32 v52, v36;
	v36 =	vmul.f32 v36, v36  }
0x27f: {  	(xrf2) =	vadd.scan.msk.f32 $0xffff, v12;
	v38 =	vld [tilespmem:s28+$0xF760];
	v52 =	vmul.f32 v52, v52;
	v7 =	vadd.f32 v54, v7;
	v54 =	vmul.f32 v57, v55  }
0x280: {  	(xrf2) =	vadd.scan.msk.f32 $0xffff, v10;
	v2, _, _ =	vpop (xrf2);
	v61 =	vadd.f32 v42, v63;
	v55 =	vmul.f32 v55, v55;
	v57 =	vmul.f32 v57, v57  }
0x281: {  	(xrf2) =	vadd.scan.msk.f32 $0xffff, v19;
	v40 =	vld [tilespmem:s28+$0x7790];
	v12 =	vadd.f32 v36, v60;
	v59 =	vmul.f32 v6, v37;
	v37 =	vmul.f32 v37, v37;
	v62, _, _ =	vpop (xrf2)  }
0x282: {  	(xrf2) =	vadd.scan.msk.f32 $0xffff, v18;
	v18 =	vld [tilespmem:s28+$0x7780];
	v6 =	vmul.f32 v6, v6;
	v19 =	vbroadcast v62, $0xF;
	v7 =	vadd.f32 v48, v7  }
0x283: {  	v42 =	vld [tilespmem:s28+$0xF780];
	v13 =	vadd.f32 v52, v61;
	v61 =	vmul.f32 v46, v46;
	v37 =	vadd.f32 v37, v53;
	v53, _, _ =	vpop (xrf2);
	(xrf2) =	vadd.scan.msk.f32 $0xffff, v17  }
0x284: {  	v36 =	vld [tilespmem:s28+$0xF790];
	v62 =	vmul.f32 v51, v50;
	v48 =	vmul.f32 v38, v38;
	v6 =	vadd.f32 v6, v58;
	(xrf2) =	vadd.scan.msk.f32 $0xffff, v24  }
0x285: {  	v50 =	vld [tilespmem:s28+$0xF7A0];
	v51 =	vmul.f32 v51, v51;
	v63 =	vadd.f32 v59, v56;
	v59 =	vmul.f32 v38, v46;
	(xrf2) =	vadd.scan.msk.f32 $0xffff, v23  }
0x286: {  	v52 =	vld [tilespmem:s28+$0x77B0];
	v56 =	vbroadcast v53, $0xF;
	v12 =	vadd.f32 v61, v12;
	v13 =	vadd.f32 v48, v13;
	(xrf2) =	vadd.scan.msk.f32 $0xffff, v22  }
0x287: {  	v19 =	vsel vm3, v43, v19;
	v10 =	vadd.f32 v54, v63;
	v63 =	vld [tilespmem:s28+$0x77A0];
	v7 =	vadd.f32 v59, v7;
	(xrf2) =	vadd.scan.msk.f32 $0xffff, v27  }
0x288: {  	v58 =	vadd.f32 v55, v37;
	v60 =	vadd.f32 v57, v6;
	v23 =	vld [tilespmem:s28+$0xF7B0];
	v54 =	vmul.f32 v42, v18;
	v6, _, _ =	vpop (xrf2);
	(xrf2) =	vadd.scan.msk.f32 $0xffff, v26  }
0x289: {  	v55 =	vmul.f32 v18, v18;
	v18 =	vld [tilespmem:s28+$0xF7C0];
	v57 =	vmul.f32 v36, v40;
	v10 =	vadd.f32 v62, v10;
	v37, _, _ =	vpop (xrf2);
	(xrf2) =	vadd.scan.msk.f32 $0xffff, v25  }
0x28a: {  	v24 =	vsel vm3, v39, v56;
	v56 =	vmul.f32 v42, v42;
	v42 =	vld [tilespmem:s28+$0xF7D0];
	v17 =	vadd.f32 v49, v58;
	v25, _, _ =	vpop (xrf2);
	(xrf2) =	vadd.scan.msk.f32 $0xffff, v21  }
0x28b: {  	v40 =	vmul.f32 v40, v40;
	v53 =	vadd.f32 v51, v60;
	v62 =	vld [tilespmem:s28+$0x77E0];
	v22 =	vadd.f32 v10, v7;
	v7, _, _ =	vpop (xrf2);
	(xrf2) =	vadd.scan.msk.f32 $0xffff, v20  }
0x28c: {  	v58 =	vadd.f32 $0.0e+00, v54;
	v38 =	vmul.f32 v50, v50;
	v26 =	vld [tilespmem:s28+$0x77C0];
	v43 =	vbroadcast v37, $0xF;
	v20, _, _ =	vpop (xrf2);
	(xrf2) =	vadd.scan.msk.f32 $0xffff, v29  }
0x28d: {  	v60 =	vadd.f32 $0.0e+00, v57;
	v49 =	vld [tilespmem:s28+$0xF7E0];
	v59 =	vmul.f32 v50, v63;
	v61 =	vmul.f32 v63, v63;
	v39, _, _ =	vpop (xrf2);
	(xrf2) =	vadd.scan.msk.f32 $0xffff, v28  }
0x28e: {  	v17 =	vadd.f32 v17, v12;
	v63 =	vmul.f32 v36, v36;
	v48 =	vmul.f32 v23, v52;
	v29 =	vld [tilespmem:s28+$0x77D0];
	v10, _, _ =	vpop (xrf2);
	(xrf2) =	vadd.scan.msk.f32 $0xffff, v16  }
0x28f: {  	v51 =	vld [tilespmem:s28+$0x77F0];
	v13 =	vadd.f32 v53, v13;
	v50 =	vmul.f32 v52, v52;
	v53 =	vmul.f32 v23, v23;
	v44, _, _ =	vpop (xrf2);
	(xrf2) =	vadd.scan.msk.f32 $0xffff, v15  }
0x290: {  	v27 =	vadd.f32 v61, v55;
	v52 =	vadd.f32 v48, v60;
	v55 =	vld [tilespmem:s28+$0xF7F0];
	v60 =	vmul.f32 v42, v42;
	v45, _, _ =	vpop (xrf2);
	(xrf2) =	vadd.scan.msk.f32 $0xffff, v30  }
0x291: {  	v21 =	vadd.f32 v38, v56;
	v54 =	vmul.f32 v18, v26;
	v26 =	vmul.f32 v26, v26;
	v12, _, _ =	vpop (xrf2);
	(xrf2) =	vadd.scan.msk.f32 $0xffff, v11  }
0x292: {  	v61 =	vmul.f32 v49, v62;
	v62 =	vmul.f32 v62, v62;
	v28 =	vadd.f32 v59, v58;
	v38, _, _ =	vpop (xrf2);
	(xrf2) =	vadd.scan.msk.f32 $0xffff, v9  }
0x293: {  	v15 =	vadd.f32 v53, v63;
	v30 =	vadd.f32 v50, v40;
	v57 =	vmul.f32 v42, v29;
	v40, _, _ =	vpop (xrf2);
	(xrf2) =	vadd.scan.msk.f32 $0xffff, v31  }
0x294: {  	v18 =	vmul.f32 v18, v18;
	v56 =	vadd.f32 v54, v28;
	v58 =	vadd.f32 v26, v27;
	v9, _, _ =	vpop (xrf2);
	(xrf2) =	vadd.scan.msk.f32 $0xffff, v5  }
0x295: {  	v59 =	vmul.f32 v29, v29;
	v63 =	vmul.f32 v55, v51;
	v11 =	vadd.f32 v57, v52;
	v26, _, _ =	vpop (xrf2);
	(xrf2) =	vadd.scan.msk.f32 $0xffff, v3  }
0x296: {  	v41 =	vmul.f32 v49, v49;
	v18 =	vadd.f32 v18, v21;
	v16 =	vadd.f32 v61, v56;
	v28, _, _ =	vpop (xrf2);
	(xrf2) =	vadd.scan.msk.f32 $0xffff, v34  }
0x297: {  	v21 =	vadd.f32 v59, v30;
	v11 =	vadd.f32 v63, v11;
	v34 =	vmul.f32 v51, v51;
	v3, _, _ =	vpop (xrf2);
	(xrf2) =	vadd.scan.msk.f32 $0xffff, v33  }
0x298: {  	v15 =	vadd.f32 v60, v15;
	v46 =	vmul.f32 v55, v55;
	v5 =	vadd.f32 v62, v58;
	v35, _, _ =	vpop (xrf2);
	(xrf2) =	vadd.scan.msk.f32 $0xffff, v32  }
0x299: {  	v48 =	vbroadcast v25, $0xF;
	v11 =	vadd.f32 v11, v16;
	v21 =	vadd.f32 v34, v21;
	v42, _, _ =	vpop (xrf2);
	(xrf2) =	vadd.scan.msk.f32 $0xffff, v22  }
0x29a: {  	v49 =	vsel vm4, v19, v43;
	v47 =	vadd.f32 v41, v18;
	v51 =	vadd.f32 v46, v15;
	v31, _, _ =	vpop (xrf2);
	(xrf2) =	vadd.scan.msk.f32 $0xffff, v17  }
0x29b: {  	v53 =	vbroadcast v20, $0xF;
	v54 =	vbroadcast v39, $0xF;
	v5 =	vadd.f32 v21, v5;
	v50, _, _ =	vpop (xrf2);
	(xrf2) =	vadd.scan.msk.f32 $0xffff, v13  }
0x29c: {  	v52 =	vsel vm4, v24, v48;
	v57 =	vbroadcast v45, $0xF;
	v13 =	vadd.f32 v51, v47;
	v55, _, _ =	vpop (xrf2);
	(xrf2) =	vadd.scan.msk.f32 $0xffff, v11  }
0x29d: {  	v56 =	vbroadcast v44, $0xF;
	v60 =	vbroadcast v40, $0xF;
	v15 =	vsel vm5, v52, v54;
	v11, _, _ =	vpop (xrf2);
	(xrf2) =	vadd.scan.msk.f32 $0xffff, v5  }
0x29e: {  	v59 =	vbroadcast v38, $0xF;
	v62 =	vbroadcast v26, $0xF;
	v15 =	vsel vm6, v15, v57;
	v58, _, _ =	vpop (xrf2);
	(xrf2) =	vadd.scan.msk.f32 $0xffff, v13  }
0x29f: {  	v16 =	vsel vm5, v49, v53;
	v63 =	vbroadcast v28, $0xF;
	v15 =	vsel vm7, v15, v60;
	v61, _, _ =	vpop (xrf2)  }
0x2a0: {  	v29 =	vbroadcast v35, $0xF;
	v30 =	vbroadcast v42, $0xF;
	v5 =	vsel vm6, v16, v56;
	v13, _, _ =	vpop (xrf2)  }
0x2a1: {  	v15 =	vsel vm8, v15, v63;
	v37 =	vbroadcast v55, $0xF;
	v5 =	vsel vm7, v5, v59;
	v28, _, _ =	vpop (xrf2)  }
0x2a2: {  	v33 =	vbroadcast v50, $0xF;
	v15 =	vsel vm9, v15, v30;
	v5 =	vsel vm8, v5, v62;
	v32, _, _ =	vpop (xrf2)  }
0x2a3: {  	v35 =	vbroadcast v58, $0xF;
	v15 =	vsel vm10, v15, v37;
	v5 =	vsel vm9, v5, v29;
	v34, _, _ =	vpop (xrf2)  }
0x2a4: {  	v40 =	vbroadcast v61, $0xF;
	v5 =	vsel vm10, v5, v33;
	v38 =	vbroadcast v28, $0xF;
	v36, _, _ =	vpop (xrf2)  }
0x2a5: {  	v5 =	vsel vm11, v5, v35;
	v42 =	vbroadcast v32, $0xF;
	v39, _, _ =	vpop (xrf2);
	v17 =	vbroadcast v36, $0xF  }
0x2a6: {  	v15 =	vsel vm11, v15, v40;
	v5 =	vsel vm12, v5, v38;
	v41, _, _ =	vpop (xrf2);
	v44 =	vbroadcast v39, $0xF  }
0x2a7: {  	v15 =	vsel vm12, v15, v42;
	v43, _, _ =	vpop (xrf2);
	v5 =	vsel vm13, v5, v17  }
0x2a8: {  	v5 =	vsel vm14, v5, v43;
	v15 =	vsel vm13, v15, v44;
	v45, _, _ =	vpop (xrf2)  }
0x2a9: {  	v46 =	vshra.s32 v5, $0x1;
	v15 =	vsel vm14, v15, v45  }
0x2aa: {  	v47 =	vmul.f32 $5.000000000e-01, v5;
	v49 =	vshra.s32 v15, $0x1;
	v50 =	vmul.f32 $5.000000000e-01, v15  }
0x2ab: {  	v48 =	vsub.s32 $0x5F3759DF, v46;
	v21 =	vsub.s32 $0x5F3759DF, v49  }
0x2ac: {  	v17 =	vmul.f32 v48, v47;
	v51 =	vmul.f32 v21, v50;
	_ =	sdelay $0x1  }
0x2ad: {  	v17 =	vmul.f32 v48, v17;
	v23 =	vmul.f32 v21, v51;
	_ =	sdelay $0x1  }
0x2ae: {  	v17 =	vsub.f32 $1.500000000e+00, v17;
	v52 =	vsub.f32 $1.500000000e+00, v23;
	_ =	sdelay $0x1  }
0x2af: {  	v16 =	vmul.f32 v48, v17;
	v17 =	vmul.f32 v21, v52;
	_ =	sdelay $0x1  }
0x2b0: {  	v53 =	vmul.f32 v16, v47;
	v55 =	vmul.f32 v17, v50;
	_ =	sdelay $0x1  }
0x2b1: {  	v54 =	vmul.f32 v53, v16;
	v23 =	vmul.f32 v55, v17;
	_ =	sdelay $0x1  }
0x2b2: {  	v21 =	vsub.f32 $1.500000000e+00, v54;
	v56 =	vsub.f32 $1.500000000e+00, v23;
	_ =	sdelay $0x1  }
0x2b3: {  	v16 =	vmul.f32 v21, v16;
	v17 =	vmul.f32 v56, v17;
	_ =	sdelay $0x1  }
0x2b4: {  	v18 =	vmul.f32 v16, v47;
	v21 =	vmul.f32 v17, v50;
	_ =	sdelay $0x1  }
0x2b5: {  	v18 =	vmul.f32 v18, v16;
	v21 =	vmul.f32 v21, v17  }
0x2b6: {  	v8 =	vbroadcast v8, $0xF  }
0x2b7: {  	v14 =	vbroadcast v14, $0xF;
	v18 =	vsub.f32 $1.500000000e+00, v18;
	v57 =	vsub.f32 $1.500000000e+00, v21  }
0x2b8: {  	v4 =	vbroadcast v4, $0xF;
	v1 =	vbroadcast v1, $0xF  }
0x2b9: {  	v8 =	vsel vm0, v8, v14;
	v16 =	vmul.f32 v18, v16;
	v17 =	vmul.f32 v57, v17  }
0x2ba: {  	v4 =	vsel vm1, v8, v4;
	v2 =	vbroadcast v2, $0xF  }
0x2bb: {  	v1 =	vsel vm2, v4, v1;
	v5 =	vmul.f32 v16, v5;
	v58 =	vmul.f32 v17, v15  }
0x2bc: {  	v1 =	vsel vm3, v1, v2;
	v59 =	vbroadcast v6, $0xF  }
0x2bd: {  	v2 =	vbroadcast v7, $0xF;
	v5 =	vmax.f32 v5, $9.999999930e-09;
	v60 =	vmax.f32 v58, $9.999999930e-09  }
0x2be: {  	v1 =	vsel vm4, v1, v59;
	v61 =	vbroadcast v10, $0xF;
	v5 =	vmul.f32 v60, v5  }
0x2bf: {  	v1 =	vsel vm5, v1, v2;
	v2 =	vbroadcast v12, $0xF  }
0x2c0: {  	v62 =	vbroadcast v9, $0xF;
	v1 =	vsel vm6, v1, v61;
	(erf) = vrcp.f32 v5  }
0x2c1: {  	v1 =	vsel vm7, v1, v2;
	v2 =	vbroadcast v3, $0xF  }
0x2c2: {  	v3 =	vbroadcast v31, $0xF;
	v1 =	vsel vm8, v1, v62  }
0x2c3: {  	v1 =	vsel vm9, v1, v2;
	v2 =	vbroadcast v11, $0xF  }
0x2c4: {  	v1 =	vsel vm10, v1, v3  }
0x2c5: {  	v3 =	vbroadcast v13, $0xF;
	v1 =	vsel vm11, v1, v2;
	v2 =	vbroadcast v34, $0xF;
	_ =	sdelay $0x1  }
0x2c6: {  	v1 =	vsel vm12, v1, v3  }
0x2c7: {  	v1 =	vsel vm13, v1, v2  }
0x2c8: {  	v1 =	vsel vm14, v1, v41;
	v2 =	vpop (erf)  }
0x2c9: {  	v1 =	vmul.f32 v2, v1;
	_ =	sdelay $0x1  }
0x2ca: {  	v1 =	vmul.f32 $1.000000000e+01, v1;
	_ =	sdelay $0x1  }
0x2cb: {  	v2 =	vadd.f32 $-1.000000000e+01, v1;
	_ =	sdelay $0x1  }
0x2cc: {  	v2 =	vmul.f32 $1.442695020e+00, v2;
	_ =	sdelay $0x1  }
0x2cd: {  	(erf) = vpow2.f32 v2;
	_ =	sdelay $0x3  }
0x2ce: {  	s31 =	sshll.u32 s26, $0x4;
	v3 =	vld [tilespmem:$0x13010]  }
0x2cf: {  	s28 =	sadd.s32 s25, s31;
	v2 =	vld [tilespmem:$0x13000]  }
0x2d0: {  	p0 =	slt.u32 s28, $0x10000  }
0x2d1: {  	v1 =	vpsel !p0, $0x0, v1;
	p0 =	sne.s32 s26, $0x7  }
.Ltmp1:
0x2d2: {  	_ = 	snop;
	(pc) =	sbr.rel @p0 .LBB2_5-.Ltmp1, $4  }
0x2d3: {  	v1 =	vadd.f32 v1, v3;
	v63 =	vpop (erf)  }
0x2d4: {  	v2 =	vadd.f32 v63, v2  }
0x2d5: {  	[tilespmem:$0x13010] =	vst v1  }
0x2d6: {  	s26 =	sadd.s32 $0x1, s26;
	[tilespmem:$0x13000] =	vst v2  }
0x2d7: {  	s24 =	sadd.s32 $0x1, s24  }
0x2d8: {  	p0 =	sne.s32 s24, $0x18  }
.Ltmp2:
0x2d9: {  	_ = 	snop;
	(pc) =	sbr.rel @p0 .LBB2_2-.Ltmp2, $1  }
0x2da: {  	_ =	sdelay $0x3  }
0x2db: {  	[hbm4b:s7+s3] =	stream.linear.scatter [tilespmem:s21], [sflag:$0x5], $0x10, $0x38;
	[tilespmem:$0x13020] =	vst v63  }
0x2dc: {  	s23 =	sadd.s32 $0x1, s23;
	_ =	swait.ge [sflag:s10], $0x10  }
0x2dd: {  	p0 =	sne.s32 s23, s9;
	[sflag:s10] =	ssyncset.done $0x0  }
.Ltmp3:
0x2de: {  	[sflag:s10] =	ssyncadd.s32 $0xFFFFFFF0;
	(pc) =	sbr.rel @p0 .LBB2_1-.Ltmp3, $4  }
0x2df: {  	[hbm4b:s8+s3] =	stream.linear.scatter [tilespmem:s22], [sflag:$0x5], $0x10, $0x38;
	[tilespmem:$0x13020] =	vst v63  }
0x2e0: {  	_ =	swait.ge [sflag:s10], $0x10  }
0x2e1: {  	[sflag:s10] =	ssyncset.done $0x0  }
0x2e2: {  	[sflag:s10] =	ssyncadd.s32 $0xFFFFFFF0  }
0x2e3: {  	_ =	sfence.sel $0x180000  }
0x2e4: {  	[bflag:$0x0] =	sbarrier.arrive $0xFFFF  }
0x2e5: {  	p0 =	sne.s32 s0, $0x0;
	_ =	strace $0x90000047  }
0x2e6: {  	s0 =	sadd.s32 @!p0 $0x100000, s1;
	[bflag:$0x2] =	sbarrier.arrive $0xFFFF  }
0x2e7: {  	[sflag:s0] =	ssyncadd.tile.s32 @!p0 $0x1;
	_ =	shalt  }
.Lfunc_end2:
_tile_overlayer_lowered:
.L_overlay_start_2:
0x2e8: {  	(tag) =	ssettag $0x2  }
0x2e9: {  	s0 =	rddreg [dreg:$0x0];
	s2 =	stileid.u32  }
0x2ea: {  	s1 =	rddreg [dreg:$0x1];
	p0 =	sne.s32 s2, $0x0  }
0x2eb: {  	s3 =	rddreg [dreg:$0x2];
	[bflag:$0x3] =	sbarrier.arrive $0xFFFF;
	s2 =	simm.s32 @!p0 $0x1C05  }
0x2ec: {  	[timem:s3], [sflag:s2] =	dma.local @!p0 [hbm:s0], s1  }
0x2ed: {  	s0 =	simm.s32 @!p0 $0x5  }
0x2ee: {  	_ =	swait.ge @!p0 [sflag:s0], s1  }
0x2ef: {  	s1 =	ssub.s32 @!p0 $0x0, s1;
	[sflag:s0] =	ssyncset.done @!p0 $0x0  }
0x2f0: {  	[sflag:s0] =	ssyncadd.s32 @!p0 s1  }
0x2f1: {  	[bflag:$0x3] =	sbarrier.arrive $0xFFFF  }
0x2f2: {  	_ =	shalt  }

</sc_bundles>
